<compile_context>
chip_gen: v7x
topology: tpu7x:2x2x1
jax: 0.10.2.dev20260603
libtpu: 0.0.44.dev20260713+nightly
codegen_flags: <defaults>
</compile_context>

<pallas_src>
import functools

import jax
import jax.numpy as jnp
from jax import lax
from jax.experimental import pallas as pl
from jax.experimental.pallas import tpu as pltpu
from jax.experimental.pallas import tpu_sc as plsc

NROWS = 1000000
TBLK = 4096


def _relayout_body(u_ref, p_ref, ou_ref, op_ref):
    ii = lax.broadcasted_iota(jnp.int32, (16, 16), 0)
    jj = lax.broadcasted_iota(jnp.int32, (16, 16), 1)
    eye = (ii == jj).astype(jnp.float32)
    dn = (((0,), (0,)), ((), ()))
    ou_ref[...] = lax.dot_general(u_ref[...], eye, dn,
                                  preferred_element_type=jnp.float32)
    op_ref[...] = lax.dot_general(p_ref[...], eye, dn,
                                  preferred_element_type=jnp.float32)


def _relayout_tc(uT, pT):
    return pl.pallas_call(
        _relayout_body,
        grid=(pl.cdiv(NROWS, TBLK),),
        in_specs=[pl.BlockSpec((EMBED, TBLK), lambda i: (0, i)),
                  pl.BlockSpec((EMBED, TBLK), lambda i: (0, i))],
        out_specs=[pl.BlockSpec((TBLK, EMBED), lambda i: (i, 0)),
                   pl.BlockSpec((TBLK, EMBED), lambda i: (i, 0))],
        out_shape=[jax.ShapeDtypeStruct((NROWS, EMBED), jnp.float32),
                   jax.ShapeDtypeStruct((NROWS, EMBED), jnp.float32)],
    )(uT, pT)
BATCH = 16384
EMBED = 16
NS = 16
L = 16
NIDX = 128
CHUNKS = BATCH // NS // NIDX
IDX_ROWS = BATCH // NIDX
PT = BATCH // NS

_mesh = plsc.VectorSubcoreMesh(
    core_axis_name="c", subcore_axis_name="s", num_cores=1)


@functools.partial(
    pl.kernel,
    out_type=jax.ShapeDtypeStruct((IDX_ROWS, NIDX), jnp.float32),
    mesh=_mesh,
    compiler_params=pltpu.CompilerParams(use_tc_tiling_on_sc=False),
    scratch_types=[
        pltpu.VMEM((CHUNKS, NIDX), jnp.int32),
        pltpu.VMEM((CHUNKS, NIDX), jnp.int32),
        pltpu.VMEM((PT, EMBED), jnp.float32),
        pltpu.VMEM((PT, EMBED), jnp.float32),
        pltpu.VMEM((CHUNKS, NIDX), jnp.float32),
        pltpu.VMEM((CHUNKS, NIDX), jnp.float32),
        pltpu.VMEM((CHUNKS, NIDX), jnp.float32),
        pltpu.VMEM((L,), jnp.float32),
        pltpu.VMEM((NS, L), jnp.float32),
        pltpu.VMEM_SHARED((NS, L), jnp.float32),
        pltpu.SemaphoreType.DMA,
    ],
)
def _rec_kernel(idx_u_hbm, idx_p_hbm, uemb_hbm, ub_hbm, pemb_hbm, pb_hbm,
                out_hbm, iu, ip, uv, pv, ubv, pbv, outv, totv, partloc,
                shared, sem):
    sid = lax.axis_index("s")
    row0 = sid * CHUNKS

    pltpu.sync_copy(idx_u_hbm.at[pl.ds(row0, CHUNKS)], iu)
    pltpu.sync_copy(idx_p_hbm.at[pl.ds(row0, CHUNKS)], ip)

    cps = []
    for c in range(CHUNKS):
        dst = pl.ds(c * NIDX, NIDX)
        cps.append(pltpu.async_copy(
            uemb_hbm.at[iu.at[c]], uv.at[dst], sem))
        cps.append(pltpu.async_copy(
            pemb_hbm.at[ip.at[c]], pv.at[dst], sem))
        cps.append(pltpu.async_copy(ub_hbm.at[iu.at[c]], ubv.at[c], sem))
        cps.append(pltpu.async_copy(pb_hbm.at[ip.at[c]], pbv.at[c], sem))
    for cp in cps:
        cp.wait()

    def mac(i, accs):
        a0, a1, a2, a3 = accs
        r = i * 4
        a0 = a0 + uv[r, :] * pv[r, :]
        a1 = a1 + uv[r + 1, :] * pv[r + 1, :]
        a2 = a2 + uv[r + 2, :] * pv[r + 2, :]
        a3 = a3 + uv[r + 3, :] * pv[r + 3, :]
        return a0, a1, a2, a3

    z = jnp.zeros((L,), jnp.float32)
    a0, a1, a2, a3 = lax.fori_loop(0, PT // 4, mac, (z, z, z, z))
    totv[...] = (a0 + a1) + (a2 + a3)

    pltpu.sync_copy(totv, shared.at[sid])
    plsc.subcore_barrier()
    pltpu.sync_copy(shared, partloc)

    tot = jnp.zeros((L,), jnp.float32)
    for j in range(NS):
        tot = tot + partloc[j, :]

    lane = lax.iota(jnp.int32, L)
    dnums = lax.GatherDimensionNumbers(
        offset_dims=(), collapsed_slice_dims=(0,), start_index_map=(0,))
    for shift in (8, 4, 2, 1):
        rot = lax.rem(lane + shift, L)
        tot = tot + lax.gather(
            tot, rot[:, None], dnums, slice_sizes=(1,),
            mode=lax.GatherScatterMode.PROMISE_IN_BOUNDS)

    for c in range(CHUNKS):
        for g in range(NIDX // L):
            s = pl.ds(g * L, L)
            x = tot + ubv[c, s] + pbv[c, s]
            outv[c, s] = 1.0 / (1.0 + jnp.exp(-x))

    pltpu.sync_copy(outv, out_hbm.at[pl.ds(row0, CHUNKS)])


def kernel(inputs, user_embedding, user_bias, places_embedding, places_bias):
    idx_u = inputs[:, 0].reshape(IDX_ROWS, NIDX)
    idx_p = inputs[:, 1].reshape(IDX_ROWS, NIDX)
    ub = user_bias.reshape(-1)
    pb = places_bias.reshape(-1)
    u_lin, p_lin = _relayout_tc(user_embedding.T, places_embedding.T)
    out = _rec_kernel(idx_u, idx_p, u_lin, ub, p_lin, pb)
    return out.reshape(BATCH, 1)

# --- scband reference (transcript-rebuilt; emitter-appended) ---
"""Pipeline reference for scband-recommender-net-20633022890343 (READ-ONLY COPY).

The authoritative reference and input builder live on the scoring server;
editing this copy changes nothing except your own understanding.
"""

import jax, jax.numpy as jnp
import numpy as np

NUM_USERS = 1000000
NUM_PLACES = 1000000
EMBED = 16
BATCH = 16384


def setup_inputs(seed: int = 0) -> dict:
    key = jax.random.key(seed)
    k0, k1, k2, k3, k4 = jax.random.split(key, 5)
    inputs = jax.random.randint(k0, (BATCH, 2), 0, NUM_USERS, dtype=jnp.int32)
    user_embedding = jax.random.normal(k1, (NUM_USERS, EMBED), dtype=jnp.float32) * (2.0 / EMBED) ** 0.5
    user_bias = jax.random.normal(k2, (NUM_USERS, 1), dtype=jnp.float32) * 0.01
    places_embedding = jax.random.normal(k3, (NUM_PLACES, EMBED), dtype=jnp.float32) * (2.0 / EMBED) ** 0.5
    places_bias = jax.random.normal(k4, (NUM_PLACES, 1), dtype=jnp.float32) * 0.01
    return {
        "inputs": inputs,
        "user_embedding": user_embedding,
        "user_bias": user_bias,
        "places_embedding": places_embedding,
        "places_bias": places_bias,
    }


def reference(inputs, user_embedding, user_bias, places_embedding, places_bias):
    user_vector = jnp.take(user_embedding, inputs[:, 0], axis=0)
    u_bias = jnp.take(user_bias, inputs[:, 0], axis=0)
    places_vector = jnp.take(places_embedding, inputs[:, 1], axis=0)
    p_bias = jnp.take(places_bias, inputs[:, 1], axis=0)
    # Faithful to tf.tensordot(user_vector, places_vector, 2):
    # contracts over BOTH axes, yielding a scalar.
    dot_user_places = jnp.tensordot(user_vector, places_vector, axes=2)
    x = dot_user_places + u_bias + p_bias
    return jax.nn.sigmoid(x)

if __name__ == "__main__":
    import jax
    _d = setup_inputs()
    print(jax.jit(kernel)(*tuple(_d.values())))

</pallas_src>

<mosaic_0001>
#map = affine_map<(d0, d1) -> (0, 0)>
#map1 = affine_map<(d0, d1) -> (0)>
module attributes {stable_mosaic.version = 14 : i64} {
  func.func @_rec_kernel(%arg0: i32, %arg1: i32, %arg2: memref<128x128xi32, #tpu.memory_space<hbm>>, %arg3: memref<128x128xi32, #tpu.memory_space<hbm>>, %arg4: memref<1000000x16xf32, #tpu.memory_space<hbm>>, %arg5: memref<1000000xf32, #tpu.memory_space<hbm>>, %arg6: memref<1000000x16xf32, #tpu.memory_space<hbm>>, %arg7: memref<1000000xf32, #tpu.memory_space<hbm>>, %arg8: memref<128x128xf32, #tpu.memory_space<hbm>>, %arg9: memref<8x128xi32, #tpu.memory_space<vmem>>, %arg10: memref<8x128xi32, #tpu.memory_space<vmem>>, %arg11: memref<1024x16xf32, #tpu.memory_space<vmem>>, %arg12: memref<1024x16xf32, #tpu.memory_space<vmem>>, %arg13: memref<8x128xf32, #tpu.memory_space<vmem>>, %arg14: memref<8x128xf32, #tpu.memory_space<vmem>>, %arg15: memref<8x128xf32, #tpu.memory_space<vmem>>, %arg16: memref<16xf32, #tpu.memory_space<vmem>>, %arg17: memref<16x16xf32, #tpu.memory_space<vmem>>, %arg18: memref<16x16xf32, #tpu.memory_space<vmem_shared>>, %arg19: memref<!tpu.dma_semaphore, #tpu.memory_space<semaphore_mem>>) attributes {dimension_semantics = [#tpu.dimension_semantics<core_parallel>, #tpu.dimension_semantics<subcore_parallel>], iteration_bounds = array<i64: 1, 16>, scalar_prefetch = 0 : i64, scratch_operands = 11 : i64, tpu.core_type = #tpu.core_type<sc_vector_subcore>, window_params = [{transform_indices = #map}, {transform_indices = #map}, {transform_indices = #map}, {transform_indices = #map1}, {transform_indices = #map}, {transform_indices = #map1}, {transform_indices = #map}]} {
    %mul3A = arith.constant 8 : i32
    %mul3A_0 = arith.muli %arg1, %mul3A : i32
    "tpu.region"() ({
      %run_scoped3A = tpu.sem_alloc : memref<!tpu.dma_semaphore, #tpu.memory_space<semaphore_mem>>
      %dma_start3A_2574 = arith.constant 0 : i32
      %dma_start3A_2575 = tpu.memref_slice %arg2[%mul3A_0, %dma_start3A_2574] : memref<128x128xi32, #tpu.memory_space<hbm>> -> memref<8x128xi32, #tpu.memory_space<hbm>>
      %dma_start3A_2576 = arith.constant 0 : i32
      %dma_start3A_2577 = tpu.memref_slice %arg2[%mul3A_0, %dma_start3A_2576] : memref<128x128xi32, #tpu.memory_space<hbm>> -> memref<8x128xi32, #tpu.memory_space<hbm>>
      tpu.enqueue_dma source(%dma_start3A_2577 : memref<8x128xi32, #tpu.memory_space<hbm>>) target(%arg9 : memref<8x128xi32, #tpu.memory_space<vmem>>) target_semaphore(%run_scoped3A : memref<!tpu.dma_semaphore, #tpu.memory_space<semaphore_mem>>)
      %dma_wait3A_2578 = arith.constant 0 : i32
      %dma_wait3A_2579 = tpu.memref_slice %arg2[%mul3A_0, %dma_wait3A_2578] : memref<128x128xi32, #tpu.memory_space<hbm>> -> memref<8x128xi32, #tpu.memory_space<hbm>>
      %dma_wait3A_2580 = arith.constant 0 : i32
      %dma_wait3A_2581 = tpu.memref_slice %arg2[%mul3A_0, %dma_wait3A_2580] : memref<128x128xi32, #tpu.memory_space<hbm>> -> memref<8x128xi32, #tpu.memory_space<hbm>>
      tpu.wait_dma2 semaphore(%run_scoped3A : memref<!tpu.dma_semaphore, #tpu.memory_space<semaphore_mem>>) src(%dma_wait3A_2581 : memref<8x128xi32, #tpu.memory_space<hbm>>) dst(%arg9 : memref<8x128xi32, #tpu.memory_space<vmem>>)
      tpu.yield
    }) : () -> ()
    "tpu.region"() ({
      %run_scoped3A = tpu.sem_alloc : memref<!tpu.dma_semaphore, #tpu.memory_space<semaphore_mem>>
      %dma_start3A_2574 = arith.constant 0 : i32
      %dma_start3A_2575 = tpu.memref_slice %arg3[%mul3A_0, %dma_start3A_2574] : memref<128x128xi32, #tpu.memory_space<hbm>> -> memref<8x128xi32, #tpu.memory_space<hbm>>
      %dma_start3A_2576 = arith.constant 0 : i32
      %dma_start3A_2577 = tpu.memref_slice %arg3[%mul3A_0, %dma_start3A_2576] : memref<128x128xi32, #tpu.memory_space<hbm>> -> memref<8x128xi32, #tpu.memory_space<hbm>>
      tpu.enqueue_dma source(%dma_start3A_2577 : memref<8x128xi32, #tpu.memory_space<hbm>>) target(%arg10 : memref<8x128xi32, #tpu.memory_space<vmem>>) target_semaphore(%run_scoped3A : memref<!tpu.dma_semaphore, #tpu.memory_space<semaphore_mem>>)
      %dma_wait3A_2578 = arith.constant 0 : i32
      %dma_wait3A_2579 = tpu.memref_slice %arg3[%mul3A_0, %dma_wait3A_2578] : memref<128x128xi32, #tpu.memory_space<hbm>> -> memref<8x128xi32, #tpu.memory_space<hbm>>
      %dma_wait3A_2580 = arith.constant 0 : i32
      %dma_wait3A_2581 = tpu.memref_slice %arg3[%mul3A_0, %dma_wait3A_2580] : memref<128x128xi32, #tpu.memory_space<hbm>> -> memref<8x128xi32, #tpu.memory_space<hbm>>
      tpu.wait_dma2 semaphore(%run_scoped3A : memref<!tpu.dma_semaphore, #tpu.memory_space<semaphore_mem>>) src(%dma_wait3A_2581 : memref<8x128xi32, #tpu.memory_space<hbm>>) dst(%arg10 : memref<8x128xi32, #tpu.memory_space<vmem>>)
      tpu.yield
    }) : () -> ()
    %dma_start3A = arith.constant 0 : i32
    %dma_start3A_1 = arith.constant 0 : i32
    %dma_start3A_2 = arith.constant 0 : i32
    %dma_start3A_3 = tpu.memref_slice %arg11[%dma_start3A_1, %dma_start3A_2] : memref<1024x16xf32, #tpu.memory_space<vmem>> -> memref<128x16xf32, #tpu.memory_space<vmem>>
    %dma_start3A_4 = arith.constant 0 : i32
    %dma_start3A_5 = tpu.memref_slice %arg9[%dma_start3A, %dma_start3A_4] : memref<8x128xi32, #tpu.memory_space<vmem>> -> memref<1x128xi32, #tpu.memory_space<vmem>>
    %dma_start3A_6 = tpu.memref_squeeze %dma_start3A_5 : memref<1x128xi32, #tpu.memory_space<vmem>> -> memref<128xi32, #tpu.memory_space<vmem>>
    %dma_start3A_7 = arith.constant 0 : i32
    %dma_start3A_8 = arith.constant 0 : i32
    %dma_start3A_9 = tpu.memref_slice %arg4[%dma_start3A_7, %dma_start3A_8] : memref<1000000x16xf32, #tpu.memory_space<hbm>> -> memref<1000000x16xf32, #tpu.memory_space<hbm>>
    tpu.enqueue_indirect_dma source(%dma_start3A_9 : memref<1000000x16xf32, #tpu.memory_space<hbm>>) target(%dma_start3A_3 : memref<128x16xf32, #tpu.memory_space<vmem>>) offsets(%dma_start3A_6 : memref<128xi32, #tpu.memory_space<vmem>>) semaphore(%arg19 : memref<!tpu.dma_semaphore, #tpu.memory_space<semaphore_mem>>)
    %dma_start3A_10 = arith.constant 0 : i32
    %dma_start3A_11 = arith.constant 0 : i32
    %dma_start3A_12 = arith.constant 0 : i32
    %dma_start3A_13 = tpu.memref_slice %arg12[%dma_start3A_11, %dma_start3A_12] : memref<1024x16xf32, #tpu.memory_space<vmem>> -> memref<128x16xf32, #tpu.memory_space<vmem>>
    %dma_start3A_14 = arith.constant 0 : i32
    %dma_start3A_15 = tpu.memref_slice %arg10[%dma_start3A_10, %dma_start3A_14] : memref<8x128xi32, #tpu.memory_space<vmem>> -> memref<1x128xi32, #tpu.memory_space<vmem>>
    %dma_start3A_16 = tpu.memref_squeeze %dma_start3A_15 : memref<1x128xi32, #tpu.memory_space<vmem>> -> memref<128xi32, #tpu.memory_space<vmem>>
    %dma_start3A_17 = arith.constant 0 : i32
    %dma_start3A_18 = arith.constant 0 : i32
    %dma_start3A_19 = tpu.memref_slice %arg6[%dma_start3A_17, %dma_start3A_18] : memref<1000000x16xf32, #tpu.memory_space<hbm>> -> memref<1000000x16xf32, #tpu.memory_space<hbm>>
    tpu.enqueue_indirect_dma source(%dma_start3A_19 : memref<1000000x16xf32, #tpu.memory_space<hbm>>) target(%dma_start3A_13 : memref<128x16xf32, #tpu.memory_space<vmem>>) offsets(%dma_start3A_16 : memref<128xi32, #tpu.memory_space<vmem>>) semaphore(%arg19 : memref<!tpu.dma_semaphore, #tpu.memory_space<semaphore_mem>>)
    %dma_start3A_20 = arith.constant 0 : i32
    %dma_start3A_21 = arith.constant 0 : i32
    %dma_start3A_22 = arith.constant 0 : i32
    %dma_start3A_23 = tpu.memref_slice %arg13[%dma_start3A_21, %dma_start3A_22] : memref<8x128xf32, #tpu.memory_space<vmem>> -> memref<1x128xf32, #tpu.memory_space<vmem>>
    %dma_start3A_24 = tpu.memref_squeeze %dma_start3A_23 : memref<1x128xf32, #tpu.memory_space<vmem>> -> memref<128xf32, #tpu.memory_space<vmem>>
    %dma_start3A_25 = arith.constant 0 : i32
    %dma_start3A_26 = tpu.memref_slice %arg9[%dma_start3A_20, %dma_start3A_25] : memref<8x128xi32, #tpu.memory_space<vmem>> -> memref<1x128xi32, #tpu.memory_space<vmem>>
    %dma_start3A_27 = tpu.memref_squeeze %dma_start3A_26 : memref<1x128xi32, #tpu.memory_space<vmem>> -> memref<128xi32, #tpu.memory_space<vmem>>
    %dma_start3A_28 = arith.constant 0 : i32
    %dma_start3A_29 = tpu.memref_slice %arg5[%dma_start3A_28] : memref<1000000xf32, #tpu.memory_space<hbm>> -> memref<1000000xf32, #tpu.memory_space<hbm>>
    tpu.enqueue_indirect_dma source(%dma_start3A_29 : memref<1000000xf32, #tpu.memory_space<hbm>>) target(%dma_start3A_24 : memref<128xf32, #tpu.memory_space<vmem>>) offsets(%dma_start3A_27 : memref<128xi32, #tpu.memory_space<vmem>>) semaphore(%arg19 : memref<!tpu.dma_semaphore, #tpu.memory_space<semaphore_mem>>)
    %dma_start3A_30 = arith.constant 0 : i32
    %dma_start3A_31 = arith.constant 0 : i32
    %dma_start3A_32 = arith.constant 0 : i32
    %dma_start3A_33 = tpu.memref_slice %arg14[%dma_start3A_31, %dma_start3A_32] : memref<8x128xf32, #tpu.memory_space<vmem>> -> memref<1x128xf32, #tpu.memory_space<vmem>>
    %dma_start3A_34 = tpu.memref_squeeze %dma_start3A_33 : memref<1x128xf32, #tpu.memory_space<vmem>> -> memref<128xf32, #tpu.memory_space<vmem>>
    %dma_start3A_35 = arith.constant 0 : i32
    %dma_start3A_36 = tpu.memref_slice %arg10[%dma_start3A_30, %dma_start3A_35] : memref<8x128xi32, #tpu.memory_space<vmem>> -> memref<1x128xi32, #tpu.memory_space<vmem>>
    %dma_start3A_37 = tpu.memref_squeeze %dma_start3A_36 : memref<1x128xi32, #tpu.memory_space<vmem>> -> memref<128xi32, #tpu.memory_space<vmem>>
    %dma_start3A_38 = arith.constant 0 : i32
    %dma_start3A_39 = tpu.memref_slice %arg7[%dma_start3A_38] : memref<1000000xf32, #tpu.memory_space<hbm>> -> memref<1000000xf32, #tpu.memory_space<hbm>>
    tpu.enqueue_indirect_dma source(%dma_start3A_39 : memref<1000000xf32, #tpu.memory_space<hbm>>) target(%dma_start3A_34 : memref<128xf32, #tpu.memory_space<vmem>>) offsets(%dma_start3A_37 : memref<128xi32, #tpu.memory_space<vmem>>) semaphore(%arg19 : memref<!tpu.dma_semaphore, #tpu.memory_space<semaphore_mem>>)
    %dma_start3A_40 = arith.constant 1 : i32
    %dma_start3A_41 = arith.constant 128 : i32
    %dma_start3A_42 = arith.constant 0 : i32
    %dma_start3A_43 = tpu.memref_slice %arg11[%dma_start3A_41, %dma_start3A_42] : memref<1024x16xf32, #tpu.memory_space<vmem>> -> memref<128x16xf32, #tpu.memory_space<vmem>>
    %dma_start3A_44 = arith.constant 0 : i32
    %dma_start3A_45 = tpu.memref_slice %arg9[%dma_start3A_40, %dma_start3A_44] : memref<8x128xi32, #tpu.memory_space<vmem>> -> memref<1x128xi32, #tpu.memory_space<vmem>>
    %dma_start3A_46 = tpu.memref_squeeze %dma_start3A_45 : memref<1x128xi32, #tpu.memory_space<vmem>> -> memref<128xi32, #tpu.memory_space<vmem>>
    %dma_start3A_47 = arith.constant 0 : i32
    %dma_start3A_48 = arith.constant 0 : i32
    %dma_start3A_49 = tpu.memref_slice %arg4[%dma_start3A_47, %dma_start3A_48] : memref<1000000x16xf32, #tpu.memory_space<hbm>> -> memref<1000000x16xf32, #tpu.memory_space<hbm>>
    tpu.enqueue_indirect_dma source(%dma_start3A_49 : memref<1000000x16xf32, #tpu.memory_space<hbm>>) target(%dma_start3A_43 : memref<128x16xf32, #tpu.memory_space<vmem>>) offsets(%dma_start3A_46 : memref<128xi32, #tpu.memory_space<vmem>>) semaphore(%arg19 : memref<!tpu.dma_semaphore, #tpu.memory_space<semaphore_mem>>)
    %dma_start3A_50 = arith.constant 1 : i32
    %dma_start3A_51 = arith.constant 128 : i32
    %dma_start3A_52 = arith.constant 0 : i32
    %dma_start3A_53 = tpu.memref_slice %arg12[%dma_start3A_51, %dma_start3A_52] : memref<1024x16xf32, #tpu.memory_space<vmem>> -> memref<128x16xf32, #tpu.memory_space<vmem>>
    %dma_start3A_54 = arith.constant 0 : i32
    %dma_start3A_55 = tpu.memref_slice %arg10[%dma_start3A_50, %dma_start3A_54] : memref<8x128xi32, #tpu.memory_space<vmem>> -> memref<1x128xi32, #tpu.memory_space<vmem>>
    %dma_start3A_56 = tpu.memref_squeeze %dma_start3A_55 : memref<1x128xi32, #tpu.memory_space<vmem>> -> memref<128xi32, #tpu.memory_space<vmem>>
    %dma_start3A_57 = arith.constant 0 : i32
    %dma_start3A_58 = arith.constant 0 : i32
    %dma_start3A_59 = tpu.memref_slice %arg6[%dma_start3A_57, %dma_start3A_58] : memref<1000000x16xf32, #tpu.memory_space<hbm>> -> memref<1000000x16xf32, #tpu.memory_space<hbm>>
    tpu.enqueue_indirect_dma source(%dma_start3A_59 : memref<1000000x16xf32, #tpu.memory_space<hbm>>) target(%dma_start3A_53 : memref<128x16xf32, #tpu.memory_space<vmem>>) offsets(%dma_start3A_56 : memref<128xi32, #tpu.memory_space<vmem>>) semaphore(%arg19 : memref<!tpu.dma_semaphore, #tpu.memory_space<semaphore_mem>>)
    %dma_start3A_60 = arith.constant 1 : i32
    %dma_start3A_61 = arith.constant 1 : i32
    %dma_start3A_62 = arith.constant 0 : i32
    %dma_start3A_63 = tpu.memref_slice %arg13[%dma_start3A_61, %dma_start3A_62] : memref<8x128xf32, #tpu.memory_space<vmem>> -> memref<1x128xf32, #tpu.memory_space<vmem>>
    %dma_start3A_64 = tpu.memref_squeeze %dma_start3A_63 : memref<1x128xf32, #tpu.memory_space<vmem>> -> memref<128xf32, #tpu.memory_space<vmem>>
    %dma_start3A_65 = arith.constant 0 : i32
    %dma_start3A_66 = tpu.memref_slice %arg9[%dma_start3A_60, %dma_start3A_65] : memref<8x128xi32, #tpu.memory_space<vmem>> -> memref<1x128xi32, #tpu.memory_space<vmem>>
    %dma_start3A_67 = tpu.memref_squeeze %dma_start3A_66 : memref<1x128xi32, #tpu.memory_space<vmem>> -> memref<128xi32, #tpu.memory_space<vmem>>
    %dma_start3A_68 = arith.constant 0 : i32
    %dma_start3A_69 = tpu.memref_slice %arg5[%dma_start3A_68] : memref<1000000xf32, #tpu.memory_space<hbm>> -> memref<1000000xf32, #tpu.memory_space<hbm>>
    tpu.enqueue_indirect_dma source(%dma_start3A_69 : memref<1000000xf32, #tpu.memory_space<hbm>>) target(%dma_start3A_64 : memref<128xf32, #tpu.memory_space<vmem>>) offsets(%dma_start3A_67 : memref<128xi32, #tpu.memory_space<vmem>>) semaphore(%arg19 : memref<!tpu.dma_semaphore, #tpu.memory_space<semaphore_mem>>)
    %dma_start3A_70 = arith.constant 1 : i32
    %dma_start3A_71 = arith.constant 1 : i32
    %dma_start3A_72 = arith.constant 0 : i32
    %dma_start3A_73 = tpu.memref_slice %arg14[%dma_start3A_71, %dma_start3A_72] : memref<8x128xf32, #tpu.memory_space<vmem>> -> memref<1x128xf32, #tpu.memory_space<vmem>>
    %dma_start3A_74 = tpu.memref_squeeze %dma_start3A_73 : memref<1x128xf32, #tpu.memory_space<vmem>> -> memref<128xf32, #tpu.memory_space<vmem>>
    %dma_start3A_75 = arith.constant 0 : i32
    %dma_start3A_76 = tpu.memref_slice %arg10[%dma_start3A_70, %dma_start3A_75] : memref<8x128xi32, #tpu.memory_space<vmem>> -> memref<1x128xi32, #tpu.memory_space<vmem>>
    %dma_start3A_77 = tpu.memref_squeeze %dma_start3A_76 : memref<1x128xi32, #tpu.memory_space<vmem>> -> memref<128xi32, #tpu.memory_space<vmem>>
    %dma_start3A_78 = arith.constant 0 : i32
    %dma_start3A_79 = tpu.memref_slice %arg7[%dma_start3A_78] : memref<1000000xf32, #tpu.memory_space<hbm>> -> memref<1000000xf32, #tpu.memory_space<hbm>>
    tpu.enqueue_indirect_dma source(%dma_start3A_79 : memref<1000000xf32, #tpu.memory_space<hbm>>) target(%dma_start3A_74 : memref<128xf32, #tpu.memory_space<vmem>>) offsets(%dma_start3A_77 : memref<128xi32, #tpu.memory_space<vmem>>) semaphore(%arg19 : memref<!tpu.dma_semaphore, #tpu.memory_space<semaphore_mem>>)
    %dma_start3A_80 = arith.constant 2 : i32
    %dma_start3A_81 = arith.constant 256 : i32
    %dma_start3A_82 = arith.constant 0 : i32
    %dma_start3A_83 = tpu.memref_slice %arg11[%dma_start3A_81, %dma_start3A_82] : memref<1024x16xf32, #tpu.memory_space<vmem>> -> memref<128x16xf32, #tpu.memory_space<vmem>>
    %dma_start3A_84 = arith.constant 0 : i32
    %dma_start3A_85 = tpu.memref_slice %arg9[%dma_start3A_80, %dma_start3A_84] : memref<8x128xi32, #tpu.memory_space<vmem>> -> memref<1x128xi32, #tpu.memory_space<vmem>>
    %dma_start3A_86 = tpu.memref_squeeze %dma_start3A_85 : memref<1x128xi32, #tpu.memory_space<vmem>> -> memref<128xi32, #tpu.memory_space<vmem>>
    %dma_start3A_87 = arith.constant 0 : i32
    %dma_start3A_88 = arith.constant 0 : i32
    %dma_start3A_89 = tpu.memref_slice %arg4[%dma_start3A_87, %dma_start3A_88] : memref<1000000x16xf32, #tpu.memory_space<hbm>> -> memref<1000000x16xf32, #tpu.memory_space<hbm>>
    tpu.enqueue_indirect_dma source(%dma_start3A_89 : memref<1000000x16xf32, #tpu.memory_space<hbm>>) target(%dma_start3A_83 : memref<128x16xf32, #tpu.memory_space<vmem>>) offsets(%dma_start3A_86 : memref<128xi32, #tpu.memory_space<vmem>>) semaphore(%arg19 : memref<!tpu.dma_semaphore, #tpu.memory_space<semaphore_mem>>)
    %dma_start3A_90 = arith.constant 2 : i32
    %dma_start3A_91 = arith.constant 256 : i32
    %dma_start3A_92 = arith.constant 0 : i32
    %dma_start3A_93 = tpu.memref_slice %arg12[%dma_start3A_91, %dma_start3A_92] : memref<1024x16xf32, #tpu.memory_space<vmem>> -> memref<128x16xf32, #tpu.memory_space<vmem>>
    %dma_start3A_94 = arith.constant 0 : i32
    %dma_start3A_95 = tpu.memref_slice %arg10[%dma_start3A_90, %dma_start3A_94] : memref<8x128xi32, #tpu.memory_space<vmem>> -> memref<1x128xi32, #tpu.memory_space<vmem>>
    %dma_start3A_96 = tpu.memref_squeeze %dma_start3A_95 : memref<1x128xi32, #tpu.memory_space<vmem>> -> memref<128xi32, #tpu.memory_space<vmem>>
    %dma_start3A_97 = arith.constant 0 : i32
    %dma_start3A_98 = arith.constant 0 : i32
    %dma_start3A_99 = tpu.memref_slice %arg6[%dma_start3A_97, %dma_start3A_98] : memref<1000000x16xf32, #tpu.memory_space<hbm>> -> memref<1000000x16xf32, #tpu.memory_space<hbm>>
    tpu.enqueue_indirect_dma source(%dma_start3A_99 : memref<1000000x16xf32, #tpu.memory_space<hbm>>) target(%dma_start3A_93 : memref<128x16xf32, #tpu.memory_space<vmem>>) offsets(%dma_start3A_96 : memref<128xi32, #tpu.memory_space<vmem>>) semaphore(%arg19 : memref<!tpu.dma_semaphore, #tpu.memory_space<semaphore_mem>>)
    %dma_start3A_100 = arith.constant 2 : i32
    %dma_start3A_101 = arith.constant 2 : i32
    %dma_start3A_102 = arith.constant 0 : i32
    %dma_start3A_103 = tpu.memref_slice %arg13[%dma_start3A_101, %dma_start3A_102] : memref<8x128xf32, #tpu.memory_space<vmem>> -> memref<1x128xf32, #tpu.memory_space<vmem>>
    %dma_start3A_104 = tpu.memref_squeeze %dma_start3A_103 : memref<1x128xf32, #tpu.memory_space<vmem>> -> memref<128xf32, #tpu.memory_space<vmem>>
    %dma_start3A_105 = arith.constant 0 : i32
    %dma_start3A_106 = tpu.memref_slice %arg9[%dma_start3A_100, %dma_start3A_105] : memref<8x128xi32, #tpu.memory_space<vmem>> -> memref<1x128xi32, #tpu.memory_space<vmem>>
    %dma_start3A_107 = tpu.memref_squeeze %dma_start3A_106 : memref<1x128xi32, #tpu.memory_space<vmem>> -> memref<128xi32, #tpu.memory_space<vmem>>
    %dma_start3A_108 = arith.constant 0 : i32
    %dma_start3A_109 = tpu.memref_slice %arg5[%dma_start3A_108] : memref<1000000xf32, #tpu.memory_space<hbm>> -> memref<1000000xf32, #tpu.memory_space<hbm>>
    tpu.enqueue_indirect_dma source(%dma_start3A_109 : memref<1000000xf32, #tpu.memory_space<hbm>>) target(%dma_start3A_104 : memref<128xf32, #tpu.memory_space<vmem>>) offsets(%dma_start3A_107 : memref<128xi32, #tpu.memory_space<vmem>>) semaphore(%arg19 : memref<!tpu.dma_semaphore, #tpu.memory_space<semaphore_mem>>)
    %dma_start3A_110 = arith.constant 2 : i32
    %dma_start3A_111 = arith.constant 2 : i32
    %dma_start3A_112 = arith.constant 0 : i32
    %dma_start3A_113 = tpu.memref_slice %arg14[%dma_start3A_111, %dma_start3A_112] : memref<8x128xf32, #tpu.memory_space<vmem>> -> memref<1x128xf32, #tpu.memory_space<vmem>>
    %dma_start3A_114 = tpu.memref_squeeze %dma_start3A_113 : memref<1x128xf32, #tpu.memory_space<vmem>> -> memref<128xf32, #tpu.memory_space<vmem>>
    %dma_start3A_115 = arith.constant 0 : i32
    %dma_start3A_116 = tpu.memref_slice %arg10[%dma_start3A_110, %dma_start3A_115] : memref<8x128xi32, #tpu.memory_space<vmem>> -> memref<1x128xi32, #tpu.memory_space<vmem>>
    %dma_start3A_117 = tpu.memref_squeeze %dma_start3A_116 : memref<1x128xi32, #tpu.memory_space<vmem>> -> memref<128xi32, #tpu.memory_space<vmem>>
    %dma_start3A_118 = arith.constant 0 : i32
    %dma_start3A_119 = tpu.memref_slice %arg7[%dma_start3A_118] : memref<1000000xf32, #tpu.memory_space<hbm>> -> memref<1000000xf32, #tpu.memory_space<hbm>>
    tpu.enqueue_indirect_dma source(%dma_start3A_119 : memref<1000000xf32, #tpu.memory_space<hbm>>) target(%dma_start3A_114 : memref<128xf32, #tpu.memory_space<vmem>>) offsets(%dma_start3A_117 : memref<128xi32, #tpu.memory_space<vmem>>) semaphore(%arg19 : memref<!tpu.dma_semaphore, #tpu.memory_space<semaphore_mem>>)
    %dma_start3A_120 = arith.constant 3 : i32
    %dma_start3A_121 = arith.constant 384 : i32
    %dma_start3A_122 = arith.constant 0 : i32
    %dma_start3A_123 = tpu.memref_slice %arg11[%dma_start3A_121, %dma_start3A_122] : memref<1024x16xf32, #tpu.memory_space<vmem>> -> memref<128x16xf32, #tpu.memory_space<vmem>>
    %dma_start3A_124 = arith.constant 0 : i32
    %dma_start3A_125 = tpu.memref_slice %arg9[%dma_start3A_120, %dma_start3A_124] : memref<8x128xi32, #tpu.memory_space<vmem>> -> memref<1x128xi32, #tpu.memory_space<vmem>>
    %dma_start3A_126 = tpu.memref_squeeze %dma_start3A_125 : memref<1x128xi32, #tpu.memory_space<vmem>> -> memref<128xi32, #tpu.memory_space<vmem>>
    %dma_start3A_127 = arith.constant 0 : i32
    %dma_start3A_128 = arith.constant 0 : i32
    %dma_start3A_129 = tpu.memref_slice %arg4[%dma_start3A_127, %dma_start3A_128] : memref<1000000x16xf32, #tpu.memory_space<hbm>> -> memref<1000000x16xf32, #tpu.memory_space<hbm>>
    tpu.enqueue_indirect_dma source(%dma_start3A_129 : memref<1000000x16xf32, #tpu.memory_space<hbm>>) target(%dma_start3A_123 : memref<128x16xf32, #tpu.memory_space<vmem>>) offsets(%dma_start3A_126 : memref<128xi32, #tpu.memory_space<vmem>>) semaphore(%arg19 : memref<!tpu.dma_semaphore, #tpu.memory_space<semaphore_mem>>)
    %dma_start3A_130 = arith.constant 3 : i32
    %dma_start3A_131 = arith.constant 384 : i32
    %dma_start3A_132 = arith.constant 0 : i32
    %dma_start3A_133 = tpu.memref_slice %arg12[%dma_start3A_131, %dma_start3A_132] : memref<1024x16xf32, #tpu.memory_space<vmem>> -> memref<128x16xf32, #tpu.memory_space<vmem>>
    %dma_start3A_134 = arith.constant 0 : i32
    %dma_start3A_135 = tpu.memref_slice %arg10[%dma_start3A_130, %dma_start3A_134] : memref<8x128xi32, #tpu.memory_space<vmem>> -> memref<1x128xi32, #tpu.memory_space<vmem>>
    %dma_start3A_136 = tpu.memref_squeeze %dma_start3A_135 : memref<1x128xi32, #tpu.memory_space<vmem>> -> memref<128xi32, #tpu.memory_space<vmem>>
    %dma_start3A_137 = arith.constant 0 : i32
    %dma_start3A_138 = arith.constant 0 : i32
    %dma_start3A_139 = tpu.memref_slice %arg6[%dma_start3A_137, %dma_start3A_138] : memref<1000000x16xf32, #tpu.memory_space<hbm>> -> memref<1000000x16xf32, #tpu.memory_space<hbm>>
    tpu.enqueue_indirect_dma source(%dma_start3A_139 : memref<1000000x16xf32, #tpu.memory_space<hbm>>) target(%dma_start3A_133 : memref<128x16xf32, #tpu.memory_space<vmem>>) offsets(%dma_start3A_136 : memref<128xi32, #tpu.memory_space<vmem>>) semaphore(%arg19 : memref<!tpu.dma_semaphore, #tpu.memory_space<semaphore_mem>>)
    %dma_start3A_140 = arith.constant 3 : i32
    %dma_start3A_141 = arith.constant 3 : i32
    %dma_start3A_142 = arith.constant 0 : i32
    %dma_start3A_143 = tpu.memref_slice %arg13[%dma_start3A_141, %dma_start3A_142] : memref<8x128xf32, #tpu.memory_space<vmem>> -> memref<1x128xf32, #tpu.memory_space<vmem>>
    %dma_start3A_144 = tpu.memref_squeeze %dma_start3A_143 : memref<1x128xf32, #tpu.memory_space<vmem>> -> memref<128xf32, #tpu.memory_space<vmem>>
    %dma_start3A_145 = arith.constant 0 : i32
    %dma_start3A_146 = tpu.memref_slice %arg9[%dma_start3A_140, %dma_start3A_145] : memref<8x128xi32, #tpu.memory_space<vmem>> -> memref<1x128xi32, #tpu.memory_space<vmem>>
    %dma_start3A_147 = tpu.memref_squeeze %dma_start3A_146 : memref<1x128xi32, #tpu.memory_space<vmem>> -> memref<128xi32, #tpu.memory_space<vmem>>
    %dma_start3A_148 = arith.constant 0 : i32
    %dma_start3A_149 = tpu.memref_slice %arg5[%dma_start3A_148] : memref<1000000xf32, #tpu.memory_space<hbm>> -> memref<1000000xf32, #tpu.memory_space<hbm>>
    tpu.enqueue_indirect_dma source(%dma_start3A_149 : memref<1000000xf32, #tpu.memory_space<hbm>>) target(%dma_start3A_144 : memref<128xf32, #tpu.memory_space<vmem>>) offsets(%dma_start3A_147 : memref<128xi32, #tpu.memory_space<vmem>>) semaphore(%arg19 : memref<!tpu.dma_semaphore, #tpu.memory_space<semaphore_mem>>)
    %dma_start3A_150 = arith.constant 3 : i32
    %dma_start3A_151 = arith.constant 3 : i32
    %dma_start3A_152 = arith.constant 0 : i32
    %dma_start3A_153 = tpu.memref_slice %arg14[%dma_start3A_151, %dma_start3A_152] : memref<8x128xf32, #tpu.memory_space<vmem>> -> memref<1x128xf32, #tpu.memory_space<vmem>>
    %dma_start3A_154 = tpu.memref_squeeze %dma_start3A_153 : memref<1x128xf32, #tpu.memory_space<vmem>> -> memref<128xf32, #tpu.memory_space<vmem>>
    %dma_start3A_155 = arith.constant 0 : i32
    %dma_start3A_156 = tpu.memref_slice %arg10[%dma_start3A_150, %dma_start3A_155] : memref<8x128xi32, #tpu.memory_space<vmem>> -> memref<1x128xi32, #tpu.memory_space<vmem>>
    %dma_start3A_157 = tpu.memref_squeeze %dma_start3A_156 : memref<1x128xi32, #tpu.memory_space<vmem>> -> memref<128xi32, #tpu.memory_space<vmem>>
    %dma_start3A_158 = arith.constant 0 : i32
    %dma_start3A_159 = tpu.memref_slice %arg7[%dma_start3A_158] : memref<1000000xf32, #tpu.memory_space<hbm>> -> memref<1000000xf32, #tpu.memory_space<hbm>>
    tpu.enqueue_indirect_dma source(%dma_start3A_159 : memref<1000000xf32, #tpu.memory_space<hbm>>) target(%dma_start3A_154 : memref<128xf32, #tpu.memory_space<vmem>>) offsets(%dma_start3A_157 : memref<128xi32, #tpu.memory_space<vmem>>) semaphore(%arg19 : memref<!tpu.dma_semaphore, #tpu.memory_space<semaphore_mem>>)
    %dma_start3A_160 = arith.constant 4 : i32
    %dma_start3A_161 = arith.constant 512 : i32
    %dma_start3A_162 = arith.constant 0 : i32
    %dma_start3A_163 = tpu.memref_slice %arg11[%dma_start3A_161, %dma_start3A_162] : memref<1024x16xf32, #tpu.memory_space<vmem>> -> memref<128x16xf32, #tpu.memory_space<vmem>>
    %dma_start3A_164 = arith.constant 0 : i32
    %dma_start3A_165 = tpu.memref_slice %arg9[%dma_start3A_160, %dma_start3A_164] : memref<8x128xi32, #tpu.memory_space<vmem>> -> memref<1x128xi32, #tpu.memory_space<vmem>>
    %dma_start3A_166 = tpu.memref_squeeze %dma_start3A_165 : memref<1x128xi32, #tpu.memory_space<vmem>> -> memref<128xi32, #tpu.memory_space<vmem>>
    %dma_start3A_167 = arith.constant 0 : i32
    %dma_start3A_168 = arith.constant 0 : i32
    %dma_start3A_169 = tpu.memref_slice %arg4[%dma_start3A_167, %dma_start3A_168] : memref<1000000x16xf32, #tpu.memory_space<hbm>> -> memref<1000000x16xf32, #tpu.memory_space<hbm>>
    tpu.enqueue_indirect_dma source(%dma_start3A_169 : memref<1000000x16xf32, #tpu.memory_space<hbm>>) target(%dma_start3A_163 : memref<128x16xf32, #tpu.memory_space<vmem>>) offsets(%dma_start3A_166 : memref<128xi32, #tpu.memory_space<vmem>>) semaphore(%arg19 : memref<!tpu.dma_semaphore, #tpu.memory_space<semaphore_mem>>)
    %dma_start3A_170 = arith.constant 4 : i32
    %dma_start3A_171 = arith.constant 512 : i32
    %dma_start3A_172 = arith.constant 0 : i32
    %dma_start3A_173 = tpu.memref_slice %arg12[%dma_start3A_171, %dma_start3A_172] : memref<1024x16xf32, #tpu.memory_space<vmem>> -> memref<128x16xf32, #tpu.memory_space<vmem>>
    %dma_start3A_174 = arith.constant 0 : i32
    %dma_start3A_175 = tpu.memref_slice %arg10[%dma_start3A_170, %dma_start3A_174] : memref<8x128xi32, #tpu.memory_space<vmem>> -> memref<1x128xi32, #tpu.memory_space<vmem>>
    %dma_start3A_176 = tpu.memref_squeeze %dma_start3A_175 : memref<1x128xi32, #tpu.memory_space<vmem>> -> memref<128xi32, #tpu.memory_space<vmem>>
    %dma_start3A_177 = arith.constant 0 : i32
    %dma_start3A_178 = arith.constant 0 : i32
    %dma_start3A_179 = tpu.memref_slice %arg6[%dma_start3A_177, %dma_start3A_178] : memref<1000000x16xf32, #tpu.memory_space<hbm>> -> memref<1000000x16xf32, #tpu.memory_space<hbm>>
    tpu.enqueue_indirect_dma source(%dma_start3A_179 : memref<1000000x16xf32, #tpu.memory_space<hbm>>) target(%dma_start3A_173 : memref<128x16xf32, #tpu.memory_space<vmem>>) offsets(%dma_start3A_176 : memref<128xi32, #tpu.memory_space<vmem>>) semaphore(%arg19 : memref<!tpu.dma_semaphore, #tpu.memory_space<semaphore_mem>>)
    %dma_start3A_180 = arith.constant 4 : i32
    %dma_start3A_181 = arith.constant 4 : i32
    %dma_start3A_182 = arith.constant 0 : i32
    %dma_start3A_183 = tpu.memref_slice %arg13[%dma_start3A_181, %dma_start3A_182] : memref<8x128xf32, #tpu.memory_space<vmem>> -> memref<1x128xf32, #tpu.memory_space<vmem>>
    %dma_start3A_184 = tpu.memref_squeeze %dma_start3A_183 : memref<1x128xf32, #tpu.memory_space<vmem>> -> memref<128xf32, #tpu.memory_space<vmem>>
    %dma_start3A_185 = arith.constant 0 : i32
    %dma_start3A_186 = tpu.memref_slice %arg9[%dma_start3A_180, %dma_start3A_185] : memref<8x128xi32, #tpu.memory_space<vmem>> -> memref<1x128xi32, #tpu.memory_space<vmem>>
    %dma_start3A_187 = tpu.memref_squeeze %dma_start3A_186 : memref<1x128xi32, #tpu.memory_space<vmem>> -> memref<128xi32, #tpu.memory_space<vmem>>
    %dma_start3A_188 = arith.constant 0 : i32
    %dma_start3A_189 = tpu.memref_slice %arg5[%dma_start3A_188] : memref<1000000xf32, #tpu.memory_space<hbm>> -> memref<1000000xf32, #tpu.memory_space<hbm>>
    tpu.enqueue_indirect_dma source(%dma_start3A_189 : memref<1000000xf32, #tpu.memory_space<hbm>>) target(%dma_start3A_184 : memref<128xf32, #tpu.memory_space<vmem>>) offsets(%dma_start3A_187 : memref<128xi32, #tpu.memory_space<vmem>>) semaphore(%arg19 : memref<!tpu.dma_semaphore, #tpu.memory_space<semaphore_mem>>)
    %dma_start3A_190 = arith.constant 4 : i32
    %dma_start3A_191 = arith.constant 4 : i32
    %dma_start3A_192 = arith.constant 0 : i32
    %dma_start3A_193 = tpu.memref_slice %arg14[%dma_start3A_191, %dma_start3A_192] : memref<8x128xf32, #tpu.memory_space<vmem>> -> memref<1x128xf32, #tpu.memory_space<vmem>>
    %dma_start3A_194 = tpu.memref_squeeze %dma_start3A_193 : memref<1x128xf32, #tpu.memory_space<vmem>> -> memref<128xf32, #tpu.memory_space<vmem>>
    %dma_start3A_195 = arith.constant 0 : i32
    %dma_start3A_196 = tpu.memref_slice %arg10[%dma_start3A_190, %dma_start3A_195] : memref<8x128xi32, #tpu.memory_space<vmem>> -> memref<1x128xi32, #tpu.memory_space<vmem>>
    %dma_start3A_197 = tpu.memref_squeeze %dma_start3A_196 : memref<1x128xi32, #tpu.memory_space<vmem>> -> memref<128xi32, #tpu.memory_space<vmem>>
    %dma_start3A_198 = arith.constant 0 : i32
    %dma_start3A_199 = tpu.memref_slice %arg7[%dma_start3A_198] : memref<1000000xf32, #tpu.memory_space<hbm>> -> memref<1000000xf32, #tpu.memory_space<hbm>>
    tpu.enqueue_indirect_dma source(%dma_start3A_199 : memref<1000000xf32, #tpu.memory_space<hbm>>) target(%dma_start3A_194 : memref<128xf32, #tpu.memory_space<vmem>>) offsets(%dma_start3A_197 : memref<128xi32, #tpu.memory_space<vmem>>) semaphore(%arg19 : memref<!tpu.dma_semaphore, #tpu.memory_space<semaphore_mem>>)
    %dma_start3A_200 = arith.constant 5 : i32
    %dma_start3A_201 = arith.constant 640 : i32
    %dma_start3A_202 = arith.constant 0 : i32
    %dma_start3A_203 = tpu.memref_slice %arg11[%dma_start3A_201, %dma_start3A_202] : memref<1024x16xf32, #tpu.memory_space<vmem>> -> memref<128x16xf32, #tpu.memory_space<vmem>>
    %dma_start3A_204 = arith.constant 0 : i32
    %dma_start3A_205 = tpu.memref_slice %arg9[%dma_start3A_200, %dma_start3A_204] : memref<8x128xi32, #tpu.memory_space<vmem>> -> memref<1x128xi32, #tpu.memory_space<vmem>>
    %dma_start3A_206 = tpu.memref_squeeze %dma_start3A_205 : memref<1x128xi32, #tpu.memory_space<vmem>> -> memref<128xi32, #tpu.memory_space<vmem>>
    %dma_start3A_207 = arith.constant 0 : i32
    %dma_start3A_208 = arith.constant 0 : i32
    %dma_start3A_209 = tpu.memref_slice %arg4[%dma_start3A_207, %dma_start3A_208] : memref<1000000x16xf32, #tpu.memory_space<hbm>> -> memref<1000000x16xf32, #tpu.memory_space<hbm>>
    tpu.enqueue_indirect_dma source(%dma_start3A_209 : memref<1000000x16xf32, #tpu.memory_space<hbm>>) target(%dma_start3A_203 : memref<128x16xf32, #tpu.memory_space<vmem>>) offsets(%dma_start3A_206 : memref<128xi32, #tpu.memory_space<vmem>>) semaphore(%arg19 : memref<!tpu.dma_semaphore, #tpu.memory_space<semaphore_mem>>)
    %dma_start3A_210 = arith.constant 5 : i32
    %dma_start3A_211 = arith.constant 640 : i32
    %dma_start3A_212 = arith.constant 0 : i32
    %dma_start3A_213 = tpu.memref_slice %arg12[%dma_start3A_211, %dma_start3A_212] : memref<1024x16xf32, #tpu.memory_space<vmem>> -> memref<128x16xf32, #tpu.memory_space<vmem>>
    %dma_start3A_214 = arith.constant 0 : i32
    %dma_start3A_215 = tpu.memref_slice %arg10[%dma_start3A_210, %dma_start3A_214] : memref<8x128xi32, #tpu.memory_space<vmem>> -> memref<1x128xi32, #tpu.memory_space<vmem>>
    %dma_start3A_216 = tpu.memref_squeeze %dma_start3A_215 : memref<1x128xi32, #tpu.memory_space<vmem>> -> memref<128xi32, #tpu.memory_space<vmem>>
    %dma_start3A_217 = arith.constant 0 : i32
    %dma_start3A_218 = arith.constant 0 : i32
    %dma_start3A_219 = tpu.memref_slice %arg6[%dma_start3A_217, %dma_start3A_218] : memref<1000000x16xf32, #tpu.memory_space<hbm>> -> memref<1000000x16xf32, #tpu.memory_space<hbm>>
    tpu.enqueue_indirect_dma source(%dma_start3A_219 : memref<1000000x16xf32, #tpu.memory_space<hbm>>) target(%dma_start3A_213 : memref<128x16xf32, #tpu.memory_space<vmem>>) offsets(%dma_start3A_216 : memref<128xi32, #tpu.memory_space<vmem>>) semaphore(%arg19 : memref<!tpu.dma_semaphore, #tpu.memory_space<semaphore_mem>>)
    %dma_start3A_220 = arith.constant 5 : i32
    %dma_start3A_221 = arith.constant 5 : i32
    %dma_start3A_222 = arith.constant 0 : i32
    %dma_start3A_223 = tpu.memref_slice %arg13[%dma_start3A_221, %dma_start3A_222] : memref<8x128xf32, #tpu.memory_space<vmem>> -> memref<1x128xf32, #tpu.memory_space<vmem>>
    %dma_start3A_224 = tpu.memref_squeeze %dma_start3A_223 : memref<1x128xf32, #tpu.memory_space<vmem>> -> memref<128xf32, #tpu.memory_space<vmem>>
    %dma_start3A_225 = arith.constant 0 : i32
    %dma_start3A_226 = tpu.memref_slice %arg9[%dma_start3A_220, %dma_start3A_225] : memref<8x128xi32, #tpu.memory_space<vmem>> -> memref<1x128xi32, #tpu.memory_space<vmem>>
    %dma_start3A_227 = tpu.memref_squeeze %dma_start3A_226 : memref<1x128xi32, #tpu.memory_space<vmem>> -> memref<128xi32, #tpu.memory_space<vmem>>
    %dma_start3A_228 = arith.constant 0 : i32
    %dma_start3A_229 = tpu.memref_slice %arg5[%dma_start3A_228] : memref<1000000xf32, #tpu.memory_space<hbm>> -> memref<1000000xf32, #tpu.memory_space<hbm>>
    tpu.enqueue_indirect_dma source(%dma_start3A_229 : memref<1000000xf32, #tpu.memory_space<hbm>>) target(%dma_start3A_224 : memref<128xf32, #tpu.memory_space<vmem>>) offsets(%dma_start3A_227 : memref<128xi32, #tpu.memory_space<vmem>>) semaphore(%arg19 : memref<!tpu.dma_semaphore, #tpu.memory_space<semaphore_mem>>)
    %dma_start3A_230 = arith.constant 5 : i32
    %dma_start3A_231 = arith.constant 5 : i32
    %dma_start3A_232 = arith.constant 0 : i32
    %dma_start3A_233 = tpu.memref_slice %arg14[%dma_start3A_231, %dma_start3A_232] : memref<8x128xf32, #tpu.memory_space<vmem>> -> memref<1x128xf32, #tpu.memory_space<vmem>>
    %dma_start3A_234 = tpu.memref_squeeze %dma_start3A_233 : memref<1x128xf32, #tpu.memory_space<vmem>> -> memref<128xf32, #tpu.memory_space<vmem>>
    %dma_start3A_235 = arith.constant 0 : i32
    %dma_start3A_236 = tpu.memref_slice %arg10[%dma_start3A_230, %dma_start3A_235] : memref<8x128xi32, #tpu.memory_space<vmem>> -> memref<1x128xi32, #tpu.memory_space<vmem>>
    %dma_start3A_237 = tpu.memref_squeeze %dma_start3A_236 : memref<1x128xi32, #tpu.memory_space<vmem>> -> memref<128xi32, #tpu.memory_space<vmem>>
    %dma_start3A_238 = arith.constant 0 : i32
    %dma_start3A_239 = tpu.memref_slice %arg7[%dma_start3A_238] : memref<1000000xf32, #tpu.memory_space<hbm>> -> memref<1000000xf32, #tpu.memory_space<hbm>>
    tpu.enqueue_indirect_dma source(%dma_start3A_239 : memref<1000000xf32, #tpu.memory_space<hbm>>) target(%dma_start3A_234 : memref<128xf32, #tpu.memory_space<vmem>>) offsets(%dma_start3A_237 : memref<128xi32, #tpu.memory_space<vmem>>) semaphore(%arg19 : memref<!tpu.dma_semaphore, #tpu.memory_space<semaphore_mem>>)
    %dma_start3A_240 = arith.constant 6 : i32
    %dma_start3A_241 = arith.constant 768 : i32
    %dma_start3A_242 = arith.constant 0 : i32
    %dma_start3A_243 = tpu.memref_slice %arg11[%dma_start3A_241, %dma_start3A_242] : memref<1024x16xf32, #tpu.memory_space<vmem>> -> memref<128x16xf32, #tpu.memory_space<vmem>>
    %dma_start3A_244 = arith.constant 0 : i32
    %dma_start3A_245 = tpu.memref_slice %arg9[%dma_start3A_240, %dma_start3A_244] : memref<8x128xi32, #tpu.memory_space<vmem>> -> memref<1x128xi32, #tpu.memory_space<vmem>>
    %dma_start3A_246 = tpu.memref_squeeze %dma_start3A_245 : memref<1x128xi32, #tpu.memory_space<vmem>> -> memref<128xi32, #tpu.memory_space<vmem>>
    %dma_start3A_247 = arith.constant 0 : i32
    %dma_start3A_248 = arith.constant 0 : i32
    %dma_start3A_249 = tpu.memref_slice %arg4[%dma_start3A_247, %dma_start3A_248] : memref<1000000x16xf32, #tpu.memory_space<hbm>> -> memref<1000000x16xf32, #tpu.memory_space<hbm>>
    tpu.enqueue_indirect_dma source(%dma_start3A_249 : memref<1000000x16xf32, #tpu.memory_space<hbm>>) target(%dma_start3A_243 : memref<128x16xf32, #tpu.memory_space<vmem>>) offsets(%dma_start3A_246 : memref<128xi32, #tpu.memory_space<vmem>>) semaphore(%arg19 : memref<!tpu.dma_semaphore, #tpu.memory_space<semaphore_mem>>)
    %dma_start3A_250 = arith.constant 6 : i32
    %dma_start3A_251 = arith.constant 768 : i32
    %dma_start3A_252 = arith.constant 0 : i32
    %dma_start3A_253 = tpu.memref_slice %arg12[%dma_start3A_251, %dma_start3A_252] : memref<1024x16xf32, #tpu.memory_space<vmem>> -> memref<128x16xf32, #tpu.memory_space<vmem>>
    %dma_start3A_254 = arith.constant 0 : i32
    %dma_start3A_255 = tpu.memref_slice %arg10[%dma_start3A_250, %dma_start3A_254] : memref<8x128xi32, #tpu.memory_space<vmem>> -> memref<1x128xi32, #tpu.memory_space<vmem>>
    %dma_start3A_256 = tpu.memref_squeeze %dma_start3A_255 : memref<1x128xi32, #tpu.memory_space<vmem>> -> memref<128xi32, #tpu.memory_space<vmem>>
    %dma_start3A_257 = arith.constant 0 : i32
    %dma_start3A_258 = arith.constant 0 : i32
    %dma_start3A_259 = tpu.memref_slice %arg6[%dma_start3A_257, %dma_start3A_258] : memref<1000000x16xf32, #tpu.memory_space<hbm>> -> memref<1000000x16xf32, #tpu.memory_space<hbm>>
    tpu.enqueue_indirect_dma source(%dma_start3A_259 : memref<1000000x16xf32, #tpu.memory_space<hbm>>) target(%dma_start3A_253 : memref<128x16xf32, #tpu.memory_space<vmem>>) offsets(%dma_start3A_256 : memref<128xi32, #tpu.memory_space<vmem>>) semaphore(%arg19 : memref<!tpu.dma_semaphore, #tpu.memory_space<semaphore_mem>>)
    %dma_start3A_260 = arith.constant 6 : i32
    %dma_start3A_261 = arith.constant 6 : i32
    %dma_start3A_262 = arith.constant 0 : i32
    %dma_start3A_263 = tpu.memref_slice %arg13[%dma_start3A_261, %dma_start3A_262] : memref<8x128xf32, #tpu.memory_space<vmem>> -> memref<1x128xf32, #tpu.memory_space<vmem>>
    %dma_start3A_264 = tpu.memref_squeeze %dma_start3A_263 : memref<1x128xf32, #tpu.memory_space<vmem>> -> memref<128xf32, #tpu.memory_space<vmem>>
    %dma_start3A_265 = arith.constant 0 : i32
    %dma_start3A_266 = tpu.memref_slice %arg9[%dma_start3A_260, %dma_start3A_265] : memref<8x128xi32, #tpu.memory_space<vmem>> -> memref<1x128xi32, #tpu.memory_space<vmem>>
    %dma_start3A_267 = tpu.memref_squeeze %dma_start3A_266 : memref<1x128xi32, #tpu.memory_space<vmem>> -> memref<128xi32, #tpu.memory_space<vmem>>
    %dma_start3A_268 = arith.constant 0 : i32
    %dma_start3A_269 = tpu.memref_slice %arg5[%dma_start3A_268] : memref<1000000xf32, #tpu.memory_space<hbm>> -> memref<1000000xf32, #tpu.memory_space<hbm>>
    tpu.enqueue_indirect_dma source(%dma_start3A_269 : memref<1000000xf32, #tpu.memory_space<hbm>>) target(%dma_start3A_264 : memref<128xf32, #tpu.memory_space<vmem>>) offsets(%dma_start3A_267 : memref<128xi32, #tpu.memory_space<vmem>>) semaphore(%arg19 : memref<!tpu.dma_semaphore, #tpu.memory_space<semaphore_mem>>)
    %dma_start3A_270 = arith.constant 6 : i32
    %dma_start3A_271 = arith.constant 6 : i32
    %dma_start3A_272 = arith.constant 0 : i32
    %dma_start3A_273 = tpu.memref_slice %arg14[%dma_start3A_271, %dma_start3A_272] : memref<8x128xf32, #tpu.memory_space<vmem>> -> memref<1x128xf32, #tpu.memory_space<vmem>>
    %dma_start3A_274 = tpu.memref_squeeze %dma_start3A_273 : memref<1x128xf32, #tpu.memory_space<vmem>> -> memref<128xf32, #tpu.memory_space<vmem>>
    %dma_start3A_275 = arith.constant 0 : i32
    %dma_start3A_276 = tpu.memref_slice %arg10[%dma_start3A_270, %dma_start3A_275] : memref<8x128xi32, #tpu.memory_space<vmem>> -> memref<1x128xi32, #tpu.memory_space<vmem>>
    %dma_start3A_277 = tpu.memref_squeeze %dma_start3A_276 : memref<1x128xi32, #tpu.memory_space<vmem>> -> memref<128xi32, #tpu.memory_space<vmem>>
    %dma_start3A_278 = arith.constant 0 : i32
    %dma_start3A_279 = tpu.memref_slice %arg7[%dma_start3A_278] : memref<1000000xf32, #tpu.memory_space<hbm>> -> memref<1000000xf32, #tpu.memory_space<hbm>>
    tpu.enqueue_indirect_dma source(%dma_start3A_279 : memref<1000000xf32, #tpu.memory_space<hbm>>) target(%dma_start3A_274 : memref<128xf32, #tpu.memory_space<vmem>>) offsets(%dma_start3A_277 : memref<128xi32, #tpu.memory_space<vmem>>) semaphore(%arg19 : memref<!tpu.dma_semaphore, #tpu.memory_space<semaphore_mem>>)
    %dma_start3A_280 = arith.constant 7 : i32
    %dma_start3A_281 = arith.constant 896 : i32
    %dma_start3A_282 = arith.constant 0 : i32
    %dma_start3A_283 = tpu.memref_slice %arg11[%dma_start3A_281, %dma_start3A_282] : memref<1024x16xf32, #tpu.memory_space<vmem>> -> memref<128x16xf32, #tpu.memory_space<vmem>>
    %dma_start3A_284 = arith.constant 0 : i32
    %dma_start3A_285 = tpu.memref_slice %arg9[%dma_start3A_280, %dma_start3A_284] : memref<8x128xi32, #tpu.memory_space<vmem>> -> memref<1x128xi32, #tpu.memory_space<vmem>>
    %dma_start3A_286 = tpu.memref_squeeze %dma_start3A_285 : memref<1x128xi32, #tpu.memory_space<vmem>> -> memref<128xi32, #tpu.memory_space<vmem>>
    %dma_start3A_287 = arith.constant 0 : i32
    %dma_start3A_288 = arith.constant 0 : i32
    %dma_start3A_289 = tpu.memref_slice %arg4[%dma_start3A_287, %dma_start3A_288] : memref<1000000x16xf32, #tpu.memory_space<hbm>> -> memref<1000000x16xf32, #tpu.memory_space<hbm>>
    tpu.enqueue_indirect_dma source(%dma_start3A_289 : memref<1000000x16xf32, #tpu.memory_space<hbm>>) target(%dma_start3A_283 : memref<128x16xf32, #tpu.memory_space<vmem>>) offsets(%dma_start3A_286 : memref<128xi32, #tpu.memory_space<vmem>>) semaphore(%arg19 : memref<!tpu.dma_semaphore, #tpu.memory_space<semaphore_mem>>)
    %dma_start3A_290 = arith.constant 7 : i32
    %dma_start3A_291 = arith.constant 896 : i32
    %dma_start3A_292 = arith.constant 0 : i32
    %dma_start3A_293 = tpu.memref_slice %arg12[%dma_start3A_291, %dma_start3A_292] : memref<1024x16xf32, #tpu.memory_space<vmem>> -> memref<128x16xf32, #tpu.memory_space<vmem>>
    %dma_start3A_294 = arith.constant 0 : i32
    %dma_start3A_295 = tpu.memref_slice %arg10[%dma_start3A_290, %dma_start3A_294] : memref<8x128xi32, #tpu.memory_space<vmem>> -> memref<1x128xi32, #tpu.memory_space<vmem>>
    %dma_start3A_296 = tpu.memref_squeeze %dma_start3A_295 : memref<1x128xi32, #tpu.memory_space<vmem>> -> memref<128xi32, #tpu.memory_space<vmem>>
    %dma_start3A_297 = arith.constant 0 : i32
    %dma_start3A_298 = arith.constant 0 : i32
    %dma_start3A_299 = tpu.memref_slice %arg6[%dma_start3A_297, %dma_start3A_298] : memref<1000000x16xf32, #tpu.memory_space<hbm>> -> memref<1000000x16xf32, #tpu.memory_space<hbm>>
    tpu.enqueue_indirect_dma source(%dma_start3A_299 : memref<1000000x16xf32, #tpu.memory_space<hbm>>) target(%dma_start3A_293 : memref<128x16xf32, #tpu.memory_space<vmem>>) offsets(%dma_start3A_296 : memref<128xi32, #tpu.memory_space<vmem>>) semaphore(%arg19 : memref<!tpu.dma_semaphore, #tpu.memory_space<semaphore_mem>>)
    %dma_start3A_300 = arith.constant 7 : i32
    %dma_start3A_301 = arith.constant 7 : i32
    %dma_start3A_302 = arith.constant 0 : i32
    %dma_start3A_303 = tpu.memref_slice %arg13[%dma_start3A_301, %dma_start3A_302] : memref<8x128xf32, #tpu.memory_space<vmem>> -> memref<1x128xf32, #tpu.memory_space<vmem>>
    %dma_start3A_304 = tpu.memref_squeeze %dma_start3A_303 : memref<1x128xf32, #tpu.memory_space<vmem>> -> memref<128xf32, #tpu.memory_space<vmem>>
    %dma_start3A_305 = arith.constant 0 : i32
    %dma_start3A_306 = tpu.memref_slice %arg9[%dma_start3A_300, %dma_start3A_305] : memref<8x128xi32, #tpu.memory_space<vmem>> -> memref<1x128xi32, #tpu.memory_space<vmem>>
    %dma_start3A_307 = tpu.memref_squeeze %dma_start3A_306 : memref<1x128xi32, #tpu.memory_space<vmem>> -> memref<128xi32, #tpu.memory_space<vmem>>
    %dma_start3A_308 = arith.constant 0 : i32
    %dma_start3A_309 = tpu.memref_slice %arg5[%dma_start3A_308] : memref<1000000xf32, #tpu.memory_space<hbm>> -> memref<1000000xf32, #tpu.memory_space<hbm>>
    tpu.enqueue_indirect_dma source(%dma_start3A_309 : memref<1000000xf32, #tpu.memory_space<hbm>>) target(%dma_start3A_304 : memref<128xf32, #tpu.memory_space<vmem>>) offsets(%dma_start3A_307 : memref<128xi32, #tpu.memory_space<vmem>>) semaphore(%arg19 : memref<!tpu.dma_semaphore, #tpu.memory_space<semaphore_mem>>)
    %dma_start3A_310 = arith.constant 7 : i32
    %dma_start3A_311 = arith.constant 7 : i32
    %dma_start3A_312 = arith.constant 0 : i32
    %dma_start3A_313 = tpu.memref_slice %arg14[%dma_start3A_311, %dma_start3A_312] : memref<8x128xf32, #tpu.memory_space<vmem>> -> memref<1x128xf32, #tpu.memory_space<vmem>>
    %dma_start3A_314 = tpu.memref_squeeze %dma_start3A_313 : memref<1x128xf32, #tpu.memory_space<vmem>> -> memref<128xf32, #tpu.memory_space<vmem>>
    %dma_start3A_315 = arith.constant 0 : i32
    %dma_start3A_316 = tpu.memref_slice %arg10[%dma_start3A_310, %dma_start3A_315] : memref<8x128xi32, #tpu.memory_space<vmem>> -> memref<1x128xi32, #tpu.memory_space<vmem>>
    %dma_start3A_317 = tpu.memref_squeeze %dma_start3A_316 : memref<1x128xi32, #tpu.memory_space<vmem>> -> memref<128xi32, #tpu.memory_space<vmem>>
    %dma_start3A_318 = arith.constant 0 : i32
    %dma_start3A_319 = tpu.memref_slice %arg7[%dma_start3A_318] : memref<1000000xf32, #tpu.memory_space<hbm>> -> memref<1000000xf32, #tpu.memory_space<hbm>>
    tpu.enqueue_indirect_dma source(%dma_start3A_319 : memref<1000000xf32, #tpu.memory_space<hbm>>) target(%dma_start3A_314 : memref<128xf32, #tpu.memory_space<vmem>>) offsets(%dma_start3A_317 : memref<128xi32, #tpu.memory_space<vmem>>) semaphore(%arg19 : memref<!tpu.dma_semaphore, #tpu.memory_space<semaphore_mem>>)
    %dma_wait3A = arith.constant 0 : i32
    %dma_wait3A_320 = arith.constant 0 : i32
    %dma_wait3A_321 = arith.constant 0 : i32
    %dma_wait3A_322 = tpu.memref_slice %arg11[%dma_wait3A_320, %dma_wait3A_321] : memref<1024x16xf32, #tpu.memory_space<vmem>> -> memref<128x16xf32, #tpu.memory_space<vmem>>
    %dma_wait3A_323 = arith.constant 0 : i32
    %dma_wait3A_324 = tpu.memref_slice %arg9[%dma_wait3A, %dma_wait3A_323] : memref<8x128xi32, #tpu.memory_space<vmem>> -> memref<1x128xi32, #tpu.memory_space<vmem>>
    %dma_wait3A_325 = tpu.memref_squeeze %dma_wait3A_324 : memref<1x128xi32, #tpu.memory_space<vmem>> -> memref<128xi32, #tpu.memory_space<vmem>>
    %dma_wait3A_326 = arith.constant 0 : i32
    %dma_wait3A_327 = arith.constant 0 : i32
    %dma_wait3A_328 = tpu.memref_slice %arg4[%dma_wait3A_326, %dma_wait3A_327] : memref<1000000x16xf32, #tpu.memory_space<hbm>> -> memref<1000000x16xf32, #tpu.memory_space<hbm>>
    tpu.wait_indirect_dma semaphore(%arg19 : memref<!tpu.dma_semaphore, #tpu.memory_space<semaphore_mem>>) src(%dma_wait3A_328 : memref<1000000x16xf32, #tpu.memory_space<hbm>>) dst(%dma_wait3A_322 : memref<128x16xf32, #tpu.memory_space<vmem>>)
    %dma_wait3A_329 = arith.constant 0 : i32
    %dma_wait3A_330 = arith.constant 0 : i32
    %dma_wait3A_331 = arith.constant 0 : i32
    %dma_wait3A_332 = tpu.memref_slice %arg12[%dma_wait3A_330, %dma_wait3A_331] : memref<1024x16xf32, #tpu.memory_space<vmem>> -> memref<128x16xf32, #tpu.memory_space<vmem>>
    %dma_wait3A_333 = arith.constant 0 : i32
    %dma_wait3A_334 = tpu.memref_slice %arg10[%dma_wait3A_329, %dma_wait3A_333] : memref<8x128xi32, #tpu.memory_space<vmem>> -> memref<1x128xi32, #tpu.memory_space<vmem>>
    %dma_wait3A_335 = tpu.memref_squeeze %dma_wait3A_334 : memref<1x128xi32, #tpu.memory_space<vmem>> -> memref<128xi32, #tpu.memory_space<vmem>>
    %dma_wait3A_336 = arith.constant 0 : i32
    %dma_wait3A_337 = arith.constant 0 : i32
    %dma_wait3A_338 = tpu.memref_slice %arg6[%dma_wait3A_336, %dma_wait3A_337] : memref<1000000x16xf32, #tpu.memory_space<hbm>> -> memref<1000000x16xf32, #tpu.memory_space<hbm>>
    tpu.wait_indirect_dma semaphore(%arg19 : memref<!tpu.dma_semaphore, #tpu.memory_space<semaphore_mem>>) src(%dma_wait3A_338 : memref<1000000x16xf32, #tpu.memory_space<hbm>>) dst(%dma_wait3A_332 : memref<128x16xf32, #tpu.memory_space<vmem>>)
    %dma_wait3A_339 = arith.constant 0 : i32
    %dma_wait3A_340 = arith.constant 0 : i32
    %dma_wait3A_341 = arith.constant 0 : i32
    %dma_wait3A_342 = tpu.memref_slice %arg13[%dma_wait3A_340, %dma_wait3A_341] : memref<8x128xf32, #tpu.memory_space<vmem>> -> memref<1x128xf32, #tpu.memory_space<vmem>>
    %dma_wait3A_343 = tpu.memref_squeeze %dma_wait3A_342 : memref<1x128xf32, #tpu.memory_space<vmem>> -> memref<128xf32, #tpu.memory_space<vmem>>
    %dma_wait3A_344 = arith.constant 0 : i32
    %dma_wait3A_345 = tpu.memref_slice %arg9[%dma_wait3A_339, %dma_wait3A_344] : memref<8x128xi32, #tpu.memory_space<vmem>> -> memref<1x128xi32, #tpu.memory_space<vmem>>
    %dma_wait3A_346 = tpu.memref_squeeze %dma_wait3A_345 : memref<1x128xi32, #tpu.memory_space<vmem>> -> memref<128xi32, #tpu.memory_space<vmem>>
    %dma_wait3A_347 = arith.constant 0 : i32
    %dma_wait3A_348 = tpu.memref_slice %arg5[%dma_wait3A_347] : memref<1000000xf32, #tpu.memory_space<hbm>> -> memref<1000000xf32, #tpu.memory_space<hbm>>
    tpu.wait_indirect_dma semaphore(%arg19 : memref<!tpu.dma_semaphore, #tpu.memory_space<semaphore_mem>>) src(%dma_wait3A_348 : memref<1000000xf32, #tpu.memory_space<hbm>>) dst(%dma_wait3A_343 : memref<128xf32, #tpu.memory_space<vmem>>)
    %dma_wait3A_349 = arith.constant 0 : i32
    %dma_wait3A_350 = arith.constant 0 : i32
    %dma_wait3A_351 = arith.constant 0 : i32
    %dma_wait3A_352 = tpu.memref_slice %arg14[%dma_wait3A_350, %dma_wait3A_351] : memref<8x128xf32, #tpu.memory_space<vmem>> -> memref<1x128xf32, #tpu.memory_space<vmem>>
    %dma_wait3A_353 = tpu.memref_squeeze %dma_wait3A_352 : memref<1x128xf32, #tpu.memory_space<vmem>> -> memref<128xf32, #tpu.memory_space<vmem>>
    %dma_wait3A_354 = arith.constant 0 : i32
    %dma_wait3A_355 = tpu.memref_slice %arg10[%dma_wait3A_349, %dma_wait3A_354] : memref<8x128xi32, #tpu.memory_space<vmem>> -> memref<1x128xi32, #tpu.memory_space<vmem>>
    %dma_wait3A_356 = tpu.memref_squeeze %dma_wait3A_355 : memref<1x128xi32, #tpu.memory_space<vmem>> -> memref<128xi32, #tpu.memory_space<vmem>>
    %dma_wait3A_357 = arith.constant 0 : i32
    %dma_wait3A_358 = tpu.memref_slice %arg7[%dma_wait3A_357] : memref<1000000xf32, #tpu.memory_space<hbm>> -> memref<1000000xf32, #tpu.memory_space<hbm>>
    tpu.wait_indirect_dma semaphore(%arg19 : memref<!tpu.dma_semaphore, #tpu.memory_space<semaphore_mem>>) src(%dma_wait3A_358 : memref<1000000xf32, #tpu.memory_space<hbm>>) dst(%dma_wait3A_353 : memref<128xf32, #tpu.memory_space<vmem>>)
    %dma_wait3A_359 = arith.constant 1 : i32
    %dma_wait3A_360 = arith.constant 128 : i32
    %dma_wait3A_361 = arith.constant 0 : i32
    %dma_wait3A_362 = tpu.memref_slice %arg11[%dma_wait3A_360, %dma_wait3A_361] : memref<1024x16xf32, #tpu.memory_space<vmem>> -> memref<128x16xf32, #tpu.memory_space<vmem>>
    %dma_wait3A_363 = arith.constant 0 : i32
    %dma_wait3A_364 = tpu.memref_slice %arg9[%dma_wait3A_359, %dma_wait3A_363] : memref<8x128xi32, #tpu.memory_space<vmem>> -> memref<1x128xi32, #tpu.memory_space<vmem>>
    %dma_wait3A_365 = tpu.memref_squeeze %dma_wait3A_364 : memref<1x128xi32, #tpu.memory_space<vmem>> -> memref<128xi32, #tpu.memory_space<vmem>>
    %dma_wait3A_366 = arith.constant 0 : i32
    %dma_wait3A_367 = arith.constant 0 : i32
    %dma_wait3A_368 = tpu.memref_slice %arg4[%dma_wait3A_366, %dma_wait3A_367] : memref<1000000x16xf32, #tpu.memory_space<hbm>> -> memref<1000000x16xf32, #tpu.memory_space<hbm>>
    tpu.wait_indirect_dma semaphore(%arg19 : memref<!tpu.dma_semaphore, #tpu.memory_space<semaphore_mem>>) src(%dma_wait3A_368 : memref<1000000x16xf32, #tpu.memory_space<hbm>>) dst(%dma_wait3A_362 : memref<128x16xf32, #tpu.memory_space<vmem>>)
    %dma_wait3A_369 = arith.constant 1 : i32
    %dma_wait3A_370 = arith.constant 128 : i32
    %dma_wait3A_371 = arith.constant 0 : i32
    %dma_wait3A_372 = tpu.memref_slice %arg12[%dma_wait3A_370, %dma_wait3A_371] : memref<1024x16xf32, #tpu.memory_space<vmem>> -> memref<128x16xf32, #tpu.memory_space<vmem>>
    %dma_wait3A_373 = arith.constant 0 : i32
    %dma_wait3A_374 = tpu.memref_slice %arg10[%dma_wait3A_369, %dma_wait3A_373] : memref<8x128xi32, #tpu.memory_space<vmem>> -> memref<1x128xi32, #tpu.memory_space<vmem>>
    %dma_wait3A_375 = tpu.memref_squeeze %dma_wait3A_374 : memref<1x128xi32, #tpu.memory_space<vmem>> -> memref<128xi32, #tpu.memory_space<vmem>>
    %dma_wait3A_376 = arith.constant 0 : i32
    %dma_wait3A_377 = arith.constant 0 : i32
    %dma_wait3A_378 = tpu.memref_slice %arg6[%dma_wait3A_376, %dma_wait3A_377] : memref<1000000x16xf32, #tpu.memory_space<hbm>> -> memref<1000000x16xf32, #tpu.memory_space<hbm>>
    tpu.wait_indirect_dma semaphore(%arg19 : memref<!tpu.dma_semaphore, #tpu.memory_space<semaphore_mem>>) src(%dma_wait3A_378 : memref<1000000x16xf32, #tpu.memory_space<hbm>>) dst(%dma_wait3A_372 : memref<128x16xf32, #tpu.memory_space<vmem>>)
    %dma_wait3A_379 = arith.constant 1 : i32
    %dma_wait3A_380 = arith.constant 1 : i32
    %dma_wait3A_381 = arith.constant 0 : i32
    %dma_wait3A_382 = tpu.memref_slice %arg13[%dma_wait3A_380, %dma_wait3A_381] : memref<8x128xf32, #tpu.memory_space<vmem>> -> memref<1x128xf32, #tpu.memory_space<vmem>>
    %dma_wait3A_383 = tpu.memref_squeeze %dma_wait3A_382 : memref<1x128xf32, #tpu.memory_space<vmem>> -> memref<128xf32, #tpu.memory_space<vmem>>
    %dma_wait3A_384 = arith.constant 0 : i32
    %dma_wait3A_385 = tpu.memref_slice %arg9[%dma_wait3A_379, %dma_wait3A_384] : memref<8x128xi32, #tpu.memory_space<vmem>> -> memref<1x128xi32, #tpu.memory_space<vmem>>
    %dma_wait3A_386 = tpu.memref_squeeze %dma_wait3A_385 : memref<1x128xi32, #tpu.memory_space<vmem>> -> memref<128xi32, #tpu.memory_space<vmem>>
    %dma_wait3A_387 = arith.constant 0 : i32
    %dma_wait3A_388 = tpu.memref_slice %arg5[%dma_wait3A_387] : memref<1000000xf32, #tpu.memory_space<hbm>> -> memref<1000000xf32, #tpu.memory_space<hbm>>
    tpu.wait_indirect_dma semaphore(%arg19 : memref<!tpu.dma_semaphore, #tpu.memory_space<semaphore_mem>>) src(%dma_wait3A_388 : memref<1000000xf32, #tpu.memory_space<hbm>>) dst(%dma_wait3A_383 : memref<128xf32, #tpu.memory_space<vmem>>)
    %dma_wait3A_389 = arith.constant 1 : i32
    %dma_wait3A_390 = arith.constant 1 : i32
    %dma_wait3A_391 = arith.constant 0 : i32
    %dma_wait3A_392 = tpu.memref_slice %arg14[%dma_wait3A_390, %dma_wait3A_391] : memref<8x128xf32, #tpu.memory_space<vmem>> -> memref<1x128xf32, #tpu.memory_space<vmem>>
    %dma_wait3A_393 = tpu.memref_squeeze %dma_wait3A_392 : memref<1x128xf32, #tpu.memory_space<vmem>> -> memref<128xf32, #tpu.memory_space<vmem>>
    %dma_wait3A_394 = arith.constant 0 : i32
    %dma_wait3A_395 = tpu.memref_slice %arg10[%dma_wait3A_389, %dma_wait3A_394] : memref<8x128xi32, #tpu.memory_space<vmem>> -> memref<1x128xi32, #tpu.memory_space<vmem>>
    %dma_wait3A_396 = tpu.memref_squeeze %dma_wait3A_395 : memref<1x128xi32, #tpu.memory_space<vmem>> -> memref<128xi32, #tpu.memory_space<vmem>>
    %dma_wait3A_397 = arith.constant 0 : i32
    %dma_wait3A_398 = tpu.memref_slice %arg7[%dma_wait3A_397] : memref<1000000xf32, #tpu.memory_space<hbm>> -> memref<1000000xf32, #tpu.memory_space<hbm>>
    tpu.wait_indirect_dma semaphore(%arg19 : memref<!tpu.dma_semaphore, #tpu.memory_space<semaphore_mem>>) src(%dma_wait3A_398 : memref<1000000xf32, #tpu.memory_space<hbm>>) dst(%dma_wait3A_393 : memref<128xf32, #tpu.memory_space<vmem>>)
    %dma_wait3A_399 = arith.constant 2 : i32
    %dma_wait3A_400 = arith.constant 256 : i32
    %dma_wait3A_401 = arith.constant 0 : i32
    %dma_wait3A_402 = tpu.memref_slice %arg11[%dma_wait3A_400, %dma_wait3A_401] : memref<1024x16xf32, #tpu.memory_space<vmem>> -> memref<128x16xf32, #tpu.memory_space<vmem>>
    %dma_wait3A_403 = arith.constant 0 : i32
    %dma_wait3A_404 = tpu.memref_slice %arg9[%dma_wait3A_399, %dma_wait3A_403] : memref<8x128xi32, #tpu.memory_space<vmem>> -> memref<1x128xi32, #tpu.memory_space<vmem>>
    %dma_wait3A_405 = tpu.memref_squeeze %dma_wait3A_404 : memref<1x128xi32, #tpu.memory_space<vmem>> -> memref<128xi32, #tpu.memory_space<vmem>>
    %dma_wait3A_406 = arith.constant 0 : i32
    %dma_wait3A_407 = arith.constant 0 : i32
    %dma_wait3A_408 = tpu.memref_slice %arg4[%dma_wait3A_406, %dma_wait3A_407] : memref<1000000x16xf32, #tpu.memory_space<hbm>> -> memref<1000000x16xf32, #tpu.memory_space<hbm>>
    tpu.wait_indirect_dma semaphore(%arg19 : memref<!tpu.dma_semaphore, #tpu.memory_space<semaphore_mem>>) src(%dma_wait3A_408 : memref<1000000x16xf32, #tpu.memory_space<hbm>>) dst(%dma_wait3A_402 : memref<128x16xf32, #tpu.memory_space<vmem>>)
    %dma_wait3A_409 = arith.constant 2 : i32
    %dma_wait3A_410 = arith.constant 256 : i32
    %dma_wait3A_411 = arith.constant 0 : i32
    %dma_wait3A_412 = tpu.memref_slice %arg12[%dma_wait3A_410, %dma_wait3A_411] : memref<1024x16xf32, #tpu.memory_space<vmem>> -> memref<128x16xf32, #tpu.memory_space<vmem>>
    %dma_wait3A_413 = arith.constant 0 : i32
    %dma_wait3A_414 = tpu.memref_slice %arg10[%dma_wait3A_409, %dma_wait3A_413] : memref<8x128xi32, #tpu.memory_space<vmem>> -> memref<1x128xi32, #tpu.memory_space<vmem>>
    %dma_wait3A_415 = tpu.memref_squeeze %dma_wait3A_414 : memref<1x128xi32, #tpu.memory_space<vmem>> -> memref<128xi32, #tpu.memory_space<vmem>>
    %dma_wait3A_416 = arith.constant 0 : i32
    %dma_wait3A_417 = arith.constant 0 : i32
    %dma_wait3A_418 = tpu.memref_slice %arg6[%dma_wait3A_416, %dma_wait3A_417] : memref<1000000x16xf32, #tpu.memory_space<hbm>> -> memref<1000000x16xf32, #tpu.memory_space<hbm>>
    tpu.wait_indirect_dma semaphore(%arg19 : memref<!tpu.dma_semaphore, #tpu.memory_space<semaphore_mem>>) src(%dma_wait3A_418 : memref<1000000x16xf32, #tpu.memory_space<hbm>>) dst(%dma_wait3A_412 : memref<128x16xf32, #tpu.memory_space<vmem>>)
    %dma_wait3A_419 = arith.constant 2 : i32
    %dma_wait3A_420 = arith.constant 2 : i32
    %dma_wait3A_421 = arith.constant 0 : i32
    %dma_wait3A_422 = tpu.memref_slice %arg13[%dma_wait3A_420, %dma_wait3A_421] : memref<8x128xf32, #tpu.memory_space<vmem>> -> memref<1x128xf32, #tpu.memory_space<vmem>>
    %dma_wait3A_423 = tpu.memref_squeeze %dma_wait3A_422 : memref<1x128xf32, #tpu.memory_space<vmem>> -> memref<128xf32, #tpu.memory_space<vmem>>
    %dma_wait3A_424 = arith.constant 0 : i32
    %dma_wait3A_425 = tpu.memref_slice %arg9[%dma_wait3A_419, %dma_wait3A_424] : memref<8x128xi32, #tpu.memory_space<vmem>> -> memref<1x128xi32, #tpu.memory_space<vmem>>
    %dma_wait3A_426 = tpu.memref_squeeze %dma_wait3A_425 : memref<1x128xi32, #tpu.memory_space<vmem>> -> memref<128xi32, #tpu.memory_space<vmem>>
    %dma_wait3A_427 = arith.constant 0 : i32
    %dma_wait3A_428 = tpu.memref_slice %arg5[%dma_wait3A_427] : memref<1000000xf32, #tpu.memory_space<hbm>> -> memref<1000000xf32, #tpu.memory_space<hbm>>
    tpu.wait_indirect_dma semaphore(%arg19 : memref<!tpu.dma_semaphore, #tpu.memory_space<semaphore_mem>>) src(%dma_wait3A_428 : memref<1000000xf32, #tpu.memory_space<hbm>>) dst(%dma_wait3A_423 : memref<128xf32, #tpu.memory_space<vmem>>)
    %dma_wait3A_429 = arith.constant 2 : i32
    %dma_wait3A_430 = arith.constant 2 : i32
    %dma_wait3A_431 = arith.constant 0 : i32
    %dma_wait3A_432 = tpu.memref_slice %arg14[%dma_wait3A_430, %dma_wait3A_431] : memref<8x128xf32, #tpu.memory_space<vmem>> -> memref<1x128xf32, #tpu.memory_space<vmem>>
    %dma_wait3A_433 = tpu.memref_squeeze %dma_wait3A_432 : memref<1x128xf32, #tpu.memory_space<vmem>> -> memref<128xf32, #tpu.memory_space<vmem>>
    %dma_wait3A_434 = arith.constant 0 : i32
    %dma_wait3A_435 = tpu.memref_slice %arg10[%dma_wait3A_429, %dma_wait3A_434] : memref<8x128xi32, #tpu.memory_space<vmem>> -> memref<1x128xi32, #tpu.memory_space<vmem>>
    %dma_wait3A_436 = tpu.memref_squeeze %dma_wait3A_435 : memref<1x128xi32, #tpu.memory_space<vmem>> -> memref<128xi32, #tpu.memory_space<vmem>>
    %dma_wait3A_437 = arith.constant 0 : i32
    %dma_wait3A_438 = tpu.memref_slice %arg7[%dma_wait3A_437] : memref<1000000xf32, #tpu.memory_space<hbm>> -> memref<1000000xf32, #tpu.memory_space<hbm>>
    tpu.wait_indirect_dma semaphore(%arg19 : memref<!tpu.dma_semaphore, #tpu.memory_space<semaphore_mem>>) src(%dma_wait3A_438 : memref<1000000xf32, #tpu.memory_space<hbm>>) dst(%dma_wait3A_433 : memref<128xf32, #tpu.memory_space<vmem>>)
    %dma_wait3A_439 = arith.constant 3 : i32
    %dma_wait3A_440 = arith.constant 384 : i32
    %dma_wait3A_441 = arith.constant 0 : i32
    %dma_wait3A_442 = tpu.memref_slice %arg11[%dma_wait3A_440, %dma_wait3A_441] : memref<1024x16xf32, #tpu.memory_space<vmem>> -> memref<128x16xf32, #tpu.memory_space<vmem>>
    %dma_wait3A_443 = arith.constant 0 : i32
    %dma_wait3A_444 = tpu.memref_slice %arg9[%dma_wait3A_439, %dma_wait3A_443] : memref<8x128xi32, #tpu.memory_space<vmem>> -> memref<1x128xi32, #tpu.memory_space<vmem>>
    %dma_wait3A_445 = tpu.memref_squeeze %dma_wait3A_444 : memref<1x128xi32, #tpu.memory_space<vmem>> -> memref<128xi32, #tpu.memory_space<vmem>>
    %dma_wait3A_446 = arith.constant 0 : i32
    %dma_wait3A_447 = arith.constant 0 : i32
    %dma_wait3A_448 = tpu.memref_slice %arg4[%dma_wait3A_446, %dma_wait3A_447] : memref<1000000x16xf32, #tpu.memory_space<hbm>> -> memref<1000000x16xf32, #tpu.memory_space<hbm>>
    tpu.wait_indirect_dma semaphore(%arg19 : memref<!tpu.dma_semaphore, #tpu.memory_space<semaphore_mem>>) src(%dma_wait3A_448 : memref<1000000x16xf32, #tpu.memory_space<hbm>>) dst(%dma_wait3A_442 : memref<128x16xf32, #tpu.memory_space<vmem>>)
    %dma_wait3A_449 = arith.constant 3 : i32
    %dma_wait3A_450 = arith.constant 384 : i32
    %dma_wait3A_451 = arith.constant 0 : i32
    %dma_wait3A_452 = tpu.memref_slice %arg12[%dma_wait3A_450, %dma_wait3A_451] : memref<1024x16xf32, #tpu.memory_space<vmem>> -> memref<128x16xf32, #tpu.memory_space<vmem>>
    %dma_wait3A_453 = arith.constant 0 : i32
    %dma_wait3A_454 = tpu.memref_slice %arg10[%dma_wait3A_449, %dma_wait3A_453] : memref<8x128xi32, #tpu.memory_space<vmem>> -> memref<1x128xi32, #tpu.memory_space<vmem>>
    %dma_wait3A_455 = tpu.memref_squeeze %dma_wait3A_454 : memref<1x128xi32, #tpu.memory_space<vmem>> -> memref<128xi32, #tpu.memory_space<vmem>>
    %dma_wait3A_456 = arith.constant 0 : i32
    %dma_wait3A_457 = arith.constant 0 : i32
    %dma_wait3A_458 = tpu.memref_slice %arg6[%dma_wait3A_456, %dma_wait3A_457] : memref<1000000x16xf32, #tpu.memory_space<hbm>> -> memref<1000000x16xf32, #tpu.memory_space<hbm>>
    tpu.wait_indirect_dma semaphore(%arg19 : memref<!tpu.dma_semaphore, #tpu.memory_space<semaphore_mem>>) src(%dma_wait3A_458 : memref<1000000x16xf32, #tpu.memory_space<hbm>>) dst(%dma_wait3A_452 : memref<128x16xf32, #tpu.memory_space<vmem>>)
    %dma_wait3A_459 = arith.constant 3 : i32
    %dma_wait3A_460 = arith.constant 3 : i32
    %dma_wait3A_461 = arith.constant 0 : i32
    %dma_wait3A_462 = tpu.memref_slice %arg13[%dma_wait3A_460, %dma_wait3A_461] : memref<8x128xf32, #tpu.memory_space<vmem>> -> memref<1x128xf32, #tpu.memory_space<vmem>>
    %dma_wait3A_463 = tpu.memref_squeeze %dma_wait3A_462 : memref<1x128xf32, #tpu.memory_space<vmem>> -> memref<128xf32, #tpu.memory_space<vmem>>
    %dma_wait3A_464 = arith.constant 0 : i32
    %dma_wait3A_465 = tpu.memref_slice %arg9[%dma_wait3A_459, %dma_wait3A_464] : memref<8x128xi32, #tpu.memory_space<vmem>> -> memref<1x128xi32, #tpu.memory_space<vmem>>
    %dma_wait3A_466 = tpu.memref_squeeze %dma_wait3A_465 : memref<1x128xi32, #tpu.memory_space<vmem>> -> memref<128xi32, #tpu.memory_space<vmem>>
    %dma_wait3A_467 = arith.constant 0 : i32
    %dma_wait3A_468 = tpu.memref_slice %arg5[%dma_wait3A_467] : memref<1000000xf32, #tpu.memory_space<hbm>> -> memref<1000000xf32, #tpu.memory_space<hbm>>
    tpu.wait_indirect_dma semaphore(%arg19 : memref<!tpu.dma_semaphore, #tpu.memory_space<semaphore_mem>>) src(%dma_wait3A_468 : memref<1000000xf32, #tpu.memory_space<hbm>>) dst(%dma_wait3A_463 : memref<128xf32, #tpu.memory_space<vmem>>)
    %dma_wait3A_469 = arith.constant 3 : i32
    %dma_wait3A_470 = arith.constant 3 : i32
    %dma_wait3A_471 = arith.constant 0 : i32
    %dma_wait3A_472 = tpu.memref_slice %arg14[%dma_wait3A_470, %dma_wait3A_471] : memref<8x128xf32, #tpu.memory_space<vmem>> -> memref<1x128xf32, #tpu.memory_space<vmem>>
    %dma_wait3A_473 = tpu.memref_squeeze %dma_wait3A_472 : memref<1x128xf32, #tpu.memory_space<vmem>> -> memref<128xf32, #tpu.memory_space<vmem>>
    %dma_wait3A_474 = arith.constant 0 : i32
    %dma_wait3A_475 = tpu.memref_slice %arg10[%dma_wait3A_469, %dma_wait3A_474] : memref<8x128xi32, #tpu.memory_space<vmem>> -> memref<1x128xi32, #tpu.memory_space<vmem>>
    %dma_wait3A_476 = tpu.memref_squeeze %dma_wait3A_475 : memref<1x128xi32, #tpu.memory_space<vmem>> -> memref<128xi32, #tpu.memory_space<vmem>>
    %dma_wait3A_477 = arith.constant 0 : i32
    %dma_wait3A_478 = tpu.memref_slice %arg7[%dma_wait3A_477] : memref<1000000xf32, #tpu.memory_space<hbm>> -> memref<1000000xf32, #tpu.memory_space<hbm>>
    tpu.wait_indirect_dma semaphore(%arg19 : memref<!tpu.dma_semaphore, #tpu.memory_space<semaphore_mem>>) src(%dma_wait3A_478 : memref<1000000xf32, #tpu.memory_space<hbm>>) dst(%dma_wait3A_473 : memref<128xf32, #tpu.memory_space<vmem>>)
    %dma_wait3A_479 = arith.constant 4 : i32
    %dma_wait3A_480 = arith.constant 512 : i32
    %dma_wait3A_481 = arith.constant 0 : i32
    %dma_wait3A_482 = tpu.memref_slice %arg11[%dma_wait3A_480, %dma_wait3A_481] : memref<1024x16xf32, #tpu.memory_space<vmem>> -> memref<128x16xf32, #tpu.memory_space<vmem>>
    %dma_wait3A_483 = arith.constant 0 : i32
    %dma_wait3A_484 = tpu.memref_slice %arg9[%dma_wait3A_479, %dma_wait3A_483] : memref<8x128xi32, #tpu.memory_space<vmem>> -> memref<1x128xi32, #tpu.memory_space<vmem>>
    %dma_wait3A_485 = tpu.memref_squeeze %dma_wait3A_484 : memref<1x128xi32, #tpu.memory_space<vmem>> -> memref<128xi32, #tpu.memory_space<vmem>>
    %dma_wait3A_486 = arith.constant 0 : i32
    %dma_wait3A_487 = arith.constant 0 : i32
    %dma_wait3A_488 = tpu.memref_slice %arg4[%dma_wait3A_486, %dma_wait3A_487] : memref<1000000x16xf32, #tpu.memory_space<hbm>> -> memref<1000000x16xf32, #tpu.memory_space<hbm>>
    tpu.wait_indirect_dma semaphore(%arg19 : memref<!tpu.dma_semaphore, #tpu.memory_space<semaphore_mem>>) src(%dma_wait3A_488 : memref<1000000x16xf32, #tpu.memory_space<hbm>>) dst(%dma_wait3A_482 : memref<128x16xf32, #tpu.memory_space<vmem>>)
    %dma_wait3A_489 = arith.constant 4 : i32
    %dma_wait3A_490 = arith.constant 512 : i32
    %dma_wait3A_491 = arith.constant 0 : i32
    %dma_wait3A_492 = tpu.memref_slice %arg12[%dma_wait3A_490, %dma_wait3A_491] : memref<1024x16xf32, #tpu.memory_space<vmem>> -> memref<128x16xf32, #tpu.memory_space<vmem>>
    %dma_wait3A_493 = arith.constant 0 : i32
    %dma_wait3A_494 = tpu.memref_slice %arg10[%dma_wait3A_489, %dma_wait3A_493] : memref<8x128xi32, #tpu.memory_space<vmem>> -> memref<1x128xi32, #tpu.memory_space<vmem>>
    %dma_wait3A_495 = tpu.memref_squeeze %dma_wait3A_494 : memref<1x128xi32, #tpu.memory_space<vmem>> -> memref<128xi32, #tpu.memory_space<vmem>>
    %dma_wait3A_496 = arith.constant 0 : i32
    %dma_wait3A_497 = arith.constant 0 : i32
    %dma_wait3A_498 = tpu.memref_slice %arg6[%dma_wait3A_496, %dma_wait3A_497] : memref<1000000x16xf32, #tpu.memory_space<hbm>> -> memref<1000000x16xf32, #tpu.memory_space<hbm>>
    tpu.wait_indirect_dma semaphore(%arg19 : memref<!tpu.dma_semaphore, #tpu.memory_space<semaphore_mem>>) src(%dma_wait3A_498 : memref<1000000x16xf32, #tpu.memory_space<hbm>>) dst(%dma_wait3A_492 : memref<128x16xf32, #tpu.memory_space<vmem>>)
    %dma_wait3A_499 = arith.constant 4 : i32
    %dma_wait3A_500 = arith.constant 4 : i32
    %dma_wait3A_501 = arith.constant 0 : i32
    %dma_wait3A_502 = tpu.memref_slice %arg13[%dma_wait3A_500, %dma_wait3A_501] : memref<8x128xf32, #tpu.memory_space<vmem>> -> memref<1x128xf32, #tpu.memory_space<vmem>>
    %dma_wait3A_503 = tpu.memref_squeeze %dma_wait3A_502 : memref<1x128xf32, #tpu.memory_space<vmem>> -> memref<128xf32, #tpu.memory_space<vmem>>
    %dma_wait3A_504 = arith.constant 0 : i32
    %dma_wait3A_505 = tpu.memref_slice %arg9[%dma_wait3A_499, %dma_wait3A_504] : memref<8x128xi32, #tpu.memory_space<vmem>> -> memref<1x128xi32, #tpu.memory_space<vmem>>
    %dma_wait3A_506 = tpu.memref_squeeze %dma_wait3A_505 : memref<1x128xi32, #tpu.memory_space<vmem>> -> memref<128xi32, #tpu.memory_space<vmem>>
    %dma_wait3A_507 = arith.constant 0 : i32
    %dma_wait3A_508 = tpu.memref_slice %arg5[%dma_wait3A_507] : memref<1000000xf32, #tpu.memory_space<hbm>> -> memref<1000000xf32, #tpu.memory_space<hbm>>
    tpu.wait_indirect_dma semaphore(%arg19 : memref<!tpu.dma_semaphore, #tpu.memory_space<semaphore_mem>>) src(%dma_wait3A_508 : memref<1000000xf32, #tpu.memory_space<hbm>>) dst(%dma_wait3A_503 : memref<128xf32, #tpu.memory_space<vmem>>)
    %dma_wait3A_509 = arith.constant 4 : i32
    %dma_wait3A_510 = arith.constant 4 : i32
    %dma_wait3A_511 = arith.constant 0 : i32
    %dma_wait3A_512 = tpu.memref_slice %arg14[%dma_wait3A_510, %dma_wait3A_511] : memref<8x128xf32, #tpu.memory_space<vmem>> -> memref<1x128xf32, #tpu.memory_space<vmem>>
    %dma_wait3A_513 = tpu.memref_squeeze %dma_wait3A_512 : memref<1x128xf32, #tpu.memory_space<vmem>> -> memref<128xf32, #tpu.memory_space<vmem>>
    %dma_wait3A_514 = arith.constant 0 : i32
    %dma_wait3A_515 = tpu.memref_slice %arg10[%dma_wait3A_509, %dma_wait3A_514] : memref<8x128xi32, #tpu.memory_space<vmem>> -> memref<1x128xi32, #tpu.memory_space<vmem>>
    %dma_wait3A_516 = tpu.memref_squeeze %dma_wait3A_515 : memref<1x128xi32, #tpu.memory_space<vmem>> -> memref<128xi32, #tpu.memory_space<vmem>>
    %dma_wait3A_517 = arith.constant 0 : i32
    %dma_wait3A_518 = tpu.memref_slice %arg7[%dma_wait3A_517] : memref<1000000xf32, #tpu.memory_space<hbm>> -> memref<1000000xf32, #tpu.memory_space<hbm>>
    tpu.wait_indirect_dma semaphore(%arg19 : memref<!tpu.dma_semaphore, #tpu.memory_space<semaphore_mem>>) src(%dma_wait3A_518 : memref<1000000xf32, #tpu.memory_space<hbm>>) dst(%dma_wait3A_513 : memref<128xf32, #tpu.memory_space<vmem>>)
    %dma_wait3A_519 = arith.constant 5 : i32
    %dma_wait3A_520 = arith.constant 640 : i32
    %dma_wait3A_521 = arith.constant 0 : i32
    %dma_wait3A_522 = tpu.memref_slice %arg11[%dma_wait3A_520, %dma_wait3A_521] : memref<1024x16xf32, #tpu.memory_space<vmem>> -> memref<128x16xf32, #tpu.memory_space<vmem>>
    %dma_wait3A_523 = arith.constant 0 : i32
    %dma_wait3A_524 = tpu.memref_slice %arg9[%dma_wait3A_519, %dma_wait3A_523] : memref<8x128xi32, #tpu.memory_space<vmem>> -> memref<1x128xi32, #tpu.memory_space<vmem>>
    %dma_wait3A_525 = tpu.memref_squeeze %dma_wait3A_524 : memref<1x128xi32, #tpu.memory_space<vmem>> -> memref<128xi32, #tpu.memory_space<vmem>>
    %dma_wait3A_526 = arith.constant 0 : i32
    %dma_wait3A_527 = arith.constant 0 : i32
    %dma_wait3A_528 = tpu.memref_slice %arg4[%dma_wait3A_526, %dma_wait3A_527] : memref<1000000x16xf32, #tpu.memory_space<hbm>> -> memref<1000000x16xf32, #tpu.memory_space<hbm>>
    tpu.wait_indirect_dma semaphore(%arg19 : memref<!tpu.dma_semaphore, #tpu.memory_space<semaphore_mem>>) src(%dma_wait3A_528 : memref<1000000x16xf32, #tpu.memory_space<hbm>>) dst(%dma_wait3A_522 : memref<128x16xf32, #tpu.memory_space<vmem>>)
    %dma_wait3A_529 = arith.constant 5 : i32
    %dma_wait3A_530 = arith.constant 640 : i32
    %dma_wait3A_531 = arith.constant 0 : i32
    %dma_wait3A_532 = tpu.memref_slice %arg12[%dma_wait3A_530, %dma_wait3A_531] : memref<1024x16xf32, #tpu.memory_space<vmem>> -> memref<128x16xf32, #tpu.memory_space<vmem>>
    %dma_wait3A_533 = arith.constant 0 : i32
    %dma_wait3A_534 = tpu.memref_slice %arg10[%dma_wait3A_529, %dma_wait3A_533] : memref<8x128xi32, #tpu.memory_space<vmem>> -> memref<1x128xi32, #tpu.memory_space<vmem>>
    %dma_wait3A_535 = tpu.memref_squeeze %dma_wait3A_534 : memref<1x128xi32, #tpu.memory_space<vmem>> -> memref<128xi32, #tpu.memory_space<vmem>>
    %dma_wait3A_536 = arith.constant 0 : i32
    %dma_wait3A_537 = arith.constant 0 : i32
    %dma_wait3A_538 = tpu.memref_slice %arg6[%dma_wait3A_536, %dma_wait3A_537] : memref<1000000x16xf32, #tpu.memory_space<hbm>> -> memref<1000000x16xf32, #tpu.memory_space<hbm>>
    tpu.wait_indirect_dma semaphore(%arg19 : memref<!tpu.dma_semaphore, #tpu.memory_space<semaphore_mem>>) src(%dma_wait3A_538 : memref<1000000x16xf32, #tpu.memory_space<hbm>>) dst(%dma_wait3A_532 : memref<128x16xf32, #tpu.memory_space<vmem>>)
    %dma_wait3A_539 = arith.constant 5 : i32
    %dma_wait3A_540 = arith.constant 5 : i32
    %dma_wait3A_541 = arith.constant 0 : i32
    %dma_wait3A_542 = tpu.memref_slice %arg13[%dma_wait3A_540, %dma_wait3A_541] : memref<8x128xf32, #tpu.memory_space<vmem>> -> memref<1x128xf32, #tpu.memory_space<vmem>>
    %dma_wait3A_543 = tpu.memref_squeeze %dma_wait3A_542 : memref<1x128xf32, #tpu.memory_space<vmem>> -> memref<128xf32, #tpu.memory_space<vmem>>
    %dma_wait3A_544 = arith.constant 0 : i32
    %dma_wait3A_545 = tpu.memref_slice %arg9[%dma_wait3A_539, %dma_wait3A_544] : memref<8x128xi32, #tpu.memory_space<vmem>> -> memref<1x128xi32, #tpu.memory_space<vmem>>
    %dma_wait3A_546 = tpu.memref_squeeze %dma_wait3A_545 : memref<1x128xi32, #tpu.memory_space<vmem>> -> memref<128xi32, #tpu.memory_space<vmem>>
    %dma_wait3A_547 = arith.constant 0 : i32
    %dma_wait3A_548 = tpu.memref_slice %arg5[%dma_wait3A_547] : memref<1000000xf32, #tpu.memory_space<hbm>> -> memref<1000000xf32, #tpu.memory_space<hbm>>
    tpu.wait_indirect_dma semaphore(%arg19 : memref<!tpu.dma_semaphore, #tpu.memory_space<semaphore_mem>>) src(%dma_wait3A_548 : memref<1000000xf32, #tpu.memory_space<hbm>>) dst(%dma_wait3A_543 : memref<128xf32, #tpu.memory_space<vmem>>)
    %dma_wait3A_549 = arith.constant 5 : i32
    %dma_wait3A_550 = arith.constant 5 : i32
    %dma_wait3A_551 = arith.constant 0 : i32
    %dma_wait3A_552 = tpu.memref_slice %arg14[%dma_wait3A_550, %dma_wait3A_551] : memref<8x128xf32, #tpu.memory_space<vmem>> -> memref<1x128xf32, #tpu.memory_space<vmem>>
    %dma_wait3A_553 = tpu.memref_squeeze %dma_wait3A_552 : memref<1x128xf32, #tpu.memory_space<vmem>> -> memref<128xf32, #tpu.memory_space<vmem>>
    %dma_wait3A_554 = arith.constant 0 : i32
    %dma_wait3A_555 = tpu.memref_slice %arg10[%dma_wait3A_549, %dma_wait3A_554] : memref<8x128xi32, #tpu.memory_space<vmem>> -> memref<1x128xi32, #tpu.memory_space<vmem>>
    %dma_wait3A_556 = tpu.memref_squeeze %dma_wait3A_555 : memref<1x128xi32, #tpu.memory_space<vmem>> -> memref<128xi32, #tpu.memory_space<vmem>>
    %dma_wait3A_557 = arith.constant 0 : i32
    %dma_wait3A_558 = tpu.memref_slice %arg7[%dma_wait3A_557] : memref<1000000xf32, #tpu.memory_space<hbm>> -> memref<1000000xf32, #tpu.memory_space<hbm>>
    tpu.wait_indirect_dma semaphore(%arg19 : memref<!tpu.dma_semaphore, #tpu.memory_space<semaphore_mem>>) src(%dma_wait3A_558 : memref<1000000xf32, #tpu.memory_space<hbm>>) dst(%dma_wait3A_553 : memref<128xf32, #tpu.memory_space<vmem>>)
    %dma_wait3A_559 = arith.constant 6 : i32
    %dma_wait3A_560 = arith.constant 768 : i32
    %dma_wait3A_561 = arith.constant 0 : i32
    %dma_wait3A_562 = tpu.memref_slice %arg11[%dma_wait3A_560, %dma_wait3A_561] : memref<1024x16xf32, #tpu.memory_space<vmem>> -> memref<128x16xf32, #tpu.memory_space<vmem>>
    %dma_wait3A_563 = arith.constant 0 : i32
    %dma_wait3A_564 = tpu.memref_slice %arg9[%dma_wait3A_559, %dma_wait3A_563] : memref<8x128xi32, #tpu.memory_space<vmem>> -> memref<1x128xi32, #tpu.memory_space<vmem>>
    %dma_wait3A_565 = tpu.memref_squeeze %dma_wait3A_564 : memref<1x128xi32, #tpu.memory_space<vmem>> -> memref<128xi32, #tpu.memory_space<vmem>>
    %dma_wait3A_566 = arith.constant 0 : i32
    %dma_wait3A_567 = arith.constant 0 : i32
    %dma_wait3A_568 = tpu.memref_slice %arg4[%dma_wait3A_566, %dma_wait3A_567] : memref<1000000x16xf32, #tpu.memory_space<hbm>> -> memref<1000000x16xf32, #tpu.memory_space<hbm>>
    tpu.wait_indirect_dma semaphore(%arg19 : memref<!tpu.dma_semaphore, #tpu.memory_space<semaphore_mem>>) src(%dma_wait3A_568 : memref<1000000x16xf32, #tpu.memory_space<hbm>>) dst(%dma_wait3A_562 : memref<128x16xf32, #tpu.memory_space<vmem>>)
    %dma_wait3A_569 = arith.constant 6 : i32
    %dma_wait3A_570 = arith.constant 768 : i32
    %dma_wait3A_571 = arith.constant 0 : i32
    %dma_wait3A_572 = tpu.memref_slice %arg12[%dma_wait3A_570, %dma_wait3A_571] : memref<1024x16xf32, #tpu.memory_space<vmem>> -> memref<128x16xf32, #tpu.memory_space<vmem>>
    %dma_wait3A_573 = arith.constant 0 : i32
    %dma_wait3A_574 = tpu.memref_slice %arg10[%dma_wait3A_569, %dma_wait3A_573] : memref<8x128xi32, #tpu.memory_space<vmem>> -> memref<1x128xi32, #tpu.memory_space<vmem>>
    %dma_wait3A_575 = tpu.memref_squeeze %dma_wait3A_574 : memref<1x128xi32, #tpu.memory_space<vmem>> -> memref<128xi32, #tpu.memory_space<vmem>>
    %dma_wait3A_576 = arith.constant 0 : i32
    %dma_wait3A_577 = arith.constant 0 : i32
    %dma_wait3A_578 = tpu.memref_slice %arg6[%dma_wait3A_576, %dma_wait3A_577] : memref<1000000x16xf32, #tpu.memory_space<hbm>> -> memref<1000000x16xf32, #tpu.memory_space<hbm>>
    tpu.wait_indirect_dma semaphore(%arg19 : memref<!tpu.dma_semaphore, #tpu.memory_space<semaphore_mem>>) src(%dma_wait3A_578 : memref<1000000x16xf32, #tpu.memory_space<hbm>>) dst(%dma_wait3A_572 : memref<128x16xf32, #tpu.memory_space<vmem>>)
    %dma_wait3A_579 = arith.constant 6 : i32
    %dma_wait3A_580 = arith.constant 6 : i32
    %dma_wait3A_581 = arith.constant 0 : i32
    %dma_wait3A_582 = tpu.memref_slice %arg13[%dma_wait3A_580, %dma_wait3A_581] : memref<8x128xf32, #tpu.memory_space<vmem>> -> memref<1x128xf32, #tpu.memory_space<vmem>>
    %dma_wait3A_583 = tpu.memref_squeeze %dma_wait3A_582 : memref<1x128xf32, #tpu.memory_space<vmem>> -> memref<128xf32, #tpu.memory_space<vmem>>
    %dma_wait3A_584 = arith.constant 0 : i32
    %dma_wait3A_585 = tpu.memref_slice %arg9[%dma_wait3A_579, %dma_wait3A_584] : memref<8x128xi32, #tpu.memory_space<vmem>> -> memref<1x128xi32, #tpu.memory_space<vmem>>
    %dma_wait3A_586 = tpu.memref_squeeze %dma_wait3A_585 : memref<1x128xi32, #tpu.memory_space<vmem>> -> memref<128xi32, #tpu.memory_space<vmem>>
    %dma_wait3A_587 = arith.constant 0 : i32
    %dma_wait3A_588 = tpu.memref_slice %arg5[%dma_wait3A_587] : memref<1000000xf32, #tpu.memory_space<hbm>> -> memref<1000000xf32, #tpu.memory_space<hbm>>
    tpu.wait_indirect_dma semaphore(%arg19 : memref<!tpu.dma_semaphore, #tpu.memory_space<semaphore_mem>>) src(%dma_wait3A_588 : memref<1000000xf32, #tpu.memory_space<hbm>>) dst(%dma_wait3A_583 : memref<128xf32, #tpu.memory_space<vmem>>)
    %dma_wait3A_589 = arith.constant 6 : i32
    %dma_wait3A_590 = arith.constant 6 : i32
    %dma_wait3A_591 = arith.constant 0 : i32
    %dma_wait3A_592 = tpu.memref_slice %arg14[%dma_wait3A_590, %dma_wait3A_591] : memref<8x128xf32, #tpu.memory_space<vmem>> -> memref<1x128xf32, #tpu.memory_space<vmem>>
    %dma_wait3A_593 = tpu.memref_squeeze %dma_wait3A_592 : memref<1x128xf32, #tpu.memory_space<vmem>> -> memref<128xf32, #tpu.memory_space<vmem>>
    %dma_wait3A_594 = arith.constant 0 : i32
    %dma_wait3A_595 = tpu.memref_slice %arg10[%dma_wait3A_589, %dma_wait3A_594] : memref<8x128xi32, #tpu.memory_space<vmem>> -> memref<1x128xi32, #tpu.memory_space<vmem>>
    %dma_wait3A_596 = tpu.memref_squeeze %dma_wait3A_595 : memref<1x128xi32, #tpu.memory_space<vmem>> -> memref<128xi32, #tpu.memory_space<vmem>>
    %dma_wait3A_597 = arith.constant 0 : i32
    %dma_wait3A_598 = tpu.memref_slice %arg7[%dma_wait3A_597] : memref<1000000xf32, #tpu.memory_space<hbm>> -> memref<1000000xf32, #tpu.memory_space<hbm>>
    tpu.wait_indirect_dma semaphore(%arg19 : memref<!tpu.dma_semaphore, #tpu.memory_space<semaphore_mem>>) src(%dma_wait3A_598 : memref<1000000xf32, #tpu.memory_space<hbm>>) dst(%dma_wait3A_593 : memref<128xf32, #tpu.memory_space<vmem>>)
    %dma_wait3A_599 = arith.constant 7 : i32
    %dma_wait3A_600 = arith.constant 896 : i32
    %dma_wait3A_601 = arith.constant 0 : i32
    %dma_wait3A_602 = tpu.memref_slice %arg11[%dma_wait3A_600, %dma_wait3A_601] : memref<1024x16xf32, #tpu.memory_space<vmem>> -> memref<128x16xf32, #tpu.memory_space<vmem>>
    %dma_wait3A_603 = arith.constant 0 : i32
    %dma_wait3A_604 = tpu.memref_slice %arg9[%dma_wait3A_599, %dma_wait3A_603] : memref<8x128xi32, #tpu.memory_space<vmem>> -> memref<1x128xi32, #tpu.memory_space<vmem>>
    %dma_wait3A_605 = tpu.memref_squeeze %dma_wait3A_604 : memref<1x128xi32, #tpu.memory_space<vmem>> -> memref<128xi32, #tpu.memory_space<vmem>>
    %dma_wait3A_606 = arith.constant 0 : i32
    %dma_wait3A_607 = arith.constant 0 : i32
    %dma_wait3A_608 = tpu.memref_slice %arg4[%dma_wait3A_606, %dma_wait3A_607] : memref<1000000x16xf32, #tpu.memory_space<hbm>> -> memref<1000000x16xf32, #tpu.memory_space<hbm>>
    tpu.wait_indirect_dma semaphore(%arg19 : memref<!tpu.dma_semaphore, #tpu.memory_space<semaphore_mem>>) src(%dma_wait3A_608 : memref<1000000x16xf32, #tpu.memory_space<hbm>>) dst(%dma_wait3A_602 : memref<128x16xf32, #tpu.memory_space<vmem>>)
    %dma_wait3A_609 = arith.constant 7 : i32
    %dma_wait3A_610 = arith.constant 896 : i32
    %dma_wait3A_611 = arith.constant 0 : i32
    %dma_wait3A_612 = tpu.memref_slice %arg12[%dma_wait3A_610, %dma_wait3A_611] : memref<1024x16xf32, #tpu.memory_space<vmem>> -> memref<128x16xf32, #tpu.memory_space<vmem>>
    %dma_wait3A_613 = arith.constant 0 : i32
    %dma_wait3A_614 = tpu.memref_slice %arg10[%dma_wait3A_609, %dma_wait3A_613] : memref<8x128xi32, #tpu.memory_space<vmem>> -> memref<1x128xi32, #tpu.memory_space<vmem>>
    %dma_wait3A_615 = tpu.memref_squeeze %dma_wait3A_614 : memref<1x128xi32, #tpu.memory_space<vmem>> -> memref<128xi32, #tpu.memory_space<vmem>>
    %dma_wait3A_616 = arith.constant 0 : i32
    %dma_wait3A_617 = arith.constant 0 : i32
    %dma_wait3A_618 = tpu.memref_slice %arg6[%dma_wait3A_616, %dma_wait3A_617] : memref<1000000x16xf32, #tpu.memory_space<hbm>> -> memref<1000000x16xf32, #tpu.memory_space<hbm>>
    tpu.wait_indirect_dma semaphore(%arg19 : memref<!tpu.dma_semaphore, #tpu.memory_space<semaphore_mem>>) src(%dma_wait3A_618 : memref<1000000x16xf32, #tpu.memory_space<hbm>>) dst(%dma_wait3A_612 : memref<128x16xf32, #tpu.memory_space<vmem>>)
    %dma_wait3A_619 = arith.constant 7 : i32
    %dma_wait3A_620 = arith.constant 7 : i32
    %dma_wait3A_621 = arith.constant 0 : i32
    %dma_wait3A_622 = tpu.memref_slice %arg13[%dma_wait3A_620, %dma_wait3A_621] : memref<8x128xf32, #tpu.memory_space<vmem>> -> memref<1x128xf32, #tpu.memory_space<vmem>>
    %dma_wait3A_623 = tpu.memref_squeeze %dma_wait3A_622 : memref<1x128xf32, #tpu.memory_space<vmem>> -> memref<128xf32, #tpu.memory_space<vmem>>
    %dma_wait3A_624 = arith.constant 0 : i32
    %dma_wait3A_625 = tpu.memref_slice %arg9[%dma_wait3A_619, %dma_wait3A_624] : memref<8x128xi32, #tpu.memory_space<vmem>> -> memref<1x128xi32, #tpu.memory_space<vmem>>
    %dma_wait3A_626 = tpu.memref_squeeze %dma_wait3A_625 : memref<1x128xi32, #tpu.memory_space<vmem>> -> memref<128xi32, #tpu.memory_space<vmem>>
    %dma_wait3A_627 = arith.constant 0 : i32
    %dma_wait3A_628 = tpu.memref_slice %arg5[%dma_wait3A_627] : memref<1000000xf32, #tpu.memory_space<hbm>> -> memref<1000000xf32, #tpu.memory_space<hbm>>
    tpu.wait_indirect_dma semaphore(%arg19 : memref<!tpu.dma_semaphore, #tpu.memory_space<semaphore_mem>>) src(%dma_wait3A_628 : memref<1000000xf32, #tpu.memory_space<hbm>>) dst(%dma_wait3A_623 : memref<128xf32, #tpu.memory_space<vmem>>)
    %dma_wait3A_629 = arith.constant 7 : i32
    %dma_wait3A_630 = arith.constant 7 : i32
    %dma_wait3A_631 = arith.constant 0 : i32
    %dma_wait3A_632 = tpu.memref_slice %arg14[%dma_wait3A_630, %dma_wait3A_631] : memref<8x128xf32, #tpu.memory_space<vmem>> -> memref<1x128xf32, #tpu.memory_space<vmem>>
    %dma_wait3A_633 = tpu.memref_squeeze %dma_wait3A_632 : memref<1x128xf32, #tpu.memory_space<vmem>> -> memref<128xf32, #tpu.memory_space<vmem>>
    %dma_wait3A_634 = arith.constant 0 : i32
    %dma_wait3A_635 = tpu.memref_slice %arg10[%dma_wait3A_629, %dma_wait3A_634] : memref<8x128xi32, #tpu.memory_space<vmem>> -> memref<1x128xi32, #tpu.memory_space<vmem>>
    %dma_wait3A_636 = tpu.memref_squeeze %dma_wait3A_635 : memref<1x128xi32, #tpu.memory_space<vmem>> -> memref<128xi32, #tpu.memory_space<vmem>>
    %dma_wait3A_637 = arith.constant 0 : i32
    %dma_wait3A_638 = tpu.memref_slice %arg7[%dma_wait3A_637] : memref<1000000xf32, #tpu.memory_space<hbm>> -> memref<1000000xf32, #tpu.memory_space<hbm>>
    tpu.wait_indirect_dma semaphore(%arg19 : memref<!tpu.dma_semaphore, #tpu.memory_space<semaphore_mem>>) src(%dma_wait3A_638 : memref<1000000xf32, #tpu.memory_space<hbm>>) dst(%dma_wait3A_633 : memref<128xf32, #tpu.memory_space<vmem>>)
    %broadcast_in_dim3A = arith.constant 0.000000e+00 : f32
    %broadcast_in_dim3A_639 = vector.broadcast %broadcast_in_dim3A : f32 to vector<16xf32>
    %scan3A = arith.constant 0 : i32
    %scan3A_640 = arith.constant 256 : i32
    %scan3A_641 = arith.addi %scan3A, %scan3A_640 : i32
    %scan3A_642 = arith.constant 1 : i32
    %scan3A_643:4 = scf.for %scan3A_2574 = %scan3A to %scan3A_641 step %scan3A_642 iter_args(%scan3A_2575 = %broadcast_in_dim3A_639, %scan3A_2576 = %broadcast_in_dim3A_639, %scan3A_2577 = %broadcast_in_dim3A_639, %scan3A_2578 = %broadcast_in_dim3A_639) -> (vector<16xf32>, vector<16xf32>, vector<16xf32>, vector<16xf32>)  : i32 {
      %mul3A_2579 = arith.constant 4 : i32
      %mul3A_2580 = arith.muli %scan3A_2574, %mul3A_2579 : i32
      %get3A_2581 = arith.index_cast %mul3A_2580 : i32 to index
      %get3A_2582 = arith.constant 0 : index
      %get3A_2583 = tpu.vector_load %arg11[%get3A_2581, %get3A_2582] {strides = array<i32>} : memref<1024x16xf32, #tpu.memory_space<vmem>>, vector<1x16xf32>,
      %get3A_2584 = vector.shape_cast %get3A_2583 : vector<1x16xf32> to vector<16xf32>
      %get3A_2585 = arith.index_cast %mul3A_2580 : i32 to index
      %get3A_2586 = arith.constant 0 : index
      %get3A_2587 = tpu.vector_load %arg12[%get3A_2585, %get3A_2586] {strides = array<i32>} : memref<1024x16xf32, #tpu.memory_space<vmem>>, vector<1x16xf32>,
      %get3A_2588 = vector.shape_cast %get3A_2587 : vector<1x16xf32> to vector<16xf32>
      %mul3A_2589 = arith.mulf %get3A_2584, %get3A_2588 : vector<16xf32>
      %add3A_2590 = arith.addf %scan3A_2575, %mul3A_2589 : vector<16xf32>
      %add3A_2591 = arith.constant 1 : i32
      %add3A_2592 = arith.addi %mul3A_2580, %add3A_2591 : i32
      %get3A_2593 = arith.index_cast %add3A_2592 : i32 to index
      %get3A_2594 = arith.constant 0 : index
      %get3A_2595 = tpu.vector_load %arg11[%get3A_2593, %get3A_2594] {strides = array<i32>} : memref<1024x16xf32, #tpu.memory_space<vmem>>, vector<1x16xf32>,
      %get3A_2596 = vector.shape_cast %get3A_2595 : vector<1x16xf32> to vector<16xf32>
      %add3A_2597 = arith.constant 1 : i32
      %add3A_2598 = arith.addi %mul3A_2580, %add3A_2597 : i32
      %get3A_2599 = arith.index_cast %add3A_2598 : i32 to index
      %get3A_2600 = arith.constant 0 : index
      %get3A_2601 = tpu.vector_load %arg12[%get3A_2599, %get3A_2600] {strides = array<i32>} : memref<1024x16xf32, #tpu.memory_space<vmem>>, vector<1x16xf32>,
      %get3A_2602 = vector.shape_cast %get3A_2601 : vector<1x16xf32> to vector<16xf32>
      %mul3A_2603 = arith.mulf %get3A_2596, %get3A_2602 : vector<16xf32>
      %add3A_2604 = arith.addf %scan3A_2576, %mul3A_2603 : vector<16xf32>
      %add3A_2605 = arith.constant 2 : i32
      %add3A_2606 = arith.addi %mul3A_2580, %add3A_2605 : i32
      %get3A_2607 = arith.index_cast %add3A_2606 : i32 to index
      %get3A_2608 = arith.constant 0 : index
      %get3A_2609 = tpu.vector_load %arg11[%get3A_2607, %get3A_2608] {strides = array<i32>} : memref<1024x16xf32, #tpu.memory_space<vmem>>, vector<1x16xf32>,
      %get3A_2610 = vector.shape_cast %get3A_2609 : vector<1x16xf32> to vector<16xf32>
      %add3A_2611 = arith.constant 2 : i32
      %add3A_2612 = arith.addi %mul3A_2580, %add3A_2611 : i32
      %get3A_2613 = arith.index_cast %add3A_2612 : i32 to index
      %get3A_2614 = arith.constant 0 : index
      %get3A_2615 = tpu.vector_load %arg12[%get3A_2613, %get3A_2614] {strides = array<i32>} : memref<1024x16xf32, #tpu.memory_space<vmem>>, vector<1x16xf32>,
      %get3A_2616 = vector.shape_cast %get3A_2615 : vector<1x16xf32> to vector<16xf32>
      %mul3A_2617 = arith.mulf %get3A_2610, %get3A_2616 : vector<16xf32>
      %add3A_2618 = arith.addf %scan3A_2577, %mul3A_2617 : vector<16xf32>
      %add3A_2619 = arith.constant 3 : i32
      %add3A_2620 = arith.addi %mul3A_2580, %add3A_2619 : i32
      %get3A_2621 = arith.index_cast %add3A_2620 : i32 to index
      %get3A_2622 = arith.constant 0 : index
      %get3A_2623 = tpu.vector_load %arg11[%get3A_2621, %get3A_2622] {strides = array<i32>} : memref<1024x16xf32, #tpu.memory_space<vmem>>, vector<1x16xf32>,
      %get3A_2624 = vector.shape_cast %get3A_2623 : vector<1x16xf32> to vector<16xf32>
      %add3A_2625 = arith.constant 3 : i32
      %add3A_2626 = arith.addi %mul3A_2580, %add3A_2625 : i32
      %get3A_2627 = arith.index_cast %add3A_2626 : i32 to index
      %get3A_2628 = arith.constant 0 : index
      %get3A_2629 = tpu.vector_load %arg12[%get3A_2627, %get3A_2628] {strides = array<i32>} : memref<1024x16xf32, #tpu.memory_space<vmem>>, vector<1x16xf32>,
      %get3A_2630 = vector.shape_cast %get3A_2629 : vector<1x16xf32> to vector<16xf32>
      %mul3A_2631 = arith.mulf %get3A_2624, %get3A_2630 : vector<16xf32>
      %add3A_2632 = arith.addf %scan3A_2578, %mul3A_2631 : vector<16xf32>
      scf.yield %add3A_2590, %add3A_2604, %add3A_2618, %add3A_2632 : vector<16xf32>, vector<16xf32>, vector<16xf32>, vector<16xf32>
    }
    %scan3A_644 = arith.constant 256 : i32
    %add3A = arith.addf %scan3A_643#0, %scan3A_643#1 : vector<16xf32>
    %add3A_645 = arith.addf %scan3A_643#2, %scan3A_643#3 : vector<16xf32>
    %add3A_646 = arith.addf %add3A, %add3A_645 : vector<16xf32>
    %swap3A = arith.constant 0 : index
    %swap3A_647 = tpu.vector_load %arg16[%swap3A] {strides = array<i32>} : memref<16xf32, #tpu.memory_space<vmem>>, vector<16xf32>,
    %swap3A_648 = vector.shape_cast %swap3A_647 : vector<16xf32> to vector<16xf32>
    %swap3A_649 = vector.shape_cast %add3A_646 : vector<16xf32> to vector<16xf32>
    tpu.vector_store %arg16[%swap3A], %swap3A_649 {strides = array<i32>} : memref<16xf32, #tpu.memory_space<vmem>>, vector<16xf32>,
    "tpu.region"() ({
      %run_scoped3A = tpu.sem_alloc : memref<!tpu.dma_semaphore, #tpu.memory_space<semaphore_mem>>
      %dma_start3A_2574 = arith.constant 0 : i32
      %dma_start3A_2575 = tpu.memref_slice %arg18[%arg1, %dma_start3A_2574] : memref<16x16xf32, #tpu.memory_space<vmem_shared>> -> memref<1x16xf32, #tpu.memory_space<vmem_shared>>
      %dma_start3A_2576 = tpu.memref_squeeze %dma_start3A_2575 : memref<1x16xf32, #tpu.memory_space<vmem_shared>> -> memref<16xf32, #tpu.memory_space<vmem_shared>>
      %dma_start3A_2577 = arith.constant 0 : i32
      %dma_start3A_2578 = tpu.memref_slice %arg18[%arg1, %dma_start3A_2577] : memref<16x16xf32, #tpu.memory_space<vmem_shared>> -> memref<1x16xf32, #tpu.memory_space<vmem_shared>>
      %dma_start3A_2579 = tpu.memref_squeeze %dma_start3A_2578 : memref<1x16xf32, #tpu.memory_space<vmem_shared>> -> memref<16xf32, #tpu.memory_space<vmem_shared>>
      tpu.enqueue_dma source(%arg16 : memref<16xf32, #tpu.memory_space<vmem>>) target(%dma_start3A_2579 : memref<16xf32, #tpu.memory_space<vmem_shared>>) target_semaphore(%run_scoped3A : memref<!tpu.dma_semaphore, #tpu.memory_space<semaphore_mem>>)
      %dma_wait3A_2580 = arith.constant 0 : i32
      %dma_wait3A_2581 = tpu.memref_slice %arg18[%arg1, %dma_wait3A_2580] : memref<16x16xf32, #tpu.memory_space<vmem_shared>> -> memref<1x16xf32, #tpu.memory_space<vmem_shared>>
      %dma_wait3A_2582 = tpu.memref_squeeze %dma_wait3A_2581 : memref<1x16xf32, #tpu.memory_space<vmem_shared>> -> memref<16xf32, #tpu.memory_space<vmem_shared>>
      %dma_wait3A_2583 = arith.constant 0 : i32
      %dma_wait3A_2584 = tpu.memref_slice %arg18[%arg1, %dma_wait3A_2583] : memref<16x16xf32, #tpu.memory_space<vmem_shared>> -> memref<1x16xf32, #tpu.memory_space<vmem_shared>>
      %dma_wait3A_2585 = tpu.memref_squeeze %dma_wait3A_2584 : memref<1x16xf32, #tpu.memory_space<vmem_shared>> -> memref<16xf32, #tpu.memory_space<vmem_shared>>
      tpu.wait_dma2 semaphore(%run_scoped3A : memref<!tpu.dma_semaphore, #tpu.memory_space<semaphore_mem>>) src(%arg16 : memref<16xf32, #tpu.memory_space<vmem>>) dst(%dma_wait3A_2585 : memref<16xf32, #tpu.memory_space<vmem_shared>>)
      tpu.yield
    }) : () -> ()
    %barrier3A = arith.constant 0 : index
    tpu.barrier barrier_id(%barrier3A)
    "tpu.region"() ({
      %run_scoped3A = tpu.sem_alloc : memref<!tpu.dma_semaphore, #tpu.memory_space<semaphore_mem>>
      tpu.enqueue_dma source(%arg18 : memref<16x16xf32, #tpu.memory_space<vmem_shared>>) target(%arg17 : memref<16x16xf32, #tpu.memory_space<vmem>>) target_semaphore(%run_scoped3A : memref<!tpu.dma_semaphore, #tpu.memory_space<semaphore_mem>>)
      tpu.wait_dma2 semaphore(%run_scoped3A : memref<!tpu.dma_semaphore, #tpu.memory_space<semaphore_mem>>) src(%arg18 : memref<16x16xf32, #tpu.memory_space<vmem_shared>>) dst(%arg17 : memref<16x16xf32, #tpu.memory_space<vmem>>)
      tpu.yield
    }) : () -> ()
    %broadcast_in_dim3A_650 = arith.constant 0.000000e+00 : f32
    %broadcast_in_dim3A_651 = vector.broadcast %broadcast_in_dim3A_650 : f32 to vector<16xf32>
    %get3A = arith.constant 0 : i32
    %get3A_652 = arith.index_cast %get3A : i32 to index
    %get3A_653 = arith.constant 0 : index
    %get3A_654 = tpu.vector_load %arg17[%get3A_652, %get3A_653] {strides = array<i32>} : memref<16x16xf32, #tpu.memory_space<vmem>>, vector<1x16xf32>,
    %get3A_655 = vector.shape_cast %get3A_654 : vector<1x16xf32> to vector<16xf32>
    %add3A_656 = arith.addf %broadcast_in_dim3A_651, %get3A_655 : vector<16xf32>
    %get3A_657 = arith.constant 1 : i32
    %get3A_658 = arith.index_cast %get3A_657 : i32 to index
    %get3A_659 = arith.constant 0 : index
    %get3A_660 = tpu.vector_load %arg17[%get3A_658, %get3A_659] {strides = array<i32>} : memref<16x16xf32, #tpu.memory_space<vmem>>, vector<1x16xf32>,
    %get3A_661 = vector.shape_cast %get3A_660 : vector<1x16xf32> to vector<16xf32>
    %add3A_662 = arith.addf %add3A_656, %get3A_661 : vector<16xf32>
    %get3A_663 = arith.constant 2 : i32
    %get3A_664 = arith.index_cast %get3A_663 : i32 to index
    %get3A_665 = arith.constant 0 : index
    %get3A_666 = tpu.vector_load %arg17[%get3A_664, %get3A_665] {strides = array<i32>} : memref<16x16xf32, #tpu.memory_space<vmem>>, vector<1x16xf32>,
    %get3A_667 = vector.shape_cast %get3A_666 : vector<1x16xf32> to vector<16xf32>
    %add3A_668 = arith.addf %add3A_662, %get3A_667 : vector<16xf32>
    %get3A_669 = arith.constant 3 : i32
    %get3A_670 = arith.index_cast %get3A_669 : i32 to index
    %get3A_671 = arith.constant 0 : index
    %get3A_672 = tpu.vector_load %arg17[%get3A_670, %get3A_671] {strides = array<i32>} : memref<16x16xf32, #tpu.memory_space<vmem>>, vector<1x16xf32>,
    %get3A_673 = vector.shape_cast %get3A_672 : vector<1x16xf32> to vector<16xf32>
    %add3A_674 = arith.addf %add3A_668, %get3A_673 : vector<16xf32>
    %get3A_675 = arith.constant 4 : i32
    %get3A_676 = arith.index_cast %get3A_675 : i32 to index
    %get3A_677 = arith.constant 0 : index
    %get3A_678 = tpu.vector_load %arg17[%get3A_676, %get3A_677] {strides = array<i32>} : memref<16x16xf32, #tpu.memory_space<vmem>>, vector<1x16xf32>,
    %get3A_679 = vector.shape_cast %get3A_678 : vector<1x16xf32> to vector<16xf32>
    %add3A_680 = arith.addf %add3A_674, %get3A_679 : vector<16xf32>
    %get3A_681 = arith.constant 5 : i32
    %get3A_682 = arith.index_cast %get3A_681 : i32 to index
    %get3A_683 = arith.constant 0 : index
    %get3A_684 = tpu.vector_load %arg17[%get3A_682, %get3A_683] {strides = array<i32>} : memref<16x16xf32, #tpu.memory_space<vmem>>, vector<1x16xf32>,
    %get3A_685 = vector.shape_cast %get3A_684 : vector<1x16xf32> to vector<16xf32>
    %add3A_686 = arith.addf %add3A_680, %get3A_685 : vector<16xf32>
    %get3A_687 = arith.constant 6 : i32
    %get3A_688 = arith.index_cast %get3A_687 : i32 to index
    %get3A_689 = arith.constant 0 : index
    %get3A_690 = tpu.vector_load %arg17[%get3A_688, %get3A_689] {strides = array<i32>} : memref<16x16xf32, #tpu.memory_space<vmem>>, vector<1x16xf32>,
    %get3A_691 = vector.shape_cast %get3A_690 : vector<1x16xf32> to vector<16xf32>
    %add3A_692 = arith.addf %add3A_686, %get3A_691 : vector<16xf32>
    %get3A_693 = arith.constant 7 : i32
    %get3A_694 = arith.index_cast %get3A_693 : i32 to index
    %get3A_695 = arith.constant 0 : index
    %get3A_696 = tpu.vector_load %arg17[%get3A_694, %get3A_695] {strides = array<i32>} : memref<16x16xf32, #tpu.memory_space<vmem>>, vector<1x16xf32>,
    %get3A_697 = vector.shape_cast %get3A_696 : vector<1x16xf32> to vector<16xf32>
    %add3A_698 = arith.addf %add3A_692, %get3A_697 : vector<16xf32>
    %get3A_699 = arith.constant 8 : i32
    %get3A_700 = arith.index_cast %get3A_699 : i32 to index
    %get3A_701 = arith.constant 0 : index
    %get3A_702 = tpu.vector_load %arg17[%get3A_700, %get3A_701] {strides = array<i32>} : memref<16x16xf32, #tpu.memory_space<vmem>>, vector<1x16xf32>,
    %get3A_703 = vector.shape_cast %get3A_702 : vector<1x16xf32> to vector<16xf32>
    %add3A_704 = arith.addf %add3A_698, %get3A_703 : vector<16xf32>
    %get3A_705 = arith.constant 9 : i32
    %get3A_706 = arith.index_cast %get3A_705 : i32 to index
    %get3A_707 = arith.constant 0 : index
    %get3A_708 = tpu.vector_load %arg17[%get3A_706, %get3A_707] {strides = array<i32>} : memref<16x16xf32, #tpu.memory_space<vmem>>, vector<1x16xf32>,
    %get3A_709 = vector.shape_cast %get3A_708 : vector<1x16xf32> to vector<16xf32>
    %add3A_710 = arith.addf %add3A_704, %get3A_709 : vector<16xf32>
    %get3A_711 = arith.constant 10 : i32
    %get3A_712 = arith.index_cast %get3A_711 : i32 to index
    %get3A_713 = arith.constant 0 : index
    %get3A_714 = tpu.vector_load %arg17[%get3A_712, %get3A_713] {strides = array<i32>} : memref<16x16xf32, #tpu.memory_space<vmem>>, vector<1x16xf32>,
    %get3A_715 = vector.shape_cast %get3A_714 : vector<1x16xf32> to vector<16xf32>
    %add3A_716 = arith.addf %add3A_710, %get3A_715 : vector<16xf32>
    %get3A_717 = arith.constant 11 : i32
    %get3A_718 = arith.index_cast %get3A_717 : i32 to index
    %get3A_719 = arith.constant 0 : index
    %get3A_720 = tpu.vector_load %arg17[%get3A_718, %get3A_719] {strides = array<i32>} : memref<16x16xf32, #tpu.memory_space<vmem>>, vector<1x16xf32>,
    %get3A_721 = vector.shape_cast %get3A_720 : vector<1x16xf32> to vector<16xf32>
    %add3A_722 = arith.addf %add3A_716, %get3A_721 : vector<16xf32>
    %get3A_723 = arith.constant 12 : i32
    %get3A_724 = arith.index_cast %get3A_723 : i32 to index
    %get3A_725 = arith.constant 0 : index
    %get3A_726 = tpu.vector_load %arg17[%get3A_724, %get3A_725] {strides = array<i32>} : memref<16x16xf32, #tpu.memory_space<vmem>>, vector<1x16xf32>,
    %get3A_727 = vector.shape_cast %get3A_726 : vector<1x16xf32> to vector<16xf32>
    %add3A_728 = arith.addf %add3A_722, %get3A_727 : vector<16xf32>
    %get3A_729 = arith.constant 13 : i32
    %get3A_730 = arith.index_cast %get3A_729 : i32 to index
    %get3A_731 = arith.constant 0 : index
    %get3A_732 = tpu.vector_load %arg17[%get3A_730, %get3A_731] {strides = array<i32>} : memref<16x16xf32, #tpu.memory_space<vmem>>, vector<1x16xf32>,
    %get3A_733 = vector.shape_cast %get3A_732 : vector<1x16xf32> to vector<16xf32>
    %add3A_734 = arith.addf %add3A_728, %get3A_733 : vector<16xf32>
    %get3A_735 = arith.constant 14 : i32
    %get3A_736 = arith.index_cast %get3A_735 : i32 to index
    %get3A_737 = arith.constant 0 : index
    %get3A_738 = tpu.vector_load %arg17[%get3A_736, %get3A_737] {strides = array<i32>} : memref<16x16xf32, #tpu.memory_space<vmem>>, vector<1x16xf32>,
    %get3A_739 = vector.shape_cast %get3A_738 : vector<1x16xf32> to vector<16xf32>
    %add3A_740 = arith.addf %add3A_734, %get3A_739 : vector<16xf32>
    %get3A_741 = arith.constant 15 : i32
    %get3A_742 = arith.index_cast %get3A_741 : i32 to index
    %get3A_743 = arith.constant 0 : index
    %get3A_744 = tpu.vector_load %arg17[%get3A_742, %get3A_743] {strides = array<i32>} : memref<16x16xf32, #tpu.memory_space<vmem>>, vector<1x16xf32>,
    %get3A_745 = vector.shape_cast %get3A_744 : vector<1x16xf32> to vector<16xf32>
    %add3A_746 = arith.addf %add3A_740, %get3A_745 : vector<16xf32>
    %iota3A = tpu.iota {dimensions = array<i32: 0>} : vector<16xi32>
    %add3A_747 = arith.constant 8 : i32
    %add3A_748 = vector.broadcast %add3A_747 : i32 to vector<16xi32>
    %add3A_749 = arith.addi %iota3A, %add3A_748 : vector<16xi32>
    %rem3A = arith.constant 16 : i32
    %rem3A_750 = vector.broadcast %rem3A : i32 to vector<16xi32>
    %rem3A_751 = arith.remsi %add3A_749, %rem3A_750 : vector<16xi32>
    %broadcast_in_dim3A_752 = vector.shape_cast %rem3A_751 : vector<16xi32> to vector<16x1xi32>
    %gather3A = vector.shape_cast %broadcast_in_dim3A_752 : vector<16x1xi32> to vector<16xi32>
    %gather3A_753 = tpu.dynamic_gather %add3A_746[%gather3A] in [0] : vector<16xf32>, vector<16xi32> -> vector<16xf32>
    %add3A_754 = arith.addf %add3A_746, %gather3A_753 : vector<16xf32>
    %add3A_755 = arith.constant 4 : i32
    %add3A_756 = vector.broadcast %add3A_755 : i32 to vector<16xi32>
    %add3A_757 = arith.addi %iota3A, %add3A_756 : vector<16xi32>
    %rem3A_758 = arith.constant 16 : i32
    %rem3A_759 = vector.broadcast %rem3A_758 : i32 to vector<16xi32>
    %rem3A_760 = arith.remsi %add3A_757, %rem3A_759 : vector<16xi32>
    %broadcast_in_dim3A_761 = vector.shape_cast %rem3A_760 : vector<16xi32> to vector<16x1xi32>
    %gather3A_762 = vector.shape_cast %broadcast_in_dim3A_761 : vector<16x1xi32> to vector<16xi32>
    %gather3A_763 = tpu.dynamic_gather %add3A_754[%gather3A_762] in [0] : vector<16xf32>, vector<16xi32> -> vector<16xf32>
    %add3A_764 = arith.addf %add3A_754, %gather3A_763 : vector<16xf32>
    %add3A_765 = arith.constant 2 : i32
    %add3A_766 = vector.broadcast %add3A_765 : i32 to vector<16xi32>
    %add3A_767 = arith.addi %iota3A, %add3A_766 : vector<16xi32>
    %rem3A_768 = arith.constant 16 : i32
    %rem3A_769 = vector.broadcast %rem3A_768 : i32 to vector<16xi32>
    %rem3A_770 = arith.remsi %add3A_767, %rem3A_769 : vector<16xi32>
    %broadcast_in_dim3A_771 = vector.shape_cast %rem3A_770 : vector<16xi32> to vector<16x1xi32>
    %gather3A_772 = vector.shape_cast %broadcast_in_dim3A_771 : vector<16x1xi32> to vector<16xi32>
    %gather3A_773 = tpu.dynamic_gather %add3A_764[%gather3A_772] in [0] : vector<16xf32>, vector<16xi32> -> vector<16xf32>
    %add3A_774 = arith.addf %add3A_764, %gather3A_773 : vector<16xf32>
    %add3A_775 = arith.constant 1 : i32
    %add3A_776 = vector.broadcast %add3A_775 : i32 to vector<16xi32>
    %add3A_777 = arith.addi %iota3A, %add3A_776 : vector<16xi32>
    %rem3A_778 = arith.constant 16 : i32
    %rem3A_779 = vector.broadcast %rem3A_778 : i32 to vector<16xi32>
    %rem3A_780 = arith.remsi %add3A_777, %rem3A_779 : vector<16xi32>
    %broadcast_in_dim3A_781 = vector.shape_cast %rem3A_780 : vector<16xi32> to vector<16x1xi32>
    %gather3A_782 = vector.shape_cast %broadcast_in_dim3A_781 : vector<16x1xi32> to vector<16xi32>
    %gather3A_783 = tpu.dynamic_gather %add3A_774[%gather3A_782] in [0] : vector<16xf32>, vector<16xi32> -> vector<16xf32>
    %add3A_784 = arith.addf %add3A_774, %gather3A_783 : vector<16xf32>
    %get3A_785 = arith.constant 0 : i32
    %get3A_786 = arith.index_cast %get3A_785 : i32 to index
    %get3A_787 = arith.constant 0 : index
    %get3A_788 = tpu.vector_load %arg13[%get3A_786, %get3A_787] {strides = array<i32>} : memref<8x128xf32, #tpu.memory_space<vmem>>, vector<1x16xf32>,
    %get3A_789 = vector.shape_cast %get3A_788 : vector<1x16xf32> to vector<16xf32>
    %add3A_790 = arith.addf %add3A_784, %get3A_789 : vector<16xf32>
    %get3A_791 = arith.constant 0 : i32
    %get3A_792 = arith.index_cast %get3A_791 : i32 to index
    %get3A_793 = arith.constant 0 : index
    %get3A_794 = tpu.vector_load %arg14[%get3A_792, %get3A_793] {strides = array<i32>} : memref<8x128xf32, #tpu.memory_space<vmem>>, vector<1x16xf32>,
    %get3A_795 = vector.shape_cast %get3A_794 : vector<1x16xf32> to vector<16xf32>
    %add3A_796 = arith.addf %add3A_790, %get3A_795 : vector<16xf32>
    %neg3A = arith.constant 0.000000e+00 : f32
    %neg3A_797 = vector.broadcast %neg3A : f32 to vector<16xf32>
    %neg3A_798 = arith.subf %neg3A_797, %add3A_796 : vector<16xf32>
    %exp3A = math.exp %neg3A_798 : vector<16xf32>
    %add3A_799 = arith.constant 1.000000e+00 : f32
    %add3A_800 = vector.broadcast %add3A_799 : f32 to vector<16xf32>
    %add3A_801 = arith.addf %add3A_800, %exp3A : vector<16xf32>
    %div3A = arith.constant 1.000000e+00 : f32
    %div3A_802 = vector.broadcast %div3A : f32 to vector<16xf32>
    %div3A_803 = arith.divf %div3A_802, %add3A_801 : vector<16xf32>
    %swap3A_804 = arith.constant 0 : i32
    %swap3A_805 = arith.index_cast %swap3A_804 : i32 to index
    %swap3A_806 = arith.constant 0 : index
    %swap3A_807 = tpu.vector_load %arg15[%swap3A_805, %swap3A_806] {strides = array<i32>} : memref<8x128xf32, #tpu.memory_space<vmem>>, vector<1x16xf32>,
    %swap3A_808 = vector.shape_cast %swap3A_807 : vector<1x16xf32> to vector<16xf32>
    %swap3A_809 = vector.shape_cast %div3A_803 : vector<16xf32> to vector<1x16xf32>
    tpu.vector_store %arg15[%swap3A_805, %swap3A_806], %swap3A_809 {strides = array<i32>} : memref<8x128xf32, #tpu.memory_space<vmem>>, vector<1x16xf32>,
    %get3A_810 = arith.constant 0 : i32
    %get3A_811 = arith.index_cast %get3A_810 : i32 to index
    %get3A_812 = arith.constant 16 : index
    %get3A_813 = tpu.vector_load %arg13[%get3A_811, %get3A_812] {strides = array<i32>} : memref<8x128xf32, #tpu.memory_space<vmem>>, vector<1x16xf32>,
    %get3A_814 = vector.shape_cast %get3A_813 : vector<1x16xf32> to vector<16xf32>
    %add3A_815 = arith.addf %add3A_784, %get3A_814 : vector<16xf32>
    %get3A_816 = arith.constant 0 : i32
    %get3A_817 = arith.index_cast %get3A_816 : i32 to index
    %get3A_818 = arith.constant 16 : index
    %get3A_819 = tpu.vector_load %arg14[%get3A_817, %get3A_818] {strides = array<i32>} : memref<8x128xf32, #tpu.memory_space<vmem>>, vector<1x16xf32>,
    %get3A_820 = vector.shape_cast %get3A_819 : vector<1x16xf32> to vector<16xf32>
    %add3A_821 = arith.addf %add3A_815, %get3A_820 : vector<16xf32>
    %neg3A_822 = arith.constant 0.000000e+00 : f32
    %neg3A_823 = vector.broadcast %neg3A_822 : f32 to vector<16xf32>
    %neg3A_824 = arith.subf %neg3A_823, %add3A_821 : vector<16xf32>
    %exp3A_825 = math.exp %neg3A_824 : vector<16xf32>
    %add3A_826 = arith.constant 1.000000e+00 : f32
    %add3A_827 = vector.broadcast %add3A_826 : f32 to vector<16xf32>
    %add3A_828 = arith.addf %add3A_827, %exp3A_825 : vector<16xf32>
    %div3A_829 = arith.constant 1.000000e+00 : f32
    %div3A_830 = vector.broadcast %div3A_829 : f32 to vector<16xf32>
    %div3A_831 = arith.divf %div3A_830, %add3A_828 : vector<16xf32>
    %swap3A_832 = arith.constant 0 : i32
    %swap3A_833 = arith.index_cast %swap3A_832 : i32 to index
    %swap3A_834 = arith.constant 16 : index
    %swap3A_835 = tpu.vector_load %arg15[%swap3A_833, %swap3A_834] {strides = array<i32>} : memref<8x128xf32, #tpu.memory_space<vmem>>, vector<1x16xf32>,
    %swap3A_836 = vector.shape_cast %swap3A_835 : vector<1x16xf32> to vector<16xf32>
    %swap3A_837 = vector.shape_cast %div3A_831 : vector<16xf32> to vector<1x16xf32>
    tpu.vector_store %arg15[%swap3A_833, %swap3A_834], %swap3A_837 {strides = array<i32>} : memref<8x128xf32, #tpu.memory_space<vmem>>, vector<1x16xf32>,
    %get3A_838 = arith.constant 0 : i32
    %get3A_839 = arith.index_cast %get3A_838 : i32 to index
    %get3A_840 = arith.constant 32 : index
    %get3A_841 = tpu.vector_load %arg13[%get3A_839, %get3A_840] {strides = array<i32>} : memref<8x128xf32, #tpu.memory_space<vmem>>, vector<1x16xf32>,
    %get3A_842 = vector.shape_cast %get3A_841 : vector<1x16xf32> to vector<16xf32>
    %add3A_843 = arith.addf %add3A_784, %get3A_842 : vector<16xf32>
    %get3A_844 = arith.constant 0 : i32
    %get3A_845 = arith.index_cast %get3A_844 : i32 to index
    %get3A_846 = arith.constant 32 : index
    %get3A_847 = tpu.vector_load %arg14[%get3A_845, %get3A_846] {strides = array<i32>} : memref<8x128xf32, #tpu.memory_space<vmem>>, vector<1x16xf32>,
    %get3A_848 = vector.shape_cast %get3A_847 : vector<1x16xf32> to vector<16xf32>
    %add3A_849 = arith.addf %add3A_843, %get3A_848 : vector<16xf32>
    %neg3A_850 = arith.constant 0.000000e+00 : f32
    %neg3A_851 = vector.broadcast %neg3A_850 : f32 to vector<16xf32>
    %neg3A_852 = arith.subf %neg3A_851, %add3A_849 : vector<16xf32>
    %exp3A_853 = math.exp %neg3A_852 : vector<16xf32>
    %add3A_854 = arith.constant 1.000000e+00 : f32
    %add3A_855 = vector.broadcast %add3A_854 : f32 to vector<16xf32>
    %add3A_856 = arith.addf %add3A_855, %exp3A_853 : vector<16xf32>
    %div3A_857 = arith.constant 1.000000e+00 : f32
    %div3A_858 = vector.broadcast %div3A_857 : f32 to vector<16xf32>
    %div3A_859 = arith.divf %div3A_858, %add3A_856 : vector<16xf32>
    %swap3A_860 = arith.constant 0 : i32
    %swap3A_861 = arith.index_cast %swap3A_860 : i32 to index
    %swap3A_862 = arith.constant 32 : index
    %swap3A_863 = tpu.vector_load %arg15[%swap3A_861, %swap3A_862] {strides = array<i32>} : memref<8x128xf32, #tpu.memory_space<vmem>>, vector<1x16xf32>,
    %swap3A_864 = vector.shape_cast %swap3A_863 : vector<1x16xf32> to vector<16xf32>
    %swap3A_865 = vector.shape_cast %div3A_859 : vector<16xf32> to vector<1x16xf32>
    tpu.vector_store %arg15[%swap3A_861, %swap3A_862], %swap3A_865 {strides = array<i32>} : memref<8x128xf32, #tpu.memory_space<vmem>>, vector<1x16xf32>,
    %get3A_866 = arith.constant 0 : i32
    %get3A_867 = arith.index_cast %get3A_866 : i32 to index
    %get3A_868 = arith.constant 48 : index
    %get3A_869 = tpu.vector_load %arg13[%get3A_867, %get3A_868] {strides = array<i32>} : memref<8x128xf32, #tpu.memory_space<vmem>>, vector<1x16xf32>,
    %get3A_870 = vector.shape_cast %get3A_869 : vector<1x16xf32> to vector<16xf32>
    %add3A_871 = arith.addf %add3A_784, %get3A_870 : vector<16xf32>
    %get3A_872 = arith.constant 0 : i32
    %get3A_873 = arith.index_cast %get3A_872 : i32 to index
    %get3A_874 = arith.constant 48 : index
    %get3A_875 = tpu.vector_load %arg14[%get3A_873, %get3A_874] {strides = array<i32>} : memref<8x128xf32, #tpu.memory_space<vmem>>, vector<1x16xf32>,
    %get3A_876 = vector.shape_cast %get3A_875 : vector<1x16xf32> to vector<16xf32>
    %add3A_877 = arith.addf %add3A_871, %get3A_876 : vector<16xf32>
    %neg3A_878 = arith.constant 0.000000e+00 : f32
    %neg3A_879 = vector.broadcast %neg3A_878 : f32 to vector<16xf32>
    %neg3A_880 = arith.subf %neg3A_879, %add3A_877 : vector<16xf32>
    %exp3A_881 = math.exp %neg3A_880 : vector<16xf32>
    %add3A_882 = arith.constant 1.000000e+00 : f32
    %add3A_883 = vector.broadcast %add3A_882 : f32 to vector<16xf32>
    %add3A_884 = arith.addf %add3A_883, %exp3A_881 : vector<16xf32>
    %div3A_885 = arith.constant 1.000000e+00 : f32
    %div3A_886 = vector.broadcast %div3A_885 : f32 to vector<16xf32>
    %div3A_887 = arith.divf %div3A_886, %add3A_884 : vector<16xf32>
    %swap3A_888 = arith.constant 0 : i32
    %swap3A_889 = arith.index_cast %swap3A_888 : i32 to index
    %swap3A_890 = arith.constant 48 : index
    %swap3A_891 = tpu.vector_load %arg15[%swap3A_889, %swap3A_890] {strides = array<i32>} : memref<8x128xf32, #tpu.memory_space<vmem>>, vector<1x16xf32>,
    %swap3A_892 = vector.shape_cast %swap3A_891 : vector<1x16xf32> to vector<16xf32>
    %swap3A_893 = vector.shape_cast %div3A_887 : vector<16xf32> to vector<1x16xf32>
    tpu.vector_store %arg15[%swap3A_889, %swap3A_890], %swap3A_893 {strides = array<i32>} : memref<8x128xf32, #tpu.memory_space<vmem>>, vector<1x16xf32>,
    %get3A_894 = arith.constant 0 : i32
    %get3A_895 = arith.index_cast %get3A_894 : i32 to index
    %get3A_896 = arith.constant 64 : index
    %get3A_897 = tpu.vector_load %arg13[%get3A_895, %get3A_896] {strides = array<i32>} : memref<8x128xf32, #tpu.memory_space<vmem>>, vector<1x16xf32>,
    %get3A_898 = vector.shape_cast %get3A_897 : vector<1x16xf32> to vector<16xf32>
    %add3A_899 = arith.addf %add3A_784, %get3A_898 : vector<16xf32>
    %get3A_900 = arith.constant 0 : i32
    %get3A_901 = arith.index_cast %get3A_900 : i32 to index
    %get3A_902 = arith.constant 64 : index
    %get3A_903 = tpu.vector_load %arg14[%get3A_901, %get3A_902] {strides = array<i32>} : memref<8x128xf32, #tpu.memory_space<vmem>>, vector<1x16xf32>,
    %get3A_904 = vector.shape_cast %get3A_903 : vector<1x16xf32> to vector<16xf32>
    %add3A_905 = arith.addf %add3A_899, %get3A_904 : vector<16xf32>
    %neg3A_906 = arith.constant 0.000000e+00 : f32
    %neg3A_907 = vector.broadcast %neg3A_906 : f32 to vector<16xf32>
    %neg3A_908 = arith.subf %neg3A_907, %add3A_905 : vector<16xf32>
    %exp3A_909 = math.exp %neg3A_908 : vector<16xf32>
    %add3A_910 = arith.constant 1.000000e+00 : f32
    %add3A_911 = vector.broadcast %add3A_910 : f32 to vector<16xf32>
    %add3A_912 = arith.addf %add3A_911, %exp3A_909 : vector<16xf32>
    %div3A_913 = arith.constant 1.000000e+00 : f32
    %div3A_914 = vector.broadcast %div3A_913 : f32 to vector<16xf32>
    %div3A_915 = arith.divf %div3A_914, %add3A_912 : vector<16xf32>
    %swap3A_916 = arith.constant 0 : i32
    %swap3A_917 = arith.index_cast %swap3A_916 : i32 to index
    %swap3A_918 = arith.constant 64 : index
    %swap3A_919 = tpu.vector_load %arg15[%swap3A_917, %swap3A_918] {strides = array<i32>} : memref<8x128xf32, #tpu.memory_space<vmem>>, vector<1x16xf32>,
    %swap3A_920 = vector.shape_cast %swap3A_919 : vector<1x16xf32> to vector<16xf32>
    %swap3A_921 = vector.shape_cast %div3A_915 : vector<16xf32> to vector<1x16xf32>
    tpu.vector_store %arg15[%swap3A_917, %swap3A_918], %swap3A_921 {strides = array<i32>} : memref<8x128xf32, #tpu.memory_space<vmem>>, vector<1x16xf32>,
    %get3A_922 = arith.constant 0 : i32
    %get3A_923 = arith.index_cast %get3A_922 : i32 to index
    %get3A_924 = arith.constant 80 : index
    %get3A_925 = tpu.vector_load %arg13[%get3A_923, %get3A_924] {strides = array<i32>} : memref<8x128xf32, #tpu.memory_space<vmem>>, vector<1x16xf32>,
    %get3A_926 = vector.shape_cast %get3A_925 : vector<1x16xf32> to vector<16xf32>
    %add3A_927 = arith.addf %add3A_784, %get3A_926 : vector<16xf32>
    %get3A_928 = arith.constant 0 : i32
    %get3A_929 = arith.index_cast %get3A_928 : i32 to index
    %get3A_930 = arith.constant 80 : index
    %get3A_931 = tpu.vector_load %arg14[%get3A_929, %get3A_930] {strides = array<i32>} : memref<8x128xf32, #tpu.memory_space<vmem>>, vector<1x16xf32>,
    %get3A_932 = vector.shape_cast %get3A_931 : vector<1x16xf32> to vector<16xf32>
    %add3A_933 = arith.addf %add3A_927, %get3A_932 : vector<16xf32>
    %neg3A_934 = arith.constant 0.000000e+00 : f32
    %neg3A_935 = vector.broadcast %neg3A_934 : f32 to vector<16xf32>
    %neg3A_936 = arith.subf %neg3A_935, %add3A_933 : vector<16xf32>
    %exp3A_937 = math.exp %neg3A_936 : vector<16xf32>
    %add3A_938 = arith.constant 1.000000e+00 : f32
    %add3A_939 = vector.broadcast %add3A_938 : f32 to vector<16xf32>
    %add3A_940 = arith.addf %add3A_939, %exp3A_937 : vector<16xf32>
    %div3A_941 = arith.constant 1.000000e+00 : f32
    %div3A_942 = vector.broadcast %div3A_941 : f32 to vector<16xf32>
    %div3A_943 = arith.divf %div3A_942, %add3A_940 : vector<16xf32>
    %swap3A_944 = arith.constant 0 : i32
    %swap3A_945 = arith.index_cast %swap3A_944 : i32 to index
    %swap3A_946 = arith.constant 80 : index
    %swap3A_947 = tpu.vector_load %arg15[%swap3A_945, %swap3A_946] {strides = array<i32>} : memref<8x128xf32, #tpu.memory_space<vmem>>, vector<1x16xf32>,
    %swap3A_948 = vector.shape_cast %swap3A_947 : vector<1x16xf32> to vector<16xf32>
    %swap3A_949 = vector.shape_cast %div3A_943 : vector<16xf32> to vector<1x16xf32>
    tpu.vector_store %arg15[%swap3A_945, %swap3A_946], %swap3A_949 {strides = array<i32>} : memref<8x128xf32, #tpu.memory_space<vmem>>, vector<1x16xf32>,
    %get3A_950 = arith.constant 0 : i32
    %get3A_951 = arith.index_cast %get3A_950 : i32 to index
    %get3A_952 = arith.constant 96 : index
    %get3A_953 = tpu.vector_load %arg13[%get3A_951, %get3A_952] {strides = array<i32>} : memref<8x128xf32, #tpu.memory_space<vmem>>, vector<1x16xf32>,
    %get3A_954 = vector.shape_cast %get3A_953 : vector<1x16xf32> to vector<16xf32>
    %add3A_955 = arith.addf %add3A_784, %get3A_954 : vector<16xf32>
    %get3A_956 = arith.constant 0 : i32
    %get3A_957 = arith.index_cast %get3A_956 : i32 to index
    %get3A_958 = arith.constant 96 : index
    %get3A_959 = tpu.vector_load %arg14[%get3A_957, %get3A_958] {strides = array<i32>} : memref<8x128xf32, #tpu.memory_space<vmem>>, vector<1x16xf32>,
    %get3A_960 = vector.shape_cast %get3A_959 : vector<1x16xf32> to vector<16xf32>
    %add3A_961 = arith.addf %add3A_955, %get3A_960 : vector<16xf32>
    %neg3A_962 = arith.constant 0.000000e+00 : f32
    %neg3A_963 = vector.broadcast %neg3A_962 : f32 to vector<16xf32>
    %neg3A_964 = arith.subf %neg3A_963, %add3A_961 : vector<16xf32>
    %exp3A_965 = math.exp %neg3A_964 : vector<16xf32>
    %add3A_966 = arith.constant 1.000000e+00 : f32
    %add3A_967 = vector.broadcast %add3A_966 : f32 to vector<16xf32>
    %add3A_968 = arith.addf %add3A_967, %exp3A_965 : vector<16xf32>
    %div3A_969 = arith.constant 1.000000e+00 : f32
    %div3A_970 = vector.broadcast %div3A_969 : f32 to vector<16xf32>
    %div3A_971 = arith.divf %div3A_970, %add3A_968 : vector<16xf32>
    %swap3A_972 = arith.constant 0 : i32
    %swap3A_973 = arith.index_cast %swap3A_972 : i32 to index
    %swap3A_974 = arith.constant 96 : index
    %swap3A_975 = tpu.vector_load %arg15[%swap3A_973, %swap3A_974] {strides = array<i32>} : memref<8x128xf32, #tpu.memory_space<vmem>>, vector<1x16xf32>,
    %swap3A_976 = vector.shape_cast %swap3A_975 : vector<1x16xf32> to vector<16xf32>
    %swap3A_977 = vector.shape_cast %div3A_971 : vector<16xf32> to vector<1x16xf32>
    tpu.vector_store %arg15[%swap3A_973, %swap3A_974], %swap3A_977 {strides = array<i32>} : memref<8x128xf32, #tpu.memory_space<vmem>>, vector<1x16xf32>,
    %get3A_978 = arith.constant 0 : i32
    %get3A_979 = arith.index_cast %get3A_978 : i32 to index
    %get3A_980 = arith.constant 112 : index
    %get3A_981 = tpu.vector_load %arg13[%get3A_979, %get3A_980] {strides = array<i32>} : memref<8x128xf32, #tpu.memory_space<vmem>>, vector<1x16xf32>,
    %get3A_982 = vector.shape_cast %get3A_981 : vector<1x16xf32> to vector<16xf32>
    %add3A_983 = arith.addf %add3A_784, %get3A_982 : vector<16xf32>
    %get3A_984 = arith.constant 0 : i32
    %get3A_985 = arith.index_cast %get3A_984 : i32 to index
    %get3A_986 = arith.constant 112 : index
    %get3A_987 = tpu.vector_load %arg14[%get3A_985, %get3A_986] {strides = array<i32>} : memref<8x128xf32, #tpu.memory_space<vmem>>, vector<1x16xf32>,
    %get3A_988 = vector.shape_cast %get3A_987 : vector<1x16xf32> to vector<16xf32>
    %add3A_989 = arith.addf %add3A_983, %get3A_988 : vector<16xf32>
    %neg3A_990 = arith.constant 0.000000e+00 : f32
    %neg3A_991 = vector.broadcast %neg3A_990 : f32 to vector<16xf32>
    %neg3A_992 = arith.subf %neg3A_991, %add3A_989 : vector<16xf32>
    %exp3A_993 = math.exp %neg3A_992 : vector<16xf32>
    %add3A_994 = arith.constant 1.000000e+00 : f32
    %add3A_995 = vector.broadcast %add3A_994 : f32 to vector<16xf32>
    %add3A_996 = arith.addf %add3A_995, %exp3A_993 : vector<16xf32>
    %div3A_997 = arith.constant 1.000000e+00 : f32
    %div3A_998 = vector.broadcast %div3A_997 : f32 to vector<16xf32>
    %div3A_999 = arith.divf %div3A_998, %add3A_996 : vector<16xf32>
    %swap3A_1000 = arith.constant 0 : i32
    %swap3A_1001 = arith.index_cast %swap3A_1000 : i32 to index
    %swap3A_1002 = arith.constant 112 : index
    %swap3A_1003 = tpu.vector_load %arg15[%swap3A_1001, %swap3A_1002] {strides = array<i32>} : memref<8x128xf32, #tpu.memory_space<vmem>>, vector<1x16xf32>,
    %swap3A_1004 = vector.shape_cast %swap3A_1003 : vector<1x16xf32> to vector<16xf32>
    %swap3A_1005 = vector.shape_cast %div3A_999 : vector<16xf32> to vector<1x16xf32>
    tpu.vector_store %arg15[%swap3A_1001, %swap3A_1002], %swap3A_1005 {strides = array<i32>} : memref<8x128xf32, #tpu.memory_space<vmem>>, vector<1x16xf32>,
    %get3A_1006 = arith.constant 1 : i32
    %get3A_1007 = arith.index_cast %get3A_1006 : i32 to index
    %get3A_1008 = arith.constant 0 : index
    %get3A_1009 = tpu.vector_load %arg13[%get3A_1007, %get3A_1008] {strides = array<i32>} : memref<8x128xf32, #tpu.memory_space<vmem>>, vector<1x16xf32>,
    %get3A_1010 = vector.shape_cast %get3A_1009 : vector<1x16xf32> to vector<16xf32>
    %add3A_1011 = arith.addf %add3A_784, %get3A_1010 : vector<16xf32>
    %get3A_1012 = arith.constant 1 : i32
    %get3A_1013 = arith.index_cast %get3A_1012 : i32 to index
    %get3A_1014 = arith.constant 0 : index
    %get3A_1015 = tpu.vector_load %arg14[%get3A_1013, %get3A_1014] {strides = array<i32>} : memref<8x128xf32, #tpu.memory_space<vmem>>, vector<1x16xf32>,
    %get3A_1016 = vector.shape_cast %get3A_1015 : vector<1x16xf32> to vector<16xf32>
    %add3A_1017 = arith.addf %add3A_1011, %get3A_1016 : vector<16xf32>
    %neg3A_1018 = arith.constant 0.000000e+00 : f32
    %neg3A_1019 = vector.broadcast %neg3A_1018 : f32 to vector<16xf32>
    %neg3A_1020 = arith.subf %neg3A_1019, %add3A_1017 : vector<16xf32>
    %exp3A_1021 = math.exp %neg3A_1020 : vector<16xf32>
    %add3A_1022 = arith.constant 1.000000e+00 : f32
    %add3A_1023 = vector.broadcast %add3A_1022 : f32 to vector<16xf32>
    %add3A_1024 = arith.addf %add3A_1023, %exp3A_1021 : vector<16xf32>
    %div3A_1025 = arith.constant 1.000000e+00 : f32
    %div3A_1026 = vector.broadcast %div3A_1025 : f32 to vector<16xf32>
    %div3A_1027 = arith.divf %div3A_1026, %add3A_1024 : vector<16xf32>
    %swap3A_1028 = arith.constant 1 : i32
    %swap3A_1029 = arith.index_cast %swap3A_1028 : i32 to index
    %swap3A_1030 = arith.constant 0 : index
    %swap3A_1031 = tpu.vector_load %arg15[%swap3A_1029, %swap3A_1030] {strides = array<i32>} : memref<8x128xf32, #tpu.memory_space<vmem>>, vector<1x16xf32>,
    %swap3A_1032 = vector.shape_cast %swap3A_1031 : vector<1x16xf32> to vector<16xf32>
    %swap3A_1033 = vector.shape_cast %div3A_1027 : vector<16xf32> to vector<1x16xf32>
    tpu.vector_store %arg15[%swap3A_1029, %swap3A_1030], %swap3A_1033 {strides = array<i32>} : memref<8x128xf32, #tpu.memory_space<vmem>>, vector<1x16xf32>,
    %get3A_1034 = arith.constant 1 : i32
    %get3A_1035 = arith.index_cast %get3A_1034 : i32 to index
    %get3A_1036 = arith.constant 16 : index
    %get3A_1037 = tpu.vector_load %arg13[%get3A_1035, %get3A_1036] {strides = array<i32>} : memref<8x128xf32, #tpu.memory_space<vmem>>, vector<1x16xf32>,
    %get3A_1038 = vector.shape_cast %get3A_1037 : vector<1x16xf32> to vector<16xf32>
    %add3A_1039 = arith.addf %add3A_784, %get3A_1038 : vector<16xf32>
    %get3A_1040 = arith.constant 1 : i32
    %get3A_1041 = arith.index_cast %get3A_1040 : i32 to index
    %get3A_1042 = arith.constant 16 : index
    %get3A_1043 = tpu.vector_load %arg14[%get3A_1041, %get3A_1042] {strides = array<i32>} : memref<8x128xf32, #tpu.memory_space<vmem>>, vector<1x16xf32>,
    %get3A_1044 = vector.shape_cast %get3A_1043 : vector<1x16xf32> to vector<16xf32>
    %add3A_1045 = arith.addf %add3A_1039, %get3A_1044 : vector<16xf32>
    %neg3A_1046 = arith.constant 0.000000e+00 : f32
    %neg3A_1047 = vector.broadcast %neg3A_1046 : f32 to vector<16xf32>
    %neg3A_1048 = arith.subf %neg3A_1047, %add3A_1045 : vector<16xf32>
    %exp3A_1049 = math.exp %neg3A_1048 : vector<16xf32>
    %add3A_1050 = arith.constant 1.000000e+00 : f32
    %add3A_1051 = vector.broadcast %add3A_1050 : f32 to vector<16xf32>
    %add3A_1052 = arith.addf %add3A_1051, %exp3A_1049 : vector<16xf32>
    %div3A_1053 = arith.constant 1.000000e+00 : f32
    %div3A_1054 = vector.broadcast %div3A_1053 : f32 to vector<16xf32>
    %div3A_1055 = arith.divf %div3A_1054, %add3A_1052 : vector<16xf32>
    %swap3A_1056 = arith.constant 1 : i32
    %swap3A_1057 = arith.index_cast %swap3A_1056 : i32 to index
    %swap3A_1058 = arith.constant 16 : index
    %swap3A_1059 = tpu.vector_load %arg15[%swap3A_1057, %swap3A_1058] {strides = array<i32>} : memref<8x128xf32, #tpu.memory_space<vmem>>, vector<1x16xf32>,
    %swap3A_1060 = vector.shape_cast %swap3A_1059 : vector<1x16xf32> to vector<16xf32>
    %swap3A_1061 = vector.shape_cast %div3A_1055 : vector<16xf32> to vector<1x16xf32>
    tpu.vector_store %arg15[%swap3A_1057, %swap3A_1058], %swap3A_1061 {strides = array<i32>} : memref<8x128xf32, #tpu.memory_space<vmem>>, vector<1x16xf32>,
    %get3A_1062 = arith.constant 1 : i32
    %get3A_1063 = arith.index_cast %get3A_1062 : i32 to index
    %get3A_1064 = arith.constant 32 : index
    %get3A_1065 = tpu.vector_load %arg13[%get3A_1063, %get3A_1064] {strides = array<i32>} : memref<8x128xf32, #tpu.memory_space<vmem>>, vector<1x16xf32>,
    %get3A_1066 = vector.shape_cast %get3A_1065 : vector<1x16xf32> to vector<16xf32>
    %add3A_1067 = arith.addf %add3A_784, %get3A_1066 : vector<16xf32>
    %get3A_1068 = arith.constant 1 : i32
    %get3A_1069 = arith.index_cast %get3A_1068 : i32 to index
    %get3A_1070 = arith.constant 32 : index
    %get3A_1071 = tpu.vector_load %arg14[%get3A_1069, %get3A_1070] {strides = array<i32>} : memref<8x128xf32, #tpu.memory_space<vmem>>, vector<1x16xf32>,
    %get3A_1072 = vector.shape_cast %get3A_1071 : vector<1x16xf32> to vector<16xf32>
    %add3A_1073 = arith.addf %add3A_1067, %get3A_1072 : vector<16xf32>
    %neg3A_1074 = arith.constant 0.000000e+00 : f32
    %neg3A_1075 = vector.broadcast %neg3A_1074 : f32 to vector<16xf32>
    %neg3A_1076 = arith.subf %neg3A_1075, %add3A_1073 : vector<16xf32>
    %exp3A_1077 = math.exp %neg3A_1076 : vector<16xf32>
    %add3A_1078 = arith.constant 1.000000e+00 : f32
    %add3A_1079 = vector.broadcast %add3A_1078 : f32 to vector<16xf32>
    %add3A_1080 = arith.addf %add3A_1079, %exp3A_1077 : vector<16xf32>
    %div3A_1081 = arith.constant 1.000000e+00 : f32
    %div3A_1082 = vector.broadcast %div3A_1081 : f32 to vector<16xf32>
    %div3A_1083 = arith.divf %div3A_1082, %add3A_1080 : vector<16xf32>
    %swap3A_1084 = arith.constant 1 : i32
    %swap3A_1085 = arith.index_cast %swap3A_1084 : i32 to index
    %swap3A_1086 = arith.constant 32 : index
    %swap3A_1087 = tpu.vector_load %arg15[%swap3A_1085, %swap3A_1086] {strides = array<i32>} : memref<8x128xf32, #tpu.memory_space<vmem>>, vector<1x16xf32>,
    %swap3A_1088 = vector.shape_cast %swap3A_1087 : vector<1x16xf32> to vector<16xf32>
    %swap3A_1089 = vector.shape_cast %div3A_1083 : vector<16xf32> to vector<1x16xf32>
    tpu.vector_store %arg15[%swap3A_1085, %swap3A_1086], %swap3A_1089 {strides = array<i32>} : memref<8x128xf32, #tpu.memory_space<vmem>>, vector<1x16xf32>,
    %get3A_1090 = arith.constant 1 : i32
    %get3A_1091 = arith.index_cast %get3A_1090 : i32 to index
    %get3A_1092 = arith.constant 48 : index
    %get3A_1093 = tpu.vector_load %arg13[%get3A_1091, %get3A_1092] {strides = array<i32>} : memref<8x128xf32, #tpu.memory_space<vmem>>, vector<1x16xf32>,
    %get3A_1094 = vector.shape_cast %get3A_1093 : vector<1x16xf32> to vector<16xf32>
    %add3A_1095 = arith.addf %add3A_784, %get3A_1094 : vector<16xf32>
    %get3A_1096 = arith.constant 1 : i32
    %get3A_1097 = arith.index_cast %get3A_1096 : i32 to index
    %get3A_1098 = arith.constant 48 : index
    %get3A_1099 = tpu.vector_load %arg14[%get3A_1097, %get3A_1098] {strides = array<i32>} : memref<8x128xf32, #tpu.memory_space<vmem>>, vector<1x16xf32>,
    %get3A_1100 = vector.shape_cast %get3A_1099 : vector<1x16xf32> to vector<16xf32>
    %add3A_1101 = arith.addf %add3A_1095, %get3A_1100 : vector<16xf32>
    %neg3A_1102 = arith.constant 0.000000e+00 : f32
    %neg3A_1103 = vector.broadcast %neg3A_1102 : f32 to vector<16xf32>
    %neg3A_1104 = arith.subf %neg3A_1103, %add3A_1101 : vector<16xf32>
    %exp3A_1105 = math.exp %neg3A_1104 : vector<16xf32>
    %add3A_1106 = arith.constant 1.000000e+00 : f32
    %add3A_1107 = vector.broadcast %add3A_1106 : f32 to vector<16xf32>
    %add3A_1108 = arith.addf %add3A_1107, %exp3A_1105 : vector<16xf32>
    %div3A_1109 = arith.constant 1.000000e+00 : f32
    %div3A_1110 = vector.broadcast %div3A_1109 : f32 to vector<16xf32>
    %div3A_1111 = arith.divf %div3A_1110, %add3A_1108 : vector<16xf32>
    %swap3A_1112 = arith.constant 1 : i32
    %swap3A_1113 = arith.index_cast %swap3A_1112 : i32 to index
    %swap3A_1114 = arith.constant 48 : index
    %swap3A_1115 = tpu.vector_load %arg15[%swap3A_1113, %swap3A_1114] {strides = array<i32>} : memref<8x128xf32, #tpu.memory_space<vmem>>, vector<1x16xf32>,
    %swap3A_1116 = vector.shape_cast %swap3A_1115 : vector<1x16xf32> to vector<16xf32>
    %swap3A_1117 = vector.shape_cast %div3A_1111 : vector<16xf32> to vector<1x16xf32>
    tpu.vector_store %arg15[%swap3A_1113, %swap3A_1114], %swap3A_1117 {strides = array<i32>} : memref<8x128xf32, #tpu.memory_space<vmem>>, vector<1x16xf32>,
    %get3A_1118 = arith.constant 1 : i32
    %get3A_1119 = arith.index_cast %get3A_1118 : i32 to index
    %get3A_1120 = arith.constant 64 : index
    %get3A_1121 = tpu.vector_load %arg13[%get3A_1119, %get3A_1120] {strides = array<i32>} : memref<8x128xf32, #tpu.memory_space<vmem>>, vector<1x16xf32>,
    %get3A_1122 = vector.shape_cast %get3A_1121 : vector<1x16xf32> to vector<16xf32>
    %add3A_1123 = arith.addf %add3A_784, %get3A_1122 : vector<16xf32>
    %get3A_1124 = arith.constant 1 : i32
    %get3A_1125 = arith.index_cast %get3A_1124 : i32 to index
    %get3A_1126 = arith.constant 64 : index
    %get3A_1127 = tpu.vector_load %arg14[%get3A_1125, %get3A_1126] {strides = array<i32>} : memref<8x128xf32, #tpu.memory_space<vmem>>, vector<1x16xf32>,
    %get3A_1128 = vector.shape_cast %get3A_1127 : vector<1x16xf32> to vector<16xf32>
    %add3A_1129 = arith.addf %add3A_1123, %get3A_1128 : vector<16xf32>
    %neg3A_1130 = arith.constant 0.000000e+00 : f32
    %neg3A_1131 = vector.broadcast %neg3A_1130 : f32 to vector<16xf32>
    %neg3A_1132 = arith.subf %neg3A_1131, %add3A_1129 : vector<16xf32>
    %exp3A_1133 = math.exp %neg3A_1132 : vector<16xf32>
    %add3A_1134 = arith.constant 1.000000e+00 : f32
    %add3A_1135 = vector.broadcast %add3A_1134 : f32 to vector<16xf32>
    %add3A_1136 = arith.addf %add3A_1135, %exp3A_1133 : vector<16xf32>
    %div3A_1137 = arith.constant 1.000000e+00 : f32
    %div3A_1138 = vector.broadcast %div3A_1137 : f32 to vector<16xf32>
    %div3A_1139 = arith.divf %div3A_1138, %add3A_1136 : vector<16xf32>
    %swap3A_1140 = arith.constant 1 : i32
    %swap3A_1141 = arith.index_cast %swap3A_1140 : i32 to index
    %swap3A_1142 = arith.constant 64 : index
    %swap3A_1143 = tpu.vector_load %arg15[%swap3A_1141, %swap3A_1142] {strides = array<i32>} : memref<8x128xf32, #tpu.memory_space<vmem>>, vector<1x16xf32>,
    %swap3A_1144 = vector.shape_cast %swap3A_1143 : vector<1x16xf32> to vector<16xf32>
    %swap3A_1145 = vector.shape_cast %div3A_1139 : vector<16xf32> to vector<1x16xf32>
    tpu.vector_store %arg15[%swap3A_1141, %swap3A_1142], %swap3A_1145 {strides = array<i32>} : memref<8x128xf32, #tpu.memory_space<vmem>>, vector<1x16xf32>,
    %get3A_1146 = arith.constant 1 : i32
    %get3A_1147 = arith.index_cast %get3A_1146 : i32 to index
    %get3A_1148 = arith.constant 80 : index
    %get3A_1149 = tpu.vector_load %arg13[%get3A_1147, %get3A_1148] {strides = array<i32>} : memref<8x128xf32, #tpu.memory_space<vmem>>, vector<1x16xf32>,
    %get3A_1150 = vector.shape_cast %get3A_1149 : vector<1x16xf32> to vector<16xf32>
    %add3A_1151 = arith.addf %add3A_784, %get3A_1150 : vector<16xf32>
    %get3A_1152 = arith.constant 1 : i32
    %get3A_1153 = arith.index_cast %get3A_1152 : i32 to index
    %get3A_1154 = arith.constant 80 : index
    %get3A_1155 = tpu.vector_load %arg14[%get3A_1153, %get3A_1154] {strides = array<i32>} : memref<8x128xf32, #tpu.memory_space<vmem>>, vector<1x16xf32>,
    %get3A_1156 = vector.shape_cast %get3A_1155 : vector<1x16xf32> to vector<16xf32>
    %add3A_1157 = arith.addf %add3A_1151, %get3A_1156 : vector<16xf32>
    %neg3A_1158 = arith.constant 0.000000e+00 : f32
    %neg3A_1159 = vector.broadcast %neg3A_1158 : f32 to vector<16xf32>
    %neg3A_1160 = arith.subf %neg3A_1159, %add3A_1157 : vector<16xf32>
    %exp3A_1161 = math.exp %neg3A_1160 : vector<16xf32>
    %add3A_1162 = arith.constant 1.000000e+00 : f32
    %add3A_1163 = vector.broadcast %add3A_1162 : f32 to vector<16xf32>
    %add3A_1164 = arith.addf %add3A_1163, %exp3A_1161 : vector<16xf32>
    %div3A_1165 = arith.constant 1.000000e+00 : f32
    %div3A_1166 = vector.broadcast %div3A_1165 : f32 to vector<16xf32>
    %div3A_1167 = arith.divf %div3A_1166, %add3A_1164 : vector<16xf32>
    %swap3A_1168 = arith.constant 1 : i32
    %swap3A_1169 = arith.index_cast %swap3A_1168 : i32 to index
    %swap3A_1170 = arith.constant 80 : index
    %swap3A_1171 = tpu.vector_load %arg15[%swap3A_1169, %swap3A_1170] {strides = array<i32>} : memref<8x128xf32, #tpu.memory_space<vmem>>, vector<1x16xf32>,
    %swap3A_1172 = vector.shape_cast %swap3A_1171 : vector<1x16xf32> to vector<16xf32>
    %swap3A_1173 = vector.shape_cast %div3A_1167 : vector<16xf32> to vector<1x16xf32>
    tpu.vector_store %arg15[%swap3A_1169, %swap3A_1170], %swap3A_1173 {strides = array<i32>} : memref<8x128xf32, #tpu.memory_space<vmem>>, vector<1x16xf32>,
    %get3A_1174 = arith.constant 1 : i32
    %get3A_1175 = arith.index_cast %get3A_1174 : i32 to index
    %get3A_1176 = arith.constant 96 : index
    %get3A_1177 = tpu.vector_load %arg13[%get3A_1175, %get3A_1176] {strides = array<i32>} : memref<8x128xf32, #tpu.memory_space<vmem>>, vector<1x16xf32>,
    %get3A_1178 = vector.shape_cast %get3A_1177 : vector<1x16xf32> to vector<16xf32>
    %add3A_1179 = arith.addf %add3A_784, %get3A_1178 : vector<16xf32>
    %get3A_1180 = arith.constant 1 : i32
    %get3A_1181 = arith.index_cast %get3A_1180 : i32 to index
    %get3A_1182 = arith.constant 96 : index
    %get3A_1183 = tpu.vector_load %arg14[%get3A_1181, %get3A_1182] {strides = array<i32>} : memref<8x128xf32, #tpu.memory_space<vmem>>, vector<1x16xf32>,
    %get3A_1184 = vector.shape_cast %get3A_1183 : vector<1x16xf32> to vector<16xf32>
    %add3A_1185 = arith.addf %add3A_1179, %get3A_1184 : vector<16xf32>
    %neg3A_1186 = arith.constant 0.000000e+00 : f32
    %neg3A_1187 = vector.broadcast %neg3A_1186 : f32 to vector<16xf32>
    %neg3A_1188 = arith.subf %neg3A_1187, %add3A_1185 : vector<16xf32>
    %exp3A_1189 = math.exp %neg3A_1188 : vector<16xf32>
    %add3A_1190 = arith.constant 1.000000e+00 : f32
    %add3A_1191 = vector.broadcast %add3A_1190 : f32 to vector<16xf32>
    %add3A_1192 = arith.addf %add3A_1191, %exp3A_1189 : vector<16xf32>
    %div3A_1193 = arith.constant 1.000000e+00 : f32
    %div3A_1194 = vector.broadcast %div3A_1193 : f32 to vector<16xf32>
    %div3A_1195 = arith.divf %div3A_1194, %add3A_1192 : vector<16xf32>
    %swap3A_1196 = arith.constant 1 : i32
    %swap3A_1197 = arith.index_cast %swap3A_1196 : i32 to index
    %swap3A_1198 = arith.constant 96 : index
    %swap3A_1199 = tpu.vector_load %arg15[%swap3A_1197, %swap3A_1198] {strides = array<i32>} : memref<8x128xf32, #tpu.memory_space<vmem>>, vector<1x16xf32>,
    %swap3A_1200 = vector.shape_cast %swap3A_1199 : vector<1x16xf32> to vector<16xf32>
    %swap3A_1201 = vector.shape_cast %div3A_1195 : vector<16xf32> to vector<1x16xf32>
    tpu.vector_store %arg15[%swap3A_1197, %swap3A_1198], %swap3A_1201 {strides = array<i32>} : memref<8x128xf32, #tpu.memory_space<vmem>>, vector<1x16xf32>,
    %get3A_1202 = arith.constant 1 : i32
    %get3A_1203 = arith.index_cast %get3A_1202 : i32 to index
    %get3A_1204 = arith.constant 112 : index
    %get3A_1205 = tpu.vector_load %arg13[%get3A_1203, %get3A_1204] {strides = array<i32>} : memref<8x128xf32, #tpu.memory_space<vmem>>, vector<1x16xf32>,
    %get3A_1206 = vector.shape_cast %get3A_1205 : vector<1x16xf32> to vector<16xf32>
    %add3A_1207 = arith.addf %add3A_784, %get3A_1206 : vector<16xf32>
    %get3A_1208 = arith.constant 1 : i32
    %get3A_1209 = arith.index_cast %get3A_1208 : i32 to index
    %get3A_1210 = arith.constant 112 : index
    %get3A_1211 = tpu.vector_load %arg14[%get3A_1209, %get3A_1210] {strides = array<i32>} : memref<8x128xf32, #tpu.memory_space<vmem>>, vector<1x16xf32>,
    %get3A_1212 = vector.shape_cast %get3A_1211 : vector<1x16xf32> to vector<16xf32>
    %add3A_1213 = arith.addf %add3A_1207, %get3A_1212 : vector<16xf32>
    %neg3A_1214 = arith.constant 0.000000e+00 : f32
    %neg3A_1215 = vector.broadcast %neg3A_1214 : f32 to vector<16xf32>
    %neg3A_1216 = arith.subf %neg3A_1215, %add3A_1213 : vector<16xf32>
    %exp3A_1217 = math.exp %neg3A_1216 : vector<16xf32>
    %add3A_1218 = arith.constant 1.000000e+00 : f32
    %add3A_1219 = vector.broadcast %add3A_1218 : f32 to vector<16xf32>
    %add3A_1220 = arith.addf %add3A_1219, %exp3A_1217 : vector<16xf32>
    %div3A_1221 = arith.constant 1.000000e+00 : f32
    %div3A_1222 = vector.broadcast %div3A_1221 : f32 to vector<16xf32>
    %div3A_1223 = arith.divf %div3A_1222, %add3A_1220 : vector<16xf32>
    %swap3A_1224 = arith.constant 1 : i32
    %swap3A_1225 = arith.index_cast %swap3A_1224 : i32 to index
    %swap3A_1226 = arith.constant 112 : index
    %swap3A_1227 = tpu.vector_load %arg15[%swap3A_1225, %swap3A_1226] {strides = array<i32>} : memref<8x128xf32, #tpu.memory_space<vmem>>, vector<1x16xf32>,
    %swap3A_1228 = vector.shape_cast %swap3A_1227 : vector<1x16xf32> to vector<16xf32>
    %swap3A_1229 = vector.shape_cast %div3A_1223 : vector<16xf32> to vector<1x16xf32>
    tpu.vector_store %arg15[%swap3A_1225, %swap3A_1226], %swap3A_1229 {strides = array<i32>} : memref<8x128xf32, #tpu.memory_space<vmem>>, vector<1x16xf32>,
    %get3A_1230 = arith.constant 2 : i32
    %get3A_1231 = arith.index_cast %get3A_1230 : i32 to index
    %get3A_1232 = arith.constant 0 : index
    %get3A_1233 = tpu.vector_load %arg13[%get3A_1231, %get3A_1232] {strides = array<i32>} : memref<8x128xf32, #tpu.memory_space<vmem>>, vector<1x16xf32>,
    %get3A_1234 = vector.shape_cast %get3A_1233 : vector<1x16xf32> to vector<16xf32>
    %add3A_1235 = arith.addf %add3A_784, %get3A_1234 : vector<16xf32>
    %get3A_1236 = arith.constant 2 : i32
    %get3A_1237 = arith.index_cast %get3A_1236 : i32 to index
    %get3A_1238 = arith.constant 0 : index
    %get3A_1239 = tpu.vector_load %arg14[%get3A_1237, %get3A_1238] {strides = array<i32>} : memref<8x128xf32, #tpu.memory_space<vmem>>, vector<1x16xf32>,
    %get3A_1240 = vector.shape_cast %get3A_1239 : vector<1x16xf32> to vector<16xf32>
    %add3A_1241 = arith.addf %add3A_1235, %get3A_1240 : vector<16xf32>
    %neg3A_1242 = arith.constant 0.000000e+00 : f32
    %neg3A_1243 = vector.broadcast %neg3A_1242 : f32 to vector<16xf32>
    %neg3A_1244 = arith.subf %neg3A_1243, %add3A_1241 : vector<16xf32>
    %exp3A_1245 = math.exp %neg3A_1244 : vector<16xf32>
    %add3A_1246 = arith.constant 1.000000e+00 : f32
    %add3A_1247 = vector.broadcast %add3A_1246 : f32 to vector<16xf32>
    %add3A_1248 = arith.addf %add3A_1247, %exp3A_1245 : vector<16xf32>
    %div3A_1249 = arith.constant 1.000000e+00 : f32
    %div3A_1250 = vector.broadcast %div3A_1249 : f32 to vector<16xf32>
    %div3A_1251 = arith.divf %div3A_1250, %add3A_1248 : vector<16xf32>
    %swap3A_1252 = arith.constant 2 : i32
    %swap3A_1253 = arith.index_cast %swap3A_1252 : i32 to index
    %swap3A_1254 = arith.constant 0 : index
    %swap3A_1255 = tpu.vector_load %arg15[%swap3A_1253, %swap3A_1254] {strides = array<i32>} : memref<8x128xf32, #tpu.memory_space<vmem>>, vector<1x16xf32>,
    %swap3A_1256 = vector.shape_cast %swap3A_1255 : vector<1x16xf32> to vector<16xf32>
    %swap3A_1257 = vector.shape_cast %div3A_1251 : vector<16xf32> to vector<1x16xf32>
    tpu.vector_store %arg15[%swap3A_1253, %swap3A_1254], %swap3A_1257 {strides = array<i32>} : memref<8x128xf32, #tpu.memory_space<vmem>>, vector<1x16xf32>,
    %get3A_1258 = arith.constant 2 : i32
    %get3A_1259 = arith.index_cast %get3A_1258 : i32 to index
    %get3A_1260 = arith.constant 16 : index
    %get3A_1261 = tpu.vector_load %arg13[%get3A_1259, %get3A_1260] {strides = array<i32>} : memref<8x128xf32, #tpu.memory_space<vmem>>, vector<1x16xf32>,
    %get3A_1262 = vector.shape_cast %get3A_1261 : vector<1x16xf32> to vector<16xf32>
    %add3A_1263 = arith.addf %add3A_784, %get3A_1262 : vector<16xf32>
    %get3A_1264 = arith.constant 2 : i32
    %get3A_1265 = arith.index_cast %get3A_1264 : i32 to index
    %get3A_1266 = arith.constant 16 : index
    %get3A_1267 = tpu.vector_load %arg14[%get3A_1265, %get3A_1266] {strides = array<i32>} : memref<8x128xf32, #tpu.memory_space<vmem>>, vector<1x16xf32>,
    %get3A_1268 = vector.shape_cast %get3A_1267 : vector<1x16xf32> to vector<16xf32>
    %add3A_1269 = arith.addf %add3A_1263, %get3A_1268 : vector<16xf32>
    %neg3A_1270 = arith.constant 0.000000e+00 : f32
    %neg3A_1271 = vector.broadcast %neg3A_1270 : f32 to vector<16xf32>
    %neg3A_1272 = arith.subf %neg3A_1271, %add3A_1269 : vector<16xf32>
    %exp3A_1273 = math.exp %neg3A_1272 : vector<16xf32>
    %add3A_1274 = arith.constant 1.000000e+00 : f32
    %add3A_1275 = vector.broadcast %add3A_1274 : f32 to vector<16xf32>
    %add3A_1276 = arith.addf %add3A_1275, %exp3A_1273 : vector<16xf32>
    %div3A_1277 = arith.constant 1.000000e+00 : f32
    %div3A_1278 = vector.broadcast %div3A_1277 : f32 to vector<16xf32>
    %div3A_1279 = arith.divf %div3A_1278, %add3A_1276 : vector<16xf32>
    %swap3A_1280 = arith.constant 2 : i32
    %swap3A_1281 = arith.index_cast %swap3A_1280 : i32 to index
    %swap3A_1282 = arith.constant 16 : index
    %swap3A_1283 = tpu.vector_load %arg15[%swap3A_1281, %swap3A_1282] {strides = array<i32>} : memref<8x128xf32, #tpu.memory_space<vmem>>, vector<1x16xf32>,
    %swap3A_1284 = vector.shape_cast %swap3A_1283 : vector<1x16xf32> to vector<16xf32>
    %swap3A_1285 = vector.shape_cast %div3A_1279 : vector<16xf32> to vector<1x16xf32>
    tpu.vector_store %arg15[%swap3A_1281, %swap3A_1282], %swap3A_1285 {strides = array<i32>} : memref<8x128xf32, #tpu.memory_space<vmem>>, vector<1x16xf32>,
    %get3A_1286 = arith.constant 2 : i32
    %get3A_1287 = arith.index_cast %get3A_1286 : i32 to index
    %get3A_1288 = arith.constant 32 : index
    %get3A_1289 = tpu.vector_load %arg13[%get3A_1287, %get3A_1288] {strides = array<i32>} : memref<8x128xf32, #tpu.memory_space<vmem>>, vector<1x16xf32>,
    %get3A_1290 = vector.shape_cast %get3A_1289 : vector<1x16xf32> to vector<16xf32>
    %add3A_1291 = arith.addf %add3A_784, %get3A_1290 : vector<16xf32>
    %get3A_1292 = arith.constant 2 : i32
    %get3A_1293 = arith.index_cast %get3A_1292 : i32 to index
    %get3A_1294 = arith.constant 32 : index
    %get3A_1295 = tpu.vector_load %arg14[%get3A_1293, %get3A_1294] {strides = array<i32>} : memref<8x128xf32, #tpu.memory_space<vmem>>, vector<1x16xf32>,
    %get3A_1296 = vector.shape_cast %get3A_1295 : vector<1x16xf32> to vector<16xf32>
    %add3A_1297 = arith.addf %add3A_1291, %get3A_1296 : vector<16xf32>
    %neg3A_1298 = arith.constant 0.000000e+00 : f32
    %neg3A_1299 = vector.broadcast %neg3A_1298 : f32 to vector<16xf32>
    %neg3A_1300 = arith.subf %neg3A_1299, %add3A_1297 : vector<16xf32>
    %exp3A_1301 = math.exp %neg3A_1300 : vector<16xf32>
    %add3A_1302 = arith.constant 1.000000e+00 : f32
    %add3A_1303 = vector.broadcast %add3A_1302 : f32 to vector<16xf32>
    %add3A_1304 = arith.addf %add3A_1303, %exp3A_1301 : vector<16xf32>
    %div3A_1305 = arith.constant 1.000000e+00 : f32
    %div3A_1306 = vector.broadcast %div3A_1305 : f32 to vector<16xf32>
    %div3A_1307 = arith.divf %div3A_1306, %add3A_1304 : vector<16xf32>
    %swap3A_1308 = arith.constant 2 : i32
    %swap3A_1309 = arith.index_cast %swap3A_1308 : i32 to index
    %swap3A_1310 = arith.constant 32 : index
    %swap3A_1311 = tpu.vector_load %arg15[%swap3A_1309, %swap3A_1310] {strides = array<i32>} : memref<8x128xf32, #tpu.memory_space<vmem>>, vector<1x16xf32>,
    %swap3A_1312 = vector.shape_cast %swap3A_1311 : vector<1x16xf32> to vector<16xf32>
    %swap3A_1313 = vector.shape_cast %div3A_1307 : vector<16xf32> to vector<1x16xf32>
    tpu.vector_store %arg15[%swap3A_1309, %swap3A_1310], %swap3A_1313 {strides = array<i32>} : memref<8x128xf32, #tpu.memory_space<vmem>>, vector<1x16xf32>,
    %get3A_1314 = arith.constant 2 : i32
    %get3A_1315 = arith.index_cast %get3A_1314 : i32 to index
    %get3A_1316 = arith.constant 48 : index
    %get3A_1317 = tpu.vector_load %arg13[%get3A_1315, %get3A_1316] {strides = array<i32>} : memref<8x128xf32, #tpu.memory_space<vmem>>, vector<1x16xf32>,
    %get3A_1318 = vector.shape_cast %get3A_1317 : vector<1x16xf32> to vector<16xf32>
    %add3A_1319 = arith.addf %add3A_784, %get3A_1318 : vector<16xf32>
    %get3A_1320 = arith.constant 2 : i32
    %get3A_1321 = arith.index_cast %get3A_1320 : i32 to index
    %get3A_1322 = arith.constant 48 : index
    %get3A_1323 = tpu.vector_load %arg14[%get3A_1321, %get3A_1322] {strides = array<i32>} : memref<8x128xf32, #tpu.memory_space<vmem>>, vector<1x16xf32>,
    %get3A_1324 = vector.shape_cast %get3A_1323 : vector<1x16xf32> to vector<16xf32>
    %add3A_1325 = arith.addf %add3A_1319, %get3A_1324 : vector<16xf32>
    %neg3A_1326 = arith.constant 0.000000e+00 : f32
    %neg3A_1327 = vector.broadcast %neg3A_1326 : f32 to vector<16xf32>
    %neg3A_1328 = arith.subf %neg3A_1327, %add3A_1325 : vector<16xf32>
    %exp3A_1329 = math.exp %neg3A_1328 : vector<16xf32>
    %add3A_1330 = arith.constant 1.000000e+00 : f32
    %add3A_1331 = vector.broadcast %add3A_1330 : f32 to vector<16xf32>
    %add3A_1332 = arith.addf %add3A_1331, %exp3A_1329 : vector<16xf32>
    %div3A_1333 = arith.constant 1.000000e+00 : f32
    %div3A_1334 = vector.broadcast %div3A_1333 : f32 to vector<16xf32>
    %div3A_1335 = arith.divf %div3A_1334, %add3A_1332 : vector<16xf32>
    %swap3A_1336 = arith.constant 2 : i32
    %swap3A_1337 = arith.index_cast %swap3A_1336 : i32 to index
    %swap3A_1338 = arith.constant 48 : index
    %swap3A_1339 = tpu.vector_load %arg15[%swap3A_1337, %swap3A_1338] {strides = array<i32>} : memref<8x128xf32, #tpu.memory_space<vmem>>, vector<1x16xf32>,
    %swap3A_1340 = vector.shape_cast %swap3A_1339 : vector<1x16xf32> to vector<16xf32>
    %swap3A_1341 = vector.shape_cast %div3A_1335 : vector<16xf32> to vector<1x16xf32>
    tpu.vector_store %arg15[%swap3A_1337, %swap3A_1338], %swap3A_1341 {strides = array<i32>} : memref<8x128xf32, #tpu.memory_space<vmem>>, vector<1x16xf32>,
    %get3A_1342 = arith.constant 2 : i32
    %get3A_1343 = arith.index_cast %get3A_1342 : i32 to index
    %get3A_1344 = arith.constant 64 : index
    %get3A_1345 = tpu.vector_load %arg13[%get3A_1343, %get3A_1344] {strides = array<i32>} : memref<8x128xf32, #tpu.memory_space<vmem>>, vector<1x16xf32>,
    %get3A_1346 = vector.shape_cast %get3A_1345 : vector<1x16xf32> to vector<16xf32>
    %add3A_1347 = arith.addf %add3A_784, %get3A_1346 : vector<16xf32>
    %get3A_1348 = arith.constant 2 : i32
    %get3A_1349 = arith.index_cast %get3A_1348 : i32 to index
    %get3A_1350 = arith.constant 64 : index
    %get3A_1351 = tpu.vector_load %arg14[%get3A_1349, %get3A_1350] {strides = array<i32>} : memref<8x128xf32, #tpu.memory_space<vmem>>, vector<1x16xf32>,
    %get3A_1352 = vector.shape_cast %get3A_1351 : vector<1x16xf32> to vector<16xf32>
    %add3A_1353 = arith.addf %add3A_1347, %get3A_1352 : vector<16xf32>
    %neg3A_1354 = arith.constant 0.000000e+00 : f32
    %neg3A_1355 = vector.broadcast %neg3A_1354 : f32 to vector<16xf32>
    %neg3A_1356 = arith.subf %neg3A_1355, %add3A_1353 : vector<16xf32>
    %exp3A_1357 = math.exp %neg3A_1356 : vector<16xf32>
    %add3A_1358 = arith.constant 1.000000e+00 : f32
    %add3A_1359 = vector.broadcast %add3A_1358 : f32 to vector<16xf32>
    %add3A_1360 = arith.addf %add3A_1359, %exp3A_1357 : vector<16xf32>
    %div3A_1361 = arith.constant 1.000000e+00 : f32
    %div3A_1362 = vector.broadcast %div3A_1361 : f32 to vector<16xf32>
    %div3A_1363 = arith.divf %div3A_1362, %add3A_1360 : vector<16xf32>
    %swap3A_1364 = arith.constant 2 : i32
    %swap3A_1365 = arith.index_cast %swap3A_1364 : i32 to index
    %swap3A_1366 = arith.constant 64 : index
    %swap3A_1367 = tpu.vector_load %arg15[%swap3A_1365, %swap3A_1366] {strides = array<i32>} : memref<8x128xf32, #tpu.memory_space<vmem>>, vector<1x16xf32>,
    %swap3A_1368 = vector.shape_cast %swap3A_1367 : vector<1x16xf32> to vector<16xf32>
    %swap3A_1369 = vector.shape_cast %div3A_1363 : vector<16xf32> to vector<1x16xf32>
    tpu.vector_store %arg15[%swap3A_1365, %swap3A_1366], %swap3A_1369 {strides = array<i32>} : memref<8x128xf32, #tpu.memory_space<vmem>>, vector<1x16xf32>,
    %get3A_1370 = arith.constant 2 : i32
    %get3A_1371 = arith.index_cast %get3A_1370 : i32 to index
    %get3A_1372 = arith.constant 80 : index
    %get3A_1373 = tpu.vector_load %arg13[%get3A_1371, %get3A_1372] {strides = array<i32>} : memref<8x128xf32, #tpu.memory_space<vmem>>, vector<1x16xf32>,
    %get3A_1374 = vector.shape_cast %get3A_1373 : vector<1x16xf32> to vector<16xf32>
    %add3A_1375 = arith.addf %add3A_784, %get3A_1374 : vector<16xf32>
    %get3A_1376 = arith.constant 2 : i32
    %get3A_1377 = arith.index_cast %get3A_1376 : i32 to index
    %get3A_1378 = arith.constant 80 : index
    %get3A_1379 = tpu.vector_load %arg14[%get3A_1377, %get3A_1378] {strides = array<i32>} : memref<8x128xf32, #tpu.memory_space<vmem>>, vector<1x16xf32>,
    %get3A_1380 = vector.shape_cast %get3A_1379 : vector<1x16xf32> to vector<16xf32>
    %add3A_1381 = arith.addf %add3A_1375, %get3A_1380 : vector<16xf32>
    %neg3A_1382 = arith.constant 0.000000e+00 : f32
    %neg3A_1383 = vector.broadcast %neg3A_1382 : f32 to vector<16xf32>
    %neg3A_1384 = arith.subf %neg3A_1383, %add3A_1381 : vector<16xf32>
    %exp3A_1385 = math.exp %neg3A_1384 : vector<16xf32>
    %add3A_1386 = arith.constant 1.000000e+00 : f32
    %add3A_1387 = vector.broadcast %add3A_1386 : f32 to vector<16xf32>
    %add3A_1388 = arith.addf %add3A_1387, %exp3A_1385 : vector<16xf32>
    %div3A_1389 = arith.constant 1.000000e+00 : f32
    %div3A_1390 = vector.broadcast %div3A_1389 : f32 to vector<16xf32>
    %div3A_1391 = arith.divf %div3A_1390, %add3A_1388 : vector<16xf32>
    %swap3A_1392 = arith.constant 2 : i32
    %swap3A_1393 = arith.index_cast %swap3A_1392 : i32 to index
    %swap3A_1394 = arith.constant 80 : index
    %swap3A_1395 = tpu.vector_load %arg15[%swap3A_1393, %swap3A_1394] {strides = array<i32>} : memref<8x128xf32, #tpu.memory_space<vmem>>, vector<1x16xf32>,
    %swap3A_1396 = vector.shape_cast %swap3A_1395 : vector<1x16xf32> to vector<16xf32>
    %swap3A_1397 = vector.shape_cast %div3A_1391 : vector<16xf32> to vector<1x16xf32>
    tpu.vector_store %arg15[%swap3A_1393, %swap3A_1394], %swap3A_1397 {strides = array<i32>} : memref<8x128xf32, #tpu.memory_space<vmem>>, vector<1x16xf32>,
    %get3A_1398 = arith.constant 2 : i32
    %get3A_1399 = arith.index_cast %get3A_1398 : i32 to index
    %get3A_1400 = arith.constant 96 : index
    %get3A_1401 = tpu.vector_load %arg13[%get3A_1399, %get3A_1400] {strides = array<i32>} : memref<8x128xf32, #tpu.memory_space<vmem>>, vector<1x16xf32>,
    %get3A_1402 = vector.shape_cast %get3A_1401 : vector<1x16xf32> to vector<16xf32>
    %add3A_1403 = arith.addf %add3A_784, %get3A_1402 : vector<16xf32>
    %get3A_1404 = arith.constant 2 : i32
    %get3A_1405 = arith.index_cast %get3A_1404 : i32 to index
    %get3A_1406 = arith.constant 96 : index
    %get3A_1407 = tpu.vector_load %arg14[%get3A_1405, %get3A_1406] {strides = array<i32>} : memref<8x128xf32, #tpu.memory_space<vmem>>, vector<1x16xf32>,
    %get3A_1408 = vector.shape_cast %get3A_1407 : vector<1x16xf32> to vector<16xf32>
    %add3A_1409 = arith.addf %add3A_1403, %get3A_1408 : vector<16xf32>
    %neg3A_1410 = arith.constant 0.000000e+00 : f32
    %neg3A_1411 = vector.broadcast %neg3A_1410 : f32 to vector<16xf32>
    %neg3A_1412 = arith.subf %neg3A_1411, %add3A_1409 : vector<16xf32>
    %exp3A_1413 = math.exp %neg3A_1412 : vector<16xf32>
    %add3A_1414 = arith.constant 1.000000e+00 : f32
    %add3A_1415 = vector.broadcast %add3A_1414 : f32 to vector<16xf32>
    %add3A_1416 = arith.addf %add3A_1415, %exp3A_1413 : vector<16xf32>
    %div3A_1417 = arith.constant 1.000000e+00 : f32
    %div3A_1418 = vector.broadcast %div3A_1417 : f32 to vector<16xf32>
    %div3A_1419 = arith.divf %div3A_1418, %add3A_1416 : vector<16xf32>
    %swap3A_1420 = arith.constant 2 : i32
    %swap3A_1421 = arith.index_cast %swap3A_1420 : i32 to index
    %swap3A_1422 = arith.constant 96 : index
    %swap3A_1423 = tpu.vector_load %arg15[%swap3A_1421, %swap3A_1422] {strides = array<i32>} : memref<8x128xf32, #tpu.memory_space<vmem>>, vector<1x16xf32>,
    %swap3A_1424 = vector.shape_cast %swap3A_1423 : vector<1x16xf32> to vector<16xf32>
    %swap3A_1425 = vector.shape_cast %div3A_1419 : vector<16xf32> to vector<1x16xf32>
    tpu.vector_store %arg15[%swap3A_1421, %swap3A_1422], %swap3A_1425 {strides = array<i32>} : memref<8x128xf32, #tpu.memory_space<vmem>>, vector<1x16xf32>,
    %get3A_1426 = arith.constant 2 : i32
    %get3A_1427 = arith.index_cast %get3A_1426 : i32 to index
    %get3A_1428 = arith.constant 112 : index
    %get3A_1429 = tpu.vector_load %arg13[%get3A_1427, %get3A_1428] {strides = array<i32>} : memref<8x128xf32, #tpu.memory_space<vmem>>, vector<1x16xf32>,
    %get3A_1430 = vector.shape_cast %get3A_1429 : vector<1x16xf32> to vector<16xf32>
    %add3A_1431 = arith.addf %add3A_784, %get3A_1430 : vector<16xf32>
    %get3A_1432 = arith.constant 2 : i32
    %get3A_1433 = arith.index_cast %get3A_1432 : i32 to index
    %get3A_1434 = arith.constant 112 : index
    %get3A_1435 = tpu.vector_load %arg14[%get3A_1433, %get3A_1434] {strides = array<i32>} : memref<8x128xf32, #tpu.memory_space<vmem>>, vector<1x16xf32>,
    %get3A_1436 = vector.shape_cast %get3A_1435 : vector<1x16xf32> to vector<16xf32>
    %add3A_1437 = arith.addf %add3A_1431, %get3A_1436 : vector<16xf32>
    %neg3A_1438 = arith.constant 0.000000e+00 : f32
    %neg3A_1439 = vector.broadcast %neg3A_1438 : f32 to vector<16xf32>
    %neg3A_1440 = arith.subf %neg3A_1439, %add3A_1437 : vector<16xf32>
    %exp3A_1441 = math.exp %neg3A_1440 : vector<16xf32>
    %add3A_1442 = arith.constant 1.000000e+00 : f32
    %add3A_1443 = vector.broadcast %add3A_1442 : f32 to vector<16xf32>
    %add3A_1444 = arith.addf %add3A_1443, %exp3A_1441 : vector<16xf32>
    %div3A_1445 = arith.constant 1.000000e+00 : f32
    %div3A_1446 = vector.broadcast %div3A_1445 : f32 to vector<16xf32>
    %div3A_1447 = arith.divf %div3A_1446, %add3A_1444 : vector<16xf32>
    %swap3A_1448 = arith.constant 2 : i32
    %swap3A_1449 = arith.index_cast %swap3A_1448 : i32 to index
    %swap3A_1450 = arith.constant 112 : index
    %swap3A_1451 = tpu.vector_load %arg15[%swap3A_1449, %swap3A_1450] {strides = array<i32>} : memref<8x128xf32, #tpu.memory_space<vmem>>, vector<1x16xf32>,
    %swap3A_1452 = vector.shape_cast %swap3A_1451 : vector<1x16xf32> to vector<16xf32>
    %swap3A_1453 = vector.shape_cast %div3A_1447 : vector<16xf32> to vector<1x16xf32>
    tpu.vector_store %arg15[%swap3A_1449, %swap3A_1450], %swap3A_1453 {strides = array<i32>} : memref<8x128xf32, #tpu.memory_space<vmem>>, vector<1x16xf32>,
    %get3A_1454 = arith.constant 3 : i32
    %get3A_1455 = arith.index_cast %get3A_1454 : i32 to index
    %get3A_1456 = arith.constant 0 : index
    %get3A_1457 = tpu.vector_load %arg13[%get3A_1455, %get3A_1456] {strides = array<i32>} : memref<8x128xf32, #tpu.memory_space<vmem>>, vector<1x16xf32>,
    %get3A_1458 = vector.shape_cast %get3A_1457 : vector<1x16xf32> to vector<16xf32>
    %add3A_1459 = arith.addf %add3A_784, %get3A_1458 : vector<16xf32>
    %get3A_1460 = arith.constant 3 : i32
    %get3A_1461 = arith.index_cast %get3A_1460 : i32 to index
    %get3A_1462 = arith.constant 0 : index
    %get3A_1463 = tpu.vector_load %arg14[%get3A_1461, %get3A_1462] {strides = array<i32>} : memref<8x128xf32, #tpu.memory_space<vmem>>, vector<1x16xf32>,
    %get3A_1464 = vector.shape_cast %get3A_1463 : vector<1x16xf32> to vector<16xf32>
    %add3A_1465 = arith.addf %add3A_1459, %get3A_1464 : vector<16xf32>
    %neg3A_1466 = arith.constant 0.000000e+00 : f32
    %neg3A_1467 = vector.broadcast %neg3A_1466 : f32 to vector<16xf32>
    %neg3A_1468 = arith.subf %neg3A_1467, %add3A_1465 : vector<16xf32>
    %exp3A_1469 = math.exp %neg3A_1468 : vector<16xf32>
    %add3A_1470 = arith.constant 1.000000e+00 : f32
    %add3A_1471 = vector.broadcast %add3A_1470 : f32 to vector<16xf32>
    %add3A_1472 = arith.addf %add3A_1471, %exp3A_1469 : vector<16xf32>
    %div3A_1473 = arith.constant 1.000000e+00 : f32
    %div3A_1474 = vector.broadcast %div3A_1473 : f32 to vector<16xf32>
    %div3A_1475 = arith.divf %div3A_1474, %add3A_1472 : vector<16xf32>
    %swap3A_1476 = arith.constant 3 : i32
    %swap3A_1477 = arith.index_cast %swap3A_1476 : i32 to index
    %swap3A_1478 = arith.constant 0 : index
    %swap3A_1479 = tpu.vector_load %arg15[%swap3A_1477, %swap3A_1478] {strides = array<i32>} : memref<8x128xf32, #tpu.memory_space<vmem>>, vector<1x16xf32>,
    %swap3A_1480 = vector.shape_cast %swap3A_1479 : vector<1x16xf32> to vector<16xf32>
    %swap3A_1481 = vector.shape_cast %div3A_1475 : vector<16xf32> to vector<1x16xf32>
    tpu.vector_store %arg15[%swap3A_1477, %swap3A_1478], %swap3A_1481 {strides = array<i32>} : memref<8x128xf32, #tpu.memory_space<vmem>>, vector<1x16xf32>,
    %get3A_1482 = arith.constant 3 : i32
    %get3A_1483 = arith.index_cast %get3A_1482 : i32 to index
    %get3A_1484 = arith.constant 16 : index
    %get3A_1485 = tpu.vector_load %arg13[%get3A_1483, %get3A_1484] {strides = array<i32>} : memref<8x128xf32, #tpu.memory_space<vmem>>, vector<1x16xf32>,
    %get3A_1486 = vector.shape_cast %get3A_1485 : vector<1x16xf32> to vector<16xf32>
    %add3A_1487 = arith.addf %add3A_784, %get3A_1486 : vector<16xf32>
    %get3A_1488 = arith.constant 3 : i32
    %get3A_1489 = arith.index_cast %get3A_1488 : i32 to index
    %get3A_1490 = arith.constant 16 : index
    %get3A_1491 = tpu.vector_load %arg14[%get3A_1489, %get3A_1490] {strides = array<i32>} : memref<8x128xf32, #tpu.memory_space<vmem>>, vector<1x16xf32>,
    %get3A_1492 = vector.shape_cast %get3A_1491 : vector<1x16xf32> to vector<16xf32>
    %add3A_1493 = arith.addf %add3A_1487, %get3A_1492 : vector<16xf32>
    %neg3A_1494 = arith.constant 0.000000e+00 : f32
    %neg3A_1495 = vector.broadcast %neg3A_1494 : f32 to vector<16xf32>
    %neg3A_1496 = arith.subf %neg3A_1495, %add3A_1493 : vector<16xf32>
    %exp3A_1497 = math.exp %neg3A_1496 : vector<16xf32>
    %add3A_1498 = arith.constant 1.000000e+00 : f32
    %add3A_1499 = vector.broadcast %add3A_1498 : f32 to vector<16xf32>
    %add3A_1500 = arith.addf %add3A_1499, %exp3A_1497 : vector<16xf32>
    %div3A_1501 = arith.constant 1.000000e+00 : f32
    %div3A_1502 = vector.broadcast %div3A_1501 : f32 to vector<16xf32>
    %div3A_1503 = arith.divf %div3A_1502, %add3A_1500 : vector<16xf32>
    %swap3A_1504 = arith.constant 3 : i32
    %swap3A_1505 = arith.index_cast %swap3A_1504 : i32 to index
    %swap3A_1506 = arith.constant 16 : index
    %swap3A_1507 = tpu.vector_load %arg15[%swap3A_1505, %swap3A_1506] {strides = array<i32>} : memref<8x128xf32, #tpu.memory_space<vmem>>, vector<1x16xf32>,
    %swap3A_1508 = vector.shape_cast %swap3A_1507 : vector<1x16xf32> to vector<16xf32>
    %swap3A_1509 = vector.shape_cast %div3A_1503 : vector<16xf32> to vector<1x16xf32>
    tpu.vector_store %arg15[%swap3A_1505, %swap3A_1506], %swap3A_1509 {strides = array<i32>} : memref<8x128xf32, #tpu.memory_space<vmem>>, vector<1x16xf32>,
    %get3A_1510 = arith.constant 3 : i32
    %get3A_1511 = arith.index_cast %get3A_1510 : i32 to index
    %get3A_1512 = arith.constant 32 : index
    %get3A_1513 = tpu.vector_load %arg13[%get3A_1511, %get3A_1512] {strides = array<i32>} : memref<8x128xf32, #tpu.memory_space<vmem>>, vector<1x16xf32>,
    %get3A_1514 = vector.shape_cast %get3A_1513 : vector<1x16xf32> to vector<16xf32>
    %add3A_1515 = arith.addf %add3A_784, %get3A_1514 : vector<16xf32>
    %get3A_1516 = arith.constant 3 : i32
    %get3A_1517 = arith.index_cast %get3A_1516 : i32 to index
    %get3A_1518 = arith.constant 32 : index
    %get3A_1519 = tpu.vector_load %arg14[%get3A_1517, %get3A_1518] {strides = array<i32>} : memref<8x128xf32, #tpu.memory_space<vmem>>, vector<1x16xf32>,
    %get3A_1520 = vector.shape_cast %get3A_1519 : vector<1x16xf32> to vector<16xf32>
    %add3A_1521 = arith.addf %add3A_1515, %get3A_1520 : vector<16xf32>
    %neg3A_1522 = arith.constant 0.000000e+00 : f32
    %neg3A_1523 = vector.broadcast %neg3A_1522 : f32 to vector<16xf32>
    %neg3A_1524 = arith.subf %neg3A_1523, %add3A_1521 : vector<16xf32>
    %exp3A_1525 = math.exp %neg3A_1524 : vector<16xf32>
    %add3A_1526 = arith.constant 1.000000e+00 : f32
    %add3A_1527 = vector.broadcast %add3A_1526 : f32 to vector<16xf32>
    %add3A_1528 = arith.addf %add3A_1527, %exp3A_1525 : vector<16xf32>
    %div3A_1529 = arith.constant 1.000000e+00 : f32
    %div3A_1530 = vector.broadcast %div3A_1529 : f32 to vector<16xf32>
    %div3A_1531 = arith.divf %div3A_1530, %add3A_1528 : vector<16xf32>
    %swap3A_1532 = arith.constant 3 : i32
    %swap3A_1533 = arith.index_cast %swap3A_1532 : i32 to index
    %swap3A_1534 = arith.constant 32 : index
    %swap3A_1535 = tpu.vector_load %arg15[%swap3A_1533, %swap3A_1534] {strides = array<i32>} : memref<8x128xf32, #tpu.memory_space<vmem>>, vector<1x16xf32>,
    %swap3A_1536 = vector.shape_cast %swap3A_1535 : vector<1x16xf32> to vector<16xf32>
    %swap3A_1537 = vector.shape_cast %div3A_1531 : vector<16xf32> to vector<1x16xf32>
    tpu.vector_store %arg15[%swap3A_1533, %swap3A_1534], %swap3A_1537 {strides = array<i32>} : memref<8x128xf32, #tpu.memory_space<vmem>>, vector<1x16xf32>,
    %get3A_1538 = arith.constant 3 : i32
    %get3A_1539 = arith.index_cast %get3A_1538 : i32 to index
    %get3A_1540 = arith.constant 48 : index
    %get3A_1541 = tpu.vector_load %arg13[%get3A_1539, %get3A_1540] {strides = array<i32>} : memref<8x128xf32, #tpu.memory_space<vmem>>, vector<1x16xf32>,
    %get3A_1542 = vector.shape_cast %get3A_1541 : vector<1x16xf32> to vector<16xf32>
    %add3A_1543 = arith.addf %add3A_784, %get3A_1542 : vector<16xf32>
    %get3A_1544 = arith.constant 3 : i32
    %get3A_1545 = arith.index_cast %get3A_1544 : i32 to index
    %get3A_1546 = arith.constant 48 : index
    %get3A_1547 = tpu.vector_load %arg14[%get3A_1545, %get3A_1546] {strides = array<i32>} : memref<8x128xf32, #tpu.memory_space<vmem>>, vector<1x16xf32>,
    %get3A_1548 = vector.shape_cast %get3A_1547 : vector<1x16xf32> to vector<16xf32>
    %add3A_1549 = arith.addf %add3A_1543, %get3A_1548 : vector<16xf32>
    %neg3A_1550 = arith.constant 0.000000e+00 : f32
    %neg3A_1551 = vector.broadcast %neg3A_1550 : f32 to vector<16xf32>
    %neg3A_1552 = arith.subf %neg3A_1551, %add3A_1549 : vector<16xf32>
    %exp3A_1553 = math.exp %neg3A_1552 : vector<16xf32>
    %add3A_1554 = arith.constant 1.000000e+00 : f32
    %add3A_1555 = vector.broadcast %add3A_1554 : f32 to vector<16xf32>
    %add3A_1556 = arith.addf %add3A_1555, %exp3A_1553 : vector<16xf32>
    %div3A_1557 = arith.constant 1.000000e+00 : f32
    %div3A_1558 = vector.broadcast %div3A_1557 : f32 to vector<16xf32>
    %div3A_1559 = arith.divf %div3A_1558, %add3A_1556 : vector<16xf32>
    %swap3A_1560 = arith.constant 3 : i32
    %swap3A_1561 = arith.index_cast %swap3A_1560 : i32 to index
    %swap3A_1562 = arith.constant 48 : index
    %swap3A_1563 = tpu.vector_load %arg15[%swap3A_1561, %swap3A_1562] {strides = array<i32>} : memref<8x128xf32, #tpu.memory_space<vmem>>, vector<1x16xf32>,
    %swap3A_1564 = vector.shape_cast %swap3A_1563 : vector<1x16xf32> to vector<16xf32>
    %swap3A_1565 = vector.shape_cast %div3A_1559 : vector<16xf32> to vector<1x16xf32>
    tpu.vector_store %arg15[%swap3A_1561, %swap3A_1562], %swap3A_1565 {strides = array<i32>} : memref<8x128xf32, #tpu.memory_space<vmem>>, vector<1x16xf32>,
    %get3A_1566 = arith.constant 3 : i32
    %get3A_1567 = arith.index_cast %get3A_1566 : i32 to index
    %get3A_1568 = arith.constant 64 : index
    %get3A_1569 = tpu.vector_load %arg13[%get3A_1567, %get3A_1568] {strides = array<i32>} : memref<8x128xf32, #tpu.memory_space<vmem>>, vector<1x16xf32>,
    %get3A_1570 = vector.shape_cast %get3A_1569 : vector<1x16xf32> to vector<16xf32>
    %add3A_1571 = arith.addf %add3A_784, %get3A_1570 : vector<16xf32>
    %get3A_1572 = arith.constant 3 : i32
    %get3A_1573 = arith.index_cast %get3A_1572 : i32 to index
    %get3A_1574 = arith.constant 64 : index
    %get3A_1575 = tpu.vector_load %arg14[%get3A_1573, %get3A_1574] {strides = array<i32>} : memref<8x128xf32, #tpu.memory_space<vmem>>, vector<1x16xf32>,
    %get3A_1576 = vector.shape_cast %get3A_1575 : vector<1x16xf32> to vector<16xf32>
    %add3A_1577 = arith.addf %add3A_1571, %get3A_1576 : vector<16xf32>
    %neg3A_1578 = arith.constant 0.000000e+00 : f32
    %neg3A_1579 = vector.broadcast %neg3A_1578 : f32 to vector<16xf32>
    %neg3A_1580 = arith.subf %neg3A_1579, %add3A_1577 : vector<16xf32>
    %exp3A_1581 = math.exp %neg3A_1580 : vector<16xf32>
    %add3A_1582 = arith.constant 1.000000e+00 : f32
    %add3A_1583 = vector.broadcast %add3A_1582 : f32 to vector<16xf32>
    %add3A_1584 = arith.addf %add3A_1583, %exp3A_1581 : vector<16xf32>
    %div3A_1585 = arith.constant 1.000000e+00 : f32
    %div3A_1586 = vector.broadcast %div3A_1585 : f32 to vector<16xf32>
    %div3A_1587 = arith.divf %div3A_1586, %add3A_1584 : vector<16xf32>
    %swap3A_1588 = arith.constant 3 : i32
    %swap3A_1589 = arith.index_cast %swap3A_1588 : i32 to index
    %swap3A_1590 = arith.constant 64 : index
    %swap3A_1591 = tpu.vector_load %arg15[%swap3A_1589, %swap3A_1590] {strides = array<i32>} : memref<8x128xf32, #tpu.memory_space<vmem>>, vector<1x16xf32>,
    %swap3A_1592 = vector.shape_cast %swap3A_1591 : vector<1x16xf32> to vector<16xf32>
    %swap3A_1593 = vector.shape_cast %div3A_1587 : vector<16xf32> to vector<1x16xf32>
    tpu.vector_store %arg15[%swap3A_1589, %swap3A_1590], %swap3A_1593 {strides = array<i32>} : memref<8x128xf32, #tpu.memory_space<vmem>>, vector<1x16xf32>,
    %get3A_1594 = arith.constant 3 : i32
    %get3A_1595 = arith.index_cast %get3A_1594 : i32 to index
    %get3A_1596 = arith.constant 80 : index
    %get3A_1597 = tpu.vector_load %arg13[%get3A_1595, %get3A_1596] {strides = array<i32>} : memref<8x128xf32, #tpu.memory_space<vmem>>, vector<1x16xf32>,
    %get3A_1598 = vector.shape_cast %get3A_1597 : vector<1x16xf32> to vector<16xf32>
    %add3A_1599 = arith.addf %add3A_784, %get3A_1598 : vector<16xf32>
    %get3A_1600 = arith.constant 3 : i32
    %get3A_1601 = arith.index_cast %get3A_1600 : i32 to index
    %get3A_1602 = arith.constant 80 : index
    %get3A_1603 = tpu.vector_load %arg14[%get3A_1601, %get3A_1602] {strides = array<i32>} : memref<8x128xf32, #tpu.memory_space<vmem>>, vector<1x16xf32>,
    %get3A_1604 = vector.shape_cast %get3A_1603 : vector<1x16xf32> to vector<16xf32>
    %add3A_1605 = arith.addf %add3A_1599, %get3A_1604 : vector<16xf32>
    %neg3A_1606 = arith.constant 0.000000e+00 : f32
    %neg3A_1607 = vector.broadcast %neg3A_1606 : f32 to vector<16xf32>
    %neg3A_1608 = arith.subf %neg3A_1607, %add3A_1605 : vector<16xf32>
    %exp3A_1609 = math.exp %neg3A_1608 : vector<16xf32>
    %add3A_1610 = arith.constant 1.000000e+00 : f32
    %add3A_1611 = vector.broadcast %add3A_1610 : f32 to vector<16xf32>
    %add3A_1612 = arith.addf %add3A_1611, %exp3A_1609 : vector<16xf32>
    %div3A_1613 = arith.constant 1.000000e+00 : f32
    %div3A_1614 = vector.broadcast %div3A_1613 : f32 to vector<16xf32>
    %div3A_1615 = arith.divf %div3A_1614, %add3A_1612 : vector<16xf32>
    %swap3A_1616 = arith.constant 3 : i32
    %swap3A_1617 = arith.index_cast %swap3A_1616 : i32 to index
    %swap3A_1618 = arith.constant 80 : index
    %swap3A_1619 = tpu.vector_load %arg15[%swap3A_1617, %swap3A_1618] {strides = array<i32>} : memref<8x128xf32, #tpu.memory_space<vmem>>, vector<1x16xf32>,
    %swap3A_1620 = vector.shape_cast %swap3A_1619 : vector<1x16xf32> to vector<16xf32>
    %swap3A_1621 = vector.shape_cast %div3A_1615 : vector<16xf32> to vector<1x16xf32>
    tpu.vector_store %arg15[%swap3A_1617, %swap3A_1618], %swap3A_1621 {strides = array<i32>} : memref<8x128xf32, #tpu.memory_space<vmem>>, vector<1x16xf32>,
    %get3A_1622 = arith.constant 3 : i32
    %get3A_1623 = arith.index_cast %get3A_1622 : i32 to index
    %get3A_1624 = arith.constant 96 : index
    %get3A_1625 = tpu.vector_load %arg13[%get3A_1623, %get3A_1624] {strides = array<i32>} : memref<8x128xf32, #tpu.memory_space<vmem>>, vector<1x16xf32>,
    %get3A_1626 = vector.shape_cast %get3A_1625 : vector<1x16xf32> to vector<16xf32>
    %add3A_1627 = arith.addf %add3A_784, %get3A_1626 : vector<16xf32>
    %get3A_1628 = arith.constant 3 : i32
    %get3A_1629 = arith.index_cast %get3A_1628 : i32 to index
    %get3A_1630 = arith.constant 96 : index
    %get3A_1631 = tpu.vector_load %arg14[%get3A_1629, %get3A_1630] {strides = array<i32>} : memref<8x128xf32, #tpu.memory_space<vmem>>, vector<1x16xf32>,
    %get3A_1632 = vector.shape_cast %get3A_1631 : vector<1x16xf32> to vector<16xf32>
    %add3A_1633 = arith.addf %add3A_1627, %get3A_1632 : vector<16xf32>
    %neg3A_1634 = arith.constant 0.000000e+00 : f32
    %neg3A_1635 = vector.broadcast %neg3A_1634 : f32 to vector<16xf32>
    %neg3A_1636 = arith.subf %neg3A_1635, %add3A_1633 : vector<16xf32>
    %exp3A_1637 = math.exp %neg3A_1636 : vector<16xf32>
    %add3A_1638 = arith.constant 1.000000e+00 : f32
    %add3A_1639 = vector.broadcast %add3A_1638 : f32 to vector<16xf32>
    %add3A_1640 = arith.addf %add3A_1639, %exp3A_1637 : vector<16xf32>
    %div3A_1641 = arith.constant 1.000000e+00 : f32
    %div3A_1642 = vector.broadcast %div3A_1641 : f32 to vector<16xf32>
    %div3A_1643 = arith.divf %div3A_1642, %add3A_1640 : vector<16xf32>
    %swap3A_1644 = arith.constant 3 : i32
    %swap3A_1645 = arith.index_cast %swap3A_1644 : i32 to index
    %swap3A_1646 = arith.constant 96 : index
    %swap3A_1647 = tpu.vector_load %arg15[%swap3A_1645, %swap3A_1646] {strides = array<i32>} : memref<8x128xf32, #tpu.memory_space<vmem>>, vector<1x16xf32>,
    %swap3A_1648 = vector.shape_cast %swap3A_1647 : vector<1x16xf32> to vector<16xf32>
    %swap3A_1649 = vector.shape_cast %div3A_1643 : vector<16xf32> to vector<1x16xf32>
    tpu.vector_store %arg15[%swap3A_1645, %swap3A_1646], %swap3A_1649 {strides = array<i32>} : memref<8x128xf32, #tpu.memory_space<vmem>>, vector<1x16xf32>,
    %get3A_1650 = arith.constant 3 : i32
    %get3A_1651 = arith.index_cast %get3A_1650 : i32 to index
    %get3A_1652 = arith.constant 112 : index
    %get3A_1653 = tpu.vector_load %arg13[%get3A_1651, %get3A_1652] {strides = array<i32>} : memref<8x128xf32, #tpu.memory_space<vmem>>, vector<1x16xf32>,
    %get3A_1654 = vector.shape_cast %get3A_1653 : vector<1x16xf32> to vector<16xf32>
    %add3A_1655 = arith.addf %add3A_784, %get3A_1654 : vector<16xf32>
    %get3A_1656 = arith.constant 3 : i32
    %get3A_1657 = arith.index_cast %get3A_1656 : i32 to index
    %get3A_1658 = arith.constant 112 : index
    %get3A_1659 = tpu.vector_load %arg14[%get3A_1657, %get3A_1658] {strides = array<i32>} : memref<8x128xf32, #tpu.memory_space<vmem>>, vector<1x16xf32>,
    %get3A_1660 = vector.shape_cast %get3A_1659 : vector<1x16xf32> to vector<16xf32>
    %add3A_1661 = arith.addf %add3A_1655, %get3A_1660 : vector<16xf32>
    %neg3A_1662 = arith.constant 0.000000e+00 : f32
    %neg3A_1663 = vector.broadcast %neg3A_1662 : f32 to vector<16xf32>
    %neg3A_1664 = arith.subf %neg3A_1663, %add3A_1661 : vector<16xf32>
    %exp3A_1665 = math.exp %neg3A_1664 : vector<16xf32>
    %add3A_1666 = arith.constant 1.000000e+00 : f32
    %add3A_1667 = vector.broadcast %add3A_1666 : f32 to vector<16xf32>
    %add3A_1668 = arith.addf %add3A_1667, %exp3A_1665 : vector<16xf32>
    %div3A_1669 = arith.constant 1.000000e+00 : f32
    %div3A_1670 = vector.broadcast %div3A_1669 : f32 to vector<16xf32>
    %div3A_1671 = arith.divf %div3A_1670, %add3A_1668 : vector<16xf32>
    %swap3A_1672 = arith.constant 3 : i32
    %swap3A_1673 = arith.index_cast %swap3A_1672 : i32 to index
    %swap3A_1674 = arith.constant 112 : index
    %swap3A_1675 = tpu.vector_load %arg15[%swap3A_1673, %swap3A_1674] {strides = array<i32>} : memref<8x128xf32, #tpu.memory_space<vmem>>, vector<1x16xf32>,
    %swap3A_1676 = vector.shape_cast %swap3A_1675 : vector<1x16xf32> to vector<16xf32>
    %swap3A_1677 = vector.shape_cast %div3A_1671 : vector<16xf32> to vector<1x16xf32>
    tpu.vector_store %arg15[%swap3A_1673, %swap3A_1674], %swap3A_1677 {strides = array<i32>} : memref<8x128xf32, #tpu.memory_space<vmem>>, vector<1x16xf32>,
    %get3A_1678 = arith.constant 4 : i32
    %get3A_1679 = arith.index_cast %get3A_1678 : i32 to index
    %get3A_1680 = arith.constant 0 : index
    %get3A_1681 = tpu.vector_load %arg13[%get3A_1679, %get3A_1680] {strides = array<i32>} : memref<8x128xf32, #tpu.memory_space<vmem>>, vector<1x16xf32>,
    %get3A_1682 = vector.shape_cast %get3A_1681 : vector<1x16xf32> to vector<16xf32>
    %add3A_1683 = arith.addf %add3A_784, %get3A_1682 : vector<16xf32>
    %get3A_1684 = arith.constant 4 : i32
    %get3A_1685 = arith.index_cast %get3A_1684 : i32 to index
    %get3A_1686 = arith.constant 0 : index
    %get3A_1687 = tpu.vector_load %arg14[%get3A_1685, %get3A_1686] {strides = array<i32>} : memref<8x128xf32, #tpu.memory_space<vmem>>, vector<1x16xf32>,
    %get3A_1688 = vector.shape_cast %get3A_1687 : vector<1x16xf32> to vector<16xf32>
    %add3A_1689 = arith.addf %add3A_1683, %get3A_1688 : vector<16xf32>
    %neg3A_1690 = arith.constant 0.000000e+00 : f32
    %neg3A_1691 = vector.broadcast %neg3A_1690 : f32 to vector<16xf32>
    %neg3A_1692 = arith.subf %neg3A_1691, %add3A_1689 : vector<16xf32>
    %exp3A_1693 = math.exp %neg3A_1692 : vector<16xf32>
    %add3A_1694 = arith.constant 1.000000e+00 : f32
    %add3A_1695 = vector.broadcast %add3A_1694 : f32 to vector<16xf32>
    %add3A_1696 = arith.addf %add3A_1695, %exp3A_1693 : vector<16xf32>
    %div3A_1697 = arith.constant 1.000000e+00 : f32
    %div3A_1698 = vector.broadcast %div3A_1697 : f32 to vector<16xf32>
    %div3A_1699 = arith.divf %div3A_1698, %add3A_1696 : vector<16xf32>
    %swap3A_1700 = arith.constant 4 : i32
    %swap3A_1701 = arith.index_cast %swap3A_1700 : i32 to index
    %swap3A_1702 = arith.constant 0 : index
    %swap3A_1703 = tpu.vector_load %arg15[%swap3A_1701, %swap3A_1702] {strides = array<i32>} : memref<8x128xf32, #tpu.memory_space<vmem>>, vector<1x16xf32>,
    %swap3A_1704 = vector.shape_cast %swap3A_1703 : vector<1x16xf32> to vector<16xf32>
    %swap3A_1705 = vector.shape_cast %div3A_1699 : vector<16xf32> to vector<1x16xf32>
    tpu.vector_store %arg15[%swap3A_1701, %swap3A_1702], %swap3A_1705 {strides = array<i32>} : memref<8x128xf32, #tpu.memory_space<vmem>>, vector<1x16xf32>,
    %get3A_1706 = arith.constant 4 : i32
    %get3A_1707 = arith.index_cast %get3A_1706 : i32 to index
    %get3A_1708 = arith.constant 16 : index
    %get3A_1709 = tpu.vector_load %arg13[%get3A_1707, %get3A_1708] {strides = array<i32>} : memref<8x128xf32, #tpu.memory_space<vmem>>, vector<1x16xf32>,
    %get3A_1710 = vector.shape_cast %get3A_1709 : vector<1x16xf32> to vector<16xf32>
    %add3A_1711 = arith.addf %add3A_784, %get3A_1710 : vector<16xf32>
    %get3A_1712 = arith.constant 4 : i32
    %get3A_1713 = arith.index_cast %get3A_1712 : i32 to index
    %get3A_1714 = arith.constant 16 : index
    %get3A_1715 = tpu.vector_load %arg14[%get3A_1713, %get3A_1714] {strides = array<i32>} : memref<8x128xf32, #tpu.memory_space<vmem>>, vector<1x16xf32>,
    %get3A_1716 = vector.shape_cast %get3A_1715 : vector<1x16xf32> to vector<16xf32>
    %add3A_1717 = arith.addf %add3A_1711, %get3A_1716 : vector<16xf32>
    %neg3A_1718 = arith.constant 0.000000e+00 : f32
    %neg3A_1719 = vector.broadcast %neg3A_1718 : f32 to vector<16xf32>
    %neg3A_1720 = arith.subf %neg3A_1719, %add3A_1717 : vector<16xf32>
    %exp3A_1721 = math.exp %neg3A_1720 : vector<16xf32>
    %add3A_1722 = arith.constant 1.000000e+00 : f32
    %add3A_1723 = vector.broadcast %add3A_1722 : f32 to vector<16xf32>
    %add3A_1724 = arith.addf %add3A_1723, %exp3A_1721 : vector<16xf32>
    %div3A_1725 = arith.constant 1.000000e+00 : f32
    %div3A_1726 = vector.broadcast %div3A_1725 : f32 to vector<16xf32>
    %div3A_1727 = arith.divf %div3A_1726, %add3A_1724 : vector<16xf32>
    %swap3A_1728 = arith.constant 4 : i32
    %swap3A_1729 = arith.index_cast %swap3A_1728 : i32 to index
    %swap3A_1730 = arith.constant 16 : index
    %swap3A_1731 = tpu.vector_load %arg15[%swap3A_1729, %swap3A_1730] {strides = array<i32>} : memref<8x128xf32, #tpu.memory_space<vmem>>, vector<1x16xf32>,
    %swap3A_1732 = vector.shape_cast %swap3A_1731 : vector<1x16xf32> to vector<16xf32>
    %swap3A_1733 = vector.shape_cast %div3A_1727 : vector<16xf32> to vector<1x16xf32>
    tpu.vector_store %arg15[%swap3A_1729, %swap3A_1730], %swap3A_1733 {strides = array<i32>} : memref<8x128xf32, #tpu.memory_space<vmem>>, vector<1x16xf32>,
    %get3A_1734 = arith.constant 4 : i32
    %get3A_1735 = arith.index_cast %get3A_1734 : i32 to index
    %get3A_1736 = arith.constant 32 : index
    %get3A_1737 = tpu.vector_load %arg13[%get3A_1735, %get3A_1736] {strides = array<i32>} : memref<8x128xf32, #tpu.memory_space<vmem>>, vector<1x16xf32>,
    %get3A_1738 = vector.shape_cast %get3A_1737 : vector<1x16xf32> to vector<16xf32>
    %add3A_1739 = arith.addf %add3A_784, %get3A_1738 : vector<16xf32>
    %get3A_1740 = arith.constant 4 : i32
    %get3A_1741 = arith.index_cast %get3A_1740 : i32 to index
    %get3A_1742 = arith.constant 32 : index
    %get3A_1743 = tpu.vector_load %arg14[%get3A_1741, %get3A_1742] {strides = array<i32>} : memref<8x128xf32, #tpu.memory_space<vmem>>, vector<1x16xf32>,
    %get3A_1744 = vector.shape_cast %get3A_1743 : vector<1x16xf32> to vector<16xf32>
    %add3A_1745 = arith.addf %add3A_1739, %get3A_1744 : vector<16xf32>
    %neg3A_1746 = arith.constant 0.000000e+00 : f32
    %neg3A_1747 = vector.broadcast %neg3A_1746 : f32 to vector<16xf32>
    %neg3A_1748 = arith.subf %neg3A_1747, %add3A_1745 : vector<16xf32>
    %exp3A_1749 = math.exp %neg3A_1748 : vector<16xf32>
    %add3A_1750 = arith.constant 1.000000e+00 : f32
    %add3A_1751 = vector.broadcast %add3A_1750 : f32 to vector<16xf32>
    %add3A_1752 = arith.addf %add3A_1751, %exp3A_1749 : vector<16xf32>
    %div3A_1753 = arith.constant 1.000000e+00 : f32
    %div3A_1754 = vector.broadcast %div3A_1753 : f32 to vector<16xf32>
    %div3A_1755 = arith.divf %div3A_1754, %add3A_1752 : vector<16xf32>
    %swap3A_1756 = arith.constant 4 : i32
    %swap3A_1757 = arith.index_cast %swap3A_1756 : i32 to index
    %swap3A_1758 = arith.constant 32 : index
    %swap3A_1759 = tpu.vector_load %arg15[%swap3A_1757, %swap3A_1758] {strides = array<i32>} : memref<8x128xf32, #tpu.memory_space<vmem>>, vector<1x16xf32>,
    %swap3A_1760 = vector.shape_cast %swap3A_1759 : vector<1x16xf32> to vector<16xf32>
    %swap3A_1761 = vector.shape_cast %div3A_1755 : vector<16xf32> to vector<1x16xf32>
    tpu.vector_store %arg15[%swap3A_1757, %swap3A_1758], %swap3A_1761 {strides = array<i32>} : memref<8x128xf32, #tpu.memory_space<vmem>>, vector<1x16xf32>,
    %get3A_1762 = arith.constant 4 : i32
    %get3A_1763 = arith.index_cast %get3A_1762 : i32 to index
    %get3A_1764 = arith.constant 48 : index
    %get3A_1765 = tpu.vector_load %arg13[%get3A_1763, %get3A_1764] {strides = array<i32>} : memref<8x128xf32, #tpu.memory_space<vmem>>, vector<1x16xf32>,
    %get3A_1766 = vector.shape_cast %get3A_1765 : vector<1x16xf32> to vector<16xf32>
    %add3A_1767 = arith.addf %add3A_784, %get3A_1766 : vector<16xf32>
    %get3A_1768 = arith.constant 4 : i32
    %get3A_1769 = arith.index_cast %get3A_1768 : i32 to index
    %get3A_1770 = arith.constant 48 : index
    %get3A_1771 = tpu.vector_load %arg14[%get3A_1769, %get3A_1770] {strides = array<i32>} : memref<8x128xf32, #tpu.memory_space<vmem>>, vector<1x16xf32>,
    %get3A_1772 = vector.shape_cast %get3A_1771 : vector<1x16xf32> to vector<16xf32>
    %add3A_1773 = arith.addf %add3A_1767, %get3A_1772 : vector<16xf32>
    %neg3A_1774 = arith.constant 0.000000e+00 : f32
    %neg3A_1775 = vector.broadcast %neg3A_1774 : f32 to vector<16xf32>
    %neg3A_1776 = arith.subf %neg3A_1775, %add3A_1773 : vector<16xf32>
    %exp3A_1777 = math.exp %neg3A_1776 : vector<16xf32>
    %add3A_1778 = arith.constant 1.000000e+00 : f32
    %add3A_1779 = vector.broadcast %add3A_1778 : f32 to vector<16xf32>
    %add3A_1780 = arith.addf %add3A_1779, %exp3A_1777 : vector<16xf32>
    %div3A_1781 = arith.constant 1.000000e+00 : f32
    %div3A_1782 = vector.broadcast %div3A_1781 : f32 to vector<16xf32>
    %div3A_1783 = arith.divf %div3A_1782, %add3A_1780 : vector<16xf32>
    %swap3A_1784 = arith.constant 4 : i32
    %swap3A_1785 = arith.index_cast %swap3A_1784 : i32 to index
    %swap3A_1786 = arith.constant 48 : index
    %swap3A_1787 = tpu.vector_load %arg15[%swap3A_1785, %swap3A_1786] {strides = array<i32>} : memref<8x128xf32, #tpu.memory_space<vmem>>, vector<1x16xf32>,
    %swap3A_1788 = vector.shape_cast %swap3A_1787 : vector<1x16xf32> to vector<16xf32>
    %swap3A_1789 = vector.shape_cast %div3A_1783 : vector<16xf32> to vector<1x16xf32>
    tpu.vector_store %arg15[%swap3A_1785, %swap3A_1786], %swap3A_1789 {strides = array<i32>} : memref<8x128xf32, #tpu.memory_space<vmem>>, vector<1x16xf32>,
    %get3A_1790 = arith.constant 4 : i32
    %get3A_1791 = arith.index_cast %get3A_1790 : i32 to index
    %get3A_1792 = arith.constant 64 : index
    %get3A_1793 = tpu.vector_load %arg13[%get3A_1791, %get3A_1792] {strides = array<i32>} : memref<8x128xf32, #tpu.memory_space<vmem>>, vector<1x16xf32>,
    %get3A_1794 = vector.shape_cast %get3A_1793 : vector<1x16xf32> to vector<16xf32>
    %add3A_1795 = arith.addf %add3A_784, %get3A_1794 : vector<16xf32>
    %get3A_1796 = arith.constant 4 : i32
    %get3A_1797 = arith.index_cast %get3A_1796 : i32 to index
    %get3A_1798 = arith.constant 64 : index
    %get3A_1799 = tpu.vector_load %arg14[%get3A_1797, %get3A_1798] {strides = array<i32>} : memref<8x128xf32, #tpu.memory_space<vmem>>, vector<1x16xf32>,
    %get3A_1800 = vector.shape_cast %get3A_1799 : vector<1x16xf32> to vector<16xf32>
    %add3A_1801 = arith.addf %add3A_1795, %get3A_1800 : vector<16xf32>
    %neg3A_1802 = arith.constant 0.000000e+00 : f32
    %neg3A_1803 = vector.broadcast %neg3A_1802 : f32 to vector<16xf32>
    %neg3A_1804 = arith.subf %neg3A_1803, %add3A_1801 : vector<16xf32>
    %exp3A_1805 = math.exp %neg3A_1804 : vector<16xf32>
    %add3A_1806 = arith.constant 1.000000e+00 : f32
    %add3A_1807 = vector.broadcast %add3A_1806 : f32 to vector<16xf32>
    %add3A_1808 = arith.addf %add3A_1807, %exp3A_1805 : vector<16xf32>
    %div3A_1809 = arith.constant 1.000000e+00 : f32
    %div3A_1810 = vector.broadcast %div3A_1809 : f32 to vector<16xf32>
    %div3A_1811 = arith.divf %div3A_1810, %add3A_1808 : vector<16xf32>
    %swap3A_1812 = arith.constant 4 : i32
    %swap3A_1813 = arith.index_cast %swap3A_1812 : i32 to index
    %swap3A_1814 = arith.constant 64 : index
    %swap3A_1815 = tpu.vector_load %arg15[%swap3A_1813, %swap3A_1814] {strides = array<i32>} : memref<8x128xf32, #tpu.memory_space<vmem>>, vector<1x16xf32>,
    %swap3A_1816 = vector.shape_cast %swap3A_1815 : vector<1x16xf32> to vector<16xf32>
    %swap3A_1817 = vector.shape_cast %div3A_1811 : vector<16xf32> to vector<1x16xf32>
    tpu.vector_store %arg15[%swap3A_1813, %swap3A_1814], %swap3A_1817 {strides = array<i32>} : memref<8x128xf32, #tpu.memory_space<vmem>>, vector<1x16xf32>,
    %get3A_1818 = arith.constant 4 : i32
    %get3A_1819 = arith.index_cast %get3A_1818 : i32 to index
    %get3A_1820 = arith.constant 80 : index
    %get3A_1821 = tpu.vector_load %arg13[%get3A_1819, %get3A_1820] {strides = array<i32>} : memref<8x128xf32, #tpu.memory_space<vmem>>, vector<1x16xf32>,
    %get3A_1822 = vector.shape_cast %get3A_1821 : vector<1x16xf32> to vector<16xf32>
    %add3A_1823 = arith.addf %add3A_784, %get3A_1822 : vector<16xf32>
    %get3A_1824 = arith.constant 4 : i32
    %get3A_1825 = arith.index_cast %get3A_1824 : i32 to index
    %get3A_1826 = arith.constant 80 : index
    %get3A_1827 = tpu.vector_load %arg14[%get3A_1825, %get3A_1826] {strides = array<i32>} : memref<8x128xf32, #tpu.memory_space<vmem>>, vector<1x16xf32>,
    %get3A_1828 = vector.shape_cast %get3A_1827 : vector<1x16xf32> to vector<16xf32>
    %add3A_1829 = arith.addf %add3A_1823, %get3A_1828 : vector<16xf32>
    %neg3A_1830 = arith.constant 0.000000e+00 : f32
    %neg3A_1831 = vector.broadcast %neg3A_1830 : f32 to vector<16xf32>
    %neg3A_1832 = arith.subf %neg3A_1831, %add3A_1829 : vector<16xf32>
    %exp3A_1833 = math.exp %neg3A_1832 : vector<16xf32>
    %add3A_1834 = arith.constant 1.000000e+00 : f32
    %add3A_1835 = vector.broadcast %add3A_1834 : f32 to vector<16xf32>
    %add3A_1836 = arith.addf %add3A_1835, %exp3A_1833 : vector<16xf32>
    %div3A_1837 = arith.constant 1.000000e+00 : f32
    %div3A_1838 = vector.broadcast %div3A_1837 : f32 to vector<16xf32>
    %div3A_1839 = arith.divf %div3A_1838, %add3A_1836 : vector<16xf32>
    %swap3A_1840 = arith.constant 4 : i32
    %swap3A_1841 = arith.index_cast %swap3A_1840 : i32 to index
    %swap3A_1842 = arith.constant 80 : index
    %swap3A_1843 = tpu.vector_load %arg15[%swap3A_1841, %swap3A_1842] {strides = array<i32>} : memref<8x128xf32, #tpu.memory_space<vmem>>, vector<1x16xf32>,
    %swap3A_1844 = vector.shape_cast %swap3A_1843 : vector<1x16xf32> to vector<16xf32>
    %swap3A_1845 = vector.shape_cast %div3A_1839 : vector<16xf32> to vector<1x16xf32>
    tpu.vector_store %arg15[%swap3A_1841, %swap3A_1842], %swap3A_1845 {strides = array<i32>} : memref<8x128xf32, #tpu.memory_space<vmem>>, vector<1x16xf32>,
    %get3A_1846 = arith.constant 4 : i32
    %get3A_1847 = arith.index_cast %get3A_1846 : i32 to index
    %get3A_1848 = arith.constant 96 : index
    %get3A_1849 = tpu.vector_load %arg13[%get3A_1847, %get3A_1848] {strides = array<i32>} : memref<8x128xf32, #tpu.memory_space<vmem>>, vector<1x16xf32>,
    %get3A_1850 = vector.shape_cast %get3A_1849 : vector<1x16xf32> to vector<16xf32>
    %add3A_1851 = arith.addf %add3A_784, %get3A_1850 : vector<16xf32>
    %get3A_1852 = arith.constant 4 : i32
    %get3A_1853 = arith.index_cast %get3A_1852 : i32 to index
    %get3A_1854 = arith.constant 96 : index
    %get3A_1855 = tpu.vector_load %arg14[%get3A_1853, %get3A_1854] {strides = array<i32>} : memref<8x128xf32, #tpu.memory_space<vmem>>, vector<1x16xf32>,
    %get3A_1856 = vector.shape_cast %get3A_1855 : vector<1x16xf32> to vector<16xf32>
    %add3A_1857 = arith.addf %add3A_1851, %get3A_1856 : vector<16xf32>
    %neg3A_1858 = arith.constant 0.000000e+00 : f32
    %neg3A_1859 = vector.broadcast %neg3A_1858 : f32 to vector<16xf32>
    %neg3A_1860 = arith.subf %neg3A_1859, %add3A_1857 : vector<16xf32>
    %exp3A_1861 = math.exp %neg3A_1860 : vector<16xf32>
    %add3A_1862 = arith.constant 1.000000e+00 : f32
    %add3A_1863 = vector.broadcast %add3A_1862 : f32 to vector<16xf32>
    %add3A_1864 = arith.addf %add3A_1863, %exp3A_1861 : vector<16xf32>
    %div3A_1865 = arith.constant 1.000000e+00 : f32
    %div3A_1866 = vector.broadcast %div3A_1865 : f32 to vector<16xf32>
    %div3A_1867 = arith.divf %div3A_1866, %add3A_1864 : vector<16xf32>
    %swap3A_1868 = arith.constant 4 : i32
    %swap3A_1869 = arith.index_cast %swap3A_1868 : i32 to index
    %swap3A_1870 = arith.constant 96 : index
    %swap3A_1871 = tpu.vector_load %arg15[%swap3A_1869, %swap3A_1870] {strides = array<i32>} : memref<8x128xf32, #tpu.memory_space<vmem>>, vector<1x16xf32>,
    %swap3A_1872 = vector.shape_cast %swap3A_1871 : vector<1x16xf32> to vector<16xf32>
    %swap3A_1873 = vector.shape_cast %div3A_1867 : vector<16xf32> to vector<1x16xf32>
    tpu.vector_store %arg15[%swap3A_1869, %swap3A_1870], %swap3A_1873 {strides = array<i32>} : memref<8x128xf32, #tpu.memory_space<vmem>>, vector<1x16xf32>,
    %get3A_1874 = arith.constant 4 : i32
    %get3A_1875 = arith.index_cast %get3A_1874 : i32 to index
    %get3A_1876 = arith.constant 112 : index
    %get3A_1877 = tpu.vector_load %arg13[%get3A_1875, %get3A_1876] {strides = array<i32>} : memref<8x128xf32, #tpu.memory_space<vmem>>, vector<1x16xf32>,
    %get3A_1878 = vector.shape_cast %get3A_1877 : vector<1x16xf32> to vector<16xf32>
    %add3A_1879 = arith.addf %add3A_784, %get3A_1878 : vector<16xf32>
    %get3A_1880 = arith.constant 4 : i32
    %get3A_1881 = arith.index_cast %get3A_1880 : i32 to index
    %get3A_1882 = arith.constant 112 : index
    %get3A_1883 = tpu.vector_load %arg14[%get3A_1881, %get3A_1882] {strides = array<i32>} : memref<8x128xf32, #tpu.memory_space<vmem>>, vector<1x16xf32>,
    %get3A_1884 = vector.shape_cast %get3A_1883 : vector<1x16xf32> to vector<16xf32>
    %add3A_1885 = arith.addf %add3A_1879, %get3A_1884 : vector<16xf32>
    %neg3A_1886 = arith.constant 0.000000e+00 : f32
    %neg3A_1887 = vector.broadcast %neg3A_1886 : f32 to vector<16xf32>
    %neg3A_1888 = arith.subf %neg3A_1887, %add3A_1885 : vector<16xf32>
    %exp3A_1889 = math.exp %neg3A_1888 : vector<16xf32>
    %add3A_1890 = arith.constant 1.000000e+00 : f32
    %add3A_1891 = vector.broadcast %add3A_1890 : f32 to vector<16xf32>
    %add3A_1892 = arith.addf %add3A_1891, %exp3A_1889 : vector<16xf32>
    %div3A_1893 = arith.constant 1.000000e+00 : f32
    %div3A_1894 = vector.broadcast %div3A_1893 : f32 to vector<16xf32>
    %div3A_1895 = arith.divf %div3A_1894, %add3A_1892 : vector<16xf32>
    %swap3A_1896 = arith.constant 4 : i32
    %swap3A_1897 = arith.index_cast %swap3A_1896 : i32 to index
    %swap3A_1898 = arith.constant 112 : index
    %swap3A_1899 = tpu.vector_load %arg15[%swap3A_1897, %swap3A_1898] {strides = array<i32>} : memref<8x128xf32, #tpu.memory_space<vmem>>, vector<1x16xf32>,
    %swap3A_1900 = vector.shape_cast %swap3A_1899 : vector<1x16xf32> to vector<16xf32>
    %swap3A_1901 = vector.shape_cast %div3A_1895 : vector<16xf32> to vector<1x16xf32>
    tpu.vector_store %arg15[%swap3A_1897, %swap3A_1898], %swap3A_1901 {strides = array<i32>} : memref<8x128xf32, #tpu.memory_space<vmem>>, vector<1x16xf32>,
    %get3A_1902 = arith.constant 5 : i32
    %get3A_1903 = arith.index_cast %get3A_1902 : i32 to index
    %get3A_1904 = arith.constant 0 : index
    %get3A_1905 = tpu.vector_load %arg13[%get3A_1903, %get3A_1904] {strides = array<i32>} : memref<8x128xf32, #tpu.memory_space<vmem>>, vector<1x16xf32>,
    %get3A_1906 = vector.shape_cast %get3A_1905 : vector<1x16xf32> to vector<16xf32>
    %add3A_1907 = arith.addf %add3A_784, %get3A_1906 : vector<16xf32>
    %get3A_1908 = arith.constant 5 : i32
    %get3A_1909 = arith.index_cast %get3A_1908 : i32 to index
    %get3A_1910 = arith.constant 0 : index
    %get3A_1911 = tpu.vector_load %arg14[%get3A_1909, %get3A_1910] {strides = array<i32>} : memref<8x128xf32, #tpu.memory_space<vmem>>, vector<1x16xf32>,
    %get3A_1912 = vector.shape_cast %get3A_1911 : vector<1x16xf32> to vector<16xf32>
    %add3A_1913 = arith.addf %add3A_1907, %get3A_1912 : vector<16xf32>
    %neg3A_1914 = arith.constant 0.000000e+00 : f32
    %neg3A_1915 = vector.broadcast %neg3A_1914 : f32 to vector<16xf32>
    %neg3A_1916 = arith.subf %neg3A_1915, %add3A_1913 : vector<16xf32>
    %exp3A_1917 = math.exp %neg3A_1916 : vector<16xf32>
    %add3A_1918 = arith.constant 1.000000e+00 : f32
    %add3A_1919 = vector.broadcast %add3A_1918 : f32 to vector<16xf32>
    %add3A_1920 = arith.addf %add3A_1919, %exp3A_1917 : vector<16xf32>
    %div3A_1921 = arith.constant 1.000000e+00 : f32
    %div3A_1922 = vector.broadcast %div3A_1921 : f32 to vector<16xf32>
    %div3A_1923 = arith.divf %div3A_1922, %add3A_1920 : vector<16xf32>
    %swap3A_1924 = arith.constant 5 : i32
    %swap3A_1925 = arith.index_cast %swap3A_1924 : i32 to index
    %swap3A_1926 = arith.constant 0 : index
    %swap3A_1927 = tpu.vector_load %arg15[%swap3A_1925, %swap3A_1926] {strides = array<i32>} : memref<8x128xf32, #tpu.memory_space<vmem>>, vector<1x16xf32>,
    %swap3A_1928 = vector.shape_cast %swap3A_1927 : vector<1x16xf32> to vector<16xf32>
    %swap3A_1929 = vector.shape_cast %div3A_1923 : vector<16xf32> to vector<1x16xf32>
    tpu.vector_store %arg15[%swap3A_1925, %swap3A_1926], %swap3A_1929 {strides = array<i32>} : memref<8x128xf32, #tpu.memory_space<vmem>>, vector<1x16xf32>,
    %get3A_1930 = arith.constant 5 : i32
    %get3A_1931 = arith.index_cast %get3A_1930 : i32 to index
    %get3A_1932 = arith.constant 16 : index
    %get3A_1933 = tpu.vector_load %arg13[%get3A_1931, %get3A_1932] {strides = array<i32>} : memref<8x128xf32, #tpu.memory_space<vmem>>, vector<1x16xf32>,
    %get3A_1934 = vector.shape_cast %get3A_1933 : vector<1x16xf32> to vector<16xf32>
    %add3A_1935 = arith.addf %add3A_784, %get3A_1934 : vector<16xf32>
    %get3A_1936 = arith.constant 5 : i32
    %get3A_1937 = arith.index_cast %get3A_1936 : i32 to index
    %get3A_1938 = arith.constant 16 : index
    %get3A_1939 = tpu.vector_load %arg14[%get3A_1937, %get3A_1938] {strides = array<i32>} : memref<8x128xf32, #tpu.memory_space<vmem>>, vector<1x16xf32>,
    %get3A_1940 = vector.shape_cast %get3A_1939 : vector<1x16xf32> to vector<16xf32>
    %add3A_1941 = arith.addf %add3A_1935, %get3A_1940 : vector<16xf32>
    %neg3A_1942 = arith.constant 0.000000e+00 : f32
    %neg3A_1943 = vector.broadcast %neg3A_1942 : f32 to vector<16xf32>
    %neg3A_1944 = arith.subf %neg3A_1943, %add3A_1941 : vector<16xf32>
    %exp3A_1945 = math.exp %neg3A_1944 : vector<16xf32>
    %add3A_1946 = arith.constant 1.000000e+00 : f32
    %add3A_1947 = vector.broadcast %add3A_1946 : f32 to vector<16xf32>
    %add3A_1948 = arith.addf %add3A_1947, %exp3A_1945 : vector<16xf32>
    %div3A_1949 = arith.constant 1.000000e+00 : f32
    %div3A_1950 = vector.broadcast %div3A_1949 : f32 to vector<16xf32>
    %div3A_1951 = arith.divf %div3A_1950, %add3A_1948 : vector<16xf32>
    %swap3A_1952 = arith.constant 5 : i32
    %swap3A_1953 = arith.index_cast %swap3A_1952 : i32 to index
    %swap3A_1954 = arith.constant 16 : index
    %swap3A_1955 = tpu.vector_load %arg15[%swap3A_1953, %swap3A_1954] {strides = array<i32>} : memref<8x128xf32, #tpu.memory_space<vmem>>, vector<1x16xf32>,
    %swap3A_1956 = vector.shape_cast %swap3A_1955 : vector<1x16xf32> to vector<16xf32>
    %swap3A_1957 = vector.shape_cast %div3A_1951 : vector<16xf32> to vector<1x16xf32>
    tpu.vector_store %arg15[%swap3A_1953, %swap3A_1954], %swap3A_1957 {strides = array<i32>} : memref<8x128xf32, #tpu.memory_space<vmem>>, vector<1x16xf32>,
    %get3A_1958 = arith.constant 5 : i32
    %get3A_1959 = arith.index_cast %get3A_1958 : i32 to index
    %get3A_1960 = arith.constant 32 : index
    %get3A_1961 = tpu.vector_load %arg13[%get3A_1959, %get3A_1960] {strides = array<i32>} : memref<8x128xf32, #tpu.memory_space<vmem>>, vector<1x16xf32>,
    %get3A_1962 = vector.shape_cast %get3A_1961 : vector<1x16xf32> to vector<16xf32>
    %add3A_1963 = arith.addf %add3A_784, %get3A_1962 : vector<16xf32>
    %get3A_1964 = arith.constant 5 : i32
    %get3A_1965 = arith.index_cast %get3A_1964 : i32 to index
    %get3A_1966 = arith.constant 32 : index
    %get3A_1967 = tpu.vector_load %arg14[%get3A_1965, %get3A_1966] {strides = array<i32>} : memref<8x128xf32, #tpu.memory_space<vmem>>, vector<1x16xf32>,
    %get3A_1968 = vector.shape_cast %get3A_1967 : vector<1x16xf32> to vector<16xf32>
    %add3A_1969 = arith.addf %add3A_1963, %get3A_1968 : vector<16xf32>
    %neg3A_1970 = arith.constant 0.000000e+00 : f32
    %neg3A_1971 = vector.broadcast %neg3A_1970 : f32 to vector<16xf32>
    %neg3A_1972 = arith.subf %neg3A_1971, %add3A_1969 : vector<16xf32>
    %exp3A_1973 = math.exp %neg3A_1972 : vector<16xf32>
    %add3A_1974 = arith.constant 1.000000e+00 : f32
    %add3A_1975 = vector.broadcast %add3A_1974 : f32 to vector<16xf32>
    %add3A_1976 = arith.addf %add3A_1975, %exp3A_1973 : vector<16xf32>
    %div3A_1977 = arith.constant 1.000000e+00 : f32
    %div3A_1978 = vector.broadcast %div3A_1977 : f32 to vector<16xf32>
    %div3A_1979 = arith.divf %div3A_1978, %add3A_1976 : vector<16xf32>
    %swap3A_1980 = arith.constant 5 : i32
    %swap3A_1981 = arith.index_cast %swap3A_1980 : i32 to index
    %swap3A_1982 = arith.constant 32 : index
    %swap3A_1983 = tpu.vector_load %arg15[%swap3A_1981, %swap3A_1982] {strides = array<i32>} : memref<8x128xf32, #tpu.memory_space<vmem>>, vector<1x16xf32>,
    %swap3A_1984 = vector.shape_cast %swap3A_1983 : vector<1x16xf32> to vector<16xf32>
    %swap3A_1985 = vector.shape_cast %div3A_1979 : vector<16xf32> to vector<1x16xf32>
    tpu.vector_store %arg15[%swap3A_1981, %swap3A_1982], %swap3A_1985 {strides = array<i32>} : memref<8x128xf32, #tpu.memory_space<vmem>>, vector<1x16xf32>,
    %get3A_1986 = arith.constant 5 : i32
    %get3A_1987 = arith.index_cast %get3A_1986 : i32 to index
    %get3A_1988 = arith.constant 48 : index
    %get3A_1989 = tpu.vector_load %arg13[%get3A_1987, %get3A_1988] {strides = array<i32>} : memref<8x128xf32, #tpu.memory_space<vmem>>, vector<1x16xf32>,
    %get3A_1990 = vector.shape_cast %get3A_1989 : vector<1x16xf32> to vector<16xf32>
    %add3A_1991 = arith.addf %add3A_784, %get3A_1990 : vector<16xf32>
    %get3A_1992 = arith.constant 5 : i32
    %get3A_1993 = arith.index_cast %get3A_1992 : i32 to index
    %get3A_1994 = arith.constant 48 : index
    %get3A_1995 = tpu.vector_load %arg14[%get3A_1993, %get3A_1994] {strides = array<i32>} : memref<8x128xf32, #tpu.memory_space<vmem>>, vector<1x16xf32>,
    %get3A_1996 = vector.shape_cast %get3A_1995 : vector<1x16xf32> to vector<16xf32>
    %add3A_1997 = arith.addf %add3A_1991, %get3A_1996 : vector<16xf32>
    %neg3A_1998 = arith.constant 0.000000e+00 : f32
    %neg3A_1999 = vector.broadcast %neg3A_1998 : f32 to vector<16xf32>
    %neg3A_2000 = arith.subf %neg3A_1999, %add3A_1997 : vector<16xf32>
    %exp3A_2001 = math.exp %neg3A_2000 : vector<16xf32>
    %add3A_2002 = arith.constant 1.000000e+00 : f32
    %add3A_2003 = vector.broadcast %add3A_2002 : f32 to vector<16xf32>
    %add3A_2004 = arith.addf %add3A_2003, %exp3A_2001 : vector<16xf32>
    %div3A_2005 = arith.constant 1.000000e+00 : f32
    %div3A_2006 = vector.broadcast %div3A_2005 : f32 to vector<16xf32>
    %div3A_2007 = arith.divf %div3A_2006, %add3A_2004 : vector<16xf32>
    %swap3A_2008 = arith.constant 5 : i32
    %swap3A_2009 = arith.index_cast %swap3A_2008 : i32 to index
    %swap3A_2010 = arith.constant 48 : index
    %swap3A_2011 = tpu.vector_load %arg15[%swap3A_2009, %swap3A_2010] {strides = array<i32>} : memref<8x128xf32, #tpu.memory_space<vmem>>, vector<1x16xf32>,
    %swap3A_2012 = vector.shape_cast %swap3A_2011 : vector<1x16xf32> to vector<16xf32>
    %swap3A_2013 = vector.shape_cast %div3A_2007 : vector<16xf32> to vector<1x16xf32>
    tpu.vector_store %arg15[%swap3A_2009, %swap3A_2010], %swap3A_2013 {strides = array<i32>} : memref<8x128xf32, #tpu.memory_space<vmem>>, vector<1x16xf32>,
    %get3A_2014 = arith.constant 5 : i32
    %get3A_2015 = arith.index_cast %get3A_2014 : i32 to index
    %get3A_2016 = arith.constant 64 : index
    %get3A_2017 = tpu.vector_load %arg13[%get3A_2015, %get3A_2016] {strides = array<i32>} : memref<8x128xf32, #tpu.memory_space<vmem>>, vector<1x16xf32>,
    %get3A_2018 = vector.shape_cast %get3A_2017 : vector<1x16xf32> to vector<16xf32>
    %add3A_2019 = arith.addf %add3A_784, %get3A_2018 : vector<16xf32>
    %get3A_2020 = arith.constant 5 : i32
    %get3A_2021 = arith.index_cast %get3A_2020 : i32 to index
    %get3A_2022 = arith.constant 64 : index
    %get3A_2023 = tpu.vector_load %arg14[%get3A_2021, %get3A_2022] {strides = array<i32>} : memref<8x128xf32, #tpu.memory_space<vmem>>, vector<1x16xf32>,
    %get3A_2024 = vector.shape_cast %get3A_2023 : vector<1x16xf32> to vector<16xf32>
    %add3A_2025 = arith.addf %add3A_2019, %get3A_2024 : vector<16xf32>
    %neg3A_2026 = arith.constant 0.000000e+00 : f32
    %neg3A_2027 = vector.broadcast %neg3A_2026 : f32 to vector<16xf32>
    %neg3A_2028 = arith.subf %neg3A_2027, %add3A_2025 : vector<16xf32>
    %exp3A_2029 = math.exp %neg3A_2028 : vector<16xf32>
    %add3A_2030 = arith.constant 1.000000e+00 : f32
    %add3A_2031 = vector.broadcast %add3A_2030 : f32 to vector<16xf32>
    %add3A_2032 = arith.addf %add3A_2031, %exp3A_2029 : vector<16xf32>
    %div3A_2033 = arith.constant 1.000000e+00 : f32
    %div3A_2034 = vector.broadcast %div3A_2033 : f32 to vector<16xf32>
    %div3A_2035 = arith.divf %div3A_2034, %add3A_2032 : vector<16xf32>
    %swap3A_2036 = arith.constant 5 : i32
    %swap3A_2037 = arith.index_cast %swap3A_2036 : i32 to index
    %swap3A_2038 = arith.constant 64 : index
    %swap3A_2039 = tpu.vector_load %arg15[%swap3A_2037, %swap3A_2038] {strides = array<i32>} : memref<8x128xf32, #tpu.memory_space<vmem>>, vector<1x16xf32>,
    %swap3A_2040 = vector.shape_cast %swap3A_2039 : vector<1x16xf32> to vector<16xf32>
    %swap3A_2041 = vector.shape_cast %div3A_2035 : vector<16xf32> to vector<1x16xf32>
    tpu.vector_store %arg15[%swap3A_2037, %swap3A_2038], %swap3A_2041 {strides = array<i32>} : memref<8x128xf32, #tpu.memory_space<vmem>>, vector<1x16xf32>,
    %get3A_2042 = arith.constant 5 : i32
    %get3A_2043 = arith.index_cast %get3A_2042 : i32 to index
    %get3A_2044 = arith.constant 80 : index
    %get3A_2045 = tpu.vector_load %arg13[%get3A_2043, %get3A_2044] {strides = array<i32>} : memref<8x128xf32, #tpu.memory_space<vmem>>, vector<1x16xf32>,
    %get3A_2046 = vector.shape_cast %get3A_2045 : vector<1x16xf32> to vector<16xf32>
    %add3A_2047 = arith.addf %add3A_784, %get3A_2046 : vector<16xf32>
    %get3A_2048 = arith.constant 5 : i32
    %get3A_2049 = arith.index_cast %get3A_2048 : i32 to index
    %get3A_2050 = arith.constant 80 : index
    %get3A_2051 = tpu.vector_load %arg14[%get3A_2049, %get3A_2050] {strides = array<i32>} : memref<8x128xf32, #tpu.memory_space<vmem>>, vector<1x16xf32>,
    %get3A_2052 = vector.shape_cast %get3A_2051 : vector<1x16xf32> to vector<16xf32>
    %add3A_2053 = arith.addf %add3A_2047, %get3A_2052 : vector<16xf32>
    %neg3A_2054 = arith.constant 0.000000e+00 : f32
    %neg3A_2055 = vector.broadcast %neg3A_2054 : f32 to vector<16xf32>
    %neg3A_2056 = arith.subf %neg3A_2055, %add3A_2053 : vector<16xf32>
    %exp3A_2057 = math.exp %neg3A_2056 : vector<16xf32>
    %add3A_2058 = arith.constant 1.000000e+00 : f32
    %add3A_2059 = vector.broadcast %add3A_2058 : f32 to vector<16xf32>
    %add3A_2060 = arith.addf %add3A_2059, %exp3A_2057 : vector<16xf32>
    %div3A_2061 = arith.constant 1.000000e+00 : f32
    %div3A_2062 = vector.broadcast %div3A_2061 : f32 to vector<16xf32>
    %div3A_2063 = arith.divf %div3A_2062, %add3A_2060 : vector<16xf32>
    %swap3A_2064 = arith.constant 5 : i32
    %swap3A_2065 = arith.index_cast %swap3A_2064 : i32 to index
    %swap3A_2066 = arith.constant 80 : index
    %swap3A_2067 = tpu.vector_load %arg15[%swap3A_2065, %swap3A_2066] {strides = array<i32>} : memref<8x128xf32, #tpu.memory_space<vmem>>, vector<1x16xf32>,
    %swap3A_2068 = vector.shape_cast %swap3A_2067 : vector<1x16xf32> to vector<16xf32>
    %swap3A_2069 = vector.shape_cast %div3A_2063 : vector<16xf32> to vector<1x16xf32>
    tpu.vector_store %arg15[%swap3A_2065, %swap3A_2066], %swap3A_2069 {strides = array<i32>} : memref<8x128xf32, #tpu.memory_space<vmem>>, vector<1x16xf32>,
    %get3A_2070 = arith.constant 5 : i32
    %get3A_2071 = arith.index_cast %get3A_2070 : i32 to index
    %get3A_2072 = arith.constant 96 : index
    %get3A_2073 = tpu.vector_load %arg13[%get3A_2071, %get3A_2072] {strides = array<i32>} : memref<8x128xf32, #tpu.memory_space<vmem>>, vector<1x16xf32>,
    %get3A_2074 = vector.shape_cast %get3A_2073 : vector<1x16xf32> to vector<16xf32>
    %add3A_2075 = arith.addf %add3A_784, %get3A_2074 : vector<16xf32>
    %get3A_2076 = arith.constant 5 : i32
    %get3A_2077 = arith.index_cast %get3A_2076 : i32 to index
    %get3A_2078 = arith.constant 96 : index
    %get3A_2079 = tpu.vector_load %arg14[%get3A_2077, %get3A_2078] {strides = array<i32>} : memref<8x128xf32, #tpu.memory_space<vmem>>, vector<1x16xf32>,
    %get3A_2080 = vector.shape_cast %get3A_2079 : vector<1x16xf32> to vector<16xf32>
    %add3A_2081 = arith.addf %add3A_2075, %get3A_2080 : vector<16xf32>
    %neg3A_2082 = arith.constant 0.000000e+00 : f32
    %neg3A_2083 = vector.broadcast %neg3A_2082 : f32 to vector<16xf32>
    %neg3A_2084 = arith.subf %neg3A_2083, %add3A_2081 : vector<16xf32>
    %exp3A_2085 = math.exp %neg3A_2084 : vector<16xf32>
    %add3A_2086 = arith.constant 1.000000e+00 : f32
    %add3A_2087 = vector.broadcast %add3A_2086 : f32 to vector<16xf32>
    %add3A_2088 = arith.addf %add3A_2087, %exp3A_2085 : vector<16xf32>
    %div3A_2089 = arith.constant 1.000000e+00 : f32
    %div3A_2090 = vector.broadcast %div3A_2089 : f32 to vector<16xf32>
    %div3A_2091 = arith.divf %div3A_2090, %add3A_2088 : vector<16xf32>
    %swap3A_2092 = arith.constant 5 : i32
    %swap3A_2093 = arith.index_cast %swap3A_2092 : i32 to index
    %swap3A_2094 = arith.constant 96 : index
    %swap3A_2095 = tpu.vector_load %arg15[%swap3A_2093, %swap3A_2094] {strides = array<i32>} : memref<8x128xf32, #tpu.memory_space<vmem>>, vector<1x16xf32>,
    %swap3A_2096 = vector.shape_cast %swap3A_2095 : vector<1x16xf32> to vector<16xf32>
    %swap3A_2097 = vector.shape_cast %div3A_2091 : vector<16xf32> to vector<1x16xf32>
    tpu.vector_store %arg15[%swap3A_2093, %swap3A_2094], %swap3A_2097 {strides = array<i32>} : memref<8x128xf32, #tpu.memory_space<vmem>>, vector<1x16xf32>,
    %get3A_2098 = arith.constant 5 : i32
    %get3A_2099 = arith.index_cast %get3A_2098 : i32 to index
    %get3A_2100 = arith.constant 112 : index
    %get3A_2101 = tpu.vector_load %arg13[%get3A_2099, %get3A_2100] {strides = array<i32>} : memref<8x128xf32, #tpu.memory_space<vmem>>, vector<1x16xf32>,
    %get3A_2102 = vector.shape_cast %get3A_2101 : vector<1x16xf32> to vector<16xf32>
    %add3A_2103 = arith.addf %add3A_784, %get3A_2102 : vector<16xf32>
    %get3A_2104 = arith.constant 5 : i32
    %get3A_2105 = arith.index_cast %get3A_2104 : i32 to index
    %get3A_2106 = arith.constant 112 : index
    %get3A_2107 = tpu.vector_load %arg14[%get3A_2105, %get3A_2106] {strides = array<i32>} : memref<8x128xf32, #tpu.memory_space<vmem>>, vector<1x16xf32>,
    %get3A_2108 = vector.shape_cast %get3A_2107 : vector<1x16xf32> to vector<16xf32>
    %add3A_2109 = arith.addf %add3A_2103, %get3A_2108 : vector<16xf32>
    %neg3A_2110 = arith.constant 0.000000e+00 : f32
    %neg3A_2111 = vector.broadcast %neg3A_2110 : f32 to vector<16xf32>
    %neg3A_2112 = arith.subf %neg3A_2111, %add3A_2109 : vector<16xf32>
    %exp3A_2113 = math.exp %neg3A_2112 : vector<16xf32>
    %add3A_2114 = arith.constant 1.000000e+00 : f32
    %add3A_2115 = vector.broadcast %add3A_2114 : f32 to vector<16xf32>
    %add3A_2116 = arith.addf %add3A_2115, %exp3A_2113 : vector<16xf32>
    %div3A_2117 = arith.constant 1.000000e+00 : f32
    %div3A_2118 = vector.broadcast %div3A_2117 : f32 to vector<16xf32>
    %div3A_2119 = arith.divf %div3A_2118, %add3A_2116 : vector<16xf32>
    %swap3A_2120 = arith.constant 5 : i32
    %swap3A_2121 = arith.index_cast %swap3A_2120 : i32 to index
    %swap3A_2122 = arith.constant 112 : index
    %swap3A_2123 = tpu.vector_load %arg15[%swap3A_2121, %swap3A_2122] {strides = array<i32>} : memref<8x128xf32, #tpu.memory_space<vmem>>, vector<1x16xf32>,
    %swap3A_2124 = vector.shape_cast %swap3A_2123 : vector<1x16xf32> to vector<16xf32>
    %swap3A_2125 = vector.shape_cast %div3A_2119 : vector<16xf32> to vector<1x16xf32>
    tpu.vector_store %arg15[%swap3A_2121, %swap3A_2122], %swap3A_2125 {strides = array<i32>} : memref<8x128xf32, #tpu.memory_space<vmem>>, vector<1x16xf32>,
    %get3A_2126 = arith.constant 6 : i32
    %get3A_2127 = arith.index_cast %get3A_2126 : i32 to index
    %get3A_2128 = arith.constant 0 : index
    %get3A_2129 = tpu.vector_load %arg13[%get3A_2127, %get3A_2128] {strides = array<i32>} : memref<8x128xf32, #tpu.memory_space<vmem>>, vector<1x16xf32>,
    %get3A_2130 = vector.shape_cast %get3A_2129 : vector<1x16xf32> to vector<16xf32>
    %add3A_2131 = arith.addf %add3A_784, %get3A_2130 : vector<16xf32>
    %get3A_2132 = arith.constant 6 : i32
    %get3A_2133 = arith.index_cast %get3A_2132 : i32 to index
    %get3A_2134 = arith.constant 0 : index
    %get3A_2135 = tpu.vector_load %arg14[%get3A_2133, %get3A_2134] {strides = array<i32>} : memref<8x128xf32, #tpu.memory_space<vmem>>, vector<1x16xf32>,
    %get3A_2136 = vector.shape_cast %get3A_2135 : vector<1x16xf32> to vector<16xf32>
    %add3A_2137 = arith.addf %add3A_2131, %get3A_2136 : vector<16xf32>
    %neg3A_2138 = arith.constant 0.000000e+00 : f32
    %neg3A_2139 = vector.broadcast %neg3A_2138 : f32 to vector<16xf32>
    %neg3A_2140 = arith.subf %neg3A_2139, %add3A_2137 : vector<16xf32>
    %exp3A_2141 = math.exp %neg3A_2140 : vector<16xf32>
    %add3A_2142 = arith.constant 1.000000e+00 : f32
    %add3A_2143 = vector.broadcast %add3A_2142 : f32 to vector<16xf32>
    %add3A_2144 = arith.addf %add3A_2143, %exp3A_2141 : vector<16xf32>
    %div3A_2145 = arith.constant 1.000000e+00 : f32
    %div3A_2146 = vector.broadcast %div3A_2145 : f32 to vector<16xf32>
    %div3A_2147 = arith.divf %div3A_2146, %add3A_2144 : vector<16xf32>
    %swap3A_2148 = arith.constant 6 : i32
    %swap3A_2149 = arith.index_cast %swap3A_2148 : i32 to index
    %swap3A_2150 = arith.constant 0 : index
    %swap3A_2151 = tpu.vector_load %arg15[%swap3A_2149, %swap3A_2150] {strides = array<i32>} : memref<8x128xf32, #tpu.memory_space<vmem>>, vector<1x16xf32>,
    %swap3A_2152 = vector.shape_cast %swap3A_2151 : vector<1x16xf32> to vector<16xf32>
    %swap3A_2153 = vector.shape_cast %div3A_2147 : vector<16xf32> to vector<1x16xf32>
    tpu.vector_store %arg15[%swap3A_2149, %swap3A_2150], %swap3A_2153 {strides = array<i32>} : memref<8x128xf32, #tpu.memory_space<vmem>>, vector<1x16xf32>,
    %get3A_2154 = arith.constant 6 : i32
    %get3A_2155 = arith.index_cast %get3A_2154 : i32 to index
    %get3A_2156 = arith.constant 16 : index
    %get3A_2157 = tpu.vector_load %arg13[%get3A_2155, %get3A_2156] {strides = array<i32>} : memref<8x128xf32, #tpu.memory_space<vmem>>, vector<1x16xf32>,
    %get3A_2158 = vector.shape_cast %get3A_2157 : vector<1x16xf32> to vector<16xf32>
    %add3A_2159 = arith.addf %add3A_784, %get3A_2158 : vector<16xf32>
    %get3A_2160 = arith.constant 6 : i32
    %get3A_2161 = arith.index_cast %get3A_2160 : i32 to index
    %get3A_2162 = arith.constant 16 : index
    %get3A_2163 = tpu.vector_load %arg14[%get3A_2161, %get3A_2162] {strides = array<i32>} : memref<8x128xf32, #tpu.memory_space<vmem>>, vector<1x16xf32>,
    %get3A_2164 = vector.shape_cast %get3A_2163 : vector<1x16xf32> to vector<16xf32>
    %add3A_2165 = arith.addf %add3A_2159, %get3A_2164 : vector<16xf32>
    %neg3A_2166 = arith.constant 0.000000e+00 : f32
    %neg3A_2167 = vector.broadcast %neg3A_2166 : f32 to vector<16xf32>
    %neg3A_2168 = arith.subf %neg3A_2167, %add3A_2165 : vector<16xf32>
    %exp3A_2169 = math.exp %neg3A_2168 : vector<16xf32>
    %add3A_2170 = arith.constant 1.000000e+00 : f32
    %add3A_2171 = vector.broadcast %add3A_2170 : f32 to vector<16xf32>
    %add3A_2172 = arith.addf %add3A_2171, %exp3A_2169 : vector<16xf32>
    %div3A_2173 = arith.constant 1.000000e+00 : f32
    %div3A_2174 = vector.broadcast %div3A_2173 : f32 to vector<16xf32>
    %div3A_2175 = arith.divf %div3A_2174, %add3A_2172 : vector<16xf32>
    %swap3A_2176 = arith.constant 6 : i32
    %swap3A_2177 = arith.index_cast %swap3A_2176 : i32 to index
    %swap3A_2178 = arith.constant 16 : index
    %swap3A_2179 = tpu.vector_load %arg15[%swap3A_2177, %swap3A_2178] {strides = array<i32>} : memref<8x128xf32, #tpu.memory_space<vmem>>, vector<1x16xf32>,
    %swap3A_2180 = vector.shape_cast %swap3A_2179 : vector<1x16xf32> to vector<16xf32>
    %swap3A_2181 = vector.shape_cast %div3A_2175 : vector<16xf32> to vector<1x16xf32>
    tpu.vector_store %arg15[%swap3A_2177, %swap3A_2178], %swap3A_2181 {strides = array<i32>} : memref<8x128xf32, #tpu.memory_space<vmem>>, vector<1x16xf32>,
    %get3A_2182 = arith.constant 6 : i32
    %get3A_2183 = arith.index_cast %get3A_2182 : i32 to index
    %get3A_2184 = arith.constant 32 : index
    %get3A_2185 = tpu.vector_load %arg13[%get3A_2183, %get3A_2184] {strides = array<i32>} : memref<8x128xf32, #tpu.memory_space<vmem>>, vector<1x16xf32>,
    %get3A_2186 = vector.shape_cast %get3A_2185 : vector<1x16xf32> to vector<16xf32>
    %add3A_2187 = arith.addf %add3A_784, %get3A_2186 : vector<16xf32>
    %get3A_2188 = arith.constant 6 : i32
    %get3A_2189 = arith.index_cast %get3A_2188 : i32 to index
    %get3A_2190 = arith.constant 32 : index
    %get3A_2191 = tpu.vector_load %arg14[%get3A_2189, %get3A_2190] {strides = array<i32>} : memref<8x128xf32, #tpu.memory_space<vmem>>, vector<1x16xf32>,
    %get3A_2192 = vector.shape_cast %get3A_2191 : vector<1x16xf32> to vector<16xf32>
    %add3A_2193 = arith.addf %add3A_2187, %get3A_2192 : vector<16xf32>
    %neg3A_2194 = arith.constant 0.000000e+00 : f32
    %neg3A_2195 = vector.broadcast %neg3A_2194 : f32 to vector<16xf32>
    %neg3A_2196 = arith.subf %neg3A_2195, %add3A_2193 : vector<16xf32>
    %exp3A_2197 = math.exp %neg3A_2196 : vector<16xf32>
    %add3A_2198 = arith.constant 1.000000e+00 : f32
    %add3A_2199 = vector.broadcast %add3A_2198 : f32 to vector<16xf32>
    %add3A_2200 = arith.addf %add3A_2199, %exp3A_2197 : vector<16xf32>
    %div3A_2201 = arith.constant 1.000000e+00 : f32
    %div3A_2202 = vector.broadcast %div3A_2201 : f32 to vector<16xf32>
    %div3A_2203 = arith.divf %div3A_2202, %add3A_2200 : vector<16xf32>
    %swap3A_2204 = arith.constant 6 : i32
    %swap3A_2205 = arith.index_cast %swap3A_2204 : i32 to index
    %swap3A_2206 = arith.constant 32 : index
    %swap3A_2207 = tpu.vector_load %arg15[%swap3A_2205, %swap3A_2206] {strides = array<i32>} : memref<8x128xf32, #tpu.memory_space<vmem>>, vector<1x16xf32>,
    %swap3A_2208 = vector.shape_cast %swap3A_2207 : vector<1x16xf32> to vector<16xf32>
    %swap3A_2209 = vector.shape_cast %div3A_2203 : vector<16xf32> to vector<1x16xf32>
    tpu.vector_store %arg15[%swap3A_2205, %swap3A_2206], %swap3A_2209 {strides = array<i32>} : memref<8x128xf32, #tpu.memory_space<vmem>>, vector<1x16xf32>,
    %get3A_2210 = arith.constant 6 : i32
    %get3A_2211 = arith.index_cast %get3A_2210 : i32 to index
    %get3A_2212 = arith.constant 48 : index
    %get3A_2213 = tpu.vector_load %arg13[%get3A_2211, %get3A_2212] {strides = array<i32>} : memref<8x128xf32, #tpu.memory_space<vmem>>, vector<1x16xf32>,
    %get3A_2214 = vector.shape_cast %get3A_2213 : vector<1x16xf32> to vector<16xf32>
    %add3A_2215 = arith.addf %add3A_784, %get3A_2214 : vector<16xf32>
    %get3A_2216 = arith.constant 6 : i32
    %get3A_2217 = arith.index_cast %get3A_2216 : i32 to index
    %get3A_2218 = arith.constant 48 : index
    %get3A_2219 = tpu.vector_load %arg14[%get3A_2217, %get3A_2218] {strides = array<i32>} : memref<8x128xf32, #tpu.memory_space<vmem>>, vector<1x16xf32>,
    %get3A_2220 = vector.shape_cast %get3A_2219 : vector<1x16xf32> to vector<16xf32>
    %add3A_2221 = arith.addf %add3A_2215, %get3A_2220 : vector<16xf32>
    %neg3A_2222 = arith.constant 0.000000e+00 : f32
    %neg3A_2223 = vector.broadcast %neg3A_2222 : f32 to vector<16xf32>
    %neg3A_2224 = arith.subf %neg3A_2223, %add3A_2221 : vector<16xf32>
    %exp3A_2225 = math.exp %neg3A_2224 : vector<16xf32>
    %add3A_2226 = arith.constant 1.000000e+00 : f32
    %add3A_2227 = vector.broadcast %add3A_2226 : f32 to vector<16xf32>
    %add3A_2228 = arith.addf %add3A_2227, %exp3A_2225 : vector<16xf32>
    %div3A_2229 = arith.constant 1.000000e+00 : f32
    %div3A_2230 = vector.broadcast %div3A_2229 : f32 to vector<16xf32>
    %div3A_2231 = arith.divf %div3A_2230, %add3A_2228 : vector<16xf32>
    %swap3A_2232 = arith.constant 6 : i32
    %swap3A_2233 = arith.index_cast %swap3A_2232 : i32 to index
    %swap3A_2234 = arith.constant 48 : index
    %swap3A_2235 = tpu.vector_load %arg15[%swap3A_2233, %swap3A_2234] {strides = array<i32>} : memref<8x128xf32, #tpu.memory_space<vmem>>, vector<1x16xf32>,
    %swap3A_2236 = vector.shape_cast %swap3A_2235 : vector<1x16xf32> to vector<16xf32>
    %swap3A_2237 = vector.shape_cast %div3A_2231 : vector<16xf32> to vector<1x16xf32>
    tpu.vector_store %arg15[%swap3A_2233, %swap3A_2234], %swap3A_2237 {strides = array<i32>} : memref<8x128xf32, #tpu.memory_space<vmem>>, vector<1x16xf32>,
    %get3A_2238 = arith.constant 6 : i32
    %get3A_2239 = arith.index_cast %get3A_2238 : i32 to index
    %get3A_2240 = arith.constant 64 : index
    %get3A_2241 = tpu.vector_load %arg13[%get3A_2239, %get3A_2240] {strides = array<i32>} : memref<8x128xf32, #tpu.memory_space<vmem>>, vector<1x16xf32>,
    %get3A_2242 = vector.shape_cast %get3A_2241 : vector<1x16xf32> to vector<16xf32>
    %add3A_2243 = arith.addf %add3A_784, %get3A_2242 : vector<16xf32>
    %get3A_2244 = arith.constant 6 : i32
    %get3A_2245 = arith.index_cast %get3A_2244 : i32 to index
    %get3A_2246 = arith.constant 64 : index
    %get3A_2247 = tpu.vector_load %arg14[%get3A_2245, %get3A_2246] {strides = array<i32>} : memref<8x128xf32, #tpu.memory_space<vmem>>, vector<1x16xf32>,
    %get3A_2248 = vector.shape_cast %get3A_2247 : vector<1x16xf32> to vector<16xf32>
    %add3A_2249 = arith.addf %add3A_2243, %get3A_2248 : vector<16xf32>
    %neg3A_2250 = arith.constant 0.000000e+00 : f32
    %neg3A_2251 = vector.broadcast %neg3A_2250 : f32 to vector<16xf32>
    %neg3A_2252 = arith.subf %neg3A_2251, %add3A_2249 : vector<16xf32>
    %exp3A_2253 = math.exp %neg3A_2252 : vector<16xf32>
    %add3A_2254 = arith.constant 1.000000e+00 : f32
    %add3A_2255 = vector.broadcast %add3A_2254 : f32 to vector<16xf32>
    %add3A_2256 = arith.addf %add3A_2255, %exp3A_2253 : vector<16xf32>
    %div3A_2257 = arith.constant 1.000000e+00 : f32
    %div3A_2258 = vector.broadcast %div3A_2257 : f32 to vector<16xf32>
    %div3A_2259 = arith.divf %div3A_2258, %add3A_2256 : vector<16xf32>
    %swap3A_2260 = arith.constant 6 : i32
    %swap3A_2261 = arith.index_cast %swap3A_2260 : i32 to index
    %swap3A_2262 = arith.constant 64 : index
    %swap3A_2263 = tpu.vector_load %arg15[%swap3A_2261, %swap3A_2262] {strides = array<i32>} : memref<8x128xf32, #tpu.memory_space<vmem>>, vector<1x16xf32>,
    %swap3A_2264 = vector.shape_cast %swap3A_2263 : vector<1x16xf32> to vector<16xf32>
    %swap3A_2265 = vector.shape_cast %div3A_2259 : vector<16xf32> to vector<1x16xf32>
    tpu.vector_store %arg15[%swap3A_2261, %swap3A_2262], %swap3A_2265 {strides = array<i32>} : memref<8x128xf32, #tpu.memory_space<vmem>>, vector<1x16xf32>,
    %get3A_2266 = arith.constant 6 : i32
    %get3A_2267 = arith.index_cast %get3A_2266 : i32 to index
    %get3A_2268 = arith.constant 80 : index
    %get3A_2269 = tpu.vector_load %arg13[%get3A_2267, %get3A_2268] {strides = array<i32>} : memref<8x128xf32, #tpu.memory_space<vmem>>, vector<1x16xf32>,
    %get3A_2270 = vector.shape_cast %get3A_2269 : vector<1x16xf32> to vector<16xf32>
    %add3A_2271 = arith.addf %add3A_784, %get3A_2270 : vector<16xf32>
    %get3A_2272 = arith.constant 6 : i32
    %get3A_2273 = arith.index_cast %get3A_2272 : i32 to index
    %get3A_2274 = arith.constant 80 : index
    %get3A_2275 = tpu.vector_load %arg14[%get3A_2273, %get3A_2274] {strides = array<i32>} : memref<8x128xf32, #tpu.memory_space<vmem>>, vector<1x16xf32>,
    %get3A_2276 = vector.shape_cast %get3A_2275 : vector<1x16xf32> to vector<16xf32>
    %add3A_2277 = arith.addf %add3A_2271, %get3A_2276 : vector<16xf32>
    %neg3A_2278 = arith.constant 0.000000e+00 : f32
    %neg3A_2279 = vector.broadcast %neg3A_2278 : f32 to vector<16xf32>
    %neg3A_2280 = arith.subf %neg3A_2279, %add3A_2277 : vector<16xf32>
    %exp3A_2281 = math.exp %neg3A_2280 : vector<16xf32>
    %add3A_2282 = arith.constant 1.000000e+00 : f32
    %add3A_2283 = vector.broadcast %add3A_2282 : f32 to vector<16xf32>
    %add3A_2284 = arith.addf %add3A_2283, %exp3A_2281 : vector<16xf32>
    %div3A_2285 = arith.constant 1.000000e+00 : f32
    %div3A_2286 = vector.broadcast %div3A_2285 : f32 to vector<16xf32>
    %div3A_2287 = arith.divf %div3A_2286, %add3A_2284 : vector<16xf32>
    %swap3A_2288 = arith.constant 6 : i32
    %swap3A_2289 = arith.index_cast %swap3A_2288 : i32 to index
    %swap3A_2290 = arith.constant 80 : index
    %swap3A_2291 = tpu.vector_load %arg15[%swap3A_2289, %swap3A_2290] {strides = array<i32>} : memref<8x128xf32, #tpu.memory_space<vmem>>, vector<1x16xf32>,
    %swap3A_2292 = vector.shape_cast %swap3A_2291 : vector<1x16xf32> to vector<16xf32>
    %swap3A_2293 = vector.shape_cast %div3A_2287 : vector<16xf32> to vector<1x16xf32>
    tpu.vector_store %arg15[%swap3A_2289, %swap3A_2290], %swap3A_2293 {strides = array<i32>} : memref<8x128xf32, #tpu.memory_space<vmem>>, vector<1x16xf32>,
    %get3A_2294 = arith.constant 6 : i32
    %get3A_2295 = arith.index_cast %get3A_2294 : i32 to index
    %get3A_2296 = arith.constant 96 : index
    %get3A_2297 = tpu.vector_load %arg13[%get3A_2295, %get3A_2296] {strides = array<i32>} : memref<8x128xf32, #tpu.memory_space<vmem>>, vector<1x16xf32>,
    %get3A_2298 = vector.shape_cast %get3A_2297 : vector<1x16xf32> to vector<16xf32>
    %add3A_2299 = arith.addf %add3A_784, %get3A_2298 : vector<16xf32>
    %get3A_2300 = arith.constant 6 : i32
    %get3A_2301 = arith.index_cast %get3A_2300 : i32 to index
    %get3A_2302 = arith.constant 96 : index
    %get3A_2303 = tpu.vector_load %arg14[%get3A_2301, %get3A_2302] {strides = array<i32>} : memref<8x128xf32, #tpu.memory_space<vmem>>, vector<1x16xf32>,
    %get3A_2304 = vector.shape_cast %get3A_2303 : vector<1x16xf32> to vector<16xf32>
    %add3A_2305 = arith.addf %add3A_2299, %get3A_2304 : vector<16xf32>
    %neg3A_2306 = arith.constant 0.000000e+00 : f32
    %neg3A_2307 = vector.broadcast %neg3A_2306 : f32 to vector<16xf32>
    %neg3A_2308 = arith.subf %neg3A_2307, %add3A_2305 : vector<16xf32>
    %exp3A_2309 = math.exp %neg3A_2308 : vector<16xf32>
    %add3A_2310 = arith.constant 1.000000e+00 : f32
    %add3A_2311 = vector.broadcast %add3A_2310 : f32 to vector<16xf32>
    %add3A_2312 = arith.addf %add3A_2311, %exp3A_2309 : vector<16xf32>
    %div3A_2313 = arith.constant 1.000000e+00 : f32
    %div3A_2314 = vector.broadcast %div3A_2313 : f32 to vector<16xf32>
    %div3A_2315 = arith.divf %div3A_2314, %add3A_2312 : vector<16xf32>
    %swap3A_2316 = arith.constant 6 : i32
    %swap3A_2317 = arith.index_cast %swap3A_2316 : i32 to index
    %swap3A_2318 = arith.constant 96 : index
    %swap3A_2319 = tpu.vector_load %arg15[%swap3A_2317, %swap3A_2318] {strides = array<i32>} : memref<8x128xf32, #tpu.memory_space<vmem>>, vector<1x16xf32>,
    %swap3A_2320 = vector.shape_cast %swap3A_2319 : vector<1x16xf32> to vector<16xf32>
    %swap3A_2321 = vector.shape_cast %div3A_2315 : vector<16xf32> to vector<1x16xf32>
    tpu.vector_store %arg15[%swap3A_2317, %swap3A_2318], %swap3A_2321 {strides = array<i32>} : memref<8x128xf32, #tpu.memory_space<vmem>>, vector<1x16xf32>,
    %get3A_2322 = arith.constant 6 : i32
    %get3A_2323 = arith.index_cast %get3A_2322 : i32 to index
    %get3A_2324 = arith.constant 112 : index
    %get3A_2325 = tpu.vector_load %arg13[%get3A_2323, %get3A_2324] {strides = array<i32>} : memref<8x128xf32, #tpu.memory_space<vmem>>, vector<1x16xf32>,
    %get3A_2326 = vector.shape_cast %get3A_2325 : vector<1x16xf32> to vector<16xf32>
    %add3A_2327 = arith.addf %add3A_784, %get3A_2326 : vector<16xf32>
    %get3A_2328 = arith.constant 6 : i32
    %get3A_2329 = arith.index_cast %get3A_2328 : i32 to index
    %get3A_2330 = arith.constant 112 : index
    %get3A_2331 = tpu.vector_load %arg14[%get3A_2329, %get3A_2330] {strides = array<i32>} : memref<8x128xf32, #tpu.memory_space<vmem>>, vector<1x16xf32>,
    %get3A_2332 = vector.shape_cast %get3A_2331 : vector<1x16xf32> to vector<16xf32>
    %add3A_2333 = arith.addf %add3A_2327, %get3A_2332 : vector<16xf32>
    %neg3A_2334 = arith.constant 0.000000e+00 : f32
    %neg3A_2335 = vector.broadcast %neg3A_2334 : f32 to vector<16xf32>
    %neg3A_2336 = arith.subf %neg3A_2335, %add3A_2333 : vector<16xf32>
    %exp3A_2337 = math.exp %neg3A_2336 : vector<16xf32>
    %add3A_2338 = arith.constant 1.000000e+00 : f32
    %add3A_2339 = vector.broadcast %add3A_2338 : f32 to vector<16xf32>
    %add3A_2340 = arith.addf %add3A_2339, %exp3A_2337 : vector<16xf32>
    %div3A_2341 = arith.constant 1.000000e+00 : f32
    %div3A_2342 = vector.broadcast %div3A_2341 : f32 to vector<16xf32>
    %div3A_2343 = arith.divf %div3A_2342, %add3A_2340 : vector<16xf32>
    %swap3A_2344 = arith.constant 6 : i32
    %swap3A_2345 = arith.index_cast %swap3A_2344 : i32 to index
    %swap3A_2346 = arith.constant 112 : index
    %swap3A_2347 = tpu.vector_load %arg15[%swap3A_2345, %swap3A_2346] {strides = array<i32>} : memref<8x128xf32, #tpu.memory_space<vmem>>, vector<1x16xf32>,
    %swap3A_2348 = vector.shape_cast %swap3A_2347 : vector<1x16xf32> to vector<16xf32>
    %swap3A_2349 = vector.shape_cast %div3A_2343 : vector<16xf32> to vector<1x16xf32>
    tpu.vector_store %arg15[%swap3A_2345, %swap3A_2346], %swap3A_2349 {strides = array<i32>} : memref<8x128xf32, #tpu.memory_space<vmem>>, vector<1x16xf32>,
    %get3A_2350 = arith.constant 7 : i32
    %get3A_2351 = arith.index_cast %get3A_2350 : i32 to index
    %get3A_2352 = arith.constant 0 : index
    %get3A_2353 = tpu.vector_load %arg13[%get3A_2351, %get3A_2352] {strides = array<i32>} : memref<8x128xf32, #tpu.memory_space<vmem>>, vector<1x16xf32>,
    %get3A_2354 = vector.shape_cast %get3A_2353 : vector<1x16xf32> to vector<16xf32>
    %add3A_2355 = arith.addf %add3A_784, %get3A_2354 : vector<16xf32>
    %get3A_2356 = arith.constant 7 : i32
    %get3A_2357 = arith.index_cast %get3A_2356 : i32 to index
    %get3A_2358 = arith.constant 0 : index
    %get3A_2359 = tpu.vector_load %arg14[%get3A_2357, %get3A_2358] {strides = array<i32>} : memref<8x128xf32, #tpu.memory_space<vmem>>, vector<1x16xf32>,
    %get3A_2360 = vector.shape_cast %get3A_2359 : vector<1x16xf32> to vector<16xf32>
    %add3A_2361 = arith.addf %add3A_2355, %get3A_2360 : vector<16xf32>
    %neg3A_2362 = arith.constant 0.000000e+00 : f32
    %neg3A_2363 = vector.broadcast %neg3A_2362 : f32 to vector<16xf32>
    %neg3A_2364 = arith.subf %neg3A_2363, %add3A_2361 : vector<16xf32>
    %exp3A_2365 = math.exp %neg3A_2364 : vector<16xf32>
    %add3A_2366 = arith.constant 1.000000e+00 : f32
    %add3A_2367 = vector.broadcast %add3A_2366 : f32 to vector<16xf32>
    %add3A_2368 = arith.addf %add3A_2367, %exp3A_2365 : vector<16xf32>
    %div3A_2369 = arith.constant 1.000000e+00 : f32
    %div3A_2370 = vector.broadcast %div3A_2369 : f32 to vector<16xf32>
    %div3A_2371 = arith.divf %div3A_2370, %add3A_2368 : vector<16xf32>
    %swap3A_2372 = arith.constant 7 : i32
    %swap3A_2373 = arith.index_cast %swap3A_2372 : i32 to index
    %swap3A_2374 = arith.constant 0 : index
    %swap3A_2375 = tpu.vector_load %arg15[%swap3A_2373, %swap3A_2374] {strides = array<i32>} : memref<8x128xf32, #tpu.memory_space<vmem>>, vector<1x16xf32>,
    %swap3A_2376 = vector.shape_cast %swap3A_2375 : vector<1x16xf32> to vector<16xf32>
    %swap3A_2377 = vector.shape_cast %div3A_2371 : vector<16xf32> to vector<1x16xf32>
    tpu.vector_store %arg15[%swap3A_2373, %swap3A_2374], %swap3A_2377 {strides = array<i32>} : memref<8x128xf32, #tpu.memory_space<vmem>>, vector<1x16xf32>,
    %get3A_2378 = arith.constant 7 : i32
    %get3A_2379 = arith.index_cast %get3A_2378 : i32 to index
    %get3A_2380 = arith.constant 16 : index
    %get3A_2381 = tpu.vector_load %arg13[%get3A_2379, %get3A_2380] {strides = array<i32>} : memref<8x128xf32, #tpu.memory_space<vmem>>, vector<1x16xf32>,
    %get3A_2382 = vector.shape_cast %get3A_2381 : vector<1x16xf32> to vector<16xf32>
    %add3A_2383 = arith.addf %add3A_784, %get3A_2382 : vector<16xf32>
    %get3A_2384 = arith.constant 7 : i32
    %get3A_2385 = arith.index_cast %get3A_2384 : i32 to index
    %get3A_2386 = arith.constant 16 : index
    %get3A_2387 = tpu.vector_load %arg14[%get3A_2385, %get3A_2386] {strides = array<i32>} : memref<8x128xf32, #tpu.memory_space<vmem>>, vector<1x16xf32>,
    %get3A_2388 = vector.shape_cast %get3A_2387 : vector<1x16xf32> to vector<16xf32>
    %add3A_2389 = arith.addf %add3A_2383, %get3A_2388 : vector<16xf32>
    %neg3A_2390 = arith.constant 0.000000e+00 : f32
    %neg3A_2391 = vector.broadcast %neg3A_2390 : f32 to vector<16xf32>
    %neg3A_2392 = arith.subf %neg3A_2391, %add3A_2389 : vector<16xf32>
    %exp3A_2393 = math.exp %neg3A_2392 : vector<16xf32>
    %add3A_2394 = arith.constant 1.000000e+00 : f32
    %add3A_2395 = vector.broadcast %add3A_2394 : f32 to vector<16xf32>
    %add3A_2396 = arith.addf %add3A_2395, %exp3A_2393 : vector<16xf32>
    %div3A_2397 = arith.constant 1.000000e+00 : f32
    %div3A_2398 = vector.broadcast %div3A_2397 : f32 to vector<16xf32>
    %div3A_2399 = arith.divf %div3A_2398, %add3A_2396 : vector<16xf32>
    %swap3A_2400 = arith.constant 7 : i32
    %swap3A_2401 = arith.index_cast %swap3A_2400 : i32 to index
    %swap3A_2402 = arith.constant 16 : index
    %swap3A_2403 = tpu.vector_load %arg15[%swap3A_2401, %swap3A_2402] {strides = array<i32>} : memref<8x128xf32, #tpu.memory_space<vmem>>, vector<1x16xf32>,
    %swap3A_2404 = vector.shape_cast %swap3A_2403 : vector<1x16xf32> to vector<16xf32>
    %swap3A_2405 = vector.shape_cast %div3A_2399 : vector<16xf32> to vector<1x16xf32>
    tpu.vector_store %arg15[%swap3A_2401, %swap3A_2402], %swap3A_2405 {strides = array<i32>} : memref<8x128xf32, #tpu.memory_space<vmem>>, vector<1x16xf32>,
    %get3A_2406 = arith.constant 7 : i32
    %get3A_2407 = arith.index_cast %get3A_2406 : i32 to index
    %get3A_2408 = arith.constant 32 : index
    %get3A_2409 = tpu.vector_load %arg13[%get3A_2407, %get3A_2408] {strides = array<i32>} : memref<8x128xf32, #tpu.memory_space<vmem>>, vector<1x16xf32>,
    %get3A_2410 = vector.shape_cast %get3A_2409 : vector<1x16xf32> to vector<16xf32>
    %add3A_2411 = arith.addf %add3A_784, %get3A_2410 : vector<16xf32>
    %get3A_2412 = arith.constant 7 : i32
    %get3A_2413 = arith.index_cast %get3A_2412 : i32 to index
    %get3A_2414 = arith.constant 32 : index
    %get3A_2415 = tpu.vector_load %arg14[%get3A_2413, %get3A_2414] {strides = array<i32>} : memref<8x128xf32, #tpu.memory_space<vmem>>, vector<1x16xf32>,
    %get3A_2416 = vector.shape_cast %get3A_2415 : vector<1x16xf32> to vector<16xf32>
    %add3A_2417 = arith.addf %add3A_2411, %get3A_2416 : vector<16xf32>
    %neg3A_2418 = arith.constant 0.000000e+00 : f32
    %neg3A_2419 = vector.broadcast %neg3A_2418 : f32 to vector<16xf32>
    %neg3A_2420 = arith.subf %neg3A_2419, %add3A_2417 : vector<16xf32>
    %exp3A_2421 = math.exp %neg3A_2420 : vector<16xf32>
    %add3A_2422 = arith.constant 1.000000e+00 : f32
    %add3A_2423 = vector.broadcast %add3A_2422 : f32 to vector<16xf32>
    %add3A_2424 = arith.addf %add3A_2423, %exp3A_2421 : vector<16xf32>
    %div3A_2425 = arith.constant 1.000000e+00 : f32
    %div3A_2426 = vector.broadcast %div3A_2425 : f32 to vector<16xf32>
    %div3A_2427 = arith.divf %div3A_2426, %add3A_2424 : vector<16xf32>
    %swap3A_2428 = arith.constant 7 : i32
    %swap3A_2429 = arith.index_cast %swap3A_2428 : i32 to index
    %swap3A_2430 = arith.constant 32 : index
    %swap3A_2431 = tpu.vector_load %arg15[%swap3A_2429, %swap3A_2430] {strides = array<i32>} : memref<8x128xf32, #tpu.memory_space<vmem>>, vector<1x16xf32>,
    %swap3A_2432 = vector.shape_cast %swap3A_2431 : vector<1x16xf32> to vector<16xf32>
    %swap3A_2433 = vector.shape_cast %div3A_2427 : vector<16xf32> to vector<1x16xf32>
    tpu.vector_store %arg15[%swap3A_2429, %swap3A_2430], %swap3A_2433 {strides = array<i32>} : memref<8x128xf32, #tpu.memory_space<vmem>>, vector<1x16xf32>,
    %get3A_2434 = arith.constant 7 : i32
    %get3A_2435 = arith.index_cast %get3A_2434 : i32 to index
    %get3A_2436 = arith.constant 48 : index
    %get3A_2437 = tpu.vector_load %arg13[%get3A_2435, %get3A_2436] {strides = array<i32>} : memref<8x128xf32, #tpu.memory_space<vmem>>, vector<1x16xf32>,
    %get3A_2438 = vector.shape_cast %get3A_2437 : vector<1x16xf32> to vector<16xf32>
    %add3A_2439 = arith.addf %add3A_784, %get3A_2438 : vector<16xf32>
    %get3A_2440 = arith.constant 7 : i32
    %get3A_2441 = arith.index_cast %get3A_2440 : i32 to index
    %get3A_2442 = arith.constant 48 : index
    %get3A_2443 = tpu.vector_load %arg14[%get3A_2441, %get3A_2442] {strides = array<i32>} : memref<8x128xf32, #tpu.memory_space<vmem>>, vector<1x16xf32>,
    %get3A_2444 = vector.shape_cast %get3A_2443 : vector<1x16xf32> to vector<16xf32>
    %add3A_2445 = arith.addf %add3A_2439, %get3A_2444 : vector<16xf32>
    %neg3A_2446 = arith.constant 0.000000e+00 : f32
    %neg3A_2447 = vector.broadcast %neg3A_2446 : f32 to vector<16xf32>
    %neg3A_2448 = arith.subf %neg3A_2447, %add3A_2445 : vector<16xf32>
    %exp3A_2449 = math.exp %neg3A_2448 : vector<16xf32>
    %add3A_2450 = arith.constant 1.000000e+00 : f32
    %add3A_2451 = vector.broadcast %add3A_2450 : f32 to vector<16xf32>
    %add3A_2452 = arith.addf %add3A_2451, %exp3A_2449 : vector<16xf32>
    %div3A_2453 = arith.constant 1.000000e+00 : f32
    %div3A_2454 = vector.broadcast %div3A_2453 : f32 to vector<16xf32>
    %div3A_2455 = arith.divf %div3A_2454, %add3A_2452 : vector<16xf32>
    %swap3A_2456 = arith.constant 7 : i32
    %swap3A_2457 = arith.index_cast %swap3A_2456 : i32 to index
    %swap3A_2458 = arith.constant 48 : index
    %swap3A_2459 = tpu.vector_load %arg15[%swap3A_2457, %swap3A_2458] {strides = array<i32>} : memref<8x128xf32, #tpu.memory_space<vmem>>, vector<1x16xf32>,
    %swap3A_2460 = vector.shape_cast %swap3A_2459 : vector<1x16xf32> to vector<16xf32>
    %swap3A_2461 = vector.shape_cast %div3A_2455 : vector<16xf32> to vector<1x16xf32>
    tpu.vector_store %arg15[%swap3A_2457, %swap3A_2458], %swap3A_2461 {strides = array<i32>} : memref<8x128xf32, #tpu.memory_space<vmem>>, vector<1x16xf32>,
    %get3A_2462 = arith.constant 7 : i32
    %get3A_2463 = arith.index_cast %get3A_2462 : i32 to index
    %get3A_2464 = arith.constant 64 : index
    %get3A_2465 = tpu.vector_load %arg13[%get3A_2463, %get3A_2464] {strides = array<i32>} : memref<8x128xf32, #tpu.memory_space<vmem>>, vector<1x16xf32>,
    %get3A_2466 = vector.shape_cast %get3A_2465 : vector<1x16xf32> to vector<16xf32>
    %add3A_2467 = arith.addf %add3A_784, %get3A_2466 : vector<16xf32>
    %get3A_2468 = arith.constant 7 : i32
    %get3A_2469 = arith.index_cast %get3A_2468 : i32 to index
    %get3A_2470 = arith.constant 64 : index
    %get3A_2471 = tpu.vector_load %arg14[%get3A_2469, %get3A_2470] {strides = array<i32>} : memref<8x128xf32, #tpu.memory_space<vmem>>, vector<1x16xf32>,
    %get3A_2472 = vector.shape_cast %get3A_2471 : vector<1x16xf32> to vector<16xf32>
    %add3A_2473 = arith.addf %add3A_2467, %get3A_2472 : vector<16xf32>
    %neg3A_2474 = arith.constant 0.000000e+00 : f32
    %neg3A_2475 = vector.broadcast %neg3A_2474 : f32 to vector<16xf32>
    %neg3A_2476 = arith.subf %neg3A_2475, %add3A_2473 : vector<16xf32>
    %exp3A_2477 = math.exp %neg3A_2476 : vector<16xf32>
    %add3A_2478 = arith.constant 1.000000e+00 : f32
    %add3A_2479 = vector.broadcast %add3A_2478 : f32 to vector<16xf32>
    %add3A_2480 = arith.addf %add3A_2479, %exp3A_2477 : vector<16xf32>
    %div3A_2481 = arith.constant 1.000000e+00 : f32
    %div3A_2482 = vector.broadcast %div3A_2481 : f32 to vector<16xf32>
    %div3A_2483 = arith.divf %div3A_2482, %add3A_2480 : vector<16xf32>
    %swap3A_2484 = arith.constant 7 : i32
    %swap3A_2485 = arith.index_cast %swap3A_2484 : i32 to index
    %swap3A_2486 = arith.constant 64 : index
    %swap3A_2487 = tpu.vector_load %arg15[%swap3A_2485, %swap3A_2486] {strides = array<i32>} : memref<8x128xf32, #tpu.memory_space<vmem>>, vector<1x16xf32>,
    %swap3A_2488 = vector.shape_cast %swap3A_2487 : vector<1x16xf32> to vector<16xf32>
    %swap3A_2489 = vector.shape_cast %div3A_2483 : vector<16xf32> to vector<1x16xf32>
    tpu.vector_store %arg15[%swap3A_2485, %swap3A_2486], %swap3A_2489 {strides = array<i32>} : memref<8x128xf32, #tpu.memory_space<vmem>>, vector<1x16xf32>,
    %get3A_2490 = arith.constant 7 : i32
    %get3A_2491 = arith.index_cast %get3A_2490 : i32 to index
    %get3A_2492 = arith.constant 80 : index
    %get3A_2493 = tpu.vector_load %arg13[%get3A_2491, %get3A_2492] {strides = array<i32>} : memref<8x128xf32, #tpu.memory_space<vmem>>, vector<1x16xf32>,
    %get3A_2494 = vector.shape_cast %get3A_2493 : vector<1x16xf32> to vector<16xf32>
    %add3A_2495 = arith.addf %add3A_784, %get3A_2494 : vector<16xf32>
    %get3A_2496 = arith.constant 7 : i32
    %get3A_2497 = arith.index_cast %get3A_2496 : i32 to index
    %get3A_2498 = arith.constant 80 : index
    %get3A_2499 = tpu.vector_load %arg14[%get3A_2497, %get3A_2498] {strides = array<i32>} : memref<8x128xf32, #tpu.memory_space<vmem>>, vector<1x16xf32>,
    %get3A_2500 = vector.shape_cast %get3A_2499 : vector<1x16xf32> to vector<16xf32>
    %add3A_2501 = arith.addf %add3A_2495, %get3A_2500 : vector<16xf32>
    %neg3A_2502 = arith.constant 0.000000e+00 : f32
    %neg3A_2503 = vector.broadcast %neg3A_2502 : f32 to vector<16xf32>
    %neg3A_2504 = arith.subf %neg3A_2503, %add3A_2501 : vector<16xf32>
    %exp3A_2505 = math.exp %neg3A_2504 : vector<16xf32>
    %add3A_2506 = arith.constant 1.000000e+00 : f32
    %add3A_2507 = vector.broadcast %add3A_2506 : f32 to vector<16xf32>
    %add3A_2508 = arith.addf %add3A_2507, %exp3A_2505 : vector<16xf32>
    %div3A_2509 = arith.constant 1.000000e+00 : f32
    %div3A_2510 = vector.broadcast %div3A_2509 : f32 to vector<16xf32>
    %div3A_2511 = arith.divf %div3A_2510, %add3A_2508 : vector<16xf32>
    %swap3A_2512 = arith.constant 7 : i32
    %swap3A_2513 = arith.index_cast %swap3A_2512 : i32 to index
    %swap3A_2514 = arith.constant 80 : index
    %swap3A_2515 = tpu.vector_load %arg15[%swap3A_2513, %swap3A_2514] {strides = array<i32>} : memref<8x128xf32, #tpu.memory_space<vmem>>, vector<1x16xf32>,
    %swap3A_2516 = vector.shape_cast %swap3A_2515 : vector<1x16xf32> to vector<16xf32>
    %swap3A_2517 = vector.shape_cast %div3A_2511 : vector<16xf32> to vector<1x16xf32>
    tpu.vector_store %arg15[%swap3A_2513, %swap3A_2514], %swap3A_2517 {strides = array<i32>} : memref<8x128xf32, #tpu.memory_space<vmem>>, vector<1x16xf32>,
    %get3A_2518 = arith.constant 7 : i32
    %get3A_2519 = arith.index_cast %get3A_2518 : i32 to index
    %get3A_2520 = arith.constant 96 : index
    %get3A_2521 = tpu.vector_load %arg13[%get3A_2519, %get3A_2520] {strides = array<i32>} : memref<8x128xf32, #tpu.memory_space<vmem>>, vector<1x16xf32>,
    %get3A_2522 = vector.shape_cast %get3A_2521 : vector<1x16xf32> to vector<16xf32>
    %add3A_2523 = arith.addf %add3A_784, %get3A_2522 : vector<16xf32>
    %get3A_2524 = arith.constant 7 : i32
    %get3A_2525 = arith.index_cast %get3A_2524 : i32 to index
    %get3A_2526 = arith.constant 96 : index
    %get3A_2527 = tpu.vector_load %arg14[%get3A_2525, %get3A_2526] {strides = array<i32>} : memref<8x128xf32, #tpu.memory_space<vmem>>, vector<1x16xf32>,
    %get3A_2528 = vector.shape_cast %get3A_2527 : vector<1x16xf32> to vector<16xf32>
    %add3A_2529 = arith.addf %add3A_2523, %get3A_2528 : vector<16xf32>
    %neg3A_2530 = arith.constant 0.000000e+00 : f32
    %neg3A_2531 = vector.broadcast %neg3A_2530 : f32 to vector<16xf32>
    %neg3A_2532 = arith.subf %neg3A_2531, %add3A_2529 : vector<16xf32>
    %exp3A_2533 = math.exp %neg3A_2532 : vector<16xf32>
    %add3A_2534 = arith.constant 1.000000e+00 : f32
    %add3A_2535 = vector.broadcast %add3A_2534 : f32 to vector<16xf32>
    %add3A_2536 = arith.addf %add3A_2535, %exp3A_2533 : vector<16xf32>
    %div3A_2537 = arith.constant 1.000000e+00 : f32
    %div3A_2538 = vector.broadcast %div3A_2537 : f32 to vector<16xf32>
    %div3A_2539 = arith.divf %div3A_2538, %add3A_2536 : vector<16xf32>
    %swap3A_2540 = arith.constant 7 : i32
    %swap3A_2541 = arith.index_cast %swap3A_2540 : i32 to index
    %swap3A_2542 = arith.constant 96 : index
    %swap3A_2543 = tpu.vector_load %arg15[%swap3A_2541, %swap3A_2542] {strides = array<i32>} : memref<8x128xf32, #tpu.memory_space<vmem>>, vector<1x16xf32>,
    %swap3A_2544 = vector.shape_cast %swap3A_2543 : vector<1x16xf32> to vector<16xf32>
    %swap3A_2545 = vector.shape_cast %div3A_2539 : vector<16xf32> to vector<1x16xf32>
    tpu.vector_store %arg15[%swap3A_2541, %swap3A_2542], %swap3A_2545 {strides = array<i32>} : memref<8x128xf32, #tpu.memory_space<vmem>>, vector<1x16xf32>,
    %get3A_2546 = arith.constant 7 : i32
    %get3A_2547 = arith.index_cast %get3A_2546 : i32 to index
    %get3A_2548 = arith.constant 112 : index
    %get3A_2549 = tpu.vector_load %arg13[%get3A_2547, %get3A_2548] {strides = array<i32>} : memref<8x128xf32, #tpu.memory_space<vmem>>, vector<1x16xf32>,
    %get3A_2550 = vector.shape_cast %get3A_2549 : vector<1x16xf32> to vector<16xf32>
    %add3A_2551 = arith.addf %add3A_784, %get3A_2550 : vector<16xf32>
    %get3A_2552 = arith.constant 7 : i32
    %get3A_2553 = arith.index_cast %get3A_2552 : i32 to index
    %get3A_2554 = arith.constant 112 : index
    %get3A_2555 = tpu.vector_load %arg14[%get3A_2553, %get3A_2554] {strides = array<i32>} : memref<8x128xf32, #tpu.memory_space<vmem>>, vector<1x16xf32>,
    %get3A_2556 = vector.shape_cast %get3A_2555 : vector<1x16xf32> to vector<16xf32>
    %add3A_2557 = arith.addf %add3A_2551, %get3A_2556 : vector<16xf32>
    %neg3A_2558 = arith.constant 0.000000e+00 : f32
    %neg3A_2559 = vector.broadcast %neg3A_2558 : f32 to vector<16xf32>
    %neg3A_2560 = arith.subf %neg3A_2559, %add3A_2557 : vector<16xf32>
    %exp3A_2561 = math.exp %neg3A_2560 : vector<16xf32>
    %add3A_2562 = arith.constant 1.000000e+00 : f32
    %add3A_2563 = vector.broadcast %add3A_2562 : f32 to vector<16xf32>
    %add3A_2564 = arith.addf %add3A_2563, %exp3A_2561 : vector<16xf32>
    %div3A_2565 = arith.constant 1.000000e+00 : f32
    %div3A_2566 = vector.broadcast %div3A_2565 : f32 to vector<16xf32>
    %div3A_2567 = arith.divf %div3A_2566, %add3A_2564 : vector<16xf32>
    %swap3A_2568 = arith.constant 7 : i32
    %swap3A_2569 = arith.index_cast %swap3A_2568 : i32 to index
    %swap3A_2570 = arith.constant 112 : index
    %swap3A_2571 = tpu.vector_load %arg15[%swap3A_2569, %swap3A_2570] {strides = array<i32>} : memref<8x128xf32, #tpu.memory_space<vmem>>, vector<1x16xf32>,
    %swap3A_2572 = vector.shape_cast %swap3A_2571 : vector<1x16xf32> to vector<16xf32>
    %swap3A_2573 = vector.shape_cast %div3A_2567 : vector<16xf32> to vector<1x16xf32>
    tpu.vector_store %arg15[%swap3A_2569, %swap3A_2570], %swap3A_2573 {strides = array<i32>} : memref<8x128xf32, #tpu.memory_space<vmem>>, vector<1x16xf32>,
    "tpu.region"() ({
      %run_scoped3A = tpu.sem_alloc : memref<!tpu.dma_semaphore, #tpu.memory_space<semaphore_mem>>
      %dma_start3A_2574 = arith.constant 0 : i32
      %dma_start3A_2575 = tpu.memref_slice %arg8[%mul3A_0, %dma_start3A_2574] : memref<128x128xf32, #tpu.memory_space<hbm>> -> memref<8x128xf32, #tpu.memory_space<hbm>>
      %dma_start3A_2576 = arith.constant 0 : i32
      %dma_start3A_2577 = tpu.memref_slice %arg8[%mul3A_0, %dma_start3A_2576] : memref<128x128xf32, #tpu.memory_space<hbm>> -> memref<8x128xf32, #tpu.memory_space<hbm>>
      tpu.enqueue_dma source(%arg15 : memref<8x128xf32, #tpu.memory_space<vmem>>) target(%dma_start3A_2577 : memref<8x128xf32, #tpu.memory_space<hbm>>) target_semaphore(%run_scoped3A : memref<!tpu.dma_semaphore, #tpu.memory_space<semaphore_mem>>)
      %dma_wait3A_2578 = arith.constant 0 : i32
      %dma_wait3A_2579 = tpu.memref_slice %arg8[%mul3A_0, %dma_wait3A_2578] : memref<128x128xf32, #tpu.memory_space<hbm>> -> memref<8x128xf32, #tpu.memory_space<hbm>>
      %dma_wait3A_2580 = arith.constant 0 : i32
      %dma_wait3A_2581 = tpu.memref_slice %arg8[%mul3A_0, %dma_wait3A_2580] : memref<128x128xf32, #tpu.memory_space<hbm>> -> memref<8x128xf32, #tpu.memory_space<hbm>>
      tpu.wait_dma2 semaphore(%run_scoped3A : memref<!tpu.dma_semaphore, #tpu.memory_space<semaphore_mem>>) src(%arg15 : memref<8x128xf32, #tpu.memory_space<vmem>>) dst(%dma_wait3A_2581 : memref<8x128xf32, #tpu.memory_space<hbm>>)
      tpu.yield
    }) : () -> ()
    return
  }
}

module attributes {stable_mosaic.version = 14 : i64} {
  func.func @_relayout_body(%arg0: i32, %arg1: memref<16x4096xf32, #tpu.memory_space<vmem>>, %arg2: memref<16x4096xf32, #tpu.memory_space<vmem>>, %arg3: memref<4096x16xf32, #tpu.memory_space<vmem>>, %arg4: memref<4096x16xf32, #tpu.memory_space<vmem>>) attributes {dimension_semantics = [#tpu.dimension_semantics<arbitrary>], iteration_bounds = array<i64: 245>, scalar_prefetch = 0 : i64, scratch_operands = 0 : i64, tpu.core_type = #tpu.core_type<tc>, window_params = [{transform_indices = @transform_0, window_bounds = array<i64: 16, 4096>}, {transform_indices = @transform_1, window_bounds = array<i64: 16, 4096>}, {transform_indices = @transform_2, window_bounds = array<i64: 4096, 16>}, {transform_indices = @transform_3, window_bounds = array<i64: 4096, 16>}]} {
    %iota3A = tpu.iota {dimensions = array<i32: 0>} : vector<16x16xi32>
    %iota3A_0 = tpu.iota {dimensions = array<i32: 1>} : vector<16x16xi32>
    %eq3A = arith.cmpi eq, %iota3A, %iota3A_0 : vector<16x16xi32>
    %convert_element_type3A = arith.extui %eq3A : vector<16x16xi1> to vector<16x16xi32>
    %convert_element_type3A_1 = arith.sitofp %convert_element_type3A : vector<16x16xi32> to vector<16x16xf32>
    %get3A = arith.constant 0 : index
    %get3A_2 = arith.constant 0 : index
    %get3A_3 = vector.load %arg1[%get3A, %get3A_2] : memref<16x4096xf32, #tpu.memory_space<vmem>>, vector<16x4096xf32>
    %dot_general3A = arith.constant dense<0.000000e+00> : vector<4096x16xf32>
    %dot_general3A_4 = tpu.matmul %get3A_3, %convert_element_type3A_1, %dot_general3A {dimension_numbers = #tpu.dot_dimension_numbers<[0], [0], [1], [1], [0, 1, 1, 1], [], []>, transpose_lhs_hint = false} : vector<16x4096xf32>, vector<16x16xf32>, vector<4096x16xf32> -> vector<4096x16xf32>
    %swap3A = arith.constant 0 : index
    %swap3A_5 = arith.constant 0 : index
    %swap3A_6 = vector.load %arg3[%swap3A, %swap3A_5] : memref<4096x16xf32, #tpu.memory_space<vmem>>, vector<4096x16xf32>
    tpu.vector_store %arg3[%swap3A, %swap3A_5], %dot_general3A_4 {strides = array<i32>} : memref<4096x16xf32, #tpu.memory_space<vmem>>, vector<4096x16xf32>,
    %get3A_7 = arith.constant 0 : index
    %get3A_8 = arith.constant 0 : index
    %get3A_9 = vector.load %arg2[%get3A_7, %get3A_8] : memref<16x4096xf32, #tpu.memory_space<vmem>>, vector<16x4096xf32>
    %dot_general3A_10 = arith.constant dense<0.000000e+00> : vector<4096x16xf32>
    %dot_general3A_11 = tpu.matmul %get3A_9, %convert_element_type3A_1, %dot_general3A_10 {dimension_numbers = #tpu.dot_dimension_numbers<[0], [0], [1], [1], [0, 1, 1, 1], [], []>, transpose_lhs_hint = false} : vector<16x4096xf32>, vector<16x16xf32>, vector<4096x16xf32> -> vector<4096x16xf32>
    %swap3A_12 = arith.constant 0 : index
    %swap3A_13 = arith.constant 0 : index
    %swap3A_14 = vector.load %arg4[%swap3A_12, %swap3A_13] : memref<4096x16xf32, #tpu.memory_space<vmem>>, vector<4096x16xf32>
    tpu.vector_store %arg4[%swap3A_12, %swap3A_13], %dot_general3A_11 {strides = array<i32>} : memref<4096x16xf32, #tpu.memory_space<vmem>>, vector<4096x16xf32>,
    return
  }
  func.func @transform_0(%arg0: i32) -> (i32, i32) {
    %c0_i32 = arith.constant 0 : i32
    %c0_i32_0 = arith.constant 0 : i32
    return %c0_i32, %arg0 : i32, i32
  }
  func.func @transform_1(%arg0: i32) -> (i32, i32) {
    %c0_i32 = arith.constant 0 : i32
    %c0_i32_0 = arith.constant 0 : i32
    return %c0_i32, %arg0 : i32, i32
  }
  func.func @transform_2(%arg0: i32) -> (i32, i32) {
    %c0_i32 = arith.constant 0 : i32
    %c0_i32_0 = arith.constant 0 : i32
    return %arg0, %c0_i32 : i32, i32
  }
  func.func @transform_3(%arg0: i32) -> (i32, i32) {
    %c0_i32 = arith.constant 0 : i32
    %c0_i32_0 = arith.constant 0 : i32
    return %arg0, %c0_i32 : i32, i32
  }
}

</mosaic_0001>

<sc_bundles>
// kernel: kernel.4.cloned.1.call-start
scs
__scs_entry_jumppad:
0x0: {  	(pc) =	sbr.rel $0x88, $3  }
0x1: {  	(tag) =	ssettag $0x0;
	lr =	simm.s32 $0x1  }
0x2: {  	[smem:$0x3F9C] =	sst lr;
	_ =	strace $0xD0000000  }
0x3: {  	_ = 	snop  }
0x4: {  	_ = 	snop  }
0x5: {  	_ = 	snop  }
0x6: {  	_ = 	snop  }
0x7: {  	_ = 	snop  }
__scs_overlays_trampoline_lowered:
0x8: {  	[smem:$0x3FAB] =	sst s0  }
0x9: {  	[smem:$0x3FAC] =	sst s1  }
0xa: {  	[smem:$0x3FAD] =	sst s2  }
0xb: {  	[smem:$0x3FAE] =	sst s3  }
0xc: {  	[smem:$0x3FAF] =	sst s4  }
0xd: {  	[smem:$0x3FB0] =	sst s5  }
0xe: {  	[smem:$0x3FB1] =	sst s6  }
0xf: {  	[smem:$0x3FB2] =	sst s7  }
0x10: {  	[smem:$0x3FB3] =	sst s8  }
0x11: {  	[smem:$0x3FB4] =	sst s9;
	s0 =	simm.s32 @!p0 $0x0  }
0x12: {  	s1 =	sld [smem:$0x3F9A];
	s0 =	simm.s32 @p0 $0x1  }
0x13: {  	[smem:$0x3FB5] =	sst s0;
	s0 =	simm.s32 @!p1 $0x0  }
0x14: {  	s2 =	sld [smem:$0x3F99];
	s0 =	simm.s32 @p1 $0x1  }
0x15: {  	[smem:$0x3FB6] =	sst s0;
	s0 =	simm.s32 @!p2 $0x0  }
0x16: {  	s3 =	sld [smem:$0x3FDB];
	s0 =	simm.s32 @p2 $0x1  }
0x17: {  	s4 =	simm.s32 $0x1BF5;
	[smem:$0x3FB8] =	sst s0  }
0x18: {  	s0 =	sld [smem:$0x3F9B];
	_ =	swait.ge [sflag:s4], $0x0  }
0x19: {  	s7 =	sld [smem:$0x3F9C]  }
0x1a: {  	s8 =	sadd.s32 $0xFFFFE003, lr  }
0x1b: {  	s9 =	sadd.s32 $0xFFFFFEF7, lr;
	s5 =	simm.s32 $0xFFFFFFFF;
	p2 =	slt.u32 s8, $0xFFFFF086  }
0x1c: {  	p1 =	slt.u32 s9, $0xF7A;
	s5 =	simm.s32 @!p2 $0x0  }
0x1d: {  	s5 =	simm.s32 @p1 $0x1;
	p0 =	seq.s32 s7, s2  }
0x1e: {  	s7 =	smul.u32 @!p0 $0xF7A, s2;
	p2 =	seq.s32 @!p0 s5, $0x0  }
0x1f: {  	s9 =	smul.u32 $0xF7A, s1;
	s8 =	simm.s32 @!p0 $0x1BF5;
	p2 =	por !p2, p0  }
0x20: {  	[sflag:s8] =	ssyncset.s32 @!p0 $0xFFFFF086;
	s6 =	sadd.s32 @!p0 s3, s7;
	s7 =	simm.s32 @!p0 $0x108  }
0x21: {  	s3 =	sadd.s32 s3, s9;
	s6 =	sadd.s32 @!p0 $0x88, s6;
	s7 =	simm.s32 @p2 $0x1082  }
0x22: {  	[simem:s7], [sflag:s8] =	dma.local @!p0 [hbm:s6], $0xF7A  }
0x23: {  	s9 =	sor.u32 $0xD0000000, s2;
	s6 =	simm.s32 $0x108;
	_ =	swait.ge @!p0 [sflag:s8], $0x0  }
0x24: {  	s3 =	sadd.s32 $0x88, s3;
	s6 =	simm.s32 @!p1 $0x1082;
	[sflag:s4] =	ssyncset.s32 $0xFFFFF086  }
0x25: {  	[simem:s6], [sflag:s4] =	dma.local [hbm:s3], $0xF7A  }
0x26: {  	[smem:$0x3F9C] =	sst s1;
	(tag) =	ssettag s2;
	_ =	strace s9  }
0x27: {  	s1 =	sld [smem:$0x3FAC]  }
0x28: {  	s2 =	sld [smem:$0x3FAD]  }
0x29: {  	s4 =	sld [smem:$0x3FAF]  }
0x2a: {  	p0 =	seq.s32 s5, $0x0;
	s5 =	sld [smem:$0x3FB0]  }
0x2b: {  	s6 =	sld [smem:$0x3FB1]  }
0x2c: {  	s7 =	sld [smem:$0x3FB2]  }
0x2d: {  	s3 =	simm.s32 $0x108;
	s8 =	sld [smem:$0x3FB3]  }
0x2e: {  	s3 =	simm.s32 @!p0 $0x1082;
	s9 =	sld [smem:$0x3FB4]  }
0x2f: {  	lr =	sadd.s32 s0, s3;
	s0 =	sld [smem:$0x3FAB]  }
0x30: {  	s3 =	sld [smem:$0x3FAE]  }
0x31: {  	[smem:$0x3FB7] =	sst s10  }
0x32: {  	s10 =	sld [smem:$0x3FB5];
	_ =	sdelay $0x3  }
0x33: {  	p0 =	seq.s32 s10, $0x1;
	s10 =	sld [smem:$0x3FB7];
	_ =	sdelay $0x3  }
0x34: {  	[smem:$0x3FB7] =	sst s10  }
0x35: {  	s10 =	sld [smem:$0x3FB6];
	_ =	sdelay $0x3  }
0x36: {  	p1 =	seq.s32 s10, $0x1;
	s10 =	sld [smem:$0x3FB7];
	_ =	sdelay $0x3  }
0x37: {  	[smem:$0x3FB7] =	sst s10  }
0x38: {  	s10 =	sld [smem:$0x3FB8]  }
0x39: {  	_ = 	snop;
	(pc) =	sbr.ind lr, $3  }
0x3a: {  	_ = 	snop  }
0x3b: {  	_ = 	snop  }
0x3c: {  	p2 =	seq.s32 s10, $0x1;
	s10 =	sld [smem:$0x3FB7]  }
0x3d: {  	_ =	shalt  }
0x3e: {  	_ =	shalt  }
0x3f: {  	_ =	shalt  }
0x40: {  	_ =	shalt  }
0x41: {  	_ =	shalt  }
0x42: {  	_ =	shalt  }
0x43: {  	_ =	shalt  }
0x44: {  	_ =	shalt  }
0x45: {  	_ =	shalt  }
0x46: {  	_ =	shalt  }
0x47: {  	_ =	shalt  }
0x48: {  	_ =	shalt  }
0x49: {  	_ =	shalt  }
0x4a: {  	_ =	shalt  }
0x4b: {  	_ =	shalt  }
0x4c: {  	_ =	shalt  }
0x4d: {  	_ =	shalt  }
0x4e: {  	_ =	shalt  }
0x4f: {  	_ =	shalt  }
0x50: {  	_ =	shalt  }
0x51: {  	_ =	shalt  }
0x52: {  	_ =	shalt  }
0x53: {  	_ =	shalt  }
0x54: {  	_ =	shalt  }
0x55: {  	_ =	shalt  }
0x56: {  	_ =	shalt  }
0x57: {  	_ =	shalt  }
0x58: {  	_ =	shalt  }
0x59: {  	_ =	shalt  }
0x5a: {  	_ =	shalt  }
0x5b: {  	_ =	shalt  }
0x5c: {  	_ =	shalt  }
0x5d: {  	_ =	shalt  }
0x5e: {  	_ =	shalt  }
0x5f: {  	_ =	shalt  }
0x60: {  	_ =	shalt  }
0x61: {  	_ =	shalt  }
0x62: {  	_ =	shalt  }
0x63: {  	_ =	shalt  }
0x64: {  	_ =	shalt  }
0x65: {  	_ =	shalt  }
0x66: {  	_ =	shalt  }
0x67: {  	_ =	shalt  }
0x68: {  	_ =	shalt  }
0x69: {  	_ =	shalt  }
0x6a: {  	_ =	shalt  }
0x6b: {  	_ =	shalt  }
0x6c: {  	_ =	shalt  }
0x6d: {  	_ =	shalt  }
0x6e: {  	_ =	shalt  }
0x6f: {  	_ =	shalt  }
0x70: {  	_ =	shalt  }
0x71: {  	_ =	shalt  }
0x72: {  	_ =	shalt  }
0x73: {  	_ =	shalt  }
0x74: {  	_ =	shalt  }
0x75: {  	_ =	shalt  }
0x76: {  	_ =	shalt  }
0x77: {  	_ =	shalt  }
0x78: {  	_ =	shalt  }
0x79: {  	_ =	shalt  }
0x7a: {  	_ =	shalt  }
0x7b: {  	_ =	shalt  }
0x7c: {  	_ =	shalt  }
0x7d: {  	_ =	shalt  }
0x7e: {  	_ =	shalt  }
0x7f: {  	_ =	shalt  }
0x80: {  	_ =	shalt  }
0x81: {  	_ =	shalt  }
0x82: {  	_ =	shalt  }
0x83: {  	_ =	shalt  }
0x84: {  	_ =	shalt  }
0x85: {  	_ =	shalt  }
0x86: {  	_ =	shalt  }
0x87: {  	_ =	shalt  }
.Lfunc_end0:
.L_simem_size_0:
called_computation_lowered:
.L_overlay_start_0:
0x88: {  	s0 =	sld [smem:$0x3FD9]  }
0x89: {  	s1 =	sld [smem:$0x3FFE];
	_ =	sdelay $0x3  }
0x8a: {  	s0 =	sadd.s32 s1, s0  }
0x8b: {  	[smem:$0x3FC3] =	sst s0  }
0x8c: {  	_ = 	snop  }
0x8d: {  	s0 =	sld [smem:$0x3FD0];
	(tm) =	ssettm $0x1  }
0x8e: {  	s16 =	sld [smem:$0x3FFB];
	_ =	sdelay $0x3  }
0x8f: {  	_ =	strace s16  }
0x90: {  	s1 =	sld [smem:$0x3FFC];
	_ =	sdelay $0x3  }
0x91: {  	_ =	strace s1  }
0x92: {  	s1 =	sld [smem:$0x3FFD];
	_ =	sdelay $0x3  }
0x93: {  	_ =	strace s1  }
0x94: {  	_ =	strace $0x8FFFFFFF  }
0x95: {  	s17 =	sld [smem:$0x3FDB];
	_ =	sdelay $0x1  }
0x96: {  	s2 =	simm.s32 $_scs_section_size  }
0x97: {  	s3 =	simm.s32 $_size__tile_overlayer_lowered;
	s4 =	simm.s32 $_tile_overlayer_lowered  }
0x98: {  	s20 =	simm.s32 $0x1BFF;
	s19 =	sshll.u32 s4, $0x1;
	s1 =	sadd.s32 s2, s17  }
0x99: {  	s5 =	simm.s32 $0x0;
	s18 =	sshll.u32 s3, $0x1;
	s3 =	sadd.s32 s19, s1  }
0x9a: {  	[timem:s5], [sflag:s20] =	dma.local [hbm:s3], s18  }
0x9b: {  	_ =	swait.ge [sflag:s20], s18  }
0x9c: {  	s2 =	ssub.s32 $0x0, s18;
	[sflag:s20] =	ssyncset.done $0x0  }
0x9d: {  	[sflag:s20] =	ssyncadd.s32 s2;
	_ =	sdelay $0x1  }
0x9e: {  	s21 =	simm.s32 $0x1B8B  }
0x9f: {  	_ =	swait.ge [sflag:s21], $0x1  }
0xa0: {  	[sflag:s21] =	ssyncset.done $0x0  }
0xa1: {  	s23 =	simm.s32 $0x1B8E;
	s22 =	sld [smem:$0x3FFE];
	[sflag:s21] =	ssyncadd.s32 $0xFFFFFFFF  }
0xa2: {  	s24 =	simm.s32 $execute0_lowered;
	[smem:$0x3FD2] =	sst s23  }
0xa3: {  	s3 =	sshll.u32 s24, $0x1;
	_ =	strace $0x80000046;
	[dreg:$0x1] =	wrdreg $0xFFFFFFFF  }
0xa4: {  	s25 =	simm.s32 $_size_execute0_lowered;
	s1 =	sadd.s32 s1, s3;
	[dreg:$0x0] =	wrdreg $0x0  }
0xa5: {  	s3 =	sshll.u32 s25, $0x1;
	[dreg:$0x2] =	wrdreg s1  }
0xa6: {  	[dreg:$0x3] =	wrdreg s3  }
0xa7: {  	[dreg:$0x4] =	wrdreg $0xC0  }
0xa8: {  	_ =	task [dreg:s5], $0x5FFFF  }
0xa9: {  	[dreg:$0x1] =	wrdreg $0xFFFFFFFF  }
0xaa: {  	[dreg:$0x0] =	wrdreg $0x60  }
0xab: {  	[dreg:$0x2] =	wrdreg s22  }
0xac: {  	[dreg:$0x3] =	wrdreg s0  }
0xad: {  	[dreg:$0x4] =	wrdreg $0x95100  }
0xae: {  	[dreg:$0x5] =	wrdreg $0x9  }
0xaf: {  	_ =	task.clear_ibuf [dreg:s5], $0x6FFFF;
	_ =	strace $0x90000046  }
0xb0: {  	s26 =	simm.s32 $0x9;
	_ =	strace $0x80000048  }
0xb1: {  	_ =	swait.ge [sflag:s26], $0x1  }
0xb2: {  	[sflag:s26] =	ssyncadd.s32 $0xFFFFFFFF  }
0xb3: {  	_ =	strace $0x90000048  }
0xb4: {  	_ =	sfence  }
0xb5: {  	s28 =	sld [smem:$0x0];
	_ =	sdelay $0x1  }
0xb6: {  	s29 =	srdreg.scid  }
0xb7: {  	s30 =	sshll.u32 s29, $0xD;
	s31 =	sshrl.u32 s29, $0x2  }
0xb8: {  	s2 =	sand.u32 $0x4000, s30;
	s1 =	sand.u32 $0x1, s29;
	s0 =	sadd.s32 s31, s28  }
0xb9: {  	s1 =	sor.u32 s2, s1;
	s0 =	sshll.u32 s0, $0x11  }
0xba: {  	s0 =	sor.u32 s0, s1  }
0xbb: {  	s0 =	sadd.s32 $0x8F2B, s0  }
0xbc: {  	[sflag:s0] =	ssyncadd.remote.s32 $0x1  }
0xbd: {  	_ =	sfence.sel $0xFFFF  }
0xbe: {  	[dreg:$0x0] =	wrdreg $0xFFFFFFFF;
	(pc) =	sbr.abs _section_cstart, $3  }
0xbf: {  	[dreg:$0x1] =	wrdreg $0xFFFFFFFF  }
0xc0: {  	_ =	task.clear_ibuf [dreg:s5], $0x2FFFF;
	_ =	strace $0x9FFFFFFF  }
0xc1: {  	(tm) =	ssettm $0x7FFFFFFF  }
tec
execute0_lowered:
.L_overlay_start_1:
0x0: {  	(tag) =	ssettag $0x1  }
0x1: {  	s9 =	rddreg [dreg:$0x0]  }
0x2: {  	s2 =	rddreg [dreg:$0x1]  }
0x3: {  	s5 =	rddreg [dreg:$0x2];
	s1 =	stileid.u32  }
0x4: {  	s0 =	rddreg [dreg:$0x3];
	s10 =	simm.s32 $0x0;
	s3 =	sshll.u32 s1, $0x7  }
0x5: {  	[smem:$0x7FF] =	sst s10;
	s4 =	sadd.s32 s3, s9  }
0x6: {  	s7 =	simm.s32 $0x2;
	_ =	strace $0x80000047;
	s6 =	sadd.s32 $0x1E9200, s4  }
0x7: {  	[tilespmem:s10], [sflag:$0x2] =	stream.linear.gather [hbm4b:s6+s10], $0x400, $0x38;
	[tilespmem:$0x9520] =	vst v63  }
0x8: {  	_ =	swait.ge [sflag:s7], $0x400  }
0x9: {  	[sflag:s7] =	ssyncset.done $0x0  }
0xa: {  	s11 =	simm.s32 $0x400;
	s4 =	sadd.s32 $0x1E8A00, s4;
	[sflag:s7] =	ssyncadd.s32 $0xFFFFFC00  }
0xb: {  	[tilespmem:s11], [sflag:$0x2] =	stream.linear.gather [hbm4b:s4+s10], $0x400, $0x38;
	[tilespmem:$0x9520] =	vst v63  }
0xc: {  	_ =	swait.ge [sflag:s7], $0x400  }
0xd: {  	s23 =	simm.s32 $0x800;
	[sflag:s7] =	ssyncset.done $0x0  }
0xe: {  	s6 =	sadd.s32 $0x400, s9;
	s4 =	simm.s32 $0x80;
	[sflag:s7] =	ssyncadd.s32 $0xFFFFFC00  }
0xf: {  	[tilespmem:s23], [sflag:$0x1] =	stream.indirect.gather [hbm4b:s6+s4], $0x10, s10, s4, $0xb8;
	[tilespmem:$0x9520] =	vst v63  }
0x10: {  	s8 =	simm.s32 $0x4800;
	s7 =	sadd.s32 $0x1E84C00, s9  }
0x11: {  	[tilespmem:s8], [sflag:$0x1] =	stream.indirect.gather [hbm4b:s7+s4], $0x10, s11, s4, $0xb8;
	[tilespmem:$0x9520] =	vst v63  }
0x12: {  	s12 =	simm.s32 $0x8800;
	s8 =	sadd.s32 $0x208400, s9  }
0x13: {  	[tilespmem:s12], [sflag:$0x1] =	stream.indirect.gather [hbm4b:s8+s4], $0x1, s10, s4, $0xb8;
	[tilespmem:$0x9520] =	vst v63  }
0x14: {  	s24 =	simm.s32 $0x8C00;
	s9 =	sadd.s32 $0x1E9A00, s9  }
0x15: {  	[tilespmem:s24], [sflag:$0x1] =	stream.indirect.gather [hbm4b:s9+s4], $0x1, s11, s4, $0xb8;
	[tilespmem:$0x9520] =	vst v63  }
0x16: {  	s25 =	simm.s32 $0x1000  }
0x17: {  	[tilespmem:s25], [sflag:$0x1] =	stream.indirect.gather [hbm4b:s6+s4], $0x10, s4, s4, $0xb8;
	[tilespmem:$0x9520] =	vst v63  }
0x18: {  	s26 =	simm.s32 $0x480;
	s28 =	simm.s32 $0x5000  }
0x19: {  	[tilespmem:s28], [sflag:$0x1] =	stream.indirect.gather [hbm4b:s7+s4], $0x10, s26, s4, $0xb8;
	[tilespmem:$0x9520] =	vst v63  }
0x1a: {  	s29 =	simm.s32 $0x8880  }
0x1b: {  	[tilespmem:s29], [sflag:$0x1] =	stream.indirect.gather [hbm4b:s8+s4], $0x1, s4, s4, $0xb8;
	[tilespmem:$0x9520] =	vst v63  }
0x1c: {  	s30 =	simm.s32 $0x8C80  }
0x1d: {  	[tilespmem:s30], [sflag:$0x1] =	stream.indirect.gather [hbm4b:s9+s4], $0x1, s26, s4, $0xb8;
	[tilespmem:$0x9520] =	vst v63  }
0x1e: {  	s31 =	simm.s32 $0x100;
	s13 =	simm.s32 $0x1800  }
0x1f: {  	[tilespmem:s13], [sflag:$0x1] =	stream.indirect.gather [hbm4b:s6+s4], $0x10, s31, s4, $0xb8;
	[tilespmem:$0x9520] =	vst v63  }
0x20: {  	s14 =	simm.s32 $0x500;
	s15 =	simm.s32 $0x5800  }
0x21: {  	[tilespmem:s15], [sflag:$0x1] =	stream.indirect.gather [hbm4b:s7+s4], $0x10, s14, s4, $0xb8;
	[tilespmem:$0x9520] =	vst v63  }
0x22: {  	s16 =	simm.s32 $0x8900  }
0x23: {  	[tilespmem:s16], [sflag:$0x1] =	stream.indirect.gather [hbm4b:s8+s4], $0x1, s31, s4, $0xb8;
	[tilespmem:$0x9520] =	vst v63  }
0x24: {  	s17 =	simm.s32 $0x8D00  }
0x25: {  	[tilespmem:s17], [sflag:$0x1] =	stream.indirect.gather [hbm4b:s9+s4], $0x1, s14, s4, $0xb8;
	[tilespmem:$0x9520] =	vst v63  }
0x26: {  	s18 =	simm.s32 $0x180;
	s19 =	simm.s32 $0x2000  }
0x27: {  	[tilespmem:s19], [sflag:$0x1] =	stream.indirect.gather [hbm4b:s6+s4], $0x10, s18, s4, $0xb8;
	[tilespmem:$0x9520] =	vst v63  }
0x28: {  	s20 =	simm.s32 $0x580;
	s21 =	simm.s32 $0x6000  }
0x29: {  	[tilespmem:s21], [sflag:$0x1] =	stream.indirect.gather [hbm4b:s7+s4], $0x10, s20, s4, $0xb8;
	[tilespmem:$0x9520] =	vst v63  }
0x2a: {  	s22 =	simm.s32 $0x8980  }
0x2b: {  	[tilespmem:s22], [sflag:$0x1] =	stream.indirect.gather [hbm4b:s8+s4], $0x1, s18, s4, $0xb8;
	[tilespmem:$0x9520] =	vst v63  }
0x2c: {  	s23 =	simm.s32 $0x8D80  }
0x2d: {  	[tilespmem:s23], [sflag:$0x1] =	stream.indirect.gather [hbm4b:s9+s4], $0x1, s20, s4, $0xb8;
	[tilespmem:$0x9520] =	vst v63  }
0x2e: {  	s24 =	simm.s32 $0x200;
	s25 =	simm.s32 $0x2800  }
0x2f: {  	[tilespmem:s25], [sflag:$0x1] =	stream.indirect.gather [hbm4b:s6+s4], $0x10, s24, s4, $0xb8;
	[tilespmem:$0x9520] =	vst v63  }
0x30: {  	s28 =	simm.s32 $0x6800;
	s26 =	simm.s32 $0x600  }
0x31: {  	[tilespmem:s28], [sflag:$0x1] =	stream.indirect.gather [hbm4b:s7+s4], $0x10, s26, s4, $0xb8;
	[tilespmem:$0x9520] =	vst v63  }
0x32: {  	s29 =	simm.s32 $0x8A00  }
0x33: {  	[tilespmem:s29], [sflag:$0x1] =	stream.indirect.gather [hbm4b:s8+s4], $0x1, s24, s4, $0xb8;
	[tilespmem:$0x9520] =	vst v63  }
0x34: {  	s30 =	simm.s32 $0x8E00  }
0x35: {  	[tilespmem:s30], [sflag:$0x1] =	stream.indirect.gather [hbm4b:s9+s4], $0x1, s26, s4, $0xb8;
	[tilespmem:$0x9520] =	vst v63  }
0x36: {  	s12 =	simm.s32 $0x3000;
	s31 =	simm.s32 $0x280  }
0x37: {  	[tilespmem:s12], [sflag:$0x1] =	stream.indirect.gather [hbm4b:s6+s4], $0x10, s31, s4, $0xb8;
	[tilespmem:$0x9520] =	vst v63  }
0x38: {  	s13 =	simm.s32 $0x680;
	s14 =	simm.s32 $0x7000  }
0x39: {  	[tilespmem:s14], [sflag:$0x1] =	stream.indirect.gather [hbm4b:s7+s4], $0x10, s13, s4, $0xb8;
	[tilespmem:$0x9520] =	vst v63  }
0x3a: {  	s15 =	simm.s32 $0x8A80  }
0x3b: {  	[tilespmem:s15], [sflag:$0x1] =	stream.indirect.gather [hbm4b:s8+s4], $0x1, s31, s4, $0xb8;
	[tilespmem:$0x9520] =	vst v63  }
0x3c: {  	s16 =	simm.s32 $0x8E80  }
0x3d: {  	[tilespmem:s16], [sflag:$0x1] =	stream.indirect.gather [hbm4b:s9+s4], $0x1, s13, s4, $0xb8;
	[tilespmem:$0x9520] =	vst v63  }
0x3e: {  	s17 =	simm.s32 $0x300;
	s18 =	simm.s32 $0x3800  }
0x3f: {  	[tilespmem:s18], [sflag:$0x1] =	stream.indirect.gather [hbm4b:s6+s4], $0x10, s17, s4, $0xb8;
	[tilespmem:$0x9520] =	vst v63  }
0x40: {  	s19 =	simm.s32 $0x700;
	s20 =	simm.s32 $0x7800  }
0x41: {  	[tilespmem:s20], [sflag:$0x1] =	stream.indirect.gather [hbm4b:s7+s4], $0x10, s19, s4, $0xb8;
	[tilespmem:$0x9520] =	vst v63  }
0x42: {  	s21 =	simm.s32 $0x8B00  }
0x43: {  	[tilespmem:s21], [sflag:$0x1] =	stream.indirect.gather [hbm4b:s8+s4], $0x1, s17, s4, $0xb8;
	[tilespmem:$0x9520] =	vst v63  }
0x44: {  	s22 =	simm.s32 $0x8F00  }
0x45: {  	[tilespmem:s22], [sflag:$0x1] =	stream.indirect.gather [hbm4b:s9+s4], $0x1, s19, s4, $0xb8;
	[tilespmem:$0x9520] =	vst v63  }
0x46: {  	s23 =	simm.s32 $0x380;
	s24 =	simm.s32 $0x4000  }
0x47: {  	[tilespmem:s24], [sflag:$0x1] =	stream.indirect.gather [hbm4b:s6+s4], $0x10, s23, s4, $0xb8;
	[tilespmem:$0x9520] =	vst v63  }
0x48: {  	s25 =	simm.s32 $0x780;
	s26 =	simm.s32 $0x8000  }
0x49: {  	[tilespmem:s26], [sflag:$0x1] =	stream.indirect.gather [hbm4b:s7+s4], $0x10, s25, s4, $0xb8;
	[tilespmem:$0x9520] =	vst v63  }
0x4a: {  	s28 =	simm.s32 $0x8B80  }
0x4b: {  	[tilespmem:s28], [sflag:$0x1] =	stream.indirect.gather [hbm4b:s8+s4], $0x1, s23, s4, $0xb8;
	[tilespmem:$0x9520] =	vst v63  }
0x4c: {  	s29 =	simm.s32 $0x8F80;
	s30 =	simm.s32 $0x1  }
0x4d: {  	[tilespmem:s29], [sflag:$0x1] =	stream.indirect.gather [hbm4b:s9+s4], $0x1, s25, s4, $0xb8;
	[tilespmem:$0x9520] =	vst v63  }
0x4e: {  	_ =	swait.ge [sflag:s30], $0x800  }
0x4f: {  	[sflag:s30] =	ssyncset.done $0x0  }
0x50: {  	[sflag:s30] =	ssyncadd.s32 $0xFFFFF800  }
0x51: {  	_ =	swait.ge [sflag:s30], $0x800  }
0x52: {  	[sflag:s30] =	ssyncset.done $0x0  }
0x53: {  	[sflag:s30] =	ssyncadd.s32 $0xFFFFF800  }
0x54: {  	_ =	swait.ge [sflag:s30], $0x80  }
0x55: {  	[sflag:s30] =	ssyncset.done $0x0  }
0x56: {  	[sflag:s30] =	ssyncadd.s32 $0xFFFFFF80  }
0x57: {  	_ =	swait.ge [sflag:s30], $0x80  }
0x58: {  	[sflag:s30] =	ssyncset.done $0x0  }
0x59: {  	[sflag:s30] =	ssyncadd.s32 $0xFFFFFF80  }
0x5a: {  	_ =	swait.ge [sflag:s30], $0x800  }
0x5b: {  	[sflag:s30] =	ssyncset.done $0x0  }
0x5c: {  	[sflag:s30] =	ssyncadd.s32 $0xFFFFF800  }
0x5d: {  	_ =	swait.ge [sflag:s30], $0x800  }
0x5e: {  	[sflag:s30] =	ssyncset.done $0x0  }
0x5f: {  	[sflag:s30] =	ssyncadd.s32 $0xFFFFF800  }
0x60: {  	_ =	swait.ge [sflag:s30], $0x80  }
0x61: {  	[sflag:s30] =	ssyncset.done $0x0  }
0x62: {  	[sflag:s30] =	ssyncadd.s32 $0xFFFFFF80  }
0x63: {  	_ =	swait.ge [sflag:s30], $0x80  }
0x64: {  	[sflag:s30] =	ssyncset.done $0x0  }
0x65: {  	[sflag:s30] =	ssyncadd.s32 $0xFFFFFF80  }
0x66: {  	_ =	swait.ge [sflag:s30], $0x800  }
0x67: {  	[sflag:s30] =	ssyncset.done $0x0  }
0x68: {  	[sflag:s30] =	ssyncadd.s32 $0xFFFFF800  }
0x69: {  	_ =	swait.ge [sflag:s30], $0x800  }
0x6a: {  	[sflag:s30] =	ssyncset.done $0x0  }
0x6b: {  	[sflag:s30] =	ssyncadd.s32 $0xFFFFF800  }
0x6c: {  	_ =	swait.ge [sflag:s30], $0x80  }
0x6d: {  	[sflag:s30] =	ssyncset.done $0x0  }
0x6e: {  	[sflag:s30] =	ssyncadd.s32 $0xFFFFFF80  }
0x6f: {  	_ =	swait.ge [sflag:s30], $0x80  }
0x70: {  	[sflag:s30] =	ssyncset.done $0x0  }
0x71: {  	[sflag:s30] =	ssyncadd.s32 $0xFFFFFF80  }
0x72: {  	_ =	swait.ge [sflag:s30], $0x800  }
0x73: {  	[sflag:s30] =	ssyncset.done $0x0  }
0x74: {  	[sflag:s30] =	ssyncadd.s32 $0xFFFFF800  }
0x75: {  	_ =	swait.ge [sflag:s30], $0x800  }
0x76: {  	[sflag:s30] =	ssyncset.done $0x0  }
0x77: {  	[sflag:s30] =	ssyncadd.s32 $0xFFFFF800  }
0x78: {  	_ =	swait.ge [sflag:s30], $0x80  }
0x79: {  	[sflag:s30] =	ssyncset.done $0x0  }
0x7a: {  	[sflag:s30] =	ssyncadd.s32 $0xFFFFFF80  }
0x7b: {  	_ =	swait.ge [sflag:s30], $0x80  }
0x7c: {  	[sflag:s30] =	ssyncset.done $0x0  }
0x7d: {  	[sflag:s30] =	ssyncadd.s32 $0xFFFFFF80  }
0x7e: {  	_ =	swait.ge [sflag:s30], $0x800  }
0x7f: {  	[sflag:s30] =	ssyncset.done $0x0  }
0x80: {  	[sflag:s30] =	ssyncadd.s32 $0xFFFFF800  }
0x81: {  	_ =	swait.ge [sflag:s30], $0x800  }
0x82: {  	[sflag:s30] =	ssyncset.done $0x0  }
0x83: {  	[sflag:s30] =	ssyncadd.s32 $0xFFFFF800  }
0x84: {  	_ =	swait.ge [sflag:s30], $0x80  }
0x85: {  	[sflag:s30] =	ssyncset.done $0x0  }
0x86: {  	[sflag:s30] =	ssyncadd.s32 $0xFFFFFF80  }
0x87: {  	_ =	swait.ge [sflag:s30], $0x80  }
0x88: {  	[sflag:s30] =	ssyncset.done $0x0  }
0x89: {  	[sflag:s30] =	ssyncadd.s32 $0xFFFFFF80  }
0x8a: {  	_ =	swait.ge [sflag:s30], $0x800  }
0x8b: {  	[sflag:s30] =	ssyncset.done $0x0  }
0x8c: {  	[sflag:s30] =	ssyncadd.s32 $0xFFFFF800  }
0x8d: {  	_ =	swait.ge [sflag:s30], $0x800  }
0x8e: {  	[sflag:s30] =	ssyncset.done $0x0  }
0x8f: {  	[sflag:s30] =	ssyncadd.s32 $0xFFFFF800  }
0x90: {  	_ =	swait.ge [sflag:s30], $0x80  }
0x91: {  	[sflag:s30] =	ssyncset.done $0x0  }
0x92: {  	[sflag:s30] =	ssyncadd.s32 $0xFFFFFF80  }
0x93: {  	_ =	swait.ge [sflag:s30], $0x80  }
0x94: {  	[sflag:s30] =	ssyncset.done $0x0  }
0x95: {  	[sflag:s30] =	ssyncadd.s32 $0xFFFFFF80  }
0x96: {  	_ =	swait.ge [sflag:s30], $0x800  }
0x97: {  	[sflag:s30] =	ssyncset.done $0x0  }
0x98: {  	[sflag:s30] =	ssyncadd.s32 $0xFFFFF800  }
0x99: {  	_ =	swait.ge [sflag:s30], $0x800  }
0x9a: {  	[sflag:s30] =	ssyncset.done $0x0  }
0x9b: {  	[sflag:s30] =	ssyncadd.s32 $0xFFFFF800  }
0x9c: {  	_ =	swait.ge [sflag:s30], $0x80  }
0x9d: {  	[sflag:s30] =	ssyncset.done $0x0  }
0x9e: {  	[sflag:s30] =	ssyncadd.s32 $0xFFFFFF80  }
0x9f: {  	_ =	swait.ge [sflag:s30], $0x80  }
0xa0: {  	[sflag:s30] =	ssyncset.done $0x0  }
0xa1: {  	[sflag:s30] =	ssyncadd.s32 $0xFFFFFF80  }
0xa2: {  	_ =	swait.ge [sflag:s30], $0x800  }
0xa3: {  	[sflag:s30] =	ssyncset.done $0x0  }
0xa4: {  	[sflag:s30] =	ssyncadd.s32 $0xFFFFF800  }
0xa5: {  	_ =	swait.ge [sflag:s30], $0x800  }
0xa6: {  	[sflag:s30] =	ssyncset.done $0x0  }
0xa7: {  	[sflag:s30] =	ssyncadd.s32 $0xFFFFF800  }
0xa8: {  	_ =	swait.ge [sflag:s30], $0x80  }
0xa9: {  	[sflag:s30] =	ssyncset.done $0x0  }
0xaa: {  	[sflag:s30] =	ssyncadd.s32 $0xFFFFFF80  }
0xab: {  	_ =	swait.ge [sflag:s30], $0x80  }
0xac: {  	[sflag:s30] =	ssyncset.done $0x0  }
0xad: {  	s31 =	simm.s32 $0x0;
	[sflag:s30] =	ssyncadd.s32 $0xFFFFFF80  }
0xae: {  	v0 =	vld [tilespmem:s31+$0x830]  }
0xaf: {  	v1 =	vld [tilespmem:s31+$0x4830]  }
0xb0: {  	v4 =	vld [tilespmem:s31+$0x800]  }
0xb1: {  	v5 =	vld [tilespmem:s31+$0x4800];
	_ =	sdelay $0x1  }
0xb2: {  	v2 =	vld [tilespmem:s31+$0x810]  }
0xb3: {  	v6 =	vld [tilespmem:s31+$0x4810]  }
0xb4: {  	v3 =	vld [tilespmem:s31+$0x820];
	v0 =	vmul.f32 v1, v0  }
0xb5: {  	s4 =	simm.s32 $0x40;
	v8 =	vld [tilespmem:s31+$0x4820];
	v1 =	vimm.f32 $0.0e+00;
	v9 =	vmul.f32 v5, v4  }
0xb6: {  	s6 =	simm.s32 $0x200;
	v7 =	vld [tilespmem:s4+$0x830];
	v5 =	vimm.f32 $0.0e+00;
	v4 =	vimm.f32 $0.0e+00;
	v0 =	vadd.f32 v0, v1  }
.LBB2_1:
0xb7: {  	p0 =	sne.s32 s6, $0xFF00;
	v10 =	vld [tilespmem:s4+$0x4830]  }
0xb8: {  	v11 =	vld [tilespmem:s4+$0x800];
	v1 =	vadd.f32 v9, v1;
	v6 =	vmul.f32 v6, v2  }
0xb9: {  	v9 =	vld [tilespmem:s4+$0x4800]  }
.Ltmp0:
0xba: {  	v2 =	vld [tilespmem:s4+$0x810];
	v5 =	vadd.f32 v6, v5;
	v8 =	vmul.f32 v8, v3;
	(pc) =	sbr.rel @p0 .LBB2_1-.Ltmp0, $4  }
0xbb: {  	v6 =	vld [tilespmem:s4+$0x4810]  }
0xbc: {  	v3 =	vld [tilespmem:s4+$0x820];
	v10 =	vmul.f32 v10, v7;
	v4 =	vadd.f32 v8, v4  }
0xbd: {  	v8 =	vld [tilespmem:s4+$0x4820];
	s4 =	sshra.s32 s6, $0x2  }
0xbe: {  	s6 =	sadd.s32 $0x100, s6;
	v7 =	vld [tilespmem:s4+$0x830];
	v9 =	vmul.f32 v9, v11;
	v0 =	vadd.f32 v10, v0  }
0xbf: {  	v10 =	vld [tilespmem:s4+$0x4830]  }
0xc0: {  	v11 =	vld [tilespmem:s4+$0x800]  }
0xc1: {  	v12 =	vld [tilespmem:s4+$0x4800]  }
0xc2: {  	v13 =	vld [tilespmem:s4+$0x810]  }
0xc3: {  	v14 =	vld [tilespmem:s4+$0x4810]  }
0xc4: {  	v15 =	vld [tilespmem:s4+$0x820]  }
0xc5: {  	v16 =	vld [tilespmem:s4+$0x4820];
	_ =	sdelay $0x1  }
0xc6: {  	v2 =	vmul.f32 v6, v2  }
0xc7: {  	v1 =	vadd.f32 v9, v1;
	v3 =	vmul.f32 v8, v3  }
0xc8: {  	v2 =	vadd.f32 v2, v5;
	v10 =	vmul.f32 v10, v7;
	v12 =	vmul.f32 v12, v11  }
0xc9: {  	v3 =	vadd.f32 v3, v4;
	v17 =	vmul.f32 v14, v13;
	v18 =	vmul.f32 v16, v15  }
0xca: {  	v0 =	vadd.f32 v10, v0;
	v1 =	vadd.f32 v12, v1  }
0xcb: {  	v2 =	vadd.f32 v17, v2;
	v3 =	vadd.f32 v18, v3;
	_ =	sdelay $0x1  }
0xcc: {  	v1 =	vadd.f32 v2, v1;
	v0 =	vadd.f32 v0, v3;
	_ =	sdelay $0x1  }
0xcd: {  	v0 =	vadd.f32 v0, v1  }
0xce: {  	s26 =	sshll.u32 s1, $0x4  }
0xcf: {  	s6 =	simm.s32 $0x9400;
	s28 =	simm.s32 $0x2;
	s4 =	sadd.s32 s26, s5;
	[tilespmem:$0x9400] =	vst v0  }
0xd0: {  	[spmem:s4] =	stream.linear.scatter [tilespmem:s6], [sflag:$0x2], $0x10, $0x38;
	[tilespmem:$0x9520] =	vst v63  }
0xd1: {  	_ =	swait.ge [sflag:s28], $0x10  }
0xd2: {  	[sflag:s28] =	ssyncset.done $0x0  }
0xd3: {  	[sflag:s28] =	ssyncadd.s32 $0xFFFFFFF0  }
0xd4: {  	s29 =	simm.s32 $0x9410;
	[bflag:$0x0] =	sbarrier.arrive $0xFFFF  }
0xd5: {  	[tilespmem:s29], [sflag:$0x2] =	stream.linear.gather [spmem:s5], $0x100, $0x38;
	[tilespmem:$0x9520] =	vst v63  }
0xd6: {  	_ =	swait.ge [sflag:s28], $0x100  }
0xd7: {  	[sflag:s28] =	ssyncset.done $0x0  }
0xd8: {  	[sflag:s28] =	ssyncadd.s32 $0xFFFFFF00  }
0xd9: {  	v19 =	vld [tilespmem:$0x9410];
	_ =	sdelay $0x1  }
0xda: {  	v20 =	vld [tilespmem:$0x9420];
	_ =	sdelay $0x1  }
0xdb: {  	v21 =	vld [tilespmem:$0x9430]  }
0xdc: {  	v0 =	vadd.f32 $0.0e+00, v19  }
0xdd: {  	v22 =	vld [tilespmem:$0x9440]  }
0xde: {  	v0 =	vadd.f32 v20, v0  }
0xdf: {  	v23 =	vld [tilespmem:$0x9450]  }
0xe0: {  	v0 =	vadd.f32 v21, v0  }
0xe1: {  	v24 =	vld [tilespmem:$0x9460]  }
0xe2: {  	v0 =	vadd.f32 v22, v0  }
0xe3: {  	v25 =	vld [tilespmem:$0x9470]  }
0xe4: {  	v0 =	vadd.f32 v23, v0  }
0xe5: {  	v26 =	vld [tilespmem:$0x9480]  }
0xe6: {  	v0 =	vadd.f32 v24, v0  }
0xe7: {  	v27 =	vld [tilespmem:$0x9490]  }
0xe8: {  	v0 =	vadd.f32 v25, v0  }
0xe9: {  	v28 =	vld [tilespmem:$0x94A0]  }
0xea: {  	v0 =	vadd.f32 v26, v0  }
0xeb: {  	v29 =	vld [tilespmem:$0x94B0]  }
0xec: {  	v0 =	vadd.f32 v27, v0  }
0xed: {  	v30 =	vld [tilespmem:$0x94C0]  }
0xee: {  	v0 =	vadd.f32 v28, v0  }
0xef: {  	v31 =	vld [tilespmem:$0x94D0]  }
0xf0: {  	v0 =	vadd.f32 v29, v0  }
0xf1: {  	v32 =	vld [tilespmem:$0x94E0]  }
0xf2: {  	v0 =	vadd.f32 v30, v0  }
0xf3: {  	v35 =	vimm.s32 $0xFEDCBA98;
	v33 =	vld [tilespmem:$0x94F0]  }
0xf4: {  	v36 =	vimm.s32 $0x76543210;
	v4 =	vunpack.c.l.s4.s8 v35;
	v0 =	vadd.f32 v31, v0  }
0xf5: {  	v1 =	vunpack.c.l.s4.s8 v36;
	v34 =	vld [tilespmem:$0x9500]  }
0xf6: {  	v37 =	vunpack.c.0.s8.s32 v4;
	v0 =	vadd.f32 v32, v0  }
0xf7: {  	v38 =	vimm.s32 $0x3210FEDC;
	v1 =	vunpack.c.0.s8.s32 v1  }
0xf8: {  	v39 =	vimm.s32 $0xBA987654;
	v2 =	vand.u32 $0xF, v37;
	v0 =	vadd.f32 v33, v0  }
0xf9: {  	v3 =	vunpack.c.l.s4.s8 v39;
	v1 =	vcombine.low v2, v1;
	v2 =	vunpack.c.l.s4.s8 v38  }
0xfa: {  	v0 =	vadd.f32 v34, v0  }
0xfb: {  	v3 =	vunpack.c.0.s8.s32 v3;
	v2 =	vunpack.c.0.s8.s32 v2  }
0xfc: {  	v1 =	vperm.xlane v0, v1  }
0xfd: {  	v41 =	vimm.s32 $0x10FEDCBA;
	v42 =	vimm.s32 $0x98765432;
	v40 =	vcombine.low v3, v2  }
0xfe: {  	v2 =	vunpack.c.l.s4.s8 v41;
	v3 =	vunpack.c.l.s4.s8 v42;
	v0 =	vadd.f32 v1, v0  }
0xff: {  	v44 =	vimm.s32 $0x87654321  }
0x100: {  	v2 =	vunpack.c.0.s8.s32 v2;
	v3 =	vunpack.c.0.s8.s32 v3;
	v1 =	vperm.xlane v0, v40  }
0x101: {  	v43 =	vimm.s32 $0xFEDCBA9;
	v45 =	vunpack.c.l.s4.s8 v44  }
0x102: {  	v2 =	vcombine.low v3, v2;
	v0 =	vadd.f32 v1, v0;
	v1 =	vunpack.c.l.s4.s8 v43;
	_ =	sdelay $0x1  }
0x103: {  	v3 =	vunpack.c.0.s8.s32 v45;
	v2 =	vperm.xlane v0, v2;
	v1 =	vunpack.c.0.s8.s32 v1;
	_ =	sdelay $0x1  }
0x104: {  	v0 =	vadd.f32 v2, v0;
	v1 =	vcombine.low v3, v1  }
0x105: {  	v46 =	vld [tilespmem:$0x8800]  }
0x106: {  	v1 =	vperm.xlane v0, v1  }
0x107: {  	v47 =	vld [tilespmem:$0x8C00]  }
0x108: {  	v0 =	vadd.f32 v1, v0;
	_ =	sdelay $0x1  }
0x109: {  	v1 =	vadd.f32 v46, v0;
	_ =	sdelay $0x1  }
0x10a: {  	v1 =	vadd.f32 v47, v1;
	_ =	sdelay $0x1  }
0x10b: {  	v1 =	vsub.f32 $0.0e+00, v1;
	_ =	sdelay $0x1  }
0x10c: {  	v1 =	vmul.f32 $1.442695020e+00, v1;
	_ =	sdelay $0x1  }
0x10d: {  	v48 =	vld [tilespmem:$0x8810];
	(erf) = vpow2.f32 v1;
	_ =	sdelay $0x1  }
0x10e: {  	v49 =	vld [tilespmem:$0x8C10];
	_ =	sdelay $0x2  }
0x10f: {  	v1 =	vadd.f32 v48, v0;
	_ =	sdelay $0x1  }
0x110: {  	v1 =	vadd.f32 v49, v1;
	_ =	sdelay $0x1  }
0x111: {  	v1 =	vsub.f32 $0.0e+00, v1;
	v50 =	vpop (erf)  }
0x112: {  	v2 =	vadd.f32 $1.000000000e+00, v50  }
0x113: {  	v1 =	vmul.f32 $1.442695020e+00, v1  }
0x114: {  	v51 =	vld [tilespmem:$0x8820];
	(erf) = vrcp.f32 v2  }
0x115: {  	(erf) = vpow2.f32 v1;
	_ =	sdelay $0x1  }
0x116: {  	v52 =	vld [tilespmem:$0x8C20];
	_ =	sdelay $0x1  }
0x117: {  	v1 =	vadd.f32 v51, v0;
	_ =	sdelay $0x2  }
0x118: {  	v2 =	vadd.f32 v52, v1  }
0x119: {  	v1 =	vpop (erf)  }
0x11a: {  	v2 =	vsub.f32 $0.0e+00, v2;
	v53 =	vpop (erf)  }
0x11b: {  	v3 =	vadd.f32 $1.000000000e+00, v53  }
0x11c: {  	v2 =	vmul.f32 $1.442695020e+00, v2  }
0x11d: {  	v54 =	vld [tilespmem:$0x8830];
	(erf) = vrcp.f32 v3  }
0x11e: {  	(erf) = vpow2.f32 v2;
	_ =	sdelay $0x1  }
0x11f: {  	v55 =	vld [tilespmem:$0x8C30];
	_ =	sdelay $0x1  }
0x120: {  	v2 =	vadd.f32 v54, v0;
	_ =	sdelay $0x2  }
0x121: {  	v3 =	vadd.f32 v55, v2  }
0x122: {  	v2 =	vpop (erf)  }
0x123: {  	v3 =	vsub.f32 $0.0e+00, v3;
	v56 =	vpop (erf)  }
0x124: {  	v4 =	vadd.f32 $1.000000000e+00, v56  }
0x125: {  	v3 =	vmul.f32 $1.442695020e+00, v3  }
0x126: {  	v57 =	vld [tilespmem:$0x8840];
	(erf) = vrcp.f32 v4  }
0x127: {  	(erf) = vpow2.f32 v3;
	_ =	sdelay $0x1  }
0x128: {  	v58 =	vld [tilespmem:$0x8C40];
	_ =	sdelay $0x1  }
0x129: {  	v3 =	vadd.f32 v57, v0;
	_ =	sdelay $0x2  }
0x12a: {  	v4 =	vadd.f32 v58, v3  }
0x12b: {  	v3 =	vpop (erf)  }
0x12c: {  	v4 =	vsub.f32 $0.0e+00, v4;
	v59 =	vpop (erf)  }
0x12d: {  	v5 =	vadd.f32 $1.000000000e+00, v59  }
0x12e: {  	v4 =	vmul.f32 $1.442695020e+00, v4  }
0x12f: {  	v60 =	vld [tilespmem:$0x8850];
	(erf) = vrcp.f32 v5  }
0x130: {  	(erf) = vpow2.f32 v4;
	_ =	sdelay $0x1  }
0x131: {  	v61 =	vld [tilespmem:$0x8C50];
	_ =	sdelay $0x1  }
0x132: {  	v4 =	vadd.f32 v60, v0;
	_ =	sdelay $0x2  }
0x133: {  	v5 =	vadd.f32 v61, v4  }
0x134: {  	v4 =	vpop (erf)  }
0x135: {  	v5 =	vsub.f32 $0.0e+00, v5;
	v62 =	vpop (erf)  }
0x136: {  	v6 =	vadd.f32 $1.000000000e+00, v62  }
0x137: {  	v5 =	vmul.f32 $1.442695020e+00, v5  }
0x138: {  	v63 =	vld [tilespmem:$0x8860];
	(erf) = vrcp.f32 v6  }
0x139: {  	(erf) = vpow2.f32 v5;
	_ =	sdelay $0x1  }
0x13a: {  	v9 =	vld [tilespmem:$0x8C60];
	_ =	sdelay $0x1  }
0x13b: {  	v5 =	vadd.f32 v63, v0;
	_ =	sdelay $0x2  }
0x13c: {  	v6 =	vadd.f32 v9, v5  }
0x13d: {  	v5 =	vpop (erf)  }
0x13e: {  	v6 =	vsub.f32 $0.0e+00, v6;
	v10 =	vpop (erf)  }
0x13f: {  	v7 =	vadd.f32 $1.000000000e+00, v10  }
0x140: {  	v6 =	vmul.f32 $1.442695020e+00, v6  }
0x141: {  	v11 =	vld [tilespmem:$0x8870];
	(erf) = vrcp.f32 v7  }
0x142: {  	(erf) = vpow2.f32 v6;
	_ =	sdelay $0x1  }
0x143: {  	v12 =	vld [tilespmem:$0x8C70];
	_ =	sdelay $0x1  }
0x144: {  	v6 =	vadd.f32 v11, v0;
	_ =	sdelay $0x2  }
0x145: {  	v7 =	vadd.f32 v12, v6  }
0x146: {  	v6 =	vpop (erf)  }
0x147: {  	v7 =	vsub.f32 $0.0e+00, v7;
	v13 =	vpop (erf)  }
0x148: {  	v8 =	vadd.f32 $1.000000000e+00, v13  }
0x149: {  	v7 =	vmul.f32 $1.442695020e+00, v7  }
0x14a: {  	v14 =	vld [tilespmem:$0x8880];
	(erf) = vrcp.f32 v8  }
0x14b: {  	(erf) = vpow2.f32 v7;
	_ =	sdelay $0x1  }
0x14c: {  	v15 =	vld [tilespmem:$0x8C80];
	_ =	sdelay $0x1  }
0x14d: {  	v7 =	vadd.f32 v14, v0;
	_ =	sdelay $0x2  }
0x14e: {  	v8 =	vadd.f32 v15, v7  }
0x14f: {  	v7 =	vpop (erf)  }
0x150: {  	v8 =	vsub.f32 $0.0e+00, v8;
	v16 =	vpop (erf)  }
0x151: {  	v9 =	vadd.f32 $1.000000000e+00, v16  }
0x152: {  	v8 =	vmul.f32 $1.442695020e+00, v8  }
0x153: {  	v17 =	vld [tilespmem:$0x8890];
	(erf) = vrcp.f32 v9  }
0x154: {  	(erf) = vpow2.f32 v8;
	_ =	sdelay $0x1  }
0x155: {  	v18 =	vld [tilespmem:$0x8C90];
	_ =	sdelay $0x1  }
0x156: {  	v8 =	vadd.f32 v17, v0;
	_ =	sdelay $0x2  }
0x157: {  	v9 =	vadd.f32 v18, v8  }
0x158: {  	v8 =	vpop (erf)  }
0x159: {  	v9 =	vsub.f32 $0.0e+00, v9;
	v19 =	vpop (erf)  }
0x15a: {  	v10 =	vadd.f32 $1.000000000e+00, v19  }
0x15b: {  	v9 =	vmul.f32 $1.442695020e+00, v9  }
0x15c: {  	v20 =	vld [tilespmem:$0x88A0];
	(erf) = vrcp.f32 v10  }
0x15d: {  	(erf) = vpow2.f32 v9;
	_ =	sdelay $0x1  }
0x15e: {  	v21 =	vld [tilespmem:$0x8CA0];
	_ =	sdelay $0x1  }
0x15f: {  	v9 =	vadd.f32 v20, v0;
	_ =	sdelay $0x2  }
0x160: {  	v10 =	vadd.f32 v21, v9  }
0x161: {  	v9 =	vpop (erf)  }
0x162: {  	v10 =	vsub.f32 $0.0e+00, v10;
	v22 =	vpop (erf)  }
0x163: {  	v11 =	vadd.f32 $1.000000000e+00, v22  }
0x164: {  	v10 =	vmul.f32 $1.442695020e+00, v10  }
0x165: {  	v23 =	vld [tilespmem:$0x88B0];
	(erf) = vrcp.f32 v11  }
0x166: {  	(erf) = vpow2.f32 v10;
	_ =	sdelay $0x1  }
0x167: {  	v24 =	vld [tilespmem:$0x8CB0];
	_ =	sdelay $0x1  }
0x168: {  	v10 =	vadd.f32 v23, v0;
	_ =	sdelay $0x2  }
0x169: {  	v11 =	vadd.f32 v24, v10  }
0x16a: {  	v10 =	vpop (erf)  }
0x16b: {  	v11 =	vsub.f32 $0.0e+00, v11;
	v25 =	vpop (erf)  }
0x16c: {  	v12 =	vadd.f32 $1.000000000e+00, v25  }
0x16d: {  	v11 =	vmul.f32 $1.442695020e+00, v11  }
0x16e: {  	v26 =	vld [tilespmem:$0x88C0];
	(erf) = vrcp.f32 v12  }
0x16f: {  	(erf) = vpow2.f32 v11;
	_ =	sdelay $0x1  }
0x170: {  	v27 =	vld [tilespmem:$0x8CC0];
	_ =	sdelay $0x1  }
0x171: {  	v11 =	vadd.f32 v26, v0;
	_ =	sdelay $0x2  }
0x172: {  	v12 =	vadd.f32 v27, v11  }
0x173: {  	v11 =	vpop (erf)  }
0x174: {  	v12 =	vsub.f32 $0.0e+00, v12;
	v28 =	vpop (erf)  }
0x175: {  	v13 =	vadd.f32 $1.000000000e+00, v28  }
0x176: {  	v12 =	vmul.f32 $1.442695020e+00, v12  }
0x177: {  	v29 =	vld [tilespmem:$0x88D0];
	(erf) = vrcp.f32 v13  }
0x178: {  	(erf) = vpow2.f32 v12;
	_ =	sdelay $0x1  }
0x179: {  	v30 =	vld [tilespmem:$0x8CD0];
	_ =	sdelay $0x1  }
0x17a: {  	v12 =	vadd.f32 v29, v0;
	_ =	sdelay $0x2  }
0x17b: {  	v13 =	vadd.f32 v30, v12  }
0x17c: {  	v12 =	vpop (erf)  }
0x17d: {  	v13 =	vsub.f32 $0.0e+00, v13;
	v31 =	vpop (erf)  }
0x17e: {  	v14 =	vadd.f32 $1.000000000e+00, v31  }
0x17f: {  	v13 =	vmul.f32 $1.442695020e+00, v13  }
0x180: {  	v32 =	vld [tilespmem:$0x88E0];
	(erf) = vrcp.f32 v14  }
0x181: {  	(erf) = vpow2.f32 v13;
	_ =	sdelay $0x1  }
0x182: {  	v33 =	vld [tilespmem:$0x8CE0];
	_ =	sdelay $0x1  }
0x183: {  	v13 =	vadd.f32 v32, v0;
	_ =	sdelay $0x2  }
0x184: {  	v14 =	vadd.f32 v33, v13  }
0x185: {  	v13 =	vpop (erf)  }
0x186: {  	v14 =	vsub.f32 $0.0e+00, v14;
	v34 =	vpop (erf)  }
0x187: {  	v15 =	vadd.f32 $1.000000000e+00, v34  }
0x188: {  	v14 =	vmul.f32 $1.442695020e+00, v14  }
0x189: {  	v35 =	vld [tilespmem:$0x88F0];
	(erf) = vrcp.f32 v15  }
0x18a: {  	(erf) = vpow2.f32 v14;
	_ =	sdelay $0x1  }
0x18b: {  	v36 =	vld [tilespmem:$0x8CF0];
	_ =	sdelay $0x1  }
0x18c: {  	v14 =	vadd.f32 v35, v0;
	_ =	sdelay $0x2  }
0x18d: {  	v15 =	vadd.f32 v36, v14  }
0x18e: {  	v14 =	vpop (erf)  }
0x18f: {  	v15 =	vsub.f32 $0.0e+00, v15;
	v37 =	vpop (erf)  }
0x190: {  	v16 =	vadd.f32 $1.000000000e+00, v37  }
0x191: {  	v15 =	vmul.f32 $1.442695020e+00, v15  }
0x192: {  	v38 =	vld [tilespmem:$0x8900];
	(erf) = vrcp.f32 v16  }
0x193: {  	(erf) = vpow2.f32 v15;
	_ =	sdelay $0x1  }
0x194: {  	v39 =	vld [tilespmem:$0x8D00];
	_ =	sdelay $0x1  }
0x195: {  	v15 =	vadd.f32 v38, v0;
	_ =	sdelay $0x2  }
0x196: {  	v16 =	vadd.f32 v39, v15  }
0x197: {  	v15 =	vpop (erf)  }
0x198: {  	v16 =	vsub.f32 $0.0e+00, v16;
	v17 =	vpop (erf)  }
0x199: {  	v17 =	vadd.f32 $1.000000000e+00, v17  }
0x19a: {  	v16 =	vmul.f32 $1.442695020e+00, v16  }
0x19b: {  	v40 =	vld [tilespmem:$0x8910];
	(erf) = vrcp.f32 v17  }
0x19c: {  	(erf) = vpow2.f32 v16;
	_ =	sdelay $0x1  }
0x19d: {  	v41 =	vld [tilespmem:$0x8D10];
	_ =	sdelay $0x1  }
0x19e: {  	v16 =	vadd.f32 v40, v0;
	_ =	sdelay $0x2  }
0x19f: {  	v17 =	vadd.f32 v41, v16  }
0x1a0: {  	v16 =	vpop (erf)  }
0x1a1: {  	v17 =	vsub.f32 $0.0e+00, v17;
	v18 =	vpop (erf)  }
0x1a2: {  	v18 =	vadd.f32 $1.000000000e+00, v18  }
0x1a3: {  	v17 =	vmul.f32 $1.442695020e+00, v17  }
0x1a4: {  	v42 =	vld [tilespmem:$0x8920];
	(erf) = vrcp.f32 v18  }
0x1a5: {  	(erf) = vpow2.f32 v17;
	_ =	sdelay $0x1  }
0x1a6: {  	v43 =	vld [tilespmem:$0x8D20];
	_ =	sdelay $0x1  }
0x1a7: {  	v17 =	vadd.f32 v42, v0;
	_ =	sdelay $0x2  }
0x1a8: {  	v18 =	vadd.f32 v43, v17  }
0x1a9: {  	v17 =	vpop (erf)  }
0x1aa: {  	v18 =	vsub.f32 $0.0e+00, v18;
	v19 =	vpop (erf)  }
0x1ab: {  	v19 =	vadd.f32 $1.000000000e+00, v19  }
0x1ac: {  	v18 =	vmul.f32 $1.442695020e+00, v18  }
0x1ad: {  	v44 =	vld [tilespmem:$0x8930];
	(erf) = vrcp.f32 v19  }
0x1ae: {  	(erf) = vpow2.f32 v18;
	_ =	sdelay $0x1  }
0x1af: {  	v45 =	vld [tilespmem:$0x8D30];
	_ =	sdelay $0x1  }
0x1b0: {  	v18 =	vadd.f32 v44, v0;
	_ =	sdelay $0x2  }
0x1b1: {  	v19 =	vadd.f32 v45, v18  }
0x1b2: {  	v18 =	vpop (erf)  }
0x1b3: {  	v19 =	vsub.f32 $0.0e+00, v19;
	v20 =	vpop (erf)  }
0x1b4: {  	v20 =	vadd.f32 $1.000000000e+00, v20  }
0x1b5: {  	v19 =	vmul.f32 $1.442695020e+00, v19  }
0x1b6: {  	v46 =	vld [tilespmem:$0x8940];
	(erf) = vrcp.f32 v20  }
0x1b7: {  	(erf) = vpow2.f32 v19;
	_ =	sdelay $0x1  }
0x1b8: {  	v47 =	vld [tilespmem:$0x8D40];
	_ =	sdelay $0x1  }
0x1b9: {  	v19 =	vadd.f32 v46, v0;
	_ =	sdelay $0x2  }
0x1ba: {  	v20 =	vadd.f32 v47, v19  }
0x1bb: {  	v19 =	vpop (erf)  }
0x1bc: {  	v20 =	vsub.f32 $0.0e+00, v20;
	v21 =	vpop (erf)  }
0x1bd: {  	v21 =	vadd.f32 $1.000000000e+00, v21  }
0x1be: {  	v20 =	vmul.f32 $1.442695020e+00, v20  }
0x1bf: {  	v48 =	vld [tilespmem:$0x8950];
	(erf) = vrcp.f32 v21  }
0x1c0: {  	(erf) = vpow2.f32 v20;
	_ =	sdelay $0x1  }
0x1c1: {  	v49 =	vld [tilespmem:$0x8D50];
	_ =	sdelay $0x1  }
0x1c2: {  	v20 =	vadd.f32 v48, v0;
	_ =	sdelay $0x2  }
0x1c3: {  	v21 =	vadd.f32 v49, v20  }
0x1c4: {  	v20 =	vpop (erf)  }
0x1c5: {  	v21 =	vsub.f32 $0.0e+00, v21;
	v22 =	vpop (erf)  }
0x1c6: {  	v22 =	vadd.f32 $1.000000000e+00, v22  }
0x1c7: {  	v21 =	vmul.f32 $1.442695020e+00, v21  }
0x1c8: {  	v50 =	vld [tilespmem:$0x8960];
	(erf) = vrcp.f32 v22  }
0x1c9: {  	(erf) = vpow2.f32 v21;
	_ =	sdelay $0x1  }
0x1ca: {  	v51 =	vld [tilespmem:$0x8D60];
	_ =	sdelay $0x1  }
0x1cb: {  	v21 =	vadd.f32 v50, v0;
	_ =	sdelay $0x2  }
0x1cc: {  	v22 =	vadd.f32 v51, v21  }
0x1cd: {  	v21 =	vpop (erf)  }
0x1ce: {  	v22 =	vsub.f32 $0.0e+00, v22;
	v23 =	vpop (erf)  }
0x1cf: {  	v23 =	vadd.f32 $1.000000000e+00, v23  }
0x1d0: {  	v22 =	vmul.f32 $1.442695020e+00, v22  }
0x1d1: {  	v52 =	vld [tilespmem:$0x8970];
	(erf) = vrcp.f32 v23  }
0x1d2: {  	(erf) = vpow2.f32 v22;
	_ =	sdelay $0x1  }
0x1d3: {  	v53 =	vld [tilespmem:$0x8D70];
	_ =	sdelay $0x1  }
0x1d4: {  	v22 =	vadd.f32 v52, v0;
	_ =	sdelay $0x2  }
0x1d5: {  	v23 =	vadd.f32 v53, v22  }
0x1d6: {  	v22 =	vpop (erf)  }
0x1d7: {  	v23 =	vsub.f32 $0.0e+00, v23;
	v24 =	vpop (erf)  }
0x1d8: {  	v24 =	vadd.f32 $1.000000000e+00, v24  }
0x1d9: {  	v23 =	vmul.f32 $1.442695020e+00, v23  }
0x1da: {  	v54 =	vld [tilespmem:$0x8980];
	(erf) = vrcp.f32 v24  }
0x1db: {  	(erf) = vpow2.f32 v23;
	_ =	sdelay $0x1  }
0x1dc: {  	v55 =	vld [tilespmem:$0x8D80];
	_ =	sdelay $0x1  }
0x1dd: {  	v23 =	vadd.f32 v54, v0;
	_ =	sdelay $0x2  }
0x1de: {  	v24 =	vadd.f32 v55, v23  }
0x1df: {  	v23 =	vpop (erf)  }
0x1e0: {  	v24 =	vsub.f32 $0.0e+00, v24;
	v25 =	vpop (erf)  }
0x1e1: {  	v25 =	vadd.f32 $1.000000000e+00, v25  }
0x1e2: {  	v24 =	vmul.f32 $1.442695020e+00, v24  }
0x1e3: {  	v56 =	vld [tilespmem:$0x8990];
	(erf) = vrcp.f32 v25  }
0x1e4: {  	(erf) = vpow2.f32 v24;
	_ =	sdelay $0x1  }
0x1e5: {  	v57 =	vld [tilespmem:$0x8D90];
	_ =	sdelay $0x1  }
0x1e6: {  	v24 =	vadd.f32 v56, v0;
	_ =	sdelay $0x2  }
0x1e7: {  	v25 =	vadd.f32 v57, v24  }
0x1e8: {  	v24 =	vpop (erf)  }
0x1e9: {  	v25 =	vsub.f32 $0.0e+00, v25;
	v26 =	vpop (erf)  }
0x1ea: {  	v26 =	vadd.f32 $1.000000000e+00, v26  }
0x1eb: {  	v25 =	vmul.f32 $1.442695020e+00, v25  }
0x1ec: {  	v58 =	vld [tilespmem:$0x89A0];
	(erf) = vrcp.f32 v26  }
0x1ed: {  	(erf) = vpow2.f32 v25;
	_ =	sdelay $0x1  }
0x1ee: {  	v59 =	vld [tilespmem:$0x8DA0];
	_ =	sdelay $0x1  }
0x1ef: {  	v25 =	vadd.f32 v58, v0;
	_ =	sdelay $0x2  }
0x1f0: {  	v26 =	vadd.f32 v59, v25  }
0x1f1: {  	v25 =	vpop (erf)  }
0x1f2: {  	v26 =	vsub.f32 $0.0e+00, v26;
	v27 =	vpop (erf)  }
0x1f3: {  	v27 =	vadd.f32 $1.000000000e+00, v27  }
0x1f4: {  	v26 =	vmul.f32 $1.442695020e+00, v26  }
0x1f5: {  	v60 =	vld [tilespmem:$0x89B0];
	(erf) = vrcp.f32 v27  }
0x1f6: {  	(erf) = vpow2.f32 v26;
	_ =	sdelay $0x1  }
0x1f7: {  	v61 =	vld [tilespmem:$0x8DB0];
	_ =	sdelay $0x1  }
0x1f8: {  	v26 =	vadd.f32 v60, v0;
	_ =	sdelay $0x2  }
0x1f9: {  	v27 =	vadd.f32 v61, v26  }
0x1fa: {  	v26 =	vpop (erf)  }
0x1fb: {  	v27 =	vsub.f32 $0.0e+00, v27;
	v28 =	vpop (erf)  }
0x1fc: {  	v28 =	vadd.f32 $1.000000000e+00, v28  }
0x1fd: {  	v27 =	vmul.f32 $1.442695020e+00, v27  }
0x1fe: {  	v62 =	vld [tilespmem:$0x89C0];
	(erf) = vrcp.f32 v28  }
0x1ff: {  	(erf) = vpow2.f32 v27;
	_ =	sdelay $0x1  }
0x200: {  	v63 =	vld [tilespmem:$0x8DC0];
	_ =	sdelay $0x1  }
0x201: {  	v27 =	vadd.f32 v62, v0;
	_ =	sdelay $0x2  }
0x202: {  	v28 =	vadd.f32 v63, v27  }
0x203: {  	v27 =	vpop (erf)  }
0x204: {  	v28 =	vsub.f32 $0.0e+00, v28;
	v29 =	vpop (erf)  }
0x205: {  	v29 =	vadd.f32 $1.000000000e+00, v29  }
0x206: {  	v28 =	vmul.f32 $1.442695020e+00, v28  }
0x207: {  	v32 =	vld [tilespmem:$0x89D0];
	(erf) = vrcp.f32 v29  }
0x208: {  	(erf) = vpow2.f32 v28;
	_ =	sdelay $0x1  }
0x209: {  	v33 =	vld [tilespmem:$0x8DD0];
	_ =	sdelay $0x1  }
0x20a: {  	v28 =	vadd.f32 v32, v0;
	_ =	sdelay $0x2  }
0x20b: {  	v29 =	vadd.f32 v33, v28  }
0x20c: {  	v28 =	vpop (erf)  }
0x20d: {  	v29 =	vsub.f32 $0.0e+00, v29;
	v30 =	vpop (erf)  }
0x20e: {  	v30 =	vadd.f32 $1.000000000e+00, v30  }
0x20f: {  	v29 =	vmul.f32 $1.442695020e+00, v29  }
0x210: {  	v34 =	vld [tilespmem:$0x89E0];
	(erf) = vrcp.f32 v30  }
0x211: {  	(erf) = vpow2.f32 v29;
	_ =	sdelay $0x1  }
0x212: {  	v35 =	vld [tilespmem:$0x8DE0];
	_ =	sdelay $0x1  }
0x213: {  	v29 =	vadd.f32 v34, v0;
	_ =	sdelay $0x2  }
0x214: {  	v30 =	vadd.f32 v35, v29  }
0x215: {  	v29 =	vpop (erf)  }
0x216: {  	v30 =	vsub.f32 $0.0e+00, v30;
	v31 =	vpop (erf)  }
0x217: {  	v31 =	vadd.f32 $1.000000000e+00, v31  }
0x218: {  	v30 =	vmul.f32 $1.442695020e+00, v30  }
0x219: {  	v36 =	vld [tilespmem:$0x89F0];
	(erf) = vrcp.f32 v31  }
0x21a: {  	(erf) = vpow2.f32 v30;
	_ =	sdelay $0x1  }
0x21b: {  	v37 =	vld [tilespmem:$0x8DF0];
	_ =	sdelay $0x1  }
0x21c: {  	v30 =	vadd.f32 v36, v0;
	_ =	sdelay $0x2  }
0x21d: {  	v31 =	vadd.f32 v37, v30  }
0x21e: {  	v30 =	vpop (erf)  }
0x21f: {  	v31 =	vsub.f32 $0.0e+00, v31;
	v32 =	vpop (erf)  }
0x220: {  	v32 =	vadd.f32 $1.000000000e+00, v32  }
0x221: {  	v31 =	vmul.f32 $1.442695020e+00, v31  }
0x222: {  	v38 =	vld [tilespmem:$0x8A00];
	(erf) = vrcp.f32 v32  }
0x223: {  	(erf) = vpow2.f32 v31;
	_ =	sdelay $0x1  }
0x224: {  	v39 =	vld [tilespmem:$0x8E00];
	_ =	sdelay $0x1  }
0x225: {  	v31 =	vadd.f32 v38, v0;
	_ =	sdelay $0x2  }
0x226: {  	v32 =	vadd.f32 v39, v31  }
0x227: {  	v31 =	vpop (erf)  }
0x228: {  	v32 =	vsub.f32 $0.0e+00, v32;
	v33 =	vpop (erf)  }
0x229: {  	v33 =	vadd.f32 $1.000000000e+00, v33  }
0x22a: {  	v32 =	vmul.f32 $1.442695020e+00, v32  }
0x22b: {  	v40 =	vld [tilespmem:$0x8A10];
	(erf) = vrcp.f32 v33  }
0x22c: {  	(erf) = vpow2.f32 v32;
	_ =	sdelay $0x1  }
0x22d: {  	v41 =	vld [tilespmem:$0x8E10];
	_ =	sdelay $0x1  }
0x22e: {  	v32 =	vadd.f32 v40, v0;
	_ =	sdelay $0x2  }
0x22f: {  	v33 =	vadd.f32 v41, v32  }
0x230: {  	v32 =	vpop (erf)  }
0x231: {  	v33 =	vsub.f32 $0.0e+00, v33;
	v34 =	vpop (erf)  }
0x232: {  	v34 =	vadd.f32 $1.000000000e+00, v34  }
0x233: {  	v33 =	vmul.f32 $1.442695020e+00, v33  }
0x234: {  	v42 =	vld [tilespmem:$0x8A20];
	(erf) = vrcp.f32 v34  }
0x235: {  	(erf) = vpow2.f32 v33;
	_ =	sdelay $0x1  }
0x236: {  	v43 =	vld [tilespmem:$0x8E20];
	_ =	sdelay $0x1  }
0x237: {  	v33 =	vadd.f32 v42, v0;
	_ =	sdelay $0x2  }
0x238: {  	v34 =	vadd.f32 v43, v33  }
0x239: {  	v33 =	vpop (erf)  }
0x23a: {  	v34 =	vsub.f32 $0.0e+00, v34;
	v35 =	vpop (erf)  }
0x23b: {  	v35 =	vadd.f32 $1.000000000e+00, v35  }
0x23c: {  	v34 =	vmul.f32 $1.442695020e+00, v34  }
0x23d: {  	v44 =	vld [tilespmem:$0x8A30];
	(erf) = vrcp.f32 v35  }
0x23e: {  	(erf) = vpow2.f32 v34;
	_ =	sdelay $0x1  }
0x23f: {  	v45 =	vld [tilespmem:$0x8E30];
	_ =	sdelay $0x1  }
0x240: {  	v34 =	vadd.f32 v44, v0;
	_ =	sdelay $0x2  }
0x241: {  	v35 =	vadd.f32 v45, v34  }
0x242: {  	v34 =	vpop (erf)  }
0x243: {  	v35 =	vsub.f32 $0.0e+00, v35;
	v36 =	vpop (erf)  }
0x244: {  	v36 =	vadd.f32 $1.000000000e+00, v36  }
0x245: {  	v35 =	vmul.f32 $1.442695020e+00, v35  }
0x246: {  	v46 =	vld [tilespmem:$0x8A40];
	(erf) = vrcp.f32 v36  }
0x247: {  	(erf) = vpow2.f32 v35;
	_ =	sdelay $0x1  }
0x248: {  	v47 =	vld [tilespmem:$0x8E40];
	_ =	sdelay $0x1  }
0x249: {  	v35 =	vadd.f32 v46, v0;
	_ =	sdelay $0x2  }
0x24a: {  	v36 =	vadd.f32 v47, v35  }
0x24b: {  	v35 =	vpop (erf)  }
0x24c: {  	v36 =	vsub.f32 $0.0e+00, v36;
	v37 =	vpop (erf)  }
0x24d: {  	v37 =	vadd.f32 $1.000000000e+00, v37  }
0x24e: {  	v36 =	vmul.f32 $1.442695020e+00, v36  }
0x24f: {  	v48 =	vld [tilespmem:$0x8A50];
	(erf) = vrcp.f32 v37  }
0x250: {  	(erf) = vpow2.f32 v36;
	_ =	sdelay $0x1  }
0x251: {  	v49 =	vld [tilespmem:$0x8E50];
	_ =	sdelay $0x1  }
0x252: {  	v36 =	vadd.f32 v48, v0;
	_ =	sdelay $0x2  }
0x253: {  	v37 =	vadd.f32 v49, v36  }
0x254: {  	v36 =	vpop (erf)  }
0x255: {  	v37 =	vsub.f32 $0.0e+00, v37;
	v38 =	vpop (erf)  }
0x256: {  	v38 =	vadd.f32 $1.000000000e+00, v38  }
0x257: {  	v37 =	vmul.f32 $1.442695020e+00, v37  }
0x258: {  	v50 =	vld [tilespmem:$0x8A60];
	(erf) = vrcp.f32 v38  }
0x259: {  	(erf) = vpow2.f32 v37;
	_ =	sdelay $0x1  }
0x25a: {  	v51 =	vld [tilespmem:$0x8E60];
	_ =	sdelay $0x1  }
0x25b: {  	v37 =	vadd.f32 v50, v0;
	_ =	sdelay $0x2  }
0x25c: {  	v38 =	vadd.f32 v51, v37  }
0x25d: {  	v37 =	vpop (erf)  }
0x25e: {  	v38 =	vsub.f32 $0.0e+00, v38;
	v39 =	vpop (erf)  }
0x25f: {  	v39 =	vadd.f32 $1.000000000e+00, v39  }
0x260: {  	v38 =	vmul.f32 $1.442695020e+00, v38  }
0x261: {  	v52 =	vld [tilespmem:$0x8A70];
	(erf) = vrcp.f32 v39  }
0x262: {  	(erf) = vpow2.f32 v38;
	_ =	sdelay $0x1  }
0x263: {  	v53 =	vld [tilespmem:$0x8E70];
	_ =	sdelay $0x1  }
0x264: {  	v38 =	vadd.f32 v52, v0;
	_ =	sdelay $0x2  }
0x265: {  	v39 =	vadd.f32 v53, v38  }
0x266: {  	v38 =	vpop (erf)  }
0x267: {  	v39 =	vsub.f32 $0.0e+00, v39;
	v40 =	vpop (erf)  }
0x268: {  	v40 =	vadd.f32 $1.000000000e+00, v40  }
0x269: {  	v39 =	vmul.f32 $1.442695020e+00, v39  }
0x26a: {  	v54 =	vld [tilespmem:$0x8A80];
	(erf) = vrcp.f32 v40  }
0x26b: {  	(erf) = vpow2.f32 v39;
	_ =	sdelay $0x1  }
0x26c: {  	v55 =	vld [tilespmem:$0x8E80];
	_ =	sdelay $0x1  }
0x26d: {  	v39 =	vadd.f32 v54, v0;
	_ =	sdelay $0x2  }
0x26e: {  	v40 =	vadd.f32 v55, v39  }
0x26f: {  	v39 =	vpop (erf)  }
0x270: {  	v40 =	vsub.f32 $0.0e+00, v40;
	v41 =	vpop (erf)  }
0x271: {  	v41 =	vadd.f32 $1.000000000e+00, v41  }
0x272: {  	v40 =	vmul.f32 $1.442695020e+00, v40  }
0x273: {  	v56 =	vld [tilespmem:$0x8A90];
	(erf) = vrcp.f32 v41  }
0x274: {  	(erf) = vpow2.f32 v40;
	_ =	sdelay $0x1  }
0x275: {  	v57 =	vld [tilespmem:$0x8E90];
	_ =	sdelay $0x1  }
0x276: {  	v40 =	vadd.f32 v56, v0;
	_ =	sdelay $0x2  }
0x277: {  	v41 =	vadd.f32 v57, v40  }
0x278: {  	v40 =	vpop (erf)  }
0x279: {  	v41 =	vsub.f32 $0.0e+00, v41;
	v42 =	vpop (erf)  }
0x27a: {  	v42 =	vadd.f32 $1.000000000e+00, v42  }
0x27b: {  	v41 =	vmul.f32 $1.442695020e+00, v41  }
0x27c: {  	v58 =	vld [tilespmem:$0x8AA0];
	(erf) = vrcp.f32 v42  }
0x27d: {  	(erf) = vpow2.f32 v41;
	_ =	sdelay $0x1  }
0x27e: {  	v59 =	vld [tilespmem:$0x8EA0];
	_ =	sdelay $0x1  }
0x27f: {  	v41 =	vadd.f32 v58, v0;
	_ =	sdelay $0x2  }
0x280: {  	v42 =	vadd.f32 v59, v41  }
0x281: {  	v41 =	vpop (erf)  }
0x282: {  	v42 =	vsub.f32 $0.0e+00, v42;
	v43 =	vpop (erf)  }
0x283: {  	v43 =	vadd.f32 $1.000000000e+00, v43  }
0x284: {  	v42 =	vmul.f32 $1.442695020e+00, v42  }
0x285: {  	v60 =	vld [tilespmem:$0x8AB0];
	(erf) = vrcp.f32 v43  }
0x286: {  	(erf) = vpow2.f32 v42;
	_ =	sdelay $0x1  }
0x287: {  	v61 =	vld [tilespmem:$0x8EB0];
	_ =	sdelay $0x1  }
0x288: {  	v42 =	vadd.f32 v60, v0;
	_ =	sdelay $0x2  }
0x289: {  	v43 =	vadd.f32 v61, v42  }
0x28a: {  	v42 =	vpop (erf)  }
0x28b: {  	v43 =	vsub.f32 $0.0e+00, v43;
	v44 =	vpop (erf)  }
0x28c: {  	v44 =	vadd.f32 $1.000000000e+00, v44  }
0x28d: {  	v43 =	vmul.f32 $1.442695020e+00, v43  }
0x28e: {  	v62 =	vld [tilespmem:$0x8AC0];
	(erf) = vrcp.f32 v44  }
0x28f: {  	(erf) = vpow2.f32 v43;
	_ =	sdelay $0x1  }
0x290: {  	v63 =	vld [tilespmem:$0x8EC0];
	_ =	sdelay $0x1  }
0x291: {  	v43 =	vadd.f32 v62, v0;
	_ =	sdelay $0x2  }
0x292: {  	v44 =	vadd.f32 v63, v43  }
0x293: {  	v43 =	vpop (erf)  }
0x294: {  	v44 =	vsub.f32 $0.0e+00, v44;
	v45 =	vpop (erf)  }
0x295: {  	v45 =	vadd.f32 $1.000000000e+00, v45  }
0x296: {  	v44 =	vmul.f32 $1.442695020e+00, v44  }
0x297: {  	v48 =	vld [tilespmem:$0x8AD0];
	(erf) = vrcp.f32 v45  }
0x298: {  	(erf) = vpow2.f32 v44;
	_ =	sdelay $0x1  }
0x299: {  	v49 =	vld [tilespmem:$0x8ED0];
	_ =	sdelay $0x1  }
0x29a: {  	v44 =	vadd.f32 v48, v0;
	_ =	sdelay $0x2  }
0x29b: {  	v45 =	vadd.f32 v49, v44  }
0x29c: {  	v44 =	vpop (erf)  }
0x29d: {  	v45 =	vsub.f32 $0.0e+00, v45;
	v46 =	vpop (erf)  }
0x29e: {  	v46 =	vadd.f32 $1.000000000e+00, v46  }
0x29f: {  	v45 =	vmul.f32 $1.442695020e+00, v45  }
0x2a0: {  	v50 =	vld [tilespmem:$0x8AE0];
	(erf) = vrcp.f32 v46  }
0x2a1: {  	(erf) = vpow2.f32 v45;
	_ =	sdelay $0x1  }
0x2a2: {  	v51 =	vld [tilespmem:$0x8EE0];
	_ =	sdelay $0x1  }
0x2a3: {  	v45 =	vadd.f32 v50, v0;
	_ =	sdelay $0x2  }
0x2a4: {  	v46 =	vadd.f32 v51, v45  }
0x2a5: {  	v45 =	vpop (erf)  }
0x2a6: {  	v46 =	vsub.f32 $0.0e+00, v46;
	v47 =	vpop (erf)  }
0x2a7: {  	v47 =	vadd.f32 $1.000000000e+00, v47  }
0x2a8: {  	v46 =	vmul.f32 $1.442695020e+00, v46  }
0x2a9: {  	v52 =	vld [tilespmem:$0x8AF0];
	(erf) = vrcp.f32 v47  }
0x2aa: {  	(erf) = vpow2.f32 v46;
	_ =	sdelay $0x1  }
0x2ab: {  	v53 =	vld [tilespmem:$0x8EF0];
	_ =	sdelay $0x1  }
0x2ac: {  	v46 =	vadd.f32 v52, v0;
	_ =	sdelay $0x2  }
0x2ad: {  	v47 =	vadd.f32 v53, v46  }
0x2ae: {  	v46 =	vpop (erf)  }
0x2af: {  	v47 =	vsub.f32 $0.0e+00, v47;
	v48 =	vpop (erf)  }
0x2b0: {  	v48 =	vadd.f32 $1.000000000e+00, v48  }
0x2b1: {  	v47 =	vmul.f32 $1.442695020e+00, v47  }
0x2b2: {  	v54 =	vld [tilespmem:$0x8B00];
	(erf) = vrcp.f32 v48  }
0x2b3: {  	(erf) = vpow2.f32 v47;
	_ =	sdelay $0x1  }
0x2b4: {  	v55 =	vld [tilespmem:$0x8F00];
	_ =	sdelay $0x1  }
0x2b5: {  	v47 =	vadd.f32 v54, v0;
	_ =	sdelay $0x2  }
0x2b6: {  	v48 =	vadd.f32 v55, v47  }
0x2b7: {  	v47 =	vpop (erf)  }
0x2b8: {  	v48 =	vsub.f32 $0.0e+00, v48;
	v49 =	vpop (erf)  }
0x2b9: {  	v49 =	vadd.f32 $1.000000000e+00, v49  }
0x2ba: {  	v48 =	vmul.f32 $1.442695020e+00, v48  }
0x2bb: {  	v56 =	vld [tilespmem:$0x8B10];
	(erf) = vrcp.f32 v49  }
0x2bc: {  	(erf) = vpow2.f32 v48;
	_ =	sdelay $0x1  }
0x2bd: {  	v57 =	vld [tilespmem:$0x8F10];
	_ =	sdelay $0x1  }
0x2be: {  	v48 =	vadd.f32 v56, v0;
	_ =	sdelay $0x2  }
0x2bf: {  	v49 =	vadd.f32 v57, v48  }
0x2c0: {  	v48 =	vpop (erf)  }
0x2c1: {  	v49 =	vsub.f32 $0.0e+00, v49;
	v50 =	vpop (erf)  }
0x2c2: {  	v50 =	vadd.f32 $1.000000000e+00, v50  }
0x2c3: {  	v49 =	vmul.f32 $1.442695020e+00, v49  }
0x2c4: {  	v58 =	vld [tilespmem:$0x8B20];
	(erf) = vrcp.f32 v50  }
0x2c5: {  	(erf) = vpow2.f32 v49;
	_ =	sdelay $0x1  }
0x2c6: {  	v59 =	vld [tilespmem:$0x8F20];
	_ =	sdelay $0x1  }
0x2c7: {  	v49 =	vadd.f32 v58, v0;
	_ =	sdelay $0x2  }
0x2c8: {  	v50 =	vadd.f32 v59, v49  }
0x2c9: {  	v49 =	vpop (erf)  }
0x2ca: {  	v50 =	vsub.f32 $0.0e+00, v50;
	v51 =	vpop (erf)  }
0x2cb: {  	v51 =	vadd.f32 $1.000000000e+00, v51  }
0x2cc: {  	v50 =	vmul.f32 $1.442695020e+00, v50  }
0x2cd: {  	v60 =	vld [tilespmem:$0x8B30];
	(erf) = vrcp.f32 v51  }
0x2ce: {  	(erf) = vpow2.f32 v50;
	_ =	sdelay $0x1  }
0x2cf: {  	v61 =	vld [tilespmem:$0x8F30];
	_ =	sdelay $0x1  }
0x2d0: {  	v50 =	vadd.f32 v60, v0;
	_ =	sdelay $0x2  }
0x2d1: {  	v51 =	vadd.f32 v61, v50  }
0x2d2: {  	v50 =	vpop (erf)  }
0x2d3: {  	v51 =	vsub.f32 $0.0e+00, v51;
	v52 =	vpop (erf)  }
0x2d4: {  	v52 =	vadd.f32 $1.000000000e+00, v52  }
0x2d5: {  	v51 =	vmul.f32 $1.442695020e+00, v51  }
0x2d6: {  	v62 =	vld [tilespmem:$0x8B40];
	(erf) = vrcp.f32 v52  }
0x2d7: {  	(erf) = vpow2.f32 v51;
	_ =	sdelay $0x1  }
0x2d8: {  	v63 =	vld [tilespmem:$0x8F40];
	_ =	sdelay $0x1  }
0x2d9: {  	v51 =	vadd.f32 v62, v0;
	_ =	sdelay $0x2  }
0x2da: {  	v52 =	vadd.f32 v63, v51  }
0x2db: {  	v51 =	vpop (erf)  }
0x2dc: {  	v52 =	vsub.f32 $0.0e+00, v52;
	v53 =	vpop (erf)  }
0x2dd: {  	v53 =	vadd.f32 $1.000000000e+00, v53  }
0x2de: {  	v52 =	vmul.f32 $1.442695020e+00, v52  }
0x2df: {  	v56 =	vld [tilespmem:$0x8B50];
	(erf) = vrcp.f32 v53  }
0x2e0: {  	(erf) = vpow2.f32 v52;
	_ =	sdelay $0x1  }
0x2e1: {  	v57 =	vld [tilespmem:$0x8F50];
	_ =	sdelay $0x1  }
0x2e2: {  	v52 =	vadd.f32 v56, v0;
	_ =	sdelay $0x2  }
0x2e3: {  	v53 =	vadd.f32 v57, v52  }
0x2e4: {  	v52 =	vpop (erf)  }
0x2e5: {  	v53 =	vsub.f32 $0.0e+00, v53;
	v54 =	vpop (erf)  }
0x2e6: {  	v54 =	vadd.f32 $1.000000000e+00, v54  }
0x2e7: {  	v53 =	vmul.f32 $1.442695020e+00, v53  }
0x2e8: {  	v58 =	vld [tilespmem:$0x8B60];
	(erf) = vrcp.f32 v54  }
0x2e9: {  	(erf) = vpow2.f32 v53;
	_ =	sdelay $0x1  }
0x2ea: {  	v59 =	vld [tilespmem:$0x8F60];
	_ =	sdelay $0x1  }
0x2eb: {  	v53 =	vadd.f32 v58, v0;
	_ =	sdelay $0x2  }
0x2ec: {  	v54 =	vadd.f32 v59, v53  }
0x2ed: {  	v53 =	vpop (erf)  }
0x2ee: {  	v54 =	vsub.f32 $0.0e+00, v54;
	v55 =	vpop (erf)  }
0x2ef: {  	v55 =	vadd.f32 $1.000000000e+00, v55  }
0x2f0: {  	v54 =	vmul.f32 $1.442695020e+00, v54  }
0x2f1: {  	v60 =	vld [tilespmem:$0x8B70];
	(erf) = vrcp.f32 v55  }
0x2f2: {  	(erf) = vpow2.f32 v54;
	_ =	sdelay $0x1  }
0x2f3: {  	v61 =	vld [tilespmem:$0x8F70];
	_ =	sdelay $0x1  }
0x2f4: {  	v54 =	vadd.f32 v60, v0;
	_ =	sdelay $0x2  }
0x2f5: {  	v55 =	vadd.f32 v61, v54  }
0x2f6: {  	v54 =	vpop (erf)  }
0x2f7: {  	v55 =	vsub.f32 $0.0e+00, v55;
	v56 =	vpop (erf)  }
0x2f8: {  	v56 =	vadd.f32 $1.000000000e+00, v56  }
0x2f9: {  	v55 =	vmul.f32 $1.442695020e+00, v55  }
0x2fa: {  	v62 =	vld [tilespmem:$0x8B80];
	(erf) = vrcp.f32 v56  }
0x2fb: {  	(erf) = vpow2.f32 v55;
	_ =	sdelay $0x1  }
0x2fc: {  	v63 =	vld [tilespmem:$0x8F80];
	_ =	sdelay $0x1  }
0x2fd: {  	v55 =	vadd.f32 v62, v0;
	_ =	sdelay $0x2  }
0x2fe: {  	v56 =	vadd.f32 v63, v55  }
0x2ff: {  	v55 =	vpop (erf)  }
0x300: {  	v56 =	vsub.f32 $0.0e+00, v56;
	v57 =	vpop (erf)  }
0x301: {  	v57 =	vadd.f32 $1.000000000e+00, v57  }
0x302: {  	v56 =	vmul.f32 $1.442695020e+00, v56  }
0x303: {  	v60 =	vld [tilespmem:$0x8B90];
	(erf) = vrcp.f32 v57  }
0x304: {  	(erf) = vpow2.f32 v56;
	_ =	sdelay $0x1  }
0x305: {  	v61 =	vld [tilespmem:$0x8F90];
	_ =	sdelay $0x1  }
0x306: {  	v56 =	vadd.f32 v60, v0;
	_ =	sdelay $0x2  }
0x307: {  	v57 =	vadd.f32 v61, v56  }
0x308: {  	v56 =	vpop (erf)  }
0x309: {  	v57 =	vsub.f32 $0.0e+00, v57;
	v58 =	vpop (erf)  }
0x30a: {  	v58 =	vadd.f32 $1.000000000e+00, v58  }
0x30b: {  	v57 =	vmul.f32 $1.442695020e+00, v57  }
0x30c: {  	(erf) = vrcp.f32 v58  }
0x30d: {  	v62 =	vld [tilespmem:$0x8BA0];
	(erf) = vpow2.f32 v57;
	_ =	sdelay $0x1  }
0x30e: {  	v63 =	vld [tilespmem:$0x8FA0];
	_ =	sdelay $0x2  }
0x30f: {  	v57 =	vadd.f32 v62, v0;
	_ =	sdelay $0x1  }
0x310: {  	v57 =	vadd.f32 v63, v57  }
0x311: {  	v58 =	vpop (erf)  }
0x312: {  	v57 =	vsub.f32 $0.0e+00, v57;
	v59 =	vpop (erf)  }
0x313: {  	v59 =	vadd.f32 $1.000000000e+00, v59  }
0x314: {  	v57 =	vmul.f32 $1.442695020e+00, v57  }
0x315: {  	(erf) = vrcp.f32 v59  }
0x316: {  	v60 =	vld [tilespmem:$0x8BB0];
	(erf) = vpow2.f32 v57;
	_ =	sdelay $0x1  }
0x317: {  	v61 =	vld [tilespmem:$0x8FB0];
	_ =	sdelay $0x2  }
0x318: {  	v57 =	vadd.f32 v60, v0;
	_ =	sdelay $0x1  }
0x319: {  	v57 =	vadd.f32 v61, v57  }
0x31a: {  	v59 =	vpop (erf)  }
0x31b: {  	v57 =	vsub.f32 $0.0e+00, v57;
	v60 =	vpop (erf)  }
0x31c: {  	v60 =	vadd.f32 $1.000000000e+00, v60  }
0x31d: {  	v57 =	vmul.f32 $1.442695020e+00, v57  }
0x31e: {  	(erf) = vrcp.f32 v60  }
0x31f: {  	(erf) = vpow2.f32 v57;
	v57 =	vld [tilespmem:$0x8BC0];
	_ =	sdelay $0x1  }
0x320: {  	v60 =	vld [tilespmem:$0x8FC0];
	_ =	sdelay $0x2  }
0x321: {  	v57 =	vadd.f32 v57, v0;
	_ =	sdelay $0x1  }
0x322: {  	v57 =	vadd.f32 v60, v57  }
0x323: {  	v60 =	vpop (erf)  }
0x324: {  	v61 =	vpop (erf);
	v57 =	vsub.f32 $0.0e+00, v57  }
0x325: {  	v61 =	vadd.f32 $1.000000000e+00, v61  }
0x326: {  	[tilespmem:$0x9000] =	vst v1;
	v62 =	vmul.f32 $1.442695020e+00, v57  }
0x327: {  	[tilespmem:$0x9010] =	vst v2;
	(erf) = vrcp.f32 v61  }
0x328: {  	[tilespmem:$0x9020] =	vst v3;
	v63 =	vld [tilespmem:$0x8BD0];
	(erf) = vpow2.f32 v62  }
0x329: {  	[tilespmem:$0x9030] =	vst v4  }
0x32a: {  	[tilespmem:$0x9040] =	vst v5;
	v5 =	vld [tilespmem:$0x8FD0]  }
0x32b: {  	[tilespmem:$0x9050] =	vst v6  }
0x32c: {  	[tilespmem:$0x9060] =	vst v7  }
0x32d: {  	[tilespmem:$0x9070] =	vst v8;
	v1 =	vadd.f32 v63, v0  }
0x32e: {  	[tilespmem:$0x9080] =	vst v9  }
0x32f: {  	[tilespmem:$0x9090] =	vst v10;
	v1 =	vadd.f32 v5, v1  }
0x330: {  	[tilespmem:$0x90A0] =	vst v11;
	v11 =	vpop (erf)  }
0x331: {  	[tilespmem:$0x90B0] =	vst v12;
	v1 =	vsub.f32 $0.0e+00, v1;
	v12 =	vpop (erf)  }
0x332: {  	[tilespmem:$0x90C0] =	vst v13;
	v3 =	vadd.f32 $1.000000000e+00, v12  }
0x333: {  	[tilespmem:$0x90D0] =	vst v14;
	v1 =	vmul.f32 $1.442695020e+00, v1  }
0x334: {  	[tilespmem:$0x90E0] =	vst v15;
	(erf) = vrcp.f32 v3  }
0x335: {  	[tilespmem:$0x90F0] =	vst v16;
	v16 =	vld [tilespmem:$0x8BE0];
	(erf) = vpow2.f32 v1  }
0x336: {  	[tilespmem:$0x9100] =	vst v17  }
0x337: {  	[tilespmem:$0x9110] =	vst v18;
	v18 =	vld [tilespmem:$0x8FE0]  }
0x338: {  	[tilespmem:$0x9120] =	vst v19  }
0x339: {  	[tilespmem:$0x9130] =	vst v20  }
0x33a: {  	[tilespmem:$0x9140] =	vst v21;
	v1 =	vadd.f32 v16, v0  }
0x33b: {  	[tilespmem:$0x9150] =	vst v22  }
0x33c: {  	[tilespmem:$0x9160] =	vst v23;
	v1 =	vadd.f32 v18, v1  }
0x33d: {  	[tilespmem:$0x9170] =	vst v24;
	v24 =	vpop (erf)  }
0x33e: {  	[tilespmem:$0x9180] =	vst v25;
	v1 =	vsub.f32 $0.0e+00, v1;
	v25 =	vpop (erf)  }
0x33f: {  	[tilespmem:$0x9190] =	vst v26;
	v4 =	vadd.f32 $1.000000000e+00, v25  }
0x340: {  	[tilespmem:$0x91A0] =	vst v27;
	v1 =	vmul.f32 $1.442695020e+00, v1  }
0x341: {  	[tilespmem:$0x91B0] =	vst v28;
	(erf) = vrcp.f32 v4  }
0x342: {  	[tilespmem:$0x91C0] =	vst v29;
	v29 =	vld [tilespmem:$0x8BF0];
	(erf) = vpow2.f32 v1  }
0x343: {  	[tilespmem:$0x91D0] =	vst v30  }
0x344: {  	[tilespmem:$0x91E0] =	vst v31;
	v31 =	vld [tilespmem:$0x8FF0]  }
0x345: {  	[tilespmem:$0x91F0] =	vst v32  }
0x346: {  	[tilespmem:$0x9200] =	vst v33  }
0x347: {  	[tilespmem:$0x9210] =	vst v34;
	v0 =	vadd.f32 v29, v0  }
0x348: {  	[tilespmem:$0x9220] =	vst v35  }
0x349: {  	[tilespmem:$0x9230] =	vst v36;
	v0 =	vadd.f32 v31, v0  }
0x34a: {  	[tilespmem:$0x9240] =	vst v37;
	v37 =	vpop (erf)  }
0x34b: {  	[tilespmem:$0x9250] =	vst v38;
	v0 =	vsub.f32 $0.0e+00, v0;
	v57 =	vpop (erf)  }
0x34c: {  	[tilespmem:$0x9260] =	vst v39;
	v4 =	vadd.f32 $1.000000000e+00, v57  }
0x34d: {  	[tilespmem:$0x9270] =	vst v40;
	v0 =	vmul.f32 $1.442695020e+00, v0  }
0x34e: {  	[tilespmem:$0x9280] =	vst v41;
	(erf) = vrcp.f32 v4  }
0x34f: {  	[tilespmem:$0x9290] =	vst v42;
	(erf) = vpow2.f32 v0  }
0x350: {  	[tilespmem:$0x92A0] =	vst v43  }
0x351: {  	[tilespmem:$0x92B0] =	vst v44  }
0x352: {  	[tilespmem:$0x92C0] =	vst v45  }
0x353: {  	[tilespmem:$0x92D0] =	vst v46  }
0x354: {  	[tilespmem:$0x92E0] =	vst v47  }
0x355: {  	[tilespmem:$0x92F0] =	vst v48  }
0x356: {  	[tilespmem:$0x9300] =	vst v49  }
0x357: {  	[tilespmem:$0x9310] =	vst v50;
	v61 =	vpop (erf)  }
0x358: {  	[tilespmem:$0x9320] =	vst v51;
	v62 =	vpop (erf)  }
0x359: {  	[tilespmem:$0x9330] =	vst v52;
	v4 =	vadd.f32 $1.000000000e+00, v62  }
0x35a: {  	[tilespmem:$0x9340] =	vst v53  }
0x35b: {  	[tilespmem:$0x9350] =	vst v54;
	(erf) = vrcp.f32 v4  }
0x35c: {  	[tilespmem:$0x9360] =	vst v55  }
0x35d: {  	[tilespmem:$0x9370] =	vst v56  }
0x35e: {  	[tilespmem:$0x9380] =	vst v58  }
0x35f: {  	[tilespmem:$0x9390] =	vst v59  }
0x360: {  	[tilespmem:$0x93A0] =	vst v60  }
0x361: {  	[tilespmem:$0x93B0] =	vst v11  }
0x362: {  	[tilespmem:$0x93C0] =	vst v24  }
0x363: {  	[tilespmem:$0x93D0] =	vst v37  }
0x364: {  	[tilespmem:$0x93E0] =	vst v61;
	v63 =	vpop (erf)  }
0x365: {  	s2 =	sadd.s32 s2, s3;
	s30 =	simm.s32 $0x0;
	s31 =	simm.s32 $0x9000;
	[tilespmem:$0x93F0] =	vst v63  }
0x366: {  	[hbm4b:s2+s30] =	stream.linear.scatter [tilespmem:s31], [sflag:$0x2], $0x400, $0x38;
	[tilespmem:$0x9520] =	vst v63  }
0x367: {  	_ =	swait.ge [sflag:s28], $0x400  }
0x368: {  	[sflag:s28] =	ssyncset.done $0x0  }
0x369: {  	[sflag:s28] =	ssyncadd.s32 $0xFFFFFC00  }
0x36a: {  	_ =	sfence.sel $0x180000  }
0x36b: {  	[bflag:$0x0] =	sbarrier.arrive $0xFFFF  }
0x36c: {  	p0 =	sne.s32 s1, $0x0;
	_ =	strace $0x90000047  }
0x36d: {  	s0 =	sadd.s32 @!p0 $0x100000, s0;
	[bflag:$0x2] =	sbarrier.arrive $0xFFFF  }
0x36e: {  	[sflag:s0] =	ssyncadd.tile.s32 @!p0 $0x1;
	_ =	shalt  }
.Lfunc_end2:
_tile_overlayer_lowered:
.L_overlay_start_2:
0x36f: {  	(tag) =	ssettag $0x2  }
0x370: {  	s0 =	rddreg [dreg:$0x0];
	s2 =	stileid.u32  }
0x371: {  	s1 =	rddreg [dreg:$0x1];
	p0 =	sne.s32 s2, $0x0  }
0x372: {  	s3 =	rddreg [dreg:$0x2];
	[bflag:$0x3] =	sbarrier.arrive $0xFFFF;
	s2 =	simm.s32 @!p0 $0x1C02  }
0x373: {  	[timem:s3], [sflag:s2] =	dma.local @!p0 [hbm:s0], s1  }
0x374: {  	s0 =	simm.s32 @!p0 $0x2  }
0x375: {  	_ =	swait.ge @!p0 [sflag:s0], s1  }
0x376: {  	s1 =	ssub.s32 @!p0 $0x0, s1;
	[sflag:s0] =	ssyncset.done @!p0 $0x0  }
0x377: {  	[sflag:s0] =	ssyncadd.s32 @!p0 s1  }
0x378: {  	[bflag:$0x3] =	sbarrier.arrive $0xFFFF  }
0x379: {  	_ =	shalt  }

</sc_bundles>
